<compile_context>
chip_gen: v7x
topology: tpu7x:2x2x1
jax: 0.10.2.dev20260603
libtpu: 0.0.44.dev20260713+nightly
codegen_flags: <defaults>
</compile_context>

<pallas_src>
import functools

import jax
import jax.numpy as jnp
from jax import lax
from jax.experimental import pallas as pl
from jax.experimental.pallas import tpu as pltpu
from jax.experimental.pallas import tpu_sc as plsc

N_NODES = 10000
N_PAD = 10240
PAD_ROW = 10000
E = 160000
LANES = 16
NS = 16
NC = 2
EB = 64
NB32 = 79
EBA = 128
NB16 = 79
ROWS_PER_TILE = N_PAD // NS
BN = 256

_mesh = plsc.VectorSubcoreMesh(core_axis_name="c", subcore_axis_name="s")


@functools.partial(
    pl.kernel,
    out_type=jax.ShapeDtypeStruct((NC, N_PAD), jnp.float32),
    mesh=_mesh,
    scratch_types=[
        pltpu.VMEM((NB32, EB), jnp.int32),
        pltpu.VMEM((EB,), jnp.float32),
        pltpu.VMEM((ROWS_PER_TILE,), jnp.float32),
        pltpu.VMEM_SHARED((N_PAD,), jnp.float32),
    ],
)
def _deg_kernel(dst_hbm, out_hbm, idx_v, ones_v, zeros_v, acc):
    c = lax.axis_index("c")
    s = lax.axis_index("s")
    w = c * NS + s

    def fill(i, carry):
        ones_v[pl.ds(i * LANES, LANES)] = jnp.full((LANES,), 1.0, jnp.float32)
        return carry
    lax.fori_loop(0, EB // LANES, fill, 0)

    def fillz(i, carry):
        zeros_v[pl.ds(i * LANES, LANES)] = jnp.zeros((LANES,), jnp.float32)
        return carry
    lax.fori_loop(0, ROWS_PER_TILE // LANES, fillz, 0)

    pltpu.sync_copy(zeros_v, acc.at[pl.ds(s * ROWS_PER_TILE, ROWS_PER_TILE)])
    pltpu.sync_copy(dst_hbm.at[w], idx_v)
    plsc.subcore_barrier()

    def body(j, carry):
        pltpu.sync_copy(ones_v, acc.at[idx_v.at[j]], add=True)
        return carry
    lax.fori_loop(0, NB32, body, 0)
    plsc.subcore_barrier()

    sl = pl.ds(s * ROWS_PER_TILE, ROWS_PER_TILE)

    @pl.when(c == 0)
    def _():
        pltpu.sync_copy(acc.at[sl], out_hbm.at[0].at[sl])

    @pl.when(c == 1)
    def _():
        pltpu.sync_copy(acc.at[sl], out_hbm.at[1].at[sl])


def _make_agg(n_chunks):
    phases = n_chunks // NC

    @functools.partial(
        pl.kernel,
        out_type=jax.ShapeDtypeStruct((n_chunks, N_PAD, 128), jnp.float32),
        mesh=_mesh,
        scratch_types=[
            pltpu.VMEM((NB16, EBA), jnp.int32),
            pltpu.VMEM((NB16, EBA), jnp.int32),
            pltpu.VMEM((EBA, 128), jnp.float32),
            pltpu.VMEM((16, 128), jnp.float32),
            pltpu.VMEM_SHARED((N_PAD, 128), jnp.float32),
        ],
    )
    def agg(h_hbm, src_hbm, dst_hbm, out_hbm, sidx_v, didx_v, rows_v, zrow_v, acc):
        c = lax.axis_index("c")
        s = lax.axis_index("s")

        pltpu.sync_copy(src_hbm.at[s], sidx_v)
        pltpu.sync_copy(dst_hbm.at[s], didx_v)

        def fillz(k, carry):
            zrow_v[k // 8, pl.ds((k % 8) * LANES, LANES)] = jnp.zeros(
                (LANES,), jnp.float32)
            return carry
        lax.fori_loop(0, 16 * 8, fillz, 0)

        for p in range(phases):
            chunk = p * NC + c
            for k in range(ROWS_PER_TILE // 16):
                pltpu.sync_copy(zrow_v, acc.at[pl.ds(s * ROWS_PER_TILE + k * 16, 16)])
            plsc.subcore_barrier()

            def body(j, carry):
                pltpu.sync_copy(h_hbm.at[chunk].at[sidx_v.at[j]], rows_v)
                pltpu.sync_copy(rows_v, acc.at[didx_v.at[j]], add=True)
                return carry
            lax.fori_loop(0, NB16, body, 0)
            plsc.subcore_barrier()

            sl = pl.ds(s * ROWS_PER_TILE, ROWS_PER_TILE)
            pltpu.sync_copy(acc.at[sl], out_hbm.at[chunk].at[sl])
            if p + 1 < phases:
                plsc.subcore_barrier()

    return agg

_agg2 = _make_agg(2)
_agg4 = _make_agg(4)


def _prep_body(p_ref, x_ref, dis_ref, xs_ref):
    deg = p_ref[0] + p_ref[1] + 1.0
    dis = lax.rsqrt(deg)
    dis_ref[...] = dis
    prod = x_ref[...] * dis
    for c in range(2):
        xs_ref[c] = prod[:, c * 128:(c + 1) * 128]


def _prep(p3, x_pad):
    grid = N_PAD // BN
    return pl.pallas_call(
        _prep_body,
        grid=(grid,),
        in_specs=[
            pl.BlockSpec((2, BN, 1), lambda i: (0, i, 0)),
            pl.BlockSpec((BN, 256), lambda i: (i, 0)),
        ],
        out_specs=[
            pl.BlockSpec((BN, 1), lambda i: (i, 0)),
            pl.BlockSpec((2, BN, 128), lambda i: (0, i, 0)),
        ],
        out_shape=[
            jax.ShapeDtypeStruct((N_PAD, 1), jnp.float32),
            jax.ShapeDtypeStruct((2, N_PAD, 128), jnp.float32),
        ],
    )(p3, x_pad)


def _l12_body(a_ref, xs_ref, dis_ref, w1_ref, b1_ref, w2_ref, out_ref):
    dis = dis_ref[...]
    acc = b1_ref[...].astype(jnp.float32)
    for c in range(2):
        t = dis * (a_ref[c] + xs_ref[c])
        acc = acc + jnp.dot(t, w1_ref[c], preferred_element_type=jnp.float32)
    h1 = jnp.maximum(acc, 0.0)
    z2 = jnp.dot(h1, w2_ref[...], preferred_element_type=jnp.float32)
    for c in range(4):
        out_ref[c] = dis * z2[:, c * 128:(c + 1) * 128]


def _l12(a1, xs, dis, w1r, b1r, w2):
    grid = N_PAD // BN
    return pl.pallas_call(
        _l12_body,
        grid=(grid,),
        in_specs=[
            pl.BlockSpec((2, BN, 128), lambda i: (0, i, 0)),
            pl.BlockSpec((2, BN, 128), lambda i: (0, i, 0)),
            pl.BlockSpec((BN, 1), lambda i: (i, 0)),
            pl.BlockSpec((2, 128, 1024), lambda i: (0, 0, 0)),
            pl.BlockSpec((1, 1024), lambda i: (0, 0)),
            pl.BlockSpec((1024, 512), lambda i: (0, 0)),
        ],
        out_specs=pl.BlockSpec((4, BN, 128), lambda i: (0, i, 0)),
        out_shape=jax.ShapeDtypeStruct((4, N_PAD, 128), jnp.float32),
    )(a1, xs, dis, w1r, b1r, w2)


def _l23_body(s2_ref, z2_ref, dis_ref, b2_ref, w3_ref, out_ref):
    dis = dis_ref[...]
    z3 = jnp.zeros((BN, 256), jnp.float32)
    for c in range(4):
        u = dis * (s2_ref[c] + z2_ref[c]) + b2_ref[0, c * 128:(c + 1) * 128]
        h2 = jnp.maximum(u, 0.0)
        z3 = z3 + jnp.dot(h2, w3_ref[c], preferred_element_type=jnp.float32)
    for c in range(2):
        out_ref[c] = dis * z3[:, c * 128:(c + 1) * 128]


def _l23(s2, z2s, dis, b2r, w3r):
    grid = N_PAD // BN
    return pl.pallas_call(
        _l23_body,
        grid=(grid,),
        in_specs=[
            pl.BlockSpec((4, BN, 128), lambda i: (0, i, 0)),
            pl.BlockSpec((4, BN, 128), lambda i: (0, i, 0)),
            pl.BlockSpec((BN, 1), lambda i: (i, 0)),
            pl.BlockSpec((1, 512), lambda i: (0, 0)),
            pl.BlockSpec((4, 128, 256), lambda i: (0, 0, 0)),
        ],
        out_specs=pl.BlockSpec((2, BN, 128), lambda i: (0, i, 0)),
        out_shape=jax.ShapeDtypeStruct((2, N_PAD, 128), jnp.float32),
    )(s2, z2s, dis, b2r, w3r)


def _final_body(s3_ref, z3_ref, dis_ref, b3_ref, out_ref):
    dis = dis_ref[...]
    for c in range(2):
        out_ref[:, c * 128:(c + 1) * 128] = (
            dis * (s3_ref[c] + z3_ref[c]) + b3_ref[0, c * 128:(c + 1) * 128])


def _final(s3, z3s, dis, b3r):
    grid = N_PAD // BN
    return pl.pallas_call(
        _final_body,
        grid=(grid,),
        in_specs=[
            pl.BlockSpec((2, BN, 128), lambda i: (0, i, 0)),
            pl.BlockSpec((2, BN, 128), lambda i: (0, i, 0)),
            pl.BlockSpec((BN, 1), lambda i: (i, 0)),
            pl.BlockSpec((1, 256), lambda i: (0, 0)),
        ],
        out_specs=pl.BlockSpec((BN, 256), lambda i: (i, 0)),
        out_shape=jax.ShapeDtypeStruct((N_PAD, 256), jnp.float32),
    )(s3, z3s, dis, b3r)


def kernel(x, edge_index, W1, b1, W2, b2, W3, b3):
    src = edge_index[0].astype(jnp.int32)
    dst = edge_index[1].astype(jnp.int32)

    def _split(a, nway, nb, eb):
        per = E // nway
        a = a.reshape(nway, per)
        a = jnp.pad(a, ((0, 0), (0, nb * eb - per)), constant_values=PAD_ROW)
        return a.reshape(nway, nb, eb)

    src16 = _split(src, NS, NB16, EBA)
    dst16 = _split(dst, NS, NB16, EBA)
    dst32 = _split(dst, NC * NS, NB32, EB)

    x_pad = jnp.pad(x, ((0, N_PAD - N_NODES), (0, 0)))
    w1r = W1.reshape(2, 128, 1024)
    b1r = b1.reshape(1, 1024)
    w2 = W2
    b2r = b2.reshape(1, 512)
    w3r = W3.reshape(4, 128, 256)
    b3r = b3.reshape(1, 256)

    p = _deg_kernel(dst32)
    p3 = p.reshape(2, N_PAD, 1)
    dis, xs = _prep(p3, x_pad)
    a1 = _agg2(xs, src16, dst16)
    z2s = _l12(a1, xs, dis, w1r, b1r, w2)
    s2 = _agg4(z2s, src16, dst16)
    z3s = _l23(s2, z2s, dis, b2r, w3r)
    s3 = _agg2(z3s, src16, dst16)
    out = _final(s3, z3s, dis, b3r)
    return out[:N_NODES]

# --- scband reference (transcript-rebuilt; emitter-appended) ---
"""Pipeline reference for scband-gcnencoder-15539191677586 (READ-ONLY COPY).

The authoritative reference and input builder live on the scoring server;
editing this copy changes nothing except your own understanding.
"""

import jax, jax.numpy as jnp
import numpy as np

N_NODES = 10000
N_EDGES = 160000
IN_CH = 256
OUT_CH = 256


def glorot(key, shape):
    fan_in, fan_out = shape[0], shape[1]
    limit = np.sqrt(6.0 / (fan_in + fan_out))
    return jax.random.uniform(key, shape, dtype=jnp.float32, minval=-limit, maxval=limit)


def setup_inputs(seed: int = 0) -> dict:
    key = jax.random.key(seed)
    ks = jax.random.split(key, 8)
    x = jax.random.normal(ks[0], (N_NODES, IN_CH), dtype=jnp.float32)
    edge_index = jax.random.randint(ks[1], (2, N_EDGES), 0, N_NODES, dtype=jnp.int64)
    d1, d2, d3 = 4 * OUT_CH, 2 * OUT_CH, OUT_CH
    W1 = glorot(ks[2], (IN_CH, d1)); b1 = jnp.zeros((d1,), dtype=jnp.float32)
    W2 = glorot(ks[3], (d1, d2));    b2 = jnp.zeros((d2,), dtype=jnp.float32)
    W3 = glorot(ks[4], (d2, d3));    b3 = jnp.zeros((d3,), dtype=jnp.float32)
    return {"x": x, "edge_index": edge_index, "W1": W1, "b1": b1, "W2": W2, "b2": b2, "W3": W3, "b3": b3}


def gcn_conv(x, edge_index, W, b, num_nodes):
    # PyG GCNConv: add self-loops, symmetric normalization D^{-1/2}(A+I)D^{-1/2},
    # linear transform (no bias), message = norm * x_src, scatter-add to dst, then + bias.
    loop = jnp.arange(num_nodes, dtype=edge_index.dtype)
    src = jnp.concatenate([edge_index[0], loop])
    dst = jnp.concatenate([edge_index[1], loop])
    deg = jnp.zeros((num_nodes,), dtype=x.dtype).at[dst].add(1.0)
    deg_inv_sqrt = jnp.where(deg > 0, 1.0 / jnp.sqrt(deg), 0.0)
    norm = deg_inv_sqrt[src] * deg_inv_sqrt[dst]
    h = x @ W
    msg = h[src] * norm[:, None]
    out = jnp.zeros((num_nodes, h.shape[1]), dtype=x.dtype).at[dst].add(msg)
    return out + b


def reference(x, edge_index, W1, b1, W2, b2, W3, b3):
    n = x.shape[0]
    h = gcn_conv(x, edge_index, W1, b1, n)
    h = jax.nn.relu(h)
    h = gcn_conv(h, edge_index, W2, b2, n)
    h = jax.nn.relu(h)
    out = gcn_conv(h, edge_index, W3, b3, n)
    return out

if __name__ == "__main__":
    import jax
    _d = setup_inputs()
    print(jax.jit(kernel)(*tuple(_d.values())))

</pallas_src>

<mosaic_0001>
#map = affine_map<(d0, d1) -> (0, 0, 0)>
#map1 = affine_map<(d0, d1) -> (0, 0)>
module attributes {stable_mosaic.version = 14 : i64} {
  func.func @_deg_kernel(%arg0: i32, %arg1: i32, %arg2: memref<32x79x64xi32, #tpu.memory_space<hbm>>, %arg3: memref<2x10240xf32, #tpu.memory_space<hbm>>, %arg4: memref<79x64xi32, #tpu.memory_space<vmem>>, %arg5: memref<64xf32, #tpu.memory_space<vmem>>, %arg6: memref<640xf32, #tpu.memory_space<vmem>>, %arg7: memref<10240xf32, #tpu.memory_space<vmem_shared>>) attributes {dimension_semantics = [#tpu.dimension_semantics<core_parallel>, #tpu.dimension_semantics<subcore_parallel>], iteration_bounds = array<i64: 2, 16>, scalar_prefetch = 0 : i64, scratch_operands = 4 : i64, tpu.core_type = #tpu.core_type<sc_vector_subcore>, window_params = [{transform_indices = #map}, {transform_indices = #map1}]} {
    %mul3A = arith.constant 16 : i32
    %mul3A_0 = arith.muli %arg0, %mul3A : i32
    %add3A = arith.addi %mul3A_0, %arg1 : i32
    %scan3A = arith.constant 0 : i32
    %scan3A_1 = arith.constant 0 : i32
    %scan3A_2 = arith.constant 4 : i32
    %scan3A_3 = arith.addi %scan3A_1, %scan3A_2 : i32
    %scan3A_4 = arith.constant 1 : i32
    scf.for %scan3A_30 = %scan3A_1 to %scan3A_3 step %scan3A_4  : i32 {
      %broadcast_in_dim3A = arith.constant 1.000000e+00 : f32
      %broadcast_in_dim3A_31 = vector.broadcast %broadcast_in_dim3A : f32 to vector<16xf32>
      %mul3A_32 = arith.constant 16 : i32
      %mul3A_33 = arith.muli %scan3A_30, %mul3A_32 : i32
      %swap3A = arith.index_cast %mul3A_33 : i32 to index
      %swap3A_34 = tpu.vector_load %arg5[%swap3A] {strides = array<i32>} : memref<64xf32, #tpu.memory_space<vmem>>, vector<16xf32>,
      %swap3A_35 = vector.shape_cast %swap3A_34 : vector<16xf32> to vector<16xf32>
      %swap3A_36 = vector.shape_cast %broadcast_in_dim3A_31 : vector<16xf32> to vector<16xf32>
      tpu.vector_store %arg5[%swap3A], %swap3A_36 {strides = array<i32>} : memref<64xf32, #tpu.memory_space<vmem>>, vector<16xf32>,
    }
    %scan3A_5 = arith.constant 4 : i32
    %scan3A_6 = arith.constant 0 : i32
    %scan3A_7 = arith.constant 0 : i32
    %scan3A_8 = arith.constant 40 : i32
    %scan3A_9 = arith.addi %scan3A_7, %scan3A_8 : i32
    %scan3A_10 = arith.constant 1 : i32
    scf.for %scan3A_30 = %scan3A_7 to %scan3A_9 step %scan3A_10  : i32 {
      %broadcast_in_dim3A = arith.constant 0.000000e+00 : f32
      %broadcast_in_dim3A_31 = vector.broadcast %broadcast_in_dim3A : f32 to vector<16xf32>
      %mul3A_32 = arith.constant 16 : i32
      %mul3A_33 = arith.muli %scan3A_30, %mul3A_32 : i32
      %swap3A = arith.index_cast %mul3A_33 : i32 to index
      %swap3A_34 = tpu.vector_load %arg6[%swap3A] {strides = array<i32>} : memref<640xf32, #tpu.memory_space<vmem>>, vector<16xf32>,
      %swap3A_35 = vector.shape_cast %swap3A_34 : vector<16xf32> to vector<16xf32>
      %swap3A_36 = vector.shape_cast %broadcast_in_dim3A_31 : vector<16xf32> to vector<16xf32>
      tpu.vector_store %arg6[%swap3A], %swap3A_36 {strides = array<i32>} : memref<640xf32, #tpu.memory_space<vmem>>, vector<16xf32>,
    }
    %scan3A_11 = arith.constant 40 : i32
    %mul3A_12 = arith.constant 640 : i32
    %mul3A_13 = arith.muli %arg1, %mul3A_12 : i32
    "tpu.region"() ({
      %run_scoped3A = tpu.sem_alloc : memref<!tpu.dma_semaphore, #tpu.memory_space<semaphore_mem>>
      %dma_start3A = tpu.memref_slice %arg7[%mul3A_13] : memref<10240xf32, #tpu.memory_space<vmem_shared>> -> memref<640xf32, #tpu.memory_space<vmem_shared>>
      %dma_start3A_30 = tpu.memref_slice %arg7[%mul3A_13] : memref<10240xf32, #tpu.memory_space<vmem_shared>> -> memref<640xf32, #tpu.memory_space<vmem_shared>>
      tpu.enqueue_dma source(%arg6 : memref<640xf32, #tpu.memory_space<vmem>>) target(%dma_start3A_30 : memref<640xf32, #tpu.memory_space<vmem_shared>>) target_semaphore(%run_scoped3A : memref<!tpu.dma_semaphore, #tpu.memory_space<semaphore_mem>>)
      %dma_wait3A = tpu.memref_slice %arg7[%mul3A_13] : memref<10240xf32, #tpu.memory_space<vmem_shared>> -> memref<640xf32, #tpu.memory_space<vmem_shared>>
      %dma_wait3A_31 = tpu.memref_slice %arg7[%mul3A_13] : memref<10240xf32, #tpu.memory_space<vmem_shared>> -> memref<640xf32, #tpu.memory_space<vmem_shared>>
      tpu.wait_dma2 semaphore(%run_scoped3A : memref<!tpu.dma_semaphore, #tpu.memory_space<semaphore_mem>>) src(%arg6 : memref<640xf32, #tpu.memory_space<vmem>>) dst(%dma_wait3A_31 : memref<640xf32, #tpu.memory_space<vmem_shared>>)
      tpu.yield
    }) : () -> ()
    "tpu.region"() ({
      %run_scoped3A = tpu.sem_alloc : memref<!tpu.dma_semaphore, #tpu.memory_space<semaphore_mem>>
      %dma_start3A = arith.constant 0 : i32
      %dma_start3A_30 = arith.constant 0 : i32
      %dma_start3A_31 = tpu.memref_slice %arg2[%add3A, %dma_start3A, %dma_start3A_30] : memref<32x79x64xi32, #tpu.memory_space<hbm>> -> memref<1x79x64xi32, #tpu.memory_space<hbm>>
      %dma_start3A_32 = tpu.memref_squeeze %dma_start3A_31 : memref<1x79x64xi32, #tpu.memory_space<hbm>> -> memref<79x64xi32, #tpu.memory_space<hbm>>
      %dma_start3A_33 = arith.constant 0 : i32
      %dma_start3A_34 = arith.constant 0 : i32
      %dma_start3A_35 = tpu.memref_slice %arg2[%add3A, %dma_start3A_33, %dma_start3A_34] : memref<32x79x64xi32, #tpu.memory_space<hbm>> -> memref<1x79x64xi32, #tpu.memory_space<hbm>>
      %dma_start3A_36 = tpu.memref_squeeze %dma_start3A_35 : memref<1x79x64xi32, #tpu.memory_space<hbm>> -> memref<79x64xi32, #tpu.memory_space<hbm>>
      tpu.enqueue_dma source(%dma_start3A_36 : memref<79x64xi32, #tpu.memory_space<hbm>>) target(%arg4 : memref<79x64xi32, #tpu.memory_space<vmem>>) target_semaphore(%run_scoped3A : memref<!tpu.dma_semaphore, #tpu.memory_space<semaphore_mem>>)
      %dma_wait3A = arith.constant 0 : i32
      %dma_wait3A_37 = arith.constant 0 : i32
      %dma_wait3A_38 = tpu.memref_slice %arg2[%add3A, %dma_wait3A, %dma_wait3A_37] : memref<32x79x64xi32, #tpu.memory_space<hbm>> -> memref<1x79x64xi32, #tpu.memory_space<hbm>>
      %dma_wait3A_39 = tpu.memref_squeeze %dma_wait3A_38 : memref<1x79x64xi32, #tpu.memory_space<hbm>> -> memref<79x64xi32, #tpu.memory_space<hbm>>
      %dma_wait3A_40 = arith.constant 0 : i32
      %dma_wait3A_41 = arith.constant 0 : i32
      %dma_wait3A_42 = tpu.memref_slice %arg2[%add3A, %dma_wait3A_40, %dma_wait3A_41] : memref<32x79x64xi32, #tpu.memory_space<hbm>> -> memref<1x79x64xi32, #tpu.memory_space<hbm>>
      %dma_wait3A_43 = tpu.memref_squeeze %dma_wait3A_42 : memref<1x79x64xi32, #tpu.memory_space<hbm>> -> memref<79x64xi32, #tpu.memory_space<hbm>>
      tpu.wait_dma2 semaphore(%run_scoped3A : memref<!tpu.dma_semaphore, #tpu.memory_space<semaphore_mem>>) src(%dma_wait3A_43 : memref<79x64xi32, #tpu.memory_space<hbm>>) dst(%arg4 : memref<79x64xi32, #tpu.memory_space<vmem>>)
      tpu.yield
    }) : () -> ()
    %barrier3A = arith.constant 0 : index
    tpu.barrier barrier_id(%barrier3A)
    %scan3A_14 = arith.constant 0 : i32
    %scan3A_15 = arith.constant 0 : i32
    %scan3A_16 = arith.constant 79 : i32
    %scan3A_17 = arith.addi %scan3A_15, %scan3A_16 : i32
    %scan3A_18 = arith.constant 1 : i32
    scf.for %scan3A_30 = %scan3A_15 to %scan3A_17 step %scan3A_18  : i32 {
      "tpu.region"() ({
        %run_scoped3A = tpu.sem_alloc : memref<!tpu.dma_semaphore, #tpu.memory_space<semaphore_mem>>
        %dma_start3A = arith.constant 0 : i32
        %dma_start3A_31 = tpu.memref_slice %arg4[%scan3A_30, %dma_start3A] : memref<79x64xi32, #tpu.memory_space<vmem>> -> memref<1x64xi32, #tpu.memory_space<vmem>>
        %dma_start3A_32 = tpu.memref_squeeze %dma_start3A_31 : memref<1x64xi32, #tpu.memory_space<vmem>> -> memref<64xi32, #tpu.memory_space<vmem>>
        %dma_start3A_33 = arith.constant 0 : i32
        %dma_start3A_34 = tpu.memref_slice %arg7[%dma_start3A_33] : memref<10240xf32, #tpu.memory_space<vmem_shared>> -> memref<10240xf32, #tpu.memory_space<vmem_shared>>
        tpu.enqueue_indirect_dma source(%arg5 : memref<64xf32, #tpu.memory_space<vmem>>) target(%dma_start3A_34 : memref<10240xf32, #tpu.memory_space<vmem_shared>>) offsets(%dma_start3A_32 : memref<64xi32, #tpu.memory_space<vmem>>) semaphore(%run_scoped3A : memref<!tpu.dma_semaphore, #tpu.memory_space<semaphore_mem>>) {add = true}
        %dma_wait3A = arith.constant 0 : i32
        %dma_wait3A_35 = tpu.memref_slice %arg4[%scan3A_30, %dma_wait3A] : memref<79x64xi32, #tpu.memory_space<vmem>> -> memref<1x64xi32, #tpu.memory_space<vmem>>
        %dma_wait3A_36 = tpu.memref_squeeze %dma_wait3A_35 : memref<1x64xi32, #tpu.memory_space<vmem>> -> memref<64xi32, #tpu.memory_space<vmem>>
        %dma_wait3A_37 = arith.constant 0 : i32
        %dma_wait3A_38 = tpu.memref_slice %arg7[%dma_wait3A_37] : memref<10240xf32, #tpu.memory_space<vmem_shared>> -> memref<10240xf32, #tpu.memory_space<vmem_shared>>
        tpu.wait_indirect_dma semaphore(%run_scoped3A : memref<!tpu.dma_semaphore, #tpu.memory_space<semaphore_mem>>) src(%arg5 : memref<64xf32, #tpu.memory_space<vmem>>) dst(%dma_wait3A_38 : memref<10240xf32, #tpu.memory_space<vmem_shared>>)
        tpu.yield
      }) : () -> ()
    }
    %scan3A_19 = arith.constant 79 : i32
    %barrier3A_20 = arith.constant 0 : index
    tpu.barrier barrier_id(%barrier3A_20)
    %mul3A_21 = arith.constant 640 : i32
    %mul3A_22 = arith.muli %arg1, %mul3A_21 : i32
    %eq3A = arith.constant 0 : i32
    %eq3A_23 = arith.cmpi eq, %arg0, %eq3A : i32
    %convert_element_type3A = arith.extui %eq3A_23 : i1 to i32
    %cond3A = arith.constant 0 : i32
    %cond3A_24 = arith.cmpi ne, %convert_element_type3A, %cond3A : i32
    scf.if %cond3A_24 {
      %run_scoped3A = arith.constant 0 : i32
      "tpu.region"() ({
        %run_scoped3A_30 = tpu.sem_alloc : memref<!tpu.dma_semaphore, #tpu.memory_space<semaphore_mem>>
        %dma_start3A = arith.constant 0 : i32
        %dma_start3A_31 = tpu.memref_slice %arg3[%run_scoped3A, %dma_start3A] : memref<2x10240xf32, #tpu.memory_space<hbm>> -> memref<1x10240xf32, #tpu.memory_space<hbm>>
        %dma_start3A_32 = tpu.memref_squeeze %dma_start3A_31 : memref<1x10240xf32, #tpu.memory_space<hbm>> -> memref<10240xf32, #tpu.memory_space<hbm>>
        %dma_start3A_33 = tpu.memref_slice %dma_start3A_32[%mul3A_22] : memref<10240xf32, #tpu.memory_space<hbm>> -> memref<640xf32, #tpu.memory_space<hbm>>
        %dma_start3A_34 = tpu.memref_slice %arg7[%mul3A_22] : memref<10240xf32, #tpu.memory_space<vmem_shared>> -> memref<640xf32, #tpu.memory_space<vmem_shared>>
        tpu.enqueue_dma source(%dma_start3A_34 : memref<640xf32, #tpu.memory_space<vmem_shared>>) target(%dma_start3A_33 : memref<640xf32, #tpu.memory_space<hbm>>) target_semaphore(%run_scoped3A_30 : memref<!tpu.dma_semaphore, #tpu.memory_space<semaphore_mem>>)
        %dma_wait3A = arith.constant 0 : i32
        %dma_wait3A_35 = tpu.memref_slice %arg3[%run_scoped3A, %dma_wait3A] : memref<2x10240xf32, #tpu.memory_space<hbm>> -> memref<1x10240xf32, #tpu.memory_space<hbm>>
        %dma_wait3A_36 = tpu.memref_squeeze %dma_wait3A_35 : memref<1x10240xf32, #tpu.memory_space<hbm>> -> memref<10240xf32, #tpu.memory_space<hbm>>
        %dma_wait3A_37 = tpu.memref_slice %dma_wait3A_36[%mul3A_22] : memref<10240xf32, #tpu.memory_space<hbm>> -> memref<640xf32, #tpu.memory_space<hbm>>
        %dma_wait3A_38 = tpu.memref_slice %arg7[%mul3A_22] : memref<10240xf32, #tpu.memory_space<vmem_shared>> -> memref<640xf32, #tpu.memory_space<vmem_shared>>
        tpu.wait_dma2 semaphore(%run_scoped3A_30 : memref<!tpu.dma_semaphore, #tpu.memory_space<semaphore_mem>>) src(%dma_wait3A_38 : memref<640xf32, #tpu.memory_space<vmem_shared>>) dst(%dma_wait3A_37 : memref<640xf32, #tpu.memory_space<hbm>>)
        tpu.yield
      }) : () -> ()
    } else {
    }
    %eq3A_25 = arith.constant 1 : i32
    %eq3A_26 = arith.cmpi eq, %arg0, %eq3A_25 : i32
    %convert_element_type3A_27 = arith.extui %eq3A_26 : i1 to i32
    %cond3A_28 = arith.constant 0 : i32
    %cond3A_29 = arith.cmpi ne, %convert_element_type3A_27, %cond3A_28 : i32
    scf.if %cond3A_29 {
      %run_scoped3A = arith.constant 1 : i32
      "tpu.region"() ({
        %run_scoped3A_30 = tpu.sem_alloc : memref<!tpu.dma_semaphore, #tpu.memory_space<semaphore_mem>>
        %dma_start3A = arith.constant 0 : i32
        %dma_start3A_31 = tpu.memref_slice %arg3[%run_scoped3A, %dma_start3A] : memref<2x10240xf32, #tpu.memory_space<hbm>> -> memref<1x10240xf32, #tpu.memory_space<hbm>>
        %dma_start3A_32 = tpu.memref_squeeze %dma_start3A_31 : memref<1x10240xf32, #tpu.memory_space<hbm>> -> memref<10240xf32, #tpu.memory_space<hbm>>
        %dma_start3A_33 = tpu.memref_slice %dma_start3A_32[%mul3A_22] : memref<10240xf32, #tpu.memory_space<hbm>> -> memref<640xf32, #tpu.memory_space<hbm>>
        %dma_start3A_34 = tpu.memref_slice %arg7[%mul3A_22] : memref<10240xf32, #tpu.memory_space<vmem_shared>> -> memref<640xf32, #tpu.memory_space<vmem_shared>>
        tpu.enqueue_dma source(%dma_start3A_34 : memref<640xf32, #tpu.memory_space<vmem_shared>>) target(%dma_start3A_33 : memref<640xf32, #tpu.memory_space<hbm>>) target_semaphore(%run_scoped3A_30 : memref<!tpu.dma_semaphore, #tpu.memory_space<semaphore_mem>>)
        %dma_wait3A = arith.constant 0 : i32
        %dma_wait3A_35 = tpu.memref_slice %arg3[%run_scoped3A, %dma_wait3A] : memref<2x10240xf32, #tpu.memory_space<hbm>> -> memref<1x10240xf32, #tpu.memory_space<hbm>>
        %dma_wait3A_36 = tpu.memref_squeeze %dma_wait3A_35 : memref<1x10240xf32, #tpu.memory_space<hbm>> -> memref<10240xf32, #tpu.memory_space<hbm>>
        %dma_wait3A_37 = tpu.memref_slice %dma_wait3A_36[%mul3A_22] : memref<10240xf32, #tpu.memory_space<hbm>> -> memref<640xf32, #tpu.memory_space<hbm>>
        %dma_wait3A_38 = tpu.memref_slice %arg7[%mul3A_22] : memref<10240xf32, #tpu.memory_space<vmem_shared>> -> memref<640xf32, #tpu.memory_space<vmem_shared>>
        tpu.wait_dma2 semaphore(%run_scoped3A_30 : memref<!tpu.dma_semaphore, #tpu.memory_space<semaphore_mem>>) src(%dma_wait3A_38 : memref<640xf32, #tpu.memory_space<vmem_shared>>) dst(%dma_wait3A_37 : memref<640xf32, #tpu.memory_space<hbm>>)
        tpu.yield
      }) : () -> ()
    } else {
    }
    return
  }
}

#map = affine_map<(d0, d1) -> (0, 0, 0)>
module attributes {stable_mosaic.version = 14 : i64} {
  func.func @agg(%arg0: i32, %arg1: i32, %arg2: memref<4x10240x128xf32, #tpu.memory_space<hbm>>, %arg3: memref<16x79x128xi32, #tpu.memory_space<hbm>>, %arg4: memref<16x79x128xi32, #tpu.memory_space<hbm>>, %arg5: memref<4x10240x128xf32, #tpu.memory_space<hbm>>, %arg6: memref<79x128xi32, #tpu.memory_space<vmem>>, %arg7: memref<79x128xi32, #tpu.memory_space<vmem>>, %arg8: memref<128x128xf32, #tpu.memory_space<vmem>>, %arg9: memref<16x128xf32, #tpu.memory_space<vmem>>, %arg10: memref<10240x128xf32, #tpu.memory_space<vmem_shared>>) attributes {dimension_semantics = [#tpu.dimension_semantics<core_parallel>, #tpu.dimension_semantics<subcore_parallel>], iteration_bounds = array<i64: 2, 16>, scalar_prefetch = 0 : i64, scratch_operands = 5 : i64, tpu.core_type = #tpu.core_type<sc_vector_subcore>, window_params = [{transform_indices = #map}, {transform_indices = #map}, {transform_indices = #map}, {transform_indices = #map}]} {
    "tpu.region"() ({
      %run_scoped3A = tpu.sem_alloc : memref<!tpu.dma_semaphore, #tpu.memory_space<semaphore_mem>>
      %dma_start3A = arith.constant 0 : i32
      %dma_start3A_347 = arith.constant 0 : i32
      %dma_start3A_348 = tpu.memref_slice %arg3[%arg1, %dma_start3A, %dma_start3A_347] : memref<16x79x128xi32, #tpu.memory_space<hbm>> -> memref<1x79x128xi32, #tpu.memory_space<hbm>>
      %dma_start3A_349 = tpu.memref_squeeze %dma_start3A_348 : memref<1x79x128xi32, #tpu.memory_space<hbm>> -> memref<79x128xi32, #tpu.memory_space<hbm>>
      %dma_start3A_350 = arith.constant 0 : i32
      %dma_start3A_351 = arith.constant 0 : i32
      %dma_start3A_352 = tpu.memref_slice %arg3[%arg1, %dma_start3A_350, %dma_start3A_351] : memref<16x79x128xi32, #tpu.memory_space<hbm>> -> memref<1x79x128xi32, #tpu.memory_space<hbm>>
      %dma_start3A_353 = tpu.memref_squeeze %dma_start3A_352 : memref<1x79x128xi32, #tpu.memory_space<hbm>> -> memref<79x128xi32, #tpu.memory_space<hbm>>
      tpu.enqueue_dma source(%dma_start3A_353 : memref<79x128xi32, #tpu.memory_space<hbm>>) target(%arg6 : memref<79x128xi32, #tpu.memory_space<vmem>>) target_semaphore(%run_scoped3A : memref<!tpu.dma_semaphore, #tpu.memory_space<semaphore_mem>>)
      %dma_wait3A = arith.constant 0 : i32
      %dma_wait3A_354 = arith.constant 0 : i32
      %dma_wait3A_355 = tpu.memref_slice %arg3[%arg1, %dma_wait3A, %dma_wait3A_354] : memref<16x79x128xi32, #tpu.memory_space<hbm>> -> memref<1x79x128xi32, #tpu.memory_space<hbm>>
      %dma_wait3A_356 = tpu.memref_squeeze %dma_wait3A_355 : memref<1x79x128xi32, #tpu.memory_space<hbm>> -> memref<79x128xi32, #tpu.memory_space<hbm>>
      %dma_wait3A_357 = arith.constant 0 : i32
      %dma_wait3A_358 = arith.constant 0 : i32
      %dma_wait3A_359 = tpu.memref_slice %arg3[%arg1, %dma_wait3A_357, %dma_wait3A_358] : memref<16x79x128xi32, #tpu.memory_space<hbm>> -> memref<1x79x128xi32, #tpu.memory_space<hbm>>
      %dma_wait3A_360 = tpu.memref_squeeze %dma_wait3A_359 : memref<1x79x128xi32, #tpu.memory_space<hbm>> -> memref<79x128xi32, #tpu.memory_space<hbm>>
      tpu.wait_dma2 semaphore(%run_scoped3A : memref<!tpu.dma_semaphore, #tpu.memory_space<semaphore_mem>>) src(%dma_wait3A_360 : memref<79x128xi32, #tpu.memory_space<hbm>>) dst(%arg6 : memref<79x128xi32, #tpu.memory_space<vmem>>)
      tpu.yield
    }) : () -> ()
    "tpu.region"() ({
      %run_scoped3A = tpu.sem_alloc : memref<!tpu.dma_semaphore, #tpu.memory_space<semaphore_mem>>
      %dma_start3A = arith.constant 0 : i32
      %dma_start3A_347 = arith.constant 0 : i32
      %dma_start3A_348 = tpu.memref_slice %arg4[%arg1, %dma_start3A, %dma_start3A_347] : memref<16x79x128xi32, #tpu.memory_space<hbm>> -> memref<1x79x128xi32, #tpu.memory_space<hbm>>
      %dma_start3A_349 = tpu.memref_squeeze %dma_start3A_348 : memref<1x79x128xi32, #tpu.memory_space<hbm>> -> memref<79x128xi32, #tpu.memory_space<hbm>>
      %dma_start3A_350 = arith.constant 0 : i32
      %dma_start3A_351 = arith.constant 0 : i32
      %dma_start3A_352 = tpu.memref_slice %arg4[%arg1, %dma_start3A_350, %dma_start3A_351] : memref<16x79x128xi32, #tpu.memory_space<hbm>> -> memref<1x79x128xi32, #tpu.memory_space<hbm>>
      %dma_start3A_353 = tpu.memref_squeeze %dma_start3A_352 : memref<1x79x128xi32, #tpu.memory_space<hbm>> -> memref<79x128xi32, #tpu.memory_space<hbm>>
      tpu.enqueue_dma source(%dma_start3A_353 : memref<79x128xi32, #tpu.memory_space<hbm>>) target(%arg7 : memref<79x128xi32, #tpu.memory_space<vmem>>) target_semaphore(%run_scoped3A : memref<!tpu.dma_semaphore, #tpu.memory_space<semaphore_mem>>)
      %dma_wait3A = arith.constant 0 : i32
      %dma_wait3A_354 = arith.constant 0 : i32
      %dma_wait3A_355 = tpu.memref_slice %arg4[%arg1, %dma_wait3A, %dma_wait3A_354] : memref<16x79x128xi32, #tpu.memory_space<hbm>> -> memref<1x79x128xi32, #tpu.memory_space<hbm>>
      %dma_wait3A_356 = tpu.memref_squeeze %dma_wait3A_355 : memref<1x79x128xi32, #tpu.memory_space<hbm>> -> memref<79x128xi32, #tpu.memory_space<hbm>>
      %dma_wait3A_357 = arith.constant 0 : i32
      %dma_wait3A_358 = arith.constant 0 : i32
      %dma_wait3A_359 = tpu.memref_slice %arg4[%arg1, %dma_wait3A_357, %dma_wait3A_358] : memref<16x79x128xi32, #tpu.memory_space<hbm>> -> memref<1x79x128xi32, #tpu.memory_space<hbm>>
      %dma_wait3A_360 = tpu.memref_squeeze %dma_wait3A_359 : memref<1x79x128xi32, #tpu.memory_space<hbm>> -> memref<79x128xi32, #tpu.memory_space<hbm>>
      tpu.wait_dma2 semaphore(%run_scoped3A : memref<!tpu.dma_semaphore, #tpu.memory_space<semaphore_mem>>) src(%dma_wait3A_360 : memref<79x128xi32, #tpu.memory_space<hbm>>) dst(%arg7 : memref<79x128xi32, #tpu.memory_space<vmem>>)
      tpu.yield
    }) : () -> ()
    %scan3A = arith.constant 0 : i32
    %scan3A_0 = arith.constant 0 : i32
    %scan3A_1 = arith.constant 128 : i32
    %scan3A_2 = arith.addi %scan3A_0, %scan3A_1 : i32
    %scan3A_3 = arith.constant 1 : i32
    scf.for %scan3A_347 = %scan3A_0 to %scan3A_2 step %scan3A_3  : i32 {
      %broadcast_in_dim3A = arith.constant 0.000000e+00 : f32
      %broadcast_in_dim3A_348 = vector.broadcast %broadcast_in_dim3A : f32 to vector<16xf32>
      %jit3A = arith.constant 8 : i32
      %div3A = arith.divsi %scan3A_347, %jit3A : i32
      %sign3A = arith.constant 0 : i32
      %sign3A_349 = arith.cmpi sgt, %scan3A_347, %sign3A : i32
      %sign3A_350 = arith.extui %sign3A_349 : i1 to i32
      %sign3A_351 = arith.constant 0 : i32
      %sign3A_352 = arith.cmpi slt, %scan3A_347, %sign3A_351 : i32
      %sign3A_353 = arith.extui %sign3A_352 : i1 to i32
      %sign3A_354 = arith.subi %sign3A_350, %sign3A_353 : i32
      %sign3A_355 = arith.constant 0 : i32
      %sign3A_356 = arith.cmpi sgt, %jit3A, %sign3A_355 : i32
      %sign3A_357 = arith.extui %sign3A_356 : i1 to i32
      %sign3A_358 = arith.constant 0 : i32
      %sign3A_359 = arith.cmpi slt, %jit3A, %sign3A_358 : i32
      %sign3A_360 = arith.extui %sign3A_359 : i1 to i32
      %sign3A_361 = arith.subi %sign3A_357, %sign3A_360 : i32
      %ne3A = arith.cmpi ne, %sign3A_354, %sign3A_361 : i32
      %rem3A = arith.remsi %scan3A_347, %jit3A : i32
      %ne3A_362 = arith.constant 0 : i32
      %ne3A_363 = arith.cmpi ne, %rem3A, %ne3A_362 : i32
      %and3A = arith.andi %ne3A, %ne3A_363 : i1
      %sub3A = arith.constant 1 : i32
      %sub3A_364 = arith.subi %div3A, %sub3A : i32
      %select_n3A = arith.select %and3A, %sub3A_364, %div3A : i32
      %jit3A_365 = arith.constant 8 : i32
      %eq3A = arith.constant 0 : i32
      %eq3A_366 = arith.cmpi eq, %jit3A_365, %eq3A : i32
      %jit3A_367 = arith.constant 1 : i32
      %select_n3A_368 = arith.select %eq3A_366, %jit3A_367, %jit3A_365 : i32
      %rem3A_369 = arith.remsi %scan3A_347, %select_n3A_368 : i32
      %ne3A_370 = arith.constant 0 : i32
      %ne3A_371 = arith.cmpi ne, %rem3A_369, %ne3A_370 : i32
      %lt3A = arith.constant 0 : i32
      %lt3A_372 = arith.cmpi slt, %rem3A_369, %lt3A : i32
      %lt3A_373 = arith.constant 0 : i32
      %lt3A_374 = arith.cmpi slt, %select_n3A_368, %lt3A_373 : i32
      %ne3A_375 = arith.xori %lt3A_372, %lt3A_374 : i1
      %and3A_376 = arith.andi %ne3A_375, %ne3A_371 : i1
      %add3A_377 = arith.addi %rem3A_369, %select_n3A_368 : i32
      %select_n3A_378 = arith.select %and3A_376, %add3A_377, %rem3A_369 : i32
      %mul3A_379 = arith.constant 16 : i32
      %mul3A_380 = arith.muli %select_n3A_378, %mul3A_379 : i32
      %swap3A = arith.index_cast %select_n3A : i32 to index
      %swap3A_381 = arith.index_cast %mul3A_380 : i32 to index
      %swap3A_382 = tpu.vector_load %arg9[%swap3A, %swap3A_381] {strides = array<i32>} : memref<16x128xf32, #tpu.memory_space<vmem>>, vector<1x16xf32>,
      %swap3A_383 = vector.shape_cast %swap3A_382 : vector<1x16xf32> to vector<16xf32>
      %swap3A_384 = vector.shape_cast %broadcast_in_dim3A_348 : vector<16xf32> to vector<1x16xf32>
      tpu.vector_store %arg9[%swap3A, %swap3A_381], %swap3A_384 {strides = array<i32>} : memref<16x128xf32, #tpu.memory_space<vmem>>, vector<1x16xf32>,
    }
    %scan3A_4 = arith.constant 128 : i32
    %add3A = arith.constant 0 : i32
    %add3A_5 = arith.addi %add3A, %arg0 : i32
    %mul3A = arith.constant 640 : i32
    %mul3A_6 = arith.muli %arg1, %mul3A : i32
    %add3A_7 = arith.constant 0 : i32
    %add3A_8 = arith.addi %mul3A_6, %add3A_7 : i32
    "tpu.region"() ({
      %run_scoped3A = tpu.sem_alloc : memref<!tpu.dma_semaphore, #tpu.memory_space<semaphore_mem>>
      %dma_start3A = arith.constant 0 : i32
      %dma_start3A_347 = tpu.memref_slice %arg10[%add3A_8, %dma_start3A] : memref<10240x128xf32, #tpu.memory_space<vmem_shared>> -> memref<16x128xf32, #tpu.memory_space<vmem_shared>>
      %dma_start3A_348 = arith.constant 0 : i32
      %dma_start3A_349 = tpu.memref_slice %arg10[%add3A_8, %dma_start3A_348] : memref<10240x128xf32, #tpu.memory_space<vmem_shared>> -> memref<16x128xf32, #tpu.memory_space<vmem_shared>>
      tpu.enqueue_dma source(%arg9 : memref<16x128xf32, #tpu.memory_space<vmem>>) target(%dma_start3A_349 : memref<16x128xf32, #tpu.memory_space<vmem_shared>>) target_semaphore(%run_scoped3A : memref<!tpu.dma_semaphore, #tpu.memory_space<semaphore_mem>>)
      %dma_wait3A = arith.constant 0 : i32
      %dma_wait3A_350 = tpu.memref_slice %arg10[%add3A_8, %dma_wait3A] : memref<10240x128xf32, #tpu.memory_space<vmem_shared>> -> memref<16x128xf32, #tpu.memory_space<vmem_shared>>
      %dma_wait3A_351 = arith.constant 0 : i32
      %dma_wait3A_352 = tpu.memref_slice %arg10[%add3A_8, %dma_wait3A_351] : memref<10240x128xf32, #tpu.memory_space<vmem_shared>> -> memref<16x128xf32, #tpu.memory_space<vmem_shared>>
      tpu.wait_dma2 semaphore(%run_scoped3A : memref<!tpu.dma_semaphore, #tpu.memory_space<semaphore_mem>>) src(%arg9 : memref<16x128xf32, #tpu.memory_space<vmem>>) dst(%dma_wait3A_352 : memref<16x128xf32, #tpu.memory_space<vmem_shared>>)
      tpu.yield
    }) : () -> ()
    %mul3A_9 = arith.constant 640 : i32
    %mul3A_10 = arith.muli %arg1, %mul3A_9 : i32
    %add3A_11 = arith.constant 16 : i32
    %add3A_12 = arith.addi %mul3A_10, %add3A_11 : i32
    "tpu.region"() ({
      %run_scoped3A = tpu.sem_alloc : memref<!tpu.dma_semaphore, #tpu.memory_space<semaphore_mem>>
      %dma_start3A = arith.constant 0 : i32
      %dma_start3A_347 = tpu.memref_slice %arg10[%add3A_12, %dma_start3A] : memref<10240x128xf32, #tpu.memory_space<vmem_shared>> -> memref<16x128xf32, #tpu.memory_space<vmem_shared>>
      %dma_start3A_348 = arith.constant 0 : i32
      %dma_start3A_349 = tpu.memref_slice %arg10[%add3A_12, %dma_start3A_348] : memref<10240x128xf32, #tpu.memory_space<vmem_shared>> -> memref<16x128xf32, #tpu.memory_space<vmem_shared>>
      tpu.enqueue_dma source(%arg9 : memref<16x128xf32, #tpu.memory_space<vmem>>) target(%dma_start3A_349 : memref<16x128xf32, #tpu.memory_space<vmem_shared>>) target_semaphore(%run_scoped3A : memref<!tpu.dma_semaphore, #tpu.memory_space<semaphore_mem>>)
      %dma_wait3A = arith.constant 0 : i32
      %dma_wait3A_350 = tpu.memref_slice %arg10[%add3A_12, %dma_wait3A] : memref<10240x128xf32, #tpu.memory_space<vmem_shared>> -> memref<16x128xf32, #tpu.memory_space<vmem_shared>>
      %dma_wait3A_351 = arith.constant 0 : i32
      %dma_wait3A_352 = tpu.memref_slice %arg10[%add3A_12, %dma_wait3A_351] : memref<10240x128xf32, #tpu.memory_space<vmem_shared>> -> memref<16x128xf32, #tpu.memory_space<vmem_shared>>
      tpu.wait_dma2 semaphore(%run_scoped3A : memref<!tpu.dma_semaphore, #tpu.memory_space<semaphore_mem>>) src(%arg9 : memref<16x128xf32, #tpu.memory_space<vmem>>) dst(%dma_wait3A_352 : memref<16x128xf32, #tpu.memory_space<vmem_shared>>)
      tpu.yield
    }) : () -> ()
    %mul3A_13 = arith.constant 640 : i32
    %mul3A_14 = arith.muli %arg1, %mul3A_13 : i32
    %add3A_15 = arith.constant 32 : i32
    %add3A_16 = arith.addi %mul3A_14, %add3A_15 : i32
    "tpu.region"() ({
      %run_scoped3A = tpu.sem_alloc : memref<!tpu.dma_semaphore, #tpu.memory_space<semaphore_mem>>
      %dma_start3A = arith.constant 0 : i32
      %dma_start3A_347 = tpu.memref_slice %arg10[%add3A_16, %dma_start3A] : memref<10240x128xf32, #tpu.memory_space<vmem_shared>> -> memref<16x128xf32, #tpu.memory_space<vmem_shared>>
      %dma_start3A_348 = arith.constant 0 : i32
      %dma_start3A_349 = tpu.memref_slice %arg10[%add3A_16, %dma_start3A_348] : memref<10240x128xf32, #tpu.memory_space<vmem_shared>> -> memref<16x128xf32, #tpu.memory_space<vmem_shared>>
      tpu.enqueue_dma source(%arg9 : memref<16x128xf32, #tpu.memory_space<vmem>>) target(%dma_start3A_349 : memref<16x128xf32, #tpu.memory_space<vmem_shared>>) target_semaphore(%run_scoped3A : memref<!tpu.dma_semaphore, #tpu.memory_space<semaphore_mem>>)
      %dma_wait3A = arith.constant 0 : i32
      %dma_wait3A_350 = tpu.memref_slice %arg10[%add3A_16, %dma_wait3A] : memref<10240x128xf32, #tpu.memory_space<vmem_shared>> -> memref<16x128xf32, #tpu.memory_space<vmem_shared>>
      %dma_wait3A_351 = arith.constant 0 : i32
      %dma_wait3A_352 = tpu.memref_slice %arg10[%add3A_16, %dma_wait3A_351] : memref<10240x128xf32, #tpu.memory_space<vmem_shared>> -> memref<16x128xf32, #tpu.memory_space<vmem_shared>>
      tpu.wait_dma2 semaphore(%run_scoped3A : memref<!tpu.dma_semaphore, #tpu.memory_space<semaphore_mem>>) src(%arg9 : memref<16x128xf32, #tpu.memory_space<vmem>>) dst(%dma_wait3A_352 : memref<16x128xf32, #tpu.memory_space<vmem_shared>>)
      tpu.yield
    }) : () -> ()
    %mul3A_17 = arith.constant 640 : i32
    %mul3A_18 = arith.muli %arg1, %mul3A_17 : i32
    %add3A_19 = arith.constant 48 : i32
    %add3A_20 = arith.addi %mul3A_18, %add3A_19 : i32
    "tpu.region"() ({
      %run_scoped3A = tpu.sem_alloc : memref<!tpu.dma_semaphore, #tpu.memory_space<semaphore_mem>>
      %dma_start3A = arith.constant 0 : i32
      %dma_start3A_347 = tpu.memref_slice %arg10[%add3A_20, %dma_start3A] : memref<10240x128xf32, #tpu.memory_space<vmem_shared>> -> memref<16x128xf32, #tpu.memory_space<vmem_shared>>
      %dma_start3A_348 = arith.constant 0 : i32
      %dma_start3A_349 = tpu.memref_slice %arg10[%add3A_20, %dma_start3A_348] : memref<10240x128xf32, #tpu.memory_space<vmem_shared>> -> memref<16x128xf32, #tpu.memory_space<vmem_shared>>
      tpu.enqueue_dma source(%arg9 : memref<16x128xf32, #tpu.memory_space<vmem>>) target(%dma_start3A_349 : memref<16x128xf32, #tpu.memory_space<vmem_shared>>) target_semaphore(%run_scoped3A : memref<!tpu.dma_semaphore, #tpu.memory_space<semaphore_mem>>)
      %dma_wait3A = arith.constant 0 : i32
      %dma_wait3A_350 = tpu.memref_slice %arg10[%add3A_20, %dma_wait3A] : memref<10240x128xf32, #tpu.memory_space<vmem_shared>> -> memref<16x128xf32, #tpu.memory_space<vmem_shared>>
      %dma_wait3A_351 = arith.constant 0 : i32
      %dma_wait3A_352 = tpu.memref_slice %arg10[%add3A_20, %dma_wait3A_351] : memref<10240x128xf32, #tpu.memory_space<vmem_shared>> -> memref<16x128xf32, #tpu.memory_space<vmem_shared>>
      tpu.wait_dma2 semaphore(%run_scoped3A : memref<!tpu.dma_semaphore, #tpu.memory_space<semaphore_mem>>) src(%arg9 : memref<16x128xf32, #tpu.memory_space<vmem>>) dst(%dma_wait3A_352 : memref<16x128xf32, #tpu.memory_space<vmem_shared>>)
      tpu.yield
    }) : () -> ()
    %mul3A_21 = arith.constant 640 : i32
    %mul3A_22 = arith.muli %arg1, %mul3A_21 : i32
    %add3A_23 = arith.constant 64 : i32
    %add3A_24 = arith.addi %mul3A_22, %add3A_23 : i32
    "tpu.region"() ({
      %run_scoped3A = tpu.sem_alloc : memref<!tpu.dma_semaphore, #tpu.memory_space<semaphore_mem>>
      %dma_start3A = arith.constant 0 : i32
      %dma_start3A_347 = tpu.memref_slice %arg10[%add3A_24, %dma_start3A] : memref<10240x128xf32, #tpu.memory_space<vmem_shared>> -> memref<16x128xf32, #tpu.memory_space<vmem_shared>>
      %dma_start3A_348 = arith.constant 0 : i32
      %dma_start3A_349 = tpu.memref_slice %arg10[%add3A_24, %dma_start3A_348] : memref<10240x128xf32, #tpu.memory_space<vmem_shared>> -> memref<16x128xf32, #tpu.memory_space<vmem_shared>>
      tpu.enqueue_dma source(%arg9 : memref<16x128xf32, #tpu.memory_space<vmem>>) target(%dma_start3A_349 : memref<16x128xf32, #tpu.memory_space<vmem_shared>>) target_semaphore(%run_scoped3A : memref<!tpu.dma_semaphore, #tpu.memory_space<semaphore_mem>>)
      %dma_wait3A = arith.constant 0 : i32
      %dma_wait3A_350 = tpu.memref_slice %arg10[%add3A_24, %dma_wait3A] : memref<10240x128xf32, #tpu.memory_space<vmem_shared>> -> memref<16x128xf32, #tpu.memory_space<vmem_shared>>
      %dma_wait3A_351 = arith.constant 0 : i32
      %dma_wait3A_352 = tpu.memref_slice %arg10[%add3A_24, %dma_wait3A_351] : memref<10240x128xf32, #tpu.memory_space<vmem_shared>> -> memref<16x128xf32, #tpu.memory_space<vmem_shared>>
      tpu.wait_dma2 semaphore(%run_scoped3A : memref<!tpu.dma_semaphore, #tpu.memory_space<semaphore_mem>>) src(%arg9 : memref<16x128xf32, #tpu.memory_space<vmem>>) dst(%dma_wait3A_352 : memref<16x128xf32, #tpu.memory_space<vmem_shared>>)
      tpu.yield
    }) : () -> ()
    %mul3A_25 = arith.constant 640 : i32
    %mul3A_26 = arith.muli %arg1, %mul3A_25 : i32
    %add3A_27 = arith.constant 80 : i32
    %add3A_28 = arith.addi %mul3A_26, %add3A_27 : i32
    "tpu.region"() ({
      %run_scoped3A = tpu.sem_alloc : memref<!tpu.dma_semaphore, #tpu.memory_space<semaphore_mem>>
      %dma_start3A = arith.constant 0 : i32
      %dma_start3A_347 = tpu.memref_slice %arg10[%add3A_28, %dma_start3A] : memref<10240x128xf32, #tpu.memory_space<vmem_shared>> -> memref<16x128xf32, #tpu.memory_space<vmem_shared>>
      %dma_start3A_348 = arith.constant 0 : i32
      %dma_start3A_349 = tpu.memref_slice %arg10[%add3A_28, %dma_start3A_348] : memref<10240x128xf32, #tpu.memory_space<vmem_shared>> -> memref<16x128xf32, #tpu.memory_space<vmem_shared>>
      tpu.enqueue_dma source(%arg9 : memref<16x128xf32, #tpu.memory_space<vmem>>) target(%dma_start3A_349 : memref<16x128xf32, #tpu.memory_space<vmem_shared>>) target_semaphore(%run_scoped3A : memref<!tpu.dma_semaphore, #tpu.memory_space<semaphore_mem>>)
      %dma_wait3A = arith.constant 0 : i32
      %dma_wait3A_350 = tpu.memref_slice %arg10[%add3A_28, %dma_wait3A] : memref<10240x128xf32, #tpu.memory_space<vmem_shared>> -> memref<16x128xf32, #tpu.memory_space<vmem_shared>>
      %dma_wait3A_351 = arith.constant 0 : i32
      %dma_wait3A_352 = tpu.memref_slice %arg10[%add3A_28, %dma_wait3A_351] : memref<10240x128xf32, #tpu.memory_space<vmem_shared>> -> memref<16x128xf32, #tpu.memory_space<vmem_shared>>
      tpu.wait_dma2 semaphore(%run_scoped3A : memref<!tpu.dma_semaphore, #tpu.memory_space<semaphore_mem>>) src(%arg9 : memref<16x128xf32, #tpu.memory_space<vmem>>) dst(%dma_wait3A_352 : memref<16x128xf32, #tpu.memory_space<vmem_shared>>)
      tpu.yield
    }) : () -> ()
    %mul3A_29 = arith.constant 640 : i32
    %mul3A_30 = arith.muli %arg1, %mul3A_29 : i32
    %add3A_31 = arith.constant 96 : i32
    %add3A_32 = arith.addi %mul3A_30, %add3A_31 : i32
    "tpu.region"() ({
      %run_scoped3A = tpu.sem_alloc : memref<!tpu.dma_semaphore, #tpu.memory_space<semaphore_mem>>
      %dma_start3A = arith.constant 0 : i32
      %dma_start3A_347 = tpu.memref_slice %arg10[%add3A_32, %dma_start3A] : memref<10240x128xf32, #tpu.memory_space<vmem_shared>> -> memref<16x128xf32, #tpu.memory_space<vmem_shared>>
      %dma_start3A_348 = arith.constant 0 : i32
      %dma_start3A_349 = tpu.memref_slice %arg10[%add3A_32, %dma_start3A_348] : memref<10240x128xf32, #tpu.memory_space<vmem_shared>> -> memref<16x128xf32, #tpu.memory_space<vmem_shared>>
      tpu.enqueue_dma source(%arg9 : memref<16x128xf32, #tpu.memory_space<vmem>>) target(%dma_start3A_349 : memref<16x128xf32, #tpu.memory_space<vmem_shared>>) target_semaphore(%run_scoped3A : memref<!tpu.dma_semaphore, #tpu.memory_space<semaphore_mem>>)
      %dma_wait3A = arith.constant 0 : i32
      %dma_wait3A_350 = tpu.memref_slice %arg10[%add3A_32, %dma_wait3A] : memref<10240x128xf32, #tpu.memory_space<vmem_shared>> -> memref<16x128xf32, #tpu.memory_space<vmem_shared>>
      %dma_wait3A_351 = arith.constant 0 : i32
      %dma_wait3A_352 = tpu.memref_slice %arg10[%add3A_32, %dma_wait3A_351] : memref<10240x128xf32, #tpu.memory_space<vmem_shared>> -> memref<16x128xf32, #tpu.memory_space<vmem_shared>>
      tpu.wait_dma2 semaphore(%run_scoped3A : memref<!tpu.dma_semaphore, #tpu.memory_space<semaphore_mem>>) src(%arg9 : memref<16x128xf32, #tpu.memory_space<vmem>>) dst(%dma_wait3A_352 : memref<16x128xf32, #tpu.memory_space<vmem_shared>>)
      tpu.yield
    }) : () -> ()
    %mul3A_33 = arith.constant 640 : i32
    %mul3A_34 = arith.muli %arg1, %mul3A_33 : i32
    %add3A_35 = arith.constant 112 : i32
    %add3A_36 = arith.addi %mul3A_34, %add3A_35 : i32
    "tpu.region"() ({
      %run_scoped3A = tpu.sem_alloc : memref<!tpu.dma_semaphore, #tpu.memory_space<semaphore_mem>>
      %dma_start3A = arith.constant 0 : i32
      %dma_start3A_347 = tpu.memref_slice %arg10[%add3A_36, %dma_start3A] : memref<10240x128xf32, #tpu.memory_space<vmem_shared>> -> memref<16x128xf32, #tpu.memory_space<vmem_shared>>
      %dma_start3A_348 = arith.constant 0 : i32
      %dma_start3A_349 = tpu.memref_slice %arg10[%add3A_36, %dma_start3A_348] : memref<10240x128xf32, #tpu.memory_space<vmem_shared>> -> memref<16x128xf32, #tpu.memory_space<vmem_shared>>
      tpu.enqueue_dma source(%arg9 : memref<16x128xf32, #tpu.memory_space<vmem>>) target(%dma_start3A_349 : memref<16x128xf32, #tpu.memory_space<vmem_shared>>) target_semaphore(%run_scoped3A : memref<!tpu.dma_semaphore, #tpu.memory_space<semaphore_mem>>)
      %dma_wait3A = arith.constant 0 : i32
      %dma_wait3A_350 = tpu.memref_slice %arg10[%add3A_36, %dma_wait3A] : memref<10240x128xf32, #tpu.memory_space<vmem_shared>> -> memref<16x128xf32, #tpu.memory_space<vmem_shared>>
      %dma_wait3A_351 = arith.constant 0 : i32
      %dma_wait3A_352 = tpu.memref_slice %arg10[%add3A_36, %dma_wait3A_351] : memref<10240x128xf32, #tpu.memory_space<vmem_shared>> -> memref<16x128xf32, #tpu.memory_space<vmem_shared>>
      tpu.wait_dma2 semaphore(%run_scoped3A : memref<!tpu.dma_semaphore, #tpu.memory_space<semaphore_mem>>) src(%arg9 : memref<16x128xf32, #tpu.memory_space<vmem>>) dst(%dma_wait3A_352 : memref<16x128xf32, #tpu.memory_space<vmem_shared>>)
      tpu.yield
    }) : () -> ()
    %mul3A_37 = arith.constant 640 : i32
    %mul3A_38 = arith.muli %arg1, %mul3A_37 : i32
    %add3A_39 = arith.constant 128 : i32
    %add3A_40 = arith.addi %mul3A_38, %add3A_39 : i32
    "tpu.region"() ({
      %run_scoped3A = tpu.sem_alloc : memref<!tpu.dma_semaphore, #tpu.memory_space<semaphore_mem>>
      %dma_start3A = arith.constant 0 : i32
      %dma_start3A_347 = tpu.memref_slice %arg10[%add3A_40, %dma_start3A] : memref<10240x128xf32, #tpu.memory_space<vmem_shared>> -> memref<16x128xf32, #tpu.memory_space<vmem_shared>>
      %dma_start3A_348 = arith.constant 0 : i32
      %dma_start3A_349 = tpu.memref_slice %arg10[%add3A_40, %dma_start3A_348] : memref<10240x128xf32, #tpu.memory_space<vmem_shared>> -> memref<16x128xf32, #tpu.memory_space<vmem_shared>>
      tpu.enqueue_dma source(%arg9 : memref<16x128xf32, #tpu.memory_space<vmem>>) target(%dma_start3A_349 : memref<16x128xf32, #tpu.memory_space<vmem_shared>>) target_semaphore(%run_scoped3A : memref<!tpu.dma_semaphore, #tpu.memory_space<semaphore_mem>>)
      %dma_wait3A = arith.constant 0 : i32
      %dma_wait3A_350 = tpu.memref_slice %arg10[%add3A_40, %dma_wait3A] : memref<10240x128xf32, #tpu.memory_space<vmem_shared>> -> memref<16x128xf32, #tpu.memory_space<vmem_shared>>
      %dma_wait3A_351 = arith.constant 0 : i32
      %dma_wait3A_352 = tpu.memref_slice %arg10[%add3A_40, %dma_wait3A_351] : memref<10240x128xf32, #tpu.memory_space<vmem_shared>> -> memref<16x128xf32, #tpu.memory_space<vmem_shared>>
      tpu.wait_dma2 semaphore(%run_scoped3A : memref<!tpu.dma_semaphore, #tpu.memory_space<semaphore_mem>>) src(%arg9 : memref<16x128xf32, #tpu.memory_space<vmem>>) dst(%dma_wait3A_352 : memref<16x128xf32, #tpu.memory_space<vmem_shared>>)
      tpu.yield
    }) : () -> ()
    %mul3A_41 = arith.constant 640 : i32
    %mul3A_42 = arith.muli %arg1, %mul3A_41 : i32
    %add3A_43 = arith.constant 144 : i32
    %add3A_44 = arith.addi %mul3A_42, %add3A_43 : i32
    "tpu.region"() ({
      %run_scoped3A = tpu.sem_alloc : memref<!tpu.dma_semaphore, #tpu.memory_space<semaphore_mem>>
      %dma_start3A = arith.constant 0 : i32
      %dma_start3A_347 = tpu.memref_slice %arg10[%add3A_44, %dma_start3A] : memref<10240x128xf32, #tpu.memory_space<vmem_shared>> -> memref<16x128xf32, #tpu.memory_space<vmem_shared>>
      %dma_start3A_348 = arith.constant 0 : i32
      %dma_start3A_349 = tpu.memref_slice %arg10[%add3A_44, %dma_start3A_348] : memref<10240x128xf32, #tpu.memory_space<vmem_shared>> -> memref<16x128xf32, #tpu.memory_space<vmem_shared>>
      tpu.enqueue_dma source(%arg9 : memref<16x128xf32, #tpu.memory_space<vmem>>) target(%dma_start3A_349 : memref<16x128xf32, #tpu.memory_space<vmem_shared>>) target_semaphore(%run_scoped3A : memref<!tpu.dma_semaphore, #tpu.memory_space<semaphore_mem>>)
      %dma_wait3A = arith.constant 0 : i32
      %dma_wait3A_350 = tpu.memref_slice %arg10[%add3A_44, %dma_wait3A] : memref<10240x128xf32, #tpu.memory_space<vmem_shared>> -> memref<16x128xf32, #tpu.memory_space<vmem_shared>>
      %dma_wait3A_351 = arith.constant 0 : i32
      %dma_wait3A_352 = tpu.memref_slice %arg10[%add3A_44, %dma_wait3A_351] : memref<10240x128xf32, #tpu.memory_space<vmem_shared>> -> memref<16x128xf32, #tpu.memory_space<vmem_shared>>
      tpu.wait_dma2 semaphore(%run_scoped3A : memref<!tpu.dma_semaphore, #tpu.memory_space<semaphore_mem>>) src(%arg9 : memref<16x128xf32, #tpu.memory_space<vmem>>) dst(%dma_wait3A_352 : memref<16x128xf32, #tpu.memory_space<vmem_shared>>)
      tpu.yield
    }) : () -> ()
    %mul3A_45 = arith.constant 640 : i32
    %mul3A_46 = arith.muli %arg1, %mul3A_45 : i32
    %add3A_47 = arith.constant 160 : i32
    %add3A_48 = arith.addi %mul3A_46, %add3A_47 : i32
    "tpu.region"() ({
      %run_scoped3A = tpu.sem_alloc : memref<!tpu.dma_semaphore, #tpu.memory_space<semaphore_mem>>
      %dma_start3A = arith.constant 0 : i32
      %dma_start3A_347 = tpu.memref_slice %arg10[%add3A_48, %dma_start3A] : memref<10240x128xf32, #tpu.memory_space<vmem_shared>> -> memref<16x128xf32, #tpu.memory_space<vmem_shared>>
      %dma_start3A_348 = arith.constant 0 : i32
      %dma_start3A_349 = tpu.memref_slice %arg10[%add3A_48, %dma_start3A_348] : memref<10240x128xf32, #tpu.memory_space<vmem_shared>> -> memref<16x128xf32, #tpu.memory_space<vmem_shared>>
      tpu.enqueue_dma source(%arg9 : memref<16x128xf32, #tpu.memory_space<vmem>>) target(%dma_start3A_349 : memref<16x128xf32, #tpu.memory_space<vmem_shared>>) target_semaphore(%run_scoped3A : memref<!tpu.dma_semaphore, #tpu.memory_space<semaphore_mem>>)
      %dma_wait3A = arith.constant 0 : i32
      %dma_wait3A_350 = tpu.memref_slice %arg10[%add3A_48, %dma_wait3A] : memref<10240x128xf32, #tpu.memory_space<vmem_shared>> -> memref<16x128xf32, #tpu.memory_space<vmem_shared>>
      %dma_wait3A_351 = arith.constant 0 : i32
      %dma_wait3A_352 = tpu.memref_slice %arg10[%add3A_48, %dma_wait3A_351] : memref<10240x128xf32, #tpu.memory_space<vmem_shared>> -> memref<16x128xf32, #tpu.memory_space<vmem_shared>>
      tpu.wait_dma2 semaphore(%run_scoped3A : memref<!tpu.dma_semaphore, #tpu.memory_space<semaphore_mem>>) src(%arg9 : memref<16x128xf32, #tpu.memory_space<vmem>>) dst(%dma_wait3A_352 : memref<16x128xf32, #tpu.memory_space<vmem_shared>>)
      tpu.yield
    }) : () -> ()
    %mul3A_49 = arith.constant 640 : i32
    %mul3A_50 = arith.muli %arg1, %mul3A_49 : i32
    %add3A_51 = arith.constant 176 : i32
    %add3A_52 = arith.addi %mul3A_50, %add3A_51 : i32
    "tpu.region"() ({
      %run_scoped3A = tpu.sem_alloc : memref<!tpu.dma_semaphore, #tpu.memory_space<semaphore_mem>>
      %dma_start3A = arith.constant 0 : i32
      %dma_start3A_347 = tpu.memref_slice %arg10[%add3A_52, %dma_start3A] : memref<10240x128xf32, #tpu.memory_space<vmem_shared>> -> memref<16x128xf32, #tpu.memory_space<vmem_shared>>
      %dma_start3A_348 = arith.constant 0 : i32
      %dma_start3A_349 = tpu.memref_slice %arg10[%add3A_52, %dma_start3A_348] : memref<10240x128xf32, #tpu.memory_space<vmem_shared>> -> memref<16x128xf32, #tpu.memory_space<vmem_shared>>
      tpu.enqueue_dma source(%arg9 : memref<16x128xf32, #tpu.memory_space<vmem>>) target(%dma_start3A_349 : memref<16x128xf32, #tpu.memory_space<vmem_shared>>) target_semaphore(%run_scoped3A : memref<!tpu.dma_semaphore, #tpu.memory_space<semaphore_mem>>)
      %dma_wait3A = arith.constant 0 : i32
      %dma_wait3A_350 = tpu.memref_slice %arg10[%add3A_52, %dma_wait3A] : memref<10240x128xf32, #tpu.memory_space<vmem_shared>> -> memref<16x128xf32, #tpu.memory_space<vmem_shared>>
      %dma_wait3A_351 = arith.constant 0 : i32
      %dma_wait3A_352 = tpu.memref_slice %arg10[%add3A_52, %dma_wait3A_351] : memref<10240x128xf32, #tpu.memory_space<vmem_shared>> -> memref<16x128xf32, #tpu.memory_space<vmem_shared>>
      tpu.wait_dma2 semaphore(%run_scoped3A : memref<!tpu.dma_semaphore, #tpu.memory_space<semaphore_mem>>) src(%arg9 : memref<16x128xf32, #tpu.memory_space<vmem>>) dst(%dma_wait3A_352 : memref<16x128xf32, #tpu.memory_space<vmem_shared>>)
      tpu.yield
    }) : () -> ()
    %mul3A_53 = arith.constant 640 : i32
    %mul3A_54 = arith.muli %arg1, %mul3A_53 : i32
    %add3A_55 = arith.constant 192 : i32
    %add3A_56 = arith.addi %mul3A_54, %add3A_55 : i32
    "tpu.region"() ({
      %run_scoped3A = tpu.sem_alloc : memref<!tpu.dma_semaphore, #tpu.memory_space<semaphore_mem>>
      %dma_start3A = arith.constant 0 : i32
      %dma_start3A_347 = tpu.memref_slice %arg10[%add3A_56, %dma_start3A] : memref<10240x128xf32, #tpu.memory_space<vmem_shared>> -> memref<16x128xf32, #tpu.memory_space<vmem_shared>>
      %dma_start3A_348 = arith.constant 0 : i32
      %dma_start3A_349 = tpu.memref_slice %arg10[%add3A_56, %dma_start3A_348] : memref<10240x128xf32, #tpu.memory_space<vmem_shared>> -> memref<16x128xf32, #tpu.memory_space<vmem_shared>>
      tpu.enqueue_dma source(%arg9 : memref<16x128xf32, #tpu.memory_space<vmem>>) target(%dma_start3A_349 : memref<16x128xf32, #tpu.memory_space<vmem_shared>>) target_semaphore(%run_scoped3A : memref<!tpu.dma_semaphore, #tpu.memory_space<semaphore_mem>>)
      %dma_wait3A = arith.constant 0 : i32
      %dma_wait3A_350 = tpu.memref_slice %arg10[%add3A_56, %dma_wait3A] : memref<10240x128xf32, #tpu.memory_space<vmem_shared>> -> memref<16x128xf32, #tpu.memory_space<vmem_shared>>
      %dma_wait3A_351 = arith.constant 0 : i32
      %dma_wait3A_352 = tpu.memref_slice %arg10[%add3A_56, %dma_wait3A_351] : memref<10240x128xf32, #tpu.memory_space<vmem_shared>> -> memref<16x128xf32, #tpu.memory_space<vmem_shared>>
      tpu.wait_dma2 semaphore(%run_scoped3A : memref<!tpu.dma_semaphore, #tpu.memory_space<semaphore_mem>>) src(%arg9 : memref<16x128xf32, #tpu.memory_space<vmem>>) dst(%dma_wait3A_352 : memref<16x128xf32, #tpu.memory_space<vmem_shared>>)
      tpu.yield
    }) : () -> ()
    %mul3A_57 = arith.constant 640 : i32
    %mul3A_58 = arith.muli %arg1, %mul3A_57 : i32
    %add3A_59 = arith.constant 208 : i32
    %add3A_60 = arith.addi %mul3A_58, %add3A_59 : i32
    "tpu.region"() ({
      %run_scoped3A = tpu.sem_alloc : memref<!tpu.dma_semaphore, #tpu.memory_space<semaphore_mem>>
      %dma_start3A = arith.constant 0 : i32
      %dma_start3A_347 = tpu.memref_slice %arg10[%add3A_60, %dma_start3A] : memref<10240x128xf32, #tpu.memory_space<vmem_shared>> -> memref<16x128xf32, #tpu.memory_space<vmem_shared>>
      %dma_start3A_348 = arith.constant 0 : i32
      %dma_start3A_349 = tpu.memref_slice %arg10[%add3A_60, %dma_start3A_348] : memref<10240x128xf32, #tpu.memory_space<vmem_shared>> -> memref<16x128xf32, #tpu.memory_space<vmem_shared>>
      tpu.enqueue_dma source(%arg9 : memref<16x128xf32, #tpu.memory_space<vmem>>) target(%dma_start3A_349 : memref<16x128xf32, #tpu.memory_space<vmem_shared>>) target_semaphore(%run_scoped3A : memref<!tpu.dma_semaphore, #tpu.memory_space<semaphore_mem>>)
      %dma_wait3A = arith.constant 0 : i32
      %dma_wait3A_350 = tpu.memref_slice %arg10[%add3A_60, %dma_wait3A] : memref<10240x128xf32, #tpu.memory_space<vmem_shared>> -> memref<16x128xf32, #tpu.memory_space<vmem_shared>>
      %dma_wait3A_351 = arith.constant 0 : i32
      %dma_wait3A_352 = tpu.memref_slice %arg10[%add3A_60, %dma_wait3A_351] : memref<10240x128xf32, #tpu.memory_space<vmem_shared>> -> memref<16x128xf32, #tpu.memory_space<vmem_shared>>
      tpu.wait_dma2 semaphore(%run_scoped3A : memref<!tpu.dma_semaphore, #tpu.memory_space<semaphore_mem>>) src(%arg9 : memref<16x128xf32, #tpu.memory_space<vmem>>) dst(%dma_wait3A_352 : memref<16x128xf32, #tpu.memory_space<vmem_shared>>)
      tpu.yield
    }) : () -> ()
    %mul3A_61 = arith.constant 640 : i32
    %mul3A_62 = arith.muli %arg1, %mul3A_61 : i32
    %add3A_63 = arith.constant 224 : i32
    %add3A_64 = arith.addi %mul3A_62, %add3A_63 : i32
    "tpu.region"() ({
      %run_scoped3A = tpu.sem_alloc : memref<!tpu.dma_semaphore, #tpu.memory_space<semaphore_mem>>
      %dma_start3A = arith.constant 0 : i32
      %dma_start3A_347 = tpu.memref_slice %arg10[%add3A_64, %dma_start3A] : memref<10240x128xf32, #tpu.memory_space<vmem_shared>> -> memref<16x128xf32, #tpu.memory_space<vmem_shared>>
      %dma_start3A_348 = arith.constant 0 : i32
      %dma_start3A_349 = tpu.memref_slice %arg10[%add3A_64, %dma_start3A_348] : memref<10240x128xf32, #tpu.memory_space<vmem_shared>> -> memref<16x128xf32, #tpu.memory_space<vmem_shared>>
      tpu.enqueue_dma source(%arg9 : memref<16x128xf32, #tpu.memory_space<vmem>>) target(%dma_start3A_349 : memref<16x128xf32, #tpu.memory_space<vmem_shared>>) target_semaphore(%run_scoped3A : memref<!tpu.dma_semaphore, #tpu.memory_space<semaphore_mem>>)
      %dma_wait3A = arith.constant 0 : i32
      %dma_wait3A_350 = tpu.memref_slice %arg10[%add3A_64, %dma_wait3A] : memref<10240x128xf32, #tpu.memory_space<vmem_shared>> -> memref<16x128xf32, #tpu.memory_space<vmem_shared>>
      %dma_wait3A_351 = arith.constant 0 : i32
      %dma_wait3A_352 = tpu.memref_slice %arg10[%add3A_64, %dma_wait3A_351] : memref<10240x128xf32, #tpu.memory_space<vmem_shared>> -> memref<16x128xf32, #tpu.memory_space<vmem_shared>>
      tpu.wait_dma2 semaphore(%run_scoped3A : memref<!tpu.dma_semaphore, #tpu.memory_space<semaphore_mem>>) src(%arg9 : memref<16x128xf32, #tpu.memory_space<vmem>>) dst(%dma_wait3A_352 : memref<16x128xf32, #tpu.memory_space<vmem_shared>>)
      tpu.yield
    }) : () -> ()
    %mul3A_65 = arith.constant 640 : i32
    %mul3A_66 = arith.muli %arg1, %mul3A_65 : i32
    %add3A_67 = arith.constant 240 : i32
    %add3A_68 = arith.addi %mul3A_66, %add3A_67 : i32
    "tpu.region"() ({
      %run_scoped3A = tpu.sem_alloc : memref<!tpu.dma_semaphore, #tpu.memory_space<semaphore_mem>>
      %dma_start3A = arith.constant 0 : i32
      %dma_start3A_347 = tpu.memref_slice %arg10[%add3A_68, %dma_start3A] : memref<10240x128xf32, #tpu.memory_space<vmem_shared>> -> memref<16x128xf32, #tpu.memory_space<vmem_shared>>
      %dma_start3A_348 = arith.constant 0 : i32
      %dma_start3A_349 = tpu.memref_slice %arg10[%add3A_68, %dma_start3A_348] : memref<10240x128xf32, #tpu.memory_space<vmem_shared>> -> memref<16x128xf32, #tpu.memory_space<vmem_shared>>
      tpu.enqueue_dma source(%arg9 : memref<16x128xf32, #tpu.memory_space<vmem>>) target(%dma_start3A_349 : memref<16x128xf32, #tpu.memory_space<vmem_shared>>) target_semaphore(%run_scoped3A : memref<!tpu.dma_semaphore, #tpu.memory_space<semaphore_mem>>)
      %dma_wait3A = arith.constant 0 : i32
      %dma_wait3A_350 = tpu.memref_slice %arg10[%add3A_68, %dma_wait3A] : memref<10240x128xf32, #tpu.memory_space<vmem_shared>> -> memref<16x128xf32, #tpu.memory_space<vmem_shared>>
      %dma_wait3A_351 = arith.constant 0 : i32
      %dma_wait3A_352 = tpu.memref_slice %arg10[%add3A_68, %dma_wait3A_351] : memref<10240x128xf32, #tpu.memory_space<vmem_shared>> -> memref<16x128xf32, #tpu.memory_space<vmem_shared>>
      tpu.wait_dma2 semaphore(%run_scoped3A : memref<!tpu.dma_semaphore, #tpu.memory_space<semaphore_mem>>) src(%arg9 : memref<16x128xf32, #tpu.memory_space<vmem>>) dst(%dma_wait3A_352 : memref<16x128xf32, #tpu.memory_space<vmem_shared>>)
      tpu.yield
    }) : () -> ()
    %mul3A_69 = arith.constant 640 : i32
    %mul3A_70 = arith.muli %arg1, %mul3A_69 : i32
    %add3A_71 = arith.constant 256 : i32
    %add3A_72 = arith.addi %mul3A_70, %add3A_71 : i32
    "tpu.region"() ({
      %run_scoped3A = tpu.sem_alloc : memref<!tpu.dma_semaphore, #tpu.memory_space<semaphore_mem>>
      %dma_start3A = arith.constant 0 : i32
      %dma_start3A_347 = tpu.memref_slice %arg10[%add3A_72, %dma_start3A] : memref<10240x128xf32, #tpu.memory_space<vmem_shared>> -> memref<16x128xf32, #tpu.memory_space<vmem_shared>>
      %dma_start3A_348 = arith.constant 0 : i32
      %dma_start3A_349 = tpu.memref_slice %arg10[%add3A_72, %dma_start3A_348] : memref<10240x128xf32, #tpu.memory_space<vmem_shared>> -> memref<16x128xf32, #tpu.memory_space<vmem_shared>>
      tpu.enqueue_dma source(%arg9 : memref<16x128xf32, #tpu.memory_space<vmem>>) target(%dma_start3A_349 : memref<16x128xf32, #tpu.memory_space<vmem_shared>>) target_semaphore(%run_scoped3A : memref<!tpu.dma_semaphore, #tpu.memory_space<semaphore_mem>>)
      %dma_wait3A = arith.constant 0 : i32
      %dma_wait3A_350 = tpu.memref_slice %arg10[%add3A_72, %dma_wait3A] : memref<10240x128xf32, #tpu.memory_space<vmem_shared>> -> memref<16x128xf32, #tpu.memory_space<vmem_shared>>
      %dma_wait3A_351 = arith.constant 0 : i32
      %dma_wait3A_352 = tpu.memref_slice %arg10[%add3A_72, %dma_wait3A_351] : memref<10240x128xf32, #tpu.memory_space<vmem_shared>> -> memref<16x128xf32, #tpu.memory_space<vmem_shared>>
      tpu.wait_dma2 semaphore(%run_scoped3A : memref<!tpu.dma_semaphore, #tpu.memory_space<semaphore_mem>>) src(%arg9 : memref<16x128xf32, #tpu.memory_space<vmem>>) dst(%dma_wait3A_352 : memref<16x128xf32, #tpu.memory_space<vmem_shared>>)
      tpu.yield
    }) : () -> ()
    %mul3A_73 = arith.constant 640 : i32
    %mul3A_74 = arith.muli %arg1, %mul3A_73 : i32
    %add3A_75 = arith.constant 272 : i32
    %add3A_76 = arith.addi %mul3A_74, %add3A_75 : i32
    "tpu.region"() ({
      %run_scoped3A = tpu.sem_alloc : memref<!tpu.dma_semaphore, #tpu.memory_space<semaphore_mem>>
      %dma_start3A = arith.constant 0 : i32
      %dma_start3A_347 = tpu.memref_slice %arg10[%add3A_76, %dma_start3A] : memref<10240x128xf32, #tpu.memory_space<vmem_shared>> -> memref<16x128xf32, #tpu.memory_space<vmem_shared>>
      %dma_start3A_348 = arith.constant 0 : i32
      %dma_start3A_349 = tpu.memref_slice %arg10[%add3A_76, %dma_start3A_348] : memref<10240x128xf32, #tpu.memory_space<vmem_shared>> -> memref<16x128xf32, #tpu.memory_space<vmem_shared>>
      tpu.enqueue_dma source(%arg9 : memref<16x128xf32, #tpu.memory_space<vmem>>) target(%dma_start3A_349 : memref<16x128xf32, #tpu.memory_space<vmem_shared>>) target_semaphore(%run_scoped3A : memref<!tpu.dma_semaphore, #tpu.memory_space<semaphore_mem>>)
      %dma_wait3A = arith.constant 0 : i32
      %dma_wait3A_350 = tpu.memref_slice %arg10[%add3A_76, %dma_wait3A] : memref<10240x128xf32, #tpu.memory_space<vmem_shared>> -> memref<16x128xf32, #tpu.memory_space<vmem_shared>>
      %dma_wait3A_351 = arith.constant 0 : i32
      %dma_wait3A_352 = tpu.memref_slice %arg10[%add3A_76, %dma_wait3A_351] : memref<10240x128xf32, #tpu.memory_space<vmem_shared>> -> memref<16x128xf32, #tpu.memory_space<vmem_shared>>
      tpu.wait_dma2 semaphore(%run_scoped3A : memref<!tpu.dma_semaphore, #tpu.memory_space<semaphore_mem>>) src(%arg9 : memref<16x128xf32, #tpu.memory_space<vmem>>) dst(%dma_wait3A_352 : memref<16x128xf32, #tpu.memory_space<vmem_shared>>)
      tpu.yield
    }) : () -> ()
    %mul3A_77 = arith.constant 640 : i32
    %mul3A_78 = arith.muli %arg1, %mul3A_77 : i32
    %add3A_79 = arith.constant 288 : i32
    %add3A_80 = arith.addi %mul3A_78, %add3A_79 : i32
    "tpu.region"() ({
      %run_scoped3A = tpu.sem_alloc : memref<!tpu.dma_semaphore, #tpu.memory_space<semaphore_mem>>
      %dma_start3A = arith.constant 0 : i32
      %dma_start3A_347 = tpu.memref_slice %arg10[%add3A_80, %dma_start3A] : memref<10240x128xf32, #tpu.memory_space<vmem_shared>> -> memref<16x128xf32, #tpu.memory_space<vmem_shared>>
      %dma_start3A_348 = arith.constant 0 : i32
      %dma_start3A_349 = tpu.memref_slice %arg10[%add3A_80, %dma_start3A_348] : memref<10240x128xf32, #tpu.memory_space<vmem_shared>> -> memref<16x128xf32, #tpu.memory_space<vmem_shared>>
      tpu.enqueue_dma source(%arg9 : memref<16x128xf32, #tpu.memory_space<vmem>>) target(%dma_start3A_349 : memref<16x128xf32, #tpu.memory_space<vmem_shared>>) target_semaphore(%run_scoped3A : memref<!tpu.dma_semaphore, #tpu.memory_space<semaphore_mem>>)
      %dma_wait3A = arith.constant 0 : i32
      %dma_wait3A_350 = tpu.memref_slice %arg10[%add3A_80, %dma_wait3A] : memref<10240x128xf32, #tpu.memory_space<vmem_shared>> -> memref<16x128xf32, #tpu.memory_space<vmem_shared>>
      %dma_wait3A_351 = arith.constant 0 : i32
      %dma_wait3A_352 = tpu.memref_slice %arg10[%add3A_80, %dma_wait3A_351] : memref<10240x128xf32, #tpu.memory_space<vmem_shared>> -> memref<16x128xf32, #tpu.memory_space<vmem_shared>>
      tpu.wait_dma2 semaphore(%run_scoped3A : memref<!tpu.dma_semaphore, #tpu.memory_space<semaphore_mem>>) src(%arg9 : memref<16x128xf32, #tpu.memory_space<vmem>>) dst(%dma_wait3A_352 : memref<16x128xf32, #tpu.memory_space<vmem_shared>>)
      tpu.yield
    }) : () -> ()
    %mul3A_81 = arith.constant 640 : i32
    %mul3A_82 = arith.muli %arg1, %mul3A_81 : i32
    %add3A_83 = arith.constant 304 : i32
    %add3A_84 = arith.addi %mul3A_82, %add3A_83 : i32
    "tpu.region"() ({
      %run_scoped3A = tpu.sem_alloc : memref<!tpu.dma_semaphore, #tpu.memory_space<semaphore_mem>>
      %dma_start3A = arith.constant 0 : i32
      %dma_start3A_347 = tpu.memref_slice %arg10[%add3A_84, %dma_start3A] : memref<10240x128xf32, #tpu.memory_space<vmem_shared>> -> memref<16x128xf32, #tpu.memory_space<vmem_shared>>
      %dma_start3A_348 = arith.constant 0 : i32
      %dma_start3A_349 = tpu.memref_slice %arg10[%add3A_84, %dma_start3A_348] : memref<10240x128xf32, #tpu.memory_space<vmem_shared>> -> memref<16x128xf32, #tpu.memory_space<vmem_shared>>
      tpu.enqueue_dma source(%arg9 : memref<16x128xf32, #tpu.memory_space<vmem>>) target(%dma_start3A_349 : memref<16x128xf32, #tpu.memory_space<vmem_shared>>) target_semaphore(%run_scoped3A : memref<!tpu.dma_semaphore, #tpu.memory_space<semaphore_mem>>)
      %dma_wait3A = arith.constant 0 : i32
      %dma_wait3A_350 = tpu.memref_slice %arg10[%add3A_84, %dma_wait3A] : memref<10240x128xf32, #tpu.memory_space<vmem_shared>> -> memref<16x128xf32, #tpu.memory_space<vmem_shared>>
      %dma_wait3A_351 = arith.constant 0 : i32
      %dma_wait3A_352 = tpu.memref_slice %arg10[%add3A_84, %dma_wait3A_351] : memref<10240x128xf32, #tpu.memory_space<vmem_shared>> -> memref<16x128xf32, #tpu.memory_space<vmem_shared>>
      tpu.wait_dma2 semaphore(%run_scoped3A : memref<!tpu.dma_semaphore, #tpu.memory_space<semaphore_mem>>) src(%arg9 : memref<16x128xf32, #tpu.memory_space<vmem>>) dst(%dma_wait3A_352 : memref<16x128xf32, #tpu.memory_space<vmem_shared>>)
      tpu.yield
    }) : () -> ()
    %mul3A_85 = arith.constant 640 : i32
    %mul3A_86 = arith.muli %arg1, %mul3A_85 : i32
    %add3A_87 = arith.constant 320 : i32
    %add3A_88 = arith.addi %mul3A_86, %add3A_87 : i32
    "tpu.region"() ({
      %run_scoped3A = tpu.sem_alloc : memref<!tpu.dma_semaphore, #tpu.memory_space<semaphore_mem>>
      %dma_start3A = arith.constant 0 : i32
      %dma_start3A_347 = tpu.memref_slice %arg10[%add3A_88, %dma_start3A] : memref<10240x128xf32, #tpu.memory_space<vmem_shared>> -> memref<16x128xf32, #tpu.memory_space<vmem_shared>>
      %dma_start3A_348 = arith.constant 0 : i32
      %dma_start3A_349 = tpu.memref_slice %arg10[%add3A_88, %dma_start3A_348] : memref<10240x128xf32, #tpu.memory_space<vmem_shared>> -> memref<16x128xf32, #tpu.memory_space<vmem_shared>>
      tpu.enqueue_dma source(%arg9 : memref<16x128xf32, #tpu.memory_space<vmem>>) target(%dma_start3A_349 : memref<16x128xf32, #tpu.memory_space<vmem_shared>>) target_semaphore(%run_scoped3A : memref<!tpu.dma_semaphore, #tpu.memory_space<semaphore_mem>>)
      %dma_wait3A = arith.constant 0 : i32
      %dma_wait3A_350 = tpu.memref_slice %arg10[%add3A_88, %dma_wait3A] : memref<10240x128xf32, #tpu.memory_space<vmem_shared>> -> memref<16x128xf32, #tpu.memory_space<vmem_shared>>
      %dma_wait3A_351 = arith.constant 0 : i32
      %dma_wait3A_352 = tpu.memref_slice %arg10[%add3A_88, %dma_wait3A_351] : memref<10240x128xf32, #tpu.memory_space<vmem_shared>> -> memref<16x128xf32, #tpu.memory_space<vmem_shared>>
      tpu.wait_dma2 semaphore(%run_scoped3A : memref<!tpu.dma_semaphore, #tpu.memory_space<semaphore_mem>>) src(%arg9 : memref<16x128xf32, #tpu.memory_space<vmem>>) dst(%dma_wait3A_352 : memref<16x128xf32, #tpu.memory_space<vmem_shared>>)
      tpu.yield
    }) : () -> ()
    %mul3A_89 = arith.constant 640 : i32
    %mul3A_90 = arith.muli %arg1, %mul3A_89 : i32
    %add3A_91 = arith.constant 336 : i32
    %add3A_92 = arith.addi %mul3A_90, %add3A_91 : i32
    "tpu.region"() ({
      %run_scoped3A = tpu.sem_alloc : memref<!tpu.dma_semaphore, #tpu.memory_space<semaphore_mem>>
      %dma_start3A = arith.constant 0 : i32
      %dma_start3A_347 = tpu.memref_slice %arg10[%add3A_92, %dma_start3A] : memref<10240x128xf32, #tpu.memory_space<vmem_shared>> -> memref<16x128xf32, #tpu.memory_space<vmem_shared>>
      %dma_start3A_348 = arith.constant 0 : i32
      %dma_start3A_349 = tpu.memref_slice %arg10[%add3A_92, %dma_start3A_348] : memref<10240x128xf32, #tpu.memory_space<vmem_shared>> -> memref<16x128xf32, #tpu.memory_space<vmem_shared>>
      tpu.enqueue_dma source(%arg9 : memref<16x128xf32, #tpu.memory_space<vmem>>) target(%dma_start3A_349 : memref<16x128xf32, #tpu.memory_space<vmem_shared>>) target_semaphore(%run_scoped3A : memref<!tpu.dma_semaphore, #tpu.memory_space<semaphore_mem>>)
      %dma_wait3A = arith.constant 0 : i32
      %dma_wait3A_350 = tpu.memref_slice %arg10[%add3A_92, %dma_wait3A] : memref<10240x128xf32, #tpu.memory_space<vmem_shared>> -> memref<16x128xf32, #tpu.memory_space<vmem_shared>>
      %dma_wait3A_351 = arith.constant 0 : i32
      %dma_wait3A_352 = tpu.memref_slice %arg10[%add3A_92, %dma_wait3A_351] : memref<10240x128xf32, #tpu.memory_space<vmem_shared>> -> memref<16x128xf32, #tpu.memory_space<vmem_shared>>
      tpu.wait_dma2 semaphore(%run_scoped3A : memref<!tpu.dma_semaphore, #tpu.memory_space<semaphore_mem>>) src(%arg9 : memref<16x128xf32, #tpu.memory_space<vmem>>) dst(%dma_wait3A_352 : memref<16x128xf32, #tpu.memory_space<vmem_shared>>)
      tpu.yield
    }) : () -> ()
    %mul3A_93 = arith.constant 640 : i32
    %mul3A_94 = arith.muli %arg1, %mul3A_93 : i32
    %add3A_95 = arith.constant 352 : i32
    %add3A_96 = arith.addi %mul3A_94, %add3A_95 : i32
    "tpu.region"() ({
      %run_scoped3A = tpu.sem_alloc : memref<!tpu.dma_semaphore, #tpu.memory_space<semaphore_mem>>
      %dma_start3A = arith.constant 0 : i32
      %dma_start3A_347 = tpu.memref_slice %arg10[%add3A_96, %dma_start3A] : memref<10240x128xf32, #tpu.memory_space<vmem_shared>> -> memref<16x128xf32, #tpu.memory_space<vmem_shared>>
      %dma_start3A_348 = arith.constant 0 : i32
      %dma_start3A_349 = tpu.memref_slice %arg10[%add3A_96, %dma_start3A_348] : memref<10240x128xf32, #tpu.memory_space<vmem_shared>> -> memref<16x128xf32, #tpu.memory_space<vmem_shared>>
      tpu.enqueue_dma source(%arg9 : memref<16x128xf32, #tpu.memory_space<vmem>>) target(%dma_start3A_349 : memref<16x128xf32, #tpu.memory_space<vmem_shared>>) target_semaphore(%run_scoped3A : memref<!tpu.dma_semaphore, #tpu.memory_space<semaphore_mem>>)
      %dma_wait3A = arith.constant 0 : i32
      %dma_wait3A_350 = tpu.memref_slice %arg10[%add3A_96, %dma_wait3A] : memref<10240x128xf32, #tpu.memory_space<vmem_shared>> -> memref<16x128xf32, #tpu.memory_space<vmem_shared>>
      %dma_wait3A_351 = arith.constant 0 : i32
      %dma_wait3A_352 = tpu.memref_slice %arg10[%add3A_96, %dma_wait3A_351] : memref<10240x128xf32, #tpu.memory_space<vmem_shared>> -> memref<16x128xf32, #tpu.memory_space<vmem_shared>>
      tpu.wait_dma2 semaphore(%run_scoped3A : memref<!tpu.dma_semaphore, #tpu.memory_space<semaphore_mem>>) src(%arg9 : memref<16x128xf32, #tpu.memory_space<vmem>>) dst(%dma_wait3A_352 : memref<16x128xf32, #tpu.memory_space<vmem_shared>>)
      tpu.yield
    }) : () -> ()
    %mul3A_97 = arith.constant 640 : i32
    %mul3A_98 = arith.muli %arg1, %mul3A_97 : i32
    %add3A_99 = arith.constant 368 : i32
    %add3A_100 = arith.addi %mul3A_98, %add3A_99 : i32
    "tpu.region"() ({
      %run_scoped3A = tpu.sem_alloc : memref<!tpu.dma_semaphore, #tpu.memory_space<semaphore_mem>>
      %dma_start3A = arith.constant 0 : i32
      %dma_start3A_347 = tpu.memref_slice %arg10[%add3A_100, %dma_start3A] : memref<10240x128xf32, #tpu.memory_space<vmem_shared>> -> memref<16x128xf32, #tpu.memory_space<vmem_shared>>
      %dma_start3A_348 = arith.constant 0 : i32
      %dma_start3A_349 = tpu.memref_slice %arg10[%add3A_100, %dma_start3A_348] : memref<10240x128xf32, #tpu.memory_space<vmem_shared>> -> memref<16x128xf32, #tpu.memory_space<vmem_shared>>
      tpu.enqueue_dma source(%arg9 : memref<16x128xf32, #tpu.memory_space<vmem>>) target(%dma_start3A_349 : memref<16x128xf32, #tpu.memory_space<vmem_shared>>) target_semaphore(%run_scoped3A : memref<!tpu.dma_semaphore, #tpu.memory_space<semaphore_mem>>)
      %dma_wait3A = arith.constant 0 : i32
      %dma_wait3A_350 = tpu.memref_slice %arg10[%add3A_100, %dma_wait3A] : memref<10240x128xf32, #tpu.memory_space<vmem_shared>> -> memref<16x128xf32, #tpu.memory_space<vmem_shared>>
      %dma_wait3A_351 = arith.constant 0 : i32
      %dma_wait3A_352 = tpu.memref_slice %arg10[%add3A_100, %dma_wait3A_351] : memref<10240x128xf32, #tpu.memory_space<vmem_shared>> -> memref<16x128xf32, #tpu.memory_space<vmem_shared>>
      tpu.wait_dma2 semaphore(%run_scoped3A : memref<!tpu.dma_semaphore, #tpu.memory_space<semaphore_mem>>) src(%arg9 : memref<16x128xf32, #tpu.memory_space<vmem>>) dst(%dma_wait3A_352 : memref<16x128xf32, #tpu.memory_space<vmem_shared>>)
      tpu.yield
    }) : () -> ()
    %mul3A_101 = arith.constant 640 : i32
    %mul3A_102 = arith.muli %arg1, %mul3A_101 : i32
    %add3A_103 = arith.constant 384 : i32
    %add3A_104 = arith.addi %mul3A_102, %add3A_103 : i32
    "tpu.region"() ({
      %run_scoped3A = tpu.sem_alloc : memref<!tpu.dma_semaphore, #tpu.memory_space<semaphore_mem>>
      %dma_start3A = arith.constant 0 : i32
      %dma_start3A_347 = tpu.memref_slice %arg10[%add3A_104, %dma_start3A] : memref<10240x128xf32, #tpu.memory_space<vmem_shared>> -> memref<16x128xf32, #tpu.memory_space<vmem_shared>>
      %dma_start3A_348 = arith.constant 0 : i32
      %dma_start3A_349 = tpu.memref_slice %arg10[%add3A_104, %dma_start3A_348] : memref<10240x128xf32, #tpu.memory_space<vmem_shared>> -> memref<16x128xf32, #tpu.memory_space<vmem_shared>>
      tpu.enqueue_dma source(%arg9 : memref<16x128xf32, #tpu.memory_space<vmem>>) target(%dma_start3A_349 : memref<16x128xf32, #tpu.memory_space<vmem_shared>>) target_semaphore(%run_scoped3A : memref<!tpu.dma_semaphore, #tpu.memory_space<semaphore_mem>>)
      %dma_wait3A = arith.constant 0 : i32
      %dma_wait3A_350 = tpu.memref_slice %arg10[%add3A_104, %dma_wait3A] : memref<10240x128xf32, #tpu.memory_space<vmem_shared>> -> memref<16x128xf32, #tpu.memory_space<vmem_shared>>
      %dma_wait3A_351 = arith.constant 0 : i32
      %dma_wait3A_352 = tpu.memref_slice %arg10[%add3A_104, %dma_wait3A_351] : memref<10240x128xf32, #tpu.memory_space<vmem_shared>> -> memref<16x128xf32, #tpu.memory_space<vmem_shared>>
      tpu.wait_dma2 semaphore(%run_scoped3A : memref<!tpu.dma_semaphore, #tpu.memory_space<semaphore_mem>>) src(%arg9 : memref<16x128xf32, #tpu.memory_space<vmem>>) dst(%dma_wait3A_352 : memref<16x128xf32, #tpu.memory_space<vmem_shared>>)
      tpu.yield
    }) : () -> ()
    %mul3A_105 = arith.constant 640 : i32
    %mul3A_106 = arith.muli %arg1, %mul3A_105 : i32
    %add3A_107 = arith.constant 400 : i32
    %add3A_108 = arith.addi %mul3A_106, %add3A_107 : i32
    "tpu.region"() ({
      %run_scoped3A = tpu.sem_alloc : memref<!tpu.dma_semaphore, #tpu.memory_space<semaphore_mem>>
      %dma_start3A = arith.constant 0 : i32
      %dma_start3A_347 = tpu.memref_slice %arg10[%add3A_108, %dma_start3A] : memref<10240x128xf32, #tpu.memory_space<vmem_shared>> -> memref<16x128xf32, #tpu.memory_space<vmem_shared>>
      %dma_start3A_348 = arith.constant 0 : i32
      %dma_start3A_349 = tpu.memref_slice %arg10[%add3A_108, %dma_start3A_348] : memref<10240x128xf32, #tpu.memory_space<vmem_shared>> -> memref<16x128xf32, #tpu.memory_space<vmem_shared>>
      tpu.enqueue_dma source(%arg9 : memref<16x128xf32, #tpu.memory_space<vmem>>) target(%dma_start3A_349 : memref<16x128xf32, #tpu.memory_space<vmem_shared>>) target_semaphore(%run_scoped3A : memref<!tpu.dma_semaphore, #tpu.memory_space<semaphore_mem>>)
      %dma_wait3A = arith.constant 0 : i32
      %dma_wait3A_350 = tpu.memref_slice %arg10[%add3A_108, %dma_wait3A] : memref<10240x128xf32, #tpu.memory_space<vmem_shared>> -> memref<16x128xf32, #tpu.memory_space<vmem_shared>>
      %dma_wait3A_351 = arith.constant 0 : i32
      %dma_wait3A_352 = tpu.memref_slice %arg10[%add3A_108, %dma_wait3A_351] : memref<10240x128xf32, #tpu.memory_space<vmem_shared>> -> memref<16x128xf32, #tpu.memory_space<vmem_shared>>
      tpu.wait_dma2 semaphore(%run_scoped3A : memref<!tpu.dma_semaphore, #tpu.memory_space<semaphore_mem>>) src(%arg9 : memref<16x128xf32, #tpu.memory_space<vmem>>) dst(%dma_wait3A_352 : memref<16x128xf32, #tpu.memory_space<vmem_shared>>)
      tpu.yield
    }) : () -> ()
    %mul3A_109 = arith.constant 640 : i32
    %mul3A_110 = arith.muli %arg1, %mul3A_109 : i32
    %add3A_111 = arith.constant 416 : i32
    %add3A_112 = arith.addi %mul3A_110, %add3A_111 : i32
    "tpu.region"() ({
      %run_scoped3A = tpu.sem_alloc : memref<!tpu.dma_semaphore, #tpu.memory_space<semaphore_mem>>
      %dma_start3A = arith.constant 0 : i32
      %dma_start3A_347 = tpu.memref_slice %arg10[%add3A_112, %dma_start3A] : memref<10240x128xf32, #tpu.memory_space<vmem_shared>> -> memref<16x128xf32, #tpu.memory_space<vmem_shared>>
      %dma_start3A_348 = arith.constant 0 : i32
      %dma_start3A_349 = tpu.memref_slice %arg10[%add3A_112, %dma_start3A_348] : memref<10240x128xf32, #tpu.memory_space<vmem_shared>> -> memref<16x128xf32, #tpu.memory_space<vmem_shared>>
      tpu.enqueue_dma source(%arg9 : memref<16x128xf32, #tpu.memory_space<vmem>>) target(%dma_start3A_349 : memref<16x128xf32, #tpu.memory_space<vmem_shared>>) target_semaphore(%run_scoped3A : memref<!tpu.dma_semaphore, #tpu.memory_space<semaphore_mem>>)
      %dma_wait3A = arith.constant 0 : i32
      %dma_wait3A_350 = tpu.memref_slice %arg10[%add3A_112, %dma_wait3A] : memref<10240x128xf32, #tpu.memory_space<vmem_shared>> -> memref<16x128xf32, #tpu.memory_space<vmem_shared>>
      %dma_wait3A_351 = arith.constant 0 : i32
      %dma_wait3A_352 = tpu.memref_slice %arg10[%add3A_112, %dma_wait3A_351] : memref<10240x128xf32, #tpu.memory_space<vmem_shared>> -> memref<16x128xf32, #tpu.memory_space<vmem_shared>>
      tpu.wait_dma2 semaphore(%run_scoped3A : memref<!tpu.dma_semaphore, #tpu.memory_space<semaphore_mem>>) src(%arg9 : memref<16x128xf32, #tpu.memory_space<vmem>>) dst(%dma_wait3A_352 : memref<16x128xf32, #tpu.memory_space<vmem_shared>>)
      tpu.yield
    }) : () -> ()
    %mul3A_113 = arith.constant 640 : i32
    %mul3A_114 = arith.muli %arg1, %mul3A_113 : i32
    %add3A_115 = arith.constant 432 : i32
    %add3A_116 = arith.addi %mul3A_114, %add3A_115 : i32
    "tpu.region"() ({
      %run_scoped3A = tpu.sem_alloc : memref<!tpu.dma_semaphore, #tpu.memory_space<semaphore_mem>>
      %dma_start3A = arith.constant 0 : i32
      %dma_start3A_347 = tpu.memref_slice %arg10[%add3A_116, %dma_start3A] : memref<10240x128xf32, #tpu.memory_space<vmem_shared>> -> memref<16x128xf32, #tpu.memory_space<vmem_shared>>
      %dma_start3A_348 = arith.constant 0 : i32
      %dma_start3A_349 = tpu.memref_slice %arg10[%add3A_116, %dma_start3A_348] : memref<10240x128xf32, #tpu.memory_space<vmem_shared>> -> memref<16x128xf32, #tpu.memory_space<vmem_shared>>
      tpu.enqueue_dma source(%arg9 : memref<16x128xf32, #tpu.memory_space<vmem>>) target(%dma_start3A_349 : memref<16x128xf32, #tpu.memory_space<vmem_shared>>) target_semaphore(%run_scoped3A : memref<!tpu.dma_semaphore, #tpu.memory_space<semaphore_mem>>)
      %dma_wait3A = arith.constant 0 : i32
      %dma_wait3A_350 = tpu.memref_slice %arg10[%add3A_116, %dma_wait3A] : memref<10240x128xf32, #tpu.memory_space<vmem_shared>> -> memref<16x128xf32, #tpu.memory_space<vmem_shared>>
      %dma_wait3A_351 = arith.constant 0 : i32
      %dma_wait3A_352 = tpu.memref_slice %arg10[%add3A_116, %dma_wait3A_351] : memref<10240x128xf32, #tpu.memory_space<vmem_shared>> -> memref<16x128xf32, #tpu.memory_space<vmem_shared>>
      tpu.wait_dma2 semaphore(%run_scoped3A : memref<!tpu.dma_semaphore, #tpu.memory_space<semaphore_mem>>) src(%arg9 : memref<16x128xf32, #tpu.memory_space<vmem>>) dst(%dma_wait3A_352 : memref<16x128xf32, #tpu.memory_space<vmem_shared>>)
      tpu.yield
    }) : () -> ()
    %mul3A_117 = arith.constant 640 : i32
    %mul3A_118 = arith.muli %arg1, %mul3A_117 : i32
    %add3A_119 = arith.constant 448 : i32
    %add3A_120 = arith.addi %mul3A_118, %add3A_119 : i32
    "tpu.region"() ({
      %run_scoped3A = tpu.sem_alloc : memref<!tpu.dma_semaphore, #tpu.memory_space<semaphore_mem>>
      %dma_start3A = arith.constant 0 : i32
      %dma_start3A_347 = tpu.memref_slice %arg10[%add3A_120, %dma_start3A] : memref<10240x128xf32, #tpu.memory_space<vmem_shared>> -> memref<16x128xf32, #tpu.memory_space<vmem_shared>>
      %dma_start3A_348 = arith.constant 0 : i32
      %dma_start3A_349 = tpu.memref_slice %arg10[%add3A_120, %dma_start3A_348] : memref<10240x128xf32, #tpu.memory_space<vmem_shared>> -> memref<16x128xf32, #tpu.memory_space<vmem_shared>>
      tpu.enqueue_dma source(%arg9 : memref<16x128xf32, #tpu.memory_space<vmem>>) target(%dma_start3A_349 : memref<16x128xf32, #tpu.memory_space<vmem_shared>>) target_semaphore(%run_scoped3A : memref<!tpu.dma_semaphore, #tpu.memory_space<semaphore_mem>>)
      %dma_wait3A = arith.constant 0 : i32
      %dma_wait3A_350 = tpu.memref_slice %arg10[%add3A_120, %dma_wait3A] : memref<10240x128xf32, #tpu.memory_space<vmem_shared>> -> memref<16x128xf32, #tpu.memory_space<vmem_shared>>
      %dma_wait3A_351 = arith.constant 0 : i32
      %dma_wait3A_352 = tpu.memref_slice %arg10[%add3A_120, %dma_wait3A_351] : memref<10240x128xf32, #tpu.memory_space<vmem_shared>> -> memref<16x128xf32, #tpu.memory_space<vmem_shared>>
      tpu.wait_dma2 semaphore(%run_scoped3A : memref<!tpu.dma_semaphore, #tpu.memory_space<semaphore_mem>>) src(%arg9 : memref<16x128xf32, #tpu.memory_space<vmem>>) dst(%dma_wait3A_352 : memref<16x128xf32, #tpu.memory_space<vmem_shared>>)
      tpu.yield
    }) : () -> ()
    %mul3A_121 = arith.constant 640 : i32
    %mul3A_122 = arith.muli %arg1, %mul3A_121 : i32
    %add3A_123 = arith.constant 464 : i32
    %add3A_124 = arith.addi %mul3A_122, %add3A_123 : i32
    "tpu.region"() ({
      %run_scoped3A = tpu.sem_alloc : memref<!tpu.dma_semaphore, #tpu.memory_space<semaphore_mem>>
      %dma_start3A = arith.constant 0 : i32
      %dma_start3A_347 = tpu.memref_slice %arg10[%add3A_124, %dma_start3A] : memref<10240x128xf32, #tpu.memory_space<vmem_shared>> -> memref<16x128xf32, #tpu.memory_space<vmem_shared>>
      %dma_start3A_348 = arith.constant 0 : i32
      %dma_start3A_349 = tpu.memref_slice %arg10[%add3A_124, %dma_start3A_348] : memref<10240x128xf32, #tpu.memory_space<vmem_shared>> -> memref<16x128xf32, #tpu.memory_space<vmem_shared>>
      tpu.enqueue_dma source(%arg9 : memref<16x128xf32, #tpu.memory_space<vmem>>) target(%dma_start3A_349 : memref<16x128xf32, #tpu.memory_space<vmem_shared>>) target_semaphore(%run_scoped3A : memref<!tpu.dma_semaphore, #tpu.memory_space<semaphore_mem>>)
      %dma_wait3A = arith.constant 0 : i32
      %dma_wait3A_350 = tpu.memref_slice %arg10[%add3A_124, %dma_wait3A] : memref<10240x128xf32, #tpu.memory_space<vmem_shared>> -> memref<16x128xf32, #tpu.memory_space<vmem_shared>>
      %dma_wait3A_351 = arith.constant 0 : i32
      %dma_wait3A_352 = tpu.memref_slice %arg10[%add3A_124, %dma_wait3A_351] : memref<10240x128xf32, #tpu.memory_space<vmem_shared>> -> memref<16x128xf32, #tpu.memory_space<vmem_shared>>
      tpu.wait_dma2 semaphore(%run_scoped3A : memref<!tpu.dma_semaphore, #tpu.memory_space<semaphore_mem>>) src(%arg9 : memref<16x128xf32, #tpu.memory_space<vmem>>) dst(%dma_wait3A_352 : memref<16x128xf32, #tpu.memory_space<vmem_shared>>)
      tpu.yield
    }) : () -> ()
    %mul3A_125 = arith.constant 640 : i32
    %mul3A_126 = arith.muli %arg1, %mul3A_125 : i32
    %add3A_127 = arith.constant 480 : i32
    %add3A_128 = arith.addi %mul3A_126, %add3A_127 : i32
    "tpu.region"() ({
      %run_scoped3A = tpu.sem_alloc : memref<!tpu.dma_semaphore, #tpu.memory_space<semaphore_mem>>
      %dma_start3A = arith.constant 0 : i32
      %dma_start3A_347 = tpu.memref_slice %arg10[%add3A_128, %dma_start3A] : memref<10240x128xf32, #tpu.memory_space<vmem_shared>> -> memref<16x128xf32, #tpu.memory_space<vmem_shared>>
      %dma_start3A_348 = arith.constant 0 : i32
      %dma_start3A_349 = tpu.memref_slice %arg10[%add3A_128, %dma_start3A_348] : memref<10240x128xf32, #tpu.memory_space<vmem_shared>> -> memref<16x128xf32, #tpu.memory_space<vmem_shared>>
      tpu.enqueue_dma source(%arg9 : memref<16x128xf32, #tpu.memory_space<vmem>>) target(%dma_start3A_349 : memref<16x128xf32, #tpu.memory_space<vmem_shared>>) target_semaphore(%run_scoped3A : memref<!tpu.dma_semaphore, #tpu.memory_space<semaphore_mem>>)
      %dma_wait3A = arith.constant 0 : i32
      %dma_wait3A_350 = tpu.memref_slice %arg10[%add3A_128, %dma_wait3A] : memref<10240x128xf32, #tpu.memory_space<vmem_shared>> -> memref<16x128xf32, #tpu.memory_space<vmem_shared>>
      %dma_wait3A_351 = arith.constant 0 : i32
      %dma_wait3A_352 = tpu.memref_slice %arg10[%add3A_128, %dma_wait3A_351] : memref<10240x128xf32, #tpu.memory_space<vmem_shared>> -> memref<16x128xf32, #tpu.memory_space<vmem_shared>>
      tpu.wait_dma2 semaphore(%run_scoped3A : memref<!tpu.dma_semaphore, #tpu.memory_space<semaphore_mem>>) src(%arg9 : memref<16x128xf32, #tpu.memory_space<vmem>>) dst(%dma_wait3A_352 : memref<16x128xf32, #tpu.memory_space<vmem_shared>>)
      tpu.yield
    }) : () -> ()
    %mul3A_129 = arith.constant 640 : i32
    %mul3A_130 = arith.muli %arg1, %mul3A_129 : i32
    %add3A_131 = arith.constant 496 : i32
    %add3A_132 = arith.addi %mul3A_130, %add3A_131 : i32
    "tpu.region"() ({
      %run_scoped3A = tpu.sem_alloc : memref<!tpu.dma_semaphore, #tpu.memory_space<semaphore_mem>>
      %dma_start3A = arith.constant 0 : i32
      %dma_start3A_347 = tpu.memref_slice %arg10[%add3A_132, %dma_start3A] : memref<10240x128xf32, #tpu.memory_space<vmem_shared>> -> memref<16x128xf32, #tpu.memory_space<vmem_shared>>
      %dma_start3A_348 = arith.constant 0 : i32
      %dma_start3A_349 = tpu.memref_slice %arg10[%add3A_132, %dma_start3A_348] : memref<10240x128xf32, #tpu.memory_space<vmem_shared>> -> memref<16x128xf32, #tpu.memory_space<vmem_shared>>
      tpu.enqueue_dma source(%arg9 : memref<16x128xf32, #tpu.memory_space<vmem>>) target(%dma_start3A_349 : memref<16x128xf32, #tpu.memory_space<vmem_shared>>) target_semaphore(%run_scoped3A : memref<!tpu.dma_semaphore, #tpu.memory_space<semaphore_mem>>)
      %dma_wait3A = arith.constant 0 : i32
      %dma_wait3A_350 = tpu.memref_slice %arg10[%add3A_132, %dma_wait3A] : memref<10240x128xf32, #tpu.memory_space<vmem_shared>> -> memref<16x128xf32, #tpu.memory_space<vmem_shared>>
      %dma_wait3A_351 = arith.constant 0 : i32
      %dma_wait3A_352 = tpu.memref_slice %arg10[%add3A_132, %dma_wait3A_351] : memref<10240x128xf32, #tpu.memory_space<vmem_shared>> -> memref<16x128xf32, #tpu.memory_space<vmem_shared>>
      tpu.wait_dma2 semaphore(%run_scoped3A : memref<!tpu.dma_semaphore, #tpu.memory_space<semaphore_mem>>) src(%arg9 : memref<16x128xf32, #tpu.memory_space<vmem>>) dst(%dma_wait3A_352 : memref<16x128xf32, #tpu.memory_space<vmem_shared>>)
      tpu.yield
    }) : () -> ()
    %mul3A_133 = arith.constant 640 : i32
    %mul3A_134 = arith.muli %arg1, %mul3A_133 : i32
    %add3A_135 = arith.constant 512 : i32
    %add3A_136 = arith.addi %mul3A_134, %add3A_135 : i32
    "tpu.region"() ({
      %run_scoped3A = tpu.sem_alloc : memref<!tpu.dma_semaphore, #tpu.memory_space<semaphore_mem>>
      %dma_start3A = arith.constant 0 : i32
      %dma_start3A_347 = tpu.memref_slice %arg10[%add3A_136, %dma_start3A] : memref<10240x128xf32, #tpu.memory_space<vmem_shared>> -> memref<16x128xf32, #tpu.memory_space<vmem_shared>>
      %dma_start3A_348 = arith.constant 0 : i32
      %dma_start3A_349 = tpu.memref_slice %arg10[%add3A_136, %dma_start3A_348] : memref<10240x128xf32, #tpu.memory_space<vmem_shared>> -> memref<16x128xf32, #tpu.memory_space<vmem_shared>>
      tpu.enqueue_dma source(%arg9 : memref<16x128xf32, #tpu.memory_space<vmem>>) target(%dma_start3A_349 : memref<16x128xf32, #tpu.memory_space<vmem_shared>>) target_semaphore(%run_scoped3A : memref<!tpu.dma_semaphore, #tpu.memory_space<semaphore_mem>>)
      %dma_wait3A = arith.constant 0 : i32
      %dma_wait3A_350 = tpu.memref_slice %arg10[%add3A_136, %dma_wait3A] : memref<10240x128xf32, #tpu.memory_space<vmem_shared>> -> memref<16x128xf32, #tpu.memory_space<vmem_shared>>
      %dma_wait3A_351 = arith.constant 0 : i32
      %dma_wait3A_352 = tpu.memref_slice %arg10[%add3A_136, %dma_wait3A_351] : memref<10240x128xf32, #tpu.memory_space<vmem_shared>> -> memref<16x128xf32, #tpu.memory_space<vmem_shared>>
      tpu.wait_dma2 semaphore(%run_scoped3A : memref<!tpu.dma_semaphore, #tpu.memory_space<semaphore_mem>>) src(%arg9 : memref<16x128xf32, #tpu.memory_space<vmem>>) dst(%dma_wait3A_352 : memref<16x128xf32, #tpu.memory_space<vmem_shared>>)
      tpu.yield
    }) : () -> ()
    %mul3A_137 = arith.constant 640 : i32
    %mul3A_138 = arith.muli %arg1, %mul3A_137 : i32
    %add3A_139 = arith.constant 528 : i32
    %add3A_140 = arith.addi %mul3A_138, %add3A_139 : i32
    "tpu.region"() ({
      %run_scoped3A = tpu.sem_alloc : memref<!tpu.dma_semaphore, #tpu.memory_space<semaphore_mem>>
      %dma_start3A = arith.constant 0 : i32
      %dma_start3A_347 = tpu.memref_slice %arg10[%add3A_140, %dma_start3A] : memref<10240x128xf32, #tpu.memory_space<vmem_shared>> -> memref<16x128xf32, #tpu.memory_space<vmem_shared>>
      %dma_start3A_348 = arith.constant 0 : i32
      %dma_start3A_349 = tpu.memref_slice %arg10[%add3A_140, %dma_start3A_348] : memref<10240x128xf32, #tpu.memory_space<vmem_shared>> -> memref<16x128xf32, #tpu.memory_space<vmem_shared>>
      tpu.enqueue_dma source(%arg9 : memref<16x128xf32, #tpu.memory_space<vmem>>) target(%dma_start3A_349 : memref<16x128xf32, #tpu.memory_space<vmem_shared>>) target_semaphore(%run_scoped3A : memref<!tpu.dma_semaphore, #tpu.memory_space<semaphore_mem>>)
      %dma_wait3A = arith.constant 0 : i32
      %dma_wait3A_350 = tpu.memref_slice %arg10[%add3A_140, %dma_wait3A] : memref<10240x128xf32, #tpu.memory_space<vmem_shared>> -> memref<16x128xf32, #tpu.memory_space<vmem_shared>>
      %dma_wait3A_351 = arith.constant 0 : i32
      %dma_wait3A_352 = tpu.memref_slice %arg10[%add3A_140, %dma_wait3A_351] : memref<10240x128xf32, #tpu.memory_space<vmem_shared>> -> memref<16x128xf32, #tpu.memory_space<vmem_shared>>
      tpu.wait_dma2 semaphore(%run_scoped3A : memref<!tpu.dma_semaphore, #tpu.memory_space<semaphore_mem>>) src(%arg9 : memref<16x128xf32, #tpu.memory_space<vmem>>) dst(%dma_wait3A_352 : memref<16x128xf32, #tpu.memory_space<vmem_shared>>)
      tpu.yield
    }) : () -> ()
    %mul3A_141 = arith.constant 640 : i32
    %mul3A_142 = arith.muli %arg1, %mul3A_141 : i32
    %add3A_143 = arith.constant 544 : i32
    %add3A_144 = arith.addi %mul3A_142, %add3A_143 : i32
    "tpu.region"() ({
      %run_scoped3A = tpu.sem_alloc : memref<!tpu.dma_semaphore, #tpu.memory_space<semaphore_mem>>
      %dma_start3A = arith.constant 0 : i32
      %dma_start3A_347 = tpu.memref_slice %arg10[%add3A_144, %dma_start3A] : memref<10240x128xf32, #tpu.memory_space<vmem_shared>> -> memref<16x128xf32, #tpu.memory_space<vmem_shared>>
      %dma_start3A_348 = arith.constant 0 : i32
      %dma_start3A_349 = tpu.memref_slice %arg10[%add3A_144, %dma_start3A_348] : memref<10240x128xf32, #tpu.memory_space<vmem_shared>> -> memref<16x128xf32, #tpu.memory_space<vmem_shared>>
      tpu.enqueue_dma source(%arg9 : memref<16x128xf32, #tpu.memory_space<vmem>>) target(%dma_start3A_349 : memref<16x128xf32, #tpu.memory_space<vmem_shared>>) target_semaphore(%run_scoped3A : memref<!tpu.dma_semaphore, #tpu.memory_space<semaphore_mem>>)
      %dma_wait3A = arith.constant 0 : i32
      %dma_wait3A_350 = tpu.memref_slice %arg10[%add3A_144, %dma_wait3A] : memref<10240x128xf32, #tpu.memory_space<vmem_shared>> -> memref<16x128xf32, #tpu.memory_space<vmem_shared>>
      %dma_wait3A_351 = arith.constant 0 : i32
      %dma_wait3A_352 = tpu.memref_slice %arg10[%add3A_144, %dma_wait3A_351] : memref<10240x128xf32, #tpu.memory_space<vmem_shared>> -> memref<16x128xf32, #tpu.memory_space<vmem_shared>>
      tpu.wait_dma2 semaphore(%run_scoped3A : memref<!tpu.dma_semaphore, #tpu.memory_space<semaphore_mem>>) src(%arg9 : memref<16x128xf32, #tpu.memory_space<vmem>>) dst(%dma_wait3A_352 : memref<16x128xf32, #tpu.memory_space<vmem_shared>>)
      tpu.yield
    }) : () -> ()
    %mul3A_145 = arith.constant 640 : i32
    %mul3A_146 = arith.muli %arg1, %mul3A_145 : i32
    %add3A_147 = arith.constant 560 : i32
    %add3A_148 = arith.addi %mul3A_146, %add3A_147 : i32
    "tpu.region"() ({
      %run_scoped3A = tpu.sem_alloc : memref<!tpu.dma_semaphore, #tpu.memory_space<semaphore_mem>>
      %dma_start3A = arith.constant 0 : i32
      %dma_start3A_347 = tpu.memref_slice %arg10[%add3A_148, %dma_start3A] : memref<10240x128xf32, #tpu.memory_space<vmem_shared>> -> memref<16x128xf32, #tpu.memory_space<vmem_shared>>
      %dma_start3A_348 = arith.constant 0 : i32
      %dma_start3A_349 = tpu.memref_slice %arg10[%add3A_148, %dma_start3A_348] : memref<10240x128xf32, #tpu.memory_space<vmem_shared>> -> memref<16x128xf32, #tpu.memory_space<vmem_shared>>
      tpu.enqueue_dma source(%arg9 : memref<16x128xf32, #tpu.memory_space<vmem>>) target(%dma_start3A_349 : memref<16x128xf32, #tpu.memory_space<vmem_shared>>) target_semaphore(%run_scoped3A : memref<!tpu.dma_semaphore, #tpu.memory_space<semaphore_mem>>)
      %dma_wait3A = arith.constant 0 : i32
      %dma_wait3A_350 = tpu.memref_slice %arg10[%add3A_148, %dma_wait3A] : memref<10240x128xf32, #tpu.memory_space<vmem_shared>> -> memref<16x128xf32, #tpu.memory_space<vmem_shared>>
      %dma_wait3A_351 = arith.constant 0 : i32
      %dma_wait3A_352 = tpu.memref_slice %arg10[%add3A_148, %dma_wait3A_351] : memref<10240x128xf32, #tpu.memory_space<vmem_shared>> -> memref<16x128xf32, #tpu.memory_space<vmem_shared>>
      tpu.wait_dma2 semaphore(%run_scoped3A : memref<!tpu.dma_semaphore, #tpu.memory_space<semaphore_mem>>) src(%arg9 : memref<16x128xf32, #tpu.memory_space<vmem>>) dst(%dma_wait3A_352 : memref<16x128xf32, #tpu.memory_space<vmem_shared>>)
      tpu.yield
    }) : () -> ()
    %mul3A_149 = arith.constant 640 : i32
    %mul3A_150 = arith.muli %arg1, %mul3A_149 : i32
    %add3A_151 = arith.constant 576 : i32
    %add3A_152 = arith.addi %mul3A_150, %add3A_151 : i32
    "tpu.region"() ({
      %run_scoped3A = tpu.sem_alloc : memref<!tpu.dma_semaphore, #tpu.memory_space<semaphore_mem>>
      %dma_start3A = arith.constant 0 : i32
      %dma_start3A_347 = tpu.memref_slice %arg10[%add3A_152, %dma_start3A] : memref<10240x128xf32, #tpu.memory_space<vmem_shared>> -> memref<16x128xf32, #tpu.memory_space<vmem_shared>>
      %dma_start3A_348 = arith.constant 0 : i32
      %dma_start3A_349 = tpu.memref_slice %arg10[%add3A_152, %dma_start3A_348] : memref<10240x128xf32, #tpu.memory_space<vmem_shared>> -> memref<16x128xf32, #tpu.memory_space<vmem_shared>>
      tpu.enqueue_dma source(%arg9 : memref<16x128xf32, #tpu.memory_space<vmem>>) target(%dma_start3A_349 : memref<16x128xf32, #tpu.memory_space<vmem_shared>>) target_semaphore(%run_scoped3A : memref<!tpu.dma_semaphore, #tpu.memory_space<semaphore_mem>>)
      %dma_wait3A = arith.constant 0 : i32
      %dma_wait3A_350 = tpu.memref_slice %arg10[%add3A_152, %dma_wait3A] : memref<10240x128xf32, #tpu.memory_space<vmem_shared>> -> memref<16x128xf32, #tpu.memory_space<vmem_shared>>
      %dma_wait3A_351 = arith.constant 0 : i32
      %dma_wait3A_352 = tpu.memref_slice %arg10[%add3A_152, %dma_wait3A_351] : memref<10240x128xf32, #tpu.memory_space<vmem_shared>> -> memref<16x128xf32, #tpu.memory_space<vmem_shared>>
      tpu.wait_dma2 semaphore(%run_scoped3A : memref<!tpu.dma_semaphore, #tpu.memory_space<semaphore_mem>>) src(%arg9 : memref<16x128xf32, #tpu.memory_space<vmem>>) dst(%dma_wait3A_352 : memref<16x128xf32, #tpu.memory_space<vmem_shared>>)
      tpu.yield
    }) : () -> ()
    %mul3A_153 = arith.constant 640 : i32
    %mul3A_154 = arith.muli %arg1, %mul3A_153 : i32
    %add3A_155 = arith.constant 592 : i32
    %add3A_156 = arith.addi %mul3A_154, %add3A_155 : i32
    "tpu.region"() ({
      %run_scoped3A = tpu.sem_alloc : memref<!tpu.dma_semaphore, #tpu.memory_space<semaphore_mem>>
      %dma_start3A = arith.constant 0 : i32
      %dma_start3A_347 = tpu.memref_slice %arg10[%add3A_156, %dma_start3A] : memref<10240x128xf32, #tpu.memory_space<vmem_shared>> -> memref<16x128xf32, #tpu.memory_space<vmem_shared>>
      %dma_start3A_348 = arith.constant 0 : i32
      %dma_start3A_349 = tpu.memref_slice %arg10[%add3A_156, %dma_start3A_348] : memref<10240x128xf32, #tpu.memory_space<vmem_shared>> -> memref<16x128xf32, #tpu.memory_space<vmem_shared>>
      tpu.enqueue_dma source(%arg9 : memref<16x128xf32, #tpu.memory_space<vmem>>) target(%dma_start3A_349 : memref<16x128xf32, #tpu.memory_space<vmem_shared>>) target_semaphore(%run_scoped3A : memref<!tpu.dma_semaphore, #tpu.memory_space<semaphore_mem>>)
      %dma_wait3A = arith.constant 0 : i32
      %dma_wait3A_350 = tpu.memref_slice %arg10[%add3A_156, %dma_wait3A] : memref<10240x128xf32, #tpu.memory_space<vmem_shared>> -> memref<16x128xf32, #tpu.memory_space<vmem_shared>>
      %dma_wait3A_351 = arith.constant 0 : i32
      %dma_wait3A_352 = tpu.memref_slice %arg10[%add3A_156, %dma_wait3A_351] : memref<10240x128xf32, #tpu.memory_space<vmem_shared>> -> memref<16x128xf32, #tpu.memory_space<vmem_shared>>
      tpu.wait_dma2 semaphore(%run_scoped3A : memref<!tpu.dma_semaphore, #tpu.memory_space<semaphore_mem>>) src(%arg9 : memref<16x128xf32, #tpu.memory_space<vmem>>) dst(%dma_wait3A_352 : memref<16x128xf32, #tpu.memory_space<vmem_shared>>)
      tpu.yield
    }) : () -> ()
    %mul3A_157 = arith.constant 640 : i32
    %mul3A_158 = arith.muli %arg1, %mul3A_157 : i32
    %add3A_159 = arith.constant 608 : i32
    %add3A_160 = arith.addi %mul3A_158, %add3A_159 : i32
    "tpu.region"() ({
      %run_scoped3A = tpu.sem_alloc : memref<!tpu.dma_semaphore, #tpu.memory_space<semaphore_mem>>
      %dma_start3A = arith.constant 0 : i32
      %dma_start3A_347 = tpu.memref_slice %arg10[%add3A_160, %dma_start3A] : memref<10240x128xf32, #tpu.memory_space<vmem_shared>> -> memref<16x128xf32, #tpu.memory_space<vmem_shared>>
      %dma_start3A_348 = arith.constant 0 : i32
      %dma_start3A_349 = tpu.memref_slice %arg10[%add3A_160, %dma_start3A_348] : memref<10240x128xf32, #tpu.memory_space<vmem_shared>> -> memref<16x128xf32, #tpu.memory_space<vmem_shared>>
      tpu.enqueue_dma source(%arg9 : memref<16x128xf32, #tpu.memory_space<vmem>>) target(%dma_start3A_349 : memref<16x128xf32, #tpu.memory_space<vmem_shared>>) target_semaphore(%run_scoped3A : memref<!tpu.dma_semaphore, #tpu.memory_space<semaphore_mem>>)
      %dma_wait3A = arith.constant 0 : i32
      %dma_wait3A_350 = tpu.memref_slice %arg10[%add3A_160, %dma_wait3A] : memref<10240x128xf32, #tpu.memory_space<vmem_shared>> -> memref<16x128xf32, #tpu.memory_space<vmem_shared>>
      %dma_wait3A_351 = arith.constant 0 : i32
      %dma_wait3A_352 = tpu.memref_slice %arg10[%add3A_160, %dma_wait3A_351] : memref<10240x128xf32, #tpu.memory_space<vmem_shared>> -> memref<16x128xf32, #tpu.memory_space<vmem_shared>>
      tpu.wait_dma2 semaphore(%run_scoped3A : memref<!tpu.dma_semaphore, #tpu.memory_space<semaphore_mem>>) src(%arg9 : memref<16x128xf32, #tpu.memory_space<vmem>>) dst(%dma_wait3A_352 : memref<16x128xf32, #tpu.memory_space<vmem_shared>>)
      tpu.yield
    }) : () -> ()
    %mul3A_161 = arith.constant 640 : i32
    %mul3A_162 = arith.muli %arg1, %mul3A_161 : i32
    %add3A_163 = arith.constant 624 : i32
    %add3A_164 = arith.addi %mul3A_162, %add3A_163 : i32
    "tpu.region"() ({
      %run_scoped3A = tpu.sem_alloc : memref<!tpu.dma_semaphore, #tpu.memory_space<semaphore_mem>>
      %dma_start3A = arith.constant 0 : i32
      %dma_start3A_347 = tpu.memref_slice %arg10[%add3A_164, %dma_start3A] : memref<10240x128xf32, #tpu.memory_space<vmem_shared>> -> memref<16x128xf32, #tpu.memory_space<vmem_shared>>
      %dma_start3A_348 = arith.constant 0 : i32
      %dma_start3A_349 = tpu.memref_slice %arg10[%add3A_164, %dma_start3A_348] : memref<10240x128xf32, #tpu.memory_space<vmem_shared>> -> memref<16x128xf32, #tpu.memory_space<vmem_shared>>
      tpu.enqueue_dma source(%arg9 : memref<16x128xf32, #tpu.memory_space<vmem>>) target(%dma_start3A_349 : memref<16x128xf32, #tpu.memory_space<vmem_shared>>) target_semaphore(%run_scoped3A : memref<!tpu.dma_semaphore, #tpu.memory_space<semaphore_mem>>)
      %dma_wait3A = arith.constant 0 : i32
      %dma_wait3A_350 = tpu.memref_slice %arg10[%add3A_164, %dma_wait3A] : memref<10240x128xf32, #tpu.memory_space<vmem_shared>> -> memref<16x128xf32, #tpu.memory_space<vmem_shared>>
      %dma_wait3A_351 = arith.constant 0 : i32
      %dma_wait3A_352 = tpu.memref_slice %arg10[%add3A_164, %dma_wait3A_351] : memref<10240x128xf32, #tpu.memory_space<vmem_shared>> -> memref<16x128xf32, #tpu.memory_space<vmem_shared>>
      tpu.wait_dma2 semaphore(%run_scoped3A : memref<!tpu.dma_semaphore, #tpu.memory_space<semaphore_mem>>) src(%arg9 : memref<16x128xf32, #tpu.memory_space<vmem>>) dst(%dma_wait3A_352 : memref<16x128xf32, #tpu.memory_space<vmem_shared>>)
      tpu.yield
    }) : () -> ()
    %barrier3A = arith.constant 0 : index
    tpu.barrier barrier_id(%barrier3A)
    %scan3A_165 = arith.constant 0 : i32
    %scan3A_166 = arith.constant 0 : i32
    %scan3A_167 = arith.constant 79 : i32
    %scan3A_168 = arith.addi %scan3A_166, %scan3A_167 : i32
    %scan3A_169 = arith.constant 1 : i32
    scf.for %scan3A_347 = %scan3A_166 to %scan3A_168 step %scan3A_169  : i32 {
      "tpu.region"() ({
        %run_scoped3A = tpu.sem_alloc : memref<!tpu.dma_semaphore, #tpu.memory_space<semaphore_mem>>
        %dma_start3A = arith.constant 0 : i32
        %dma_start3A_348 = tpu.memref_slice %arg6[%scan3A_347, %dma_start3A] : memref<79x128xi32, #tpu.memory_space<vmem>> -> memref<1x128xi32, #tpu.memory_space<vmem>>
        %dma_start3A_349 = tpu.memref_squeeze %dma_start3A_348 : memref<1x128xi32, #tpu.memory_space<vmem>> -> memref<128xi32, #tpu.memory_space<vmem>>
        %dma_start3A_350 = arith.constant 0 : i32
        %dma_start3A_351 = arith.constant 0 : i32
        %dma_start3A_352 = tpu.memref_slice %arg2[%add3A_5, %dma_start3A_350, %dma_start3A_351] : memref<4x10240x128xf32, #tpu.memory_space<hbm>> -> memref<1x10240x128xf32, #tpu.memory_space<hbm>>
        %dma_start3A_353 = tpu.memref_squeeze %dma_start3A_352 : memref<1x10240x128xf32, #tpu.memory_space<hbm>> -> memref<10240x128xf32, #tpu.memory_space<hbm>>
        %dma_start3A_354 = arith.constant 0 : i32
        %dma_start3A_355 = arith.constant 0 : i32
        %dma_start3A_356 = tpu.memref_slice %dma_start3A_353[%dma_start3A_354, %dma_start3A_355] : memref<10240x128xf32, #tpu.memory_space<hbm>> -> memref<10240x128xf32, #tpu.memory_space<hbm>>
        tpu.enqueue_indirect_dma source(%dma_start3A_356 : memref<10240x128xf32, #tpu.memory_space<hbm>>) target(%arg8 : memref<128x128xf32, #tpu.memory_space<vmem>>) offsets(%dma_start3A_349 : memref<128xi32, #tpu.memory_space<vmem>>) semaphore(%run_scoped3A : memref<!tpu.dma_semaphore, #tpu.memory_space<semaphore_mem>>)
        %dma_wait3A = arith.constant 0 : i32
        %dma_wait3A_357 = tpu.memref_slice %arg6[%scan3A_347, %dma_wait3A] : memref<79x128xi32, #tpu.memory_space<vmem>> -> memref<1x128xi32, #tpu.memory_space<vmem>>
        %dma_wait3A_358 = tpu.memref_squeeze %dma_wait3A_357 : memref<1x128xi32, #tpu.memory_space<vmem>> -> memref<128xi32, #tpu.memory_space<vmem>>
        %dma_wait3A_359 = arith.constant 0 : i32
        %dma_wait3A_360 = arith.constant 0 : i32
        %dma_wait3A_361 = tpu.memref_slice %arg2[%add3A_5, %dma_wait3A_359, %dma_wait3A_360] : memref<4x10240x128xf32, #tpu.memory_space<hbm>> -> memref<1x10240x128xf32, #tpu.memory_space<hbm>>
        %dma_wait3A_362 = tpu.memref_squeeze %dma_wait3A_361 : memref<1x10240x128xf32, #tpu.memory_space<hbm>> -> memref<10240x128xf32, #tpu.memory_space<hbm>>
        %dma_wait3A_363 = arith.constant 0 : i32
        %dma_wait3A_364 = arith.constant 0 : i32
        %dma_wait3A_365 = tpu.memref_slice %dma_wait3A_362[%dma_wait3A_363, %dma_wait3A_364] : memref<10240x128xf32, #tpu.memory_space<hbm>> -> memref<10240x128xf32, #tpu.memory_space<hbm>>
        tpu.wait_indirect_dma semaphore(%run_scoped3A : memref<!tpu.dma_semaphore, #tpu.memory_space<semaphore_mem>>) src(%dma_wait3A_365 : memref<10240x128xf32, #tpu.memory_space<hbm>>) dst(%arg8 : memref<128x128xf32, #tpu.memory_space<vmem>>)
        tpu.yield
      }) : () -> ()
      "tpu.region"() ({
        %run_scoped3A = tpu.sem_alloc : memref<!tpu.dma_semaphore, #tpu.memory_space<semaphore_mem>>
        %dma_start3A = arith.constant 0 : i32
        %dma_start3A_348 = tpu.memref_slice %arg7[%scan3A_347, %dma_start3A] : memref<79x128xi32, #tpu.memory_space<vmem>> -> memref<1x128xi32, #tpu.memory_space<vmem>>
        %dma_start3A_349 = tpu.memref_squeeze %dma_start3A_348 : memref<1x128xi32, #tpu.memory_space<vmem>> -> memref<128xi32, #tpu.memory_space<vmem>>
        %dma_start3A_350 = arith.constant 0 : i32
        %dma_start3A_351 = arith.constant 0 : i32
        %dma_start3A_352 = tpu.memref_slice %arg10[%dma_start3A_350, %dma_start3A_351] : memref<10240x128xf32, #tpu.memory_space<vmem_shared>> -> memref<10240x128xf32, #tpu.memory_space<vmem_shared>>
        tpu.enqueue_indirect_dma source(%arg8 : memref<128x128xf32, #tpu.memory_space<vmem>>) target(%dma_start3A_352 : memref<10240x128xf32, #tpu.memory_space<vmem_shared>>) offsets(%dma_start3A_349 : memref<128xi32, #tpu.memory_space<vmem>>) semaphore(%run_scoped3A : memref<!tpu.dma_semaphore, #tpu.memory_space<semaphore_mem>>) {add = true}
        %dma_wait3A = arith.constant 0 : i32
        %dma_wait3A_353 = tpu.memref_slice %arg7[%scan3A_347, %dma_wait3A] : memref<79x128xi32, #tpu.memory_space<vmem>> -> memref<1x128xi32, #tpu.memory_space<vmem>>
        %dma_wait3A_354 = tpu.memref_squeeze %dma_wait3A_353 : memref<1x128xi32, #tpu.memory_space<vmem>> -> memref<128xi32, #tpu.memory_space<vmem>>
        %dma_wait3A_355 = arith.constant 0 : i32
        %dma_wait3A_356 = arith.constant 0 : i32
        %dma_wait3A_357 = tpu.memref_slice %arg10[%dma_wait3A_355, %dma_wait3A_356] : memref<10240x128xf32, #tpu.memory_space<vmem_shared>> -> memref<10240x128xf32, #tpu.memory_space<vmem_shared>>
        tpu.wait_indirect_dma semaphore(%run_scoped3A : memref<!tpu.dma_semaphore, #tpu.memory_space<semaphore_mem>>) src(%arg8 : memref<128x128xf32, #tpu.memory_space<vmem>>) dst(%dma_wait3A_357 : memref<10240x128xf32, #tpu.memory_space<vmem_shared>>)
        tpu.yield
      }) : () -> ()
    }
    %scan3A_170 = arith.constant 79 : i32
    %barrier3A_171 = arith.constant 0 : index
    tpu.barrier barrier_id(%barrier3A_171)
    %mul3A_172 = arith.constant 640 : i32
    %mul3A_173 = arith.muli %arg1, %mul3A_172 : i32
    "tpu.region"() ({
      %run_scoped3A = tpu.sem_alloc : memref<!tpu.dma_semaphore, #tpu.memory_space<semaphore_mem>>
      %dma_start3A = arith.constant 0 : i32
      %dma_start3A_347 = arith.constant 0 : i32
      %dma_start3A_348 = tpu.memref_slice %arg5[%add3A_5, %dma_start3A, %dma_start3A_347] : memref<4x10240x128xf32, #tpu.memory_space<hbm>> -> memref<1x10240x128xf32, #tpu.memory_space<hbm>>
      %dma_start3A_349 = tpu.memref_squeeze %dma_start3A_348 : memref<1x10240x128xf32, #tpu.memory_space<hbm>> -> memref<10240x128xf32, #tpu.memory_space<hbm>>
      %dma_start3A_350 = arith.constant 0 : i32
      %dma_start3A_351 = tpu.memref_slice %dma_start3A_349[%mul3A_173, %dma_start3A_350] : memref<10240x128xf32, #tpu.memory_space<hbm>> -> memref<640x128xf32, #tpu.memory_space<hbm>>
      %dma_start3A_352 = arith.constant 0 : i32
      %dma_start3A_353 = tpu.memref_slice %arg10[%mul3A_173, %dma_start3A_352] : memref<10240x128xf32, #tpu.memory_space<vmem_shared>> -> memref<640x128xf32, #tpu.memory_space<vmem_shared>>
      tpu.enqueue_dma source(%dma_start3A_353 : memref<640x128xf32, #tpu.memory_space<vmem_shared>>) target(%dma_start3A_351 : memref<640x128xf32, #tpu.memory_space<hbm>>) target_semaphore(%run_scoped3A : memref<!tpu.dma_semaphore, #tpu.memory_space<semaphore_mem>>)
      %dma_wait3A = arith.constant 0 : i32
      %dma_wait3A_354 = arith.constant 0 : i32
      %dma_wait3A_355 = tpu.memref_slice %arg5[%add3A_5, %dma_wait3A, %dma_wait3A_354] : memref<4x10240x128xf32, #tpu.memory_space<hbm>> -> memref<1x10240x128xf32, #tpu.memory_space<hbm>>
      %dma_wait3A_356 = tpu.memref_squeeze %dma_wait3A_355 : memref<1x10240x128xf32, #tpu.memory_space<hbm>> -> memref<10240x128xf32, #tpu.memory_space<hbm>>
      %dma_wait3A_357 = arith.constant 0 : i32
      %dma_wait3A_358 = tpu.memref_slice %dma_wait3A_356[%mul3A_173, %dma_wait3A_357] : memref<10240x128xf32, #tpu.memory_space<hbm>> -> memref<640x128xf32, #tpu.memory_space<hbm>>
      %dma_wait3A_359 = arith.constant 0 : i32
      %dma_wait3A_360 = tpu.memref_slice %arg10[%mul3A_173, %dma_wait3A_359] : memref<10240x128xf32, #tpu.memory_space<vmem_shared>> -> memref<640x128xf32, #tpu.memory_space<vmem_shared>>
      tpu.wait_dma2 semaphore(%run_scoped3A : memref<!tpu.dma_semaphore, #tpu.memory_space<semaphore_mem>>) src(%dma_wait3A_360 : memref<640x128xf32, #tpu.memory_space<vmem_shared>>) dst(%dma_wait3A_358 : memref<640x128xf32, #tpu.memory_space<hbm>>)
      tpu.yield
    }) : () -> ()
    %barrier3A_174 = arith.constant 0 : index
    tpu.barrier barrier_id(%barrier3A_174)
    %add3A_175 = arith.constant 2 : i32
    %add3A_176 = arith.addi %add3A_175, %arg0 : i32
    %mul3A_177 = arith.constant 640 : i32
    %mul3A_178 = arith.muli %arg1, %mul3A_177 : i32
    %add3A_179 = arith.constant 0 : i32
    %add3A_180 = arith.addi %mul3A_178, %add3A_179 : i32
    "tpu.region"() ({
      %run_scoped3A = tpu.sem_alloc : memref<!tpu.dma_semaphore, #tpu.memory_space<semaphore_mem>>
      %dma_start3A = arith.constant 0 : i32
      %dma_start3A_347 = tpu.memref_slice %arg10[%add3A_180, %dma_start3A] : memref<10240x128xf32, #tpu.memory_space<vmem_shared>> -> memref<16x128xf32, #tpu.memory_space<vmem_shared>>
      %dma_start3A_348 = arith.constant 0 : i32
      %dma_start3A_349 = tpu.memref_slice %arg10[%add3A_180, %dma_start3A_348] : memref<10240x128xf32, #tpu.memory_space<vmem_shared>> -> memref<16x128xf32, #tpu.memory_space<vmem_shared>>
      tpu.enqueue_dma source(%arg9 : memref<16x128xf32, #tpu.memory_space<vmem>>) target(%dma_start3A_349 : memref<16x128xf32, #tpu.memory_space<vmem_shared>>) target_semaphore(%run_scoped3A : memref<!tpu.dma_semaphore, #tpu.memory_space<semaphore_mem>>)
      %dma_wait3A = arith.constant 0 : i32
      %dma_wait3A_350 = tpu.memref_slice %arg10[%add3A_180, %dma_wait3A] : memref<10240x128xf32, #tpu.memory_space<vmem_shared>> -> memref<16x128xf32, #tpu.memory_space<vmem_shared>>
      %dma_wait3A_351 = arith.constant 0 : i32
      %dma_wait3A_352 = tpu.memref_slice %arg10[%add3A_180, %dma_wait3A_351] : memref<10240x128xf32, #tpu.memory_space<vmem_shared>> -> memref<16x128xf32, #tpu.memory_space<vmem_shared>>
      tpu.wait_dma2 semaphore(%run_scoped3A : memref<!tpu.dma_semaphore, #tpu.memory_space<semaphore_mem>>) src(%arg9 : memref<16x128xf32, #tpu.memory_space<vmem>>) dst(%dma_wait3A_352 : memref<16x128xf32, #tpu.memory_space<vmem_shared>>)
      tpu.yield
    }) : () -> ()
    %mul3A_181 = arith.constant 640 : i32
    %mul3A_182 = arith.muli %arg1, %mul3A_181 : i32
    %add3A_183 = arith.constant 16 : i32
    %add3A_184 = arith.addi %mul3A_182, %add3A_183 : i32
    "tpu.region"() ({
      %run_scoped3A = tpu.sem_alloc : memref<!tpu.dma_semaphore, #tpu.memory_space<semaphore_mem>>
      %dma_start3A = arith.constant 0 : i32
      %dma_start3A_347 = tpu.memref_slice %arg10[%add3A_184, %dma_start3A] : memref<10240x128xf32, #tpu.memory_space<vmem_shared>> -> memref<16x128xf32, #tpu.memory_space<vmem_shared>>
      %dma_start3A_348 = arith.constant 0 : i32
      %dma_start3A_349 = tpu.memref_slice %arg10[%add3A_184, %dma_start3A_348] : memref<10240x128xf32, #tpu.memory_space<vmem_shared>> -> memref<16x128xf32, #tpu.memory_space<vmem_shared>>
      tpu.enqueue_dma source(%arg9 : memref<16x128xf32, #tpu.memory_space<vmem>>) target(%dma_start3A_349 : memref<16x128xf32, #tpu.memory_space<vmem_shared>>) target_semaphore(%run_scoped3A : memref<!tpu.dma_semaphore, #tpu.memory_space<semaphore_mem>>)
      %dma_wait3A = arith.constant 0 : i32
      %dma_wait3A_350 = tpu.memref_slice %arg10[%add3A_184, %dma_wait3A] : memref<10240x128xf32, #tpu.memory_space<vmem_shared>> -> memref<16x128xf32, #tpu.memory_space<vmem_shared>>
      %dma_wait3A_351 = arith.constant 0 : i32
      %dma_wait3A_352 = tpu.memref_slice %arg10[%add3A_184, %dma_wait3A_351] : memref<10240x128xf32, #tpu.memory_space<vmem_shared>> -> memref<16x128xf32, #tpu.memory_space<vmem_shared>>
      tpu.wait_dma2 semaphore(%run_scoped3A : memref<!tpu.dma_semaphore, #tpu.memory_space<semaphore_mem>>) src(%arg9 : memref<16x128xf32, #tpu.memory_space<vmem>>) dst(%dma_wait3A_352 : memref<16x128xf32, #tpu.memory_space<vmem_shared>>)
      tpu.yield
    }) : () -> ()
    %mul3A_185 = arith.constant 640 : i32
    %mul3A_186 = arith.muli %arg1, %mul3A_185 : i32
    %add3A_187 = arith.constant 32 : i32
    %add3A_188 = arith.addi %mul3A_186, %add3A_187 : i32
    "tpu.region"() ({
      %run_scoped3A = tpu.sem_alloc : memref<!tpu.dma_semaphore, #tpu.memory_space<semaphore_mem>>
      %dma_start3A = arith.constant 0 : i32
      %dma_start3A_347 = tpu.memref_slice %arg10[%add3A_188, %dma_start3A] : memref<10240x128xf32, #tpu.memory_space<vmem_shared>> -> memref<16x128xf32, #tpu.memory_space<vmem_shared>>
      %dma_start3A_348 = arith.constant 0 : i32
      %dma_start3A_349 = tpu.memref_slice %arg10[%add3A_188, %dma_start3A_348] : memref<10240x128xf32, #tpu.memory_space<vmem_shared>> -> memref<16x128xf32, #tpu.memory_space<vmem_shared>>
      tpu.enqueue_dma source(%arg9 : memref<16x128xf32, #tpu.memory_space<vmem>>) target(%dma_start3A_349 : memref<16x128xf32, #tpu.memory_space<vmem_shared>>) target_semaphore(%run_scoped3A : memref<!tpu.dma_semaphore, #tpu.memory_space<semaphore_mem>>)
      %dma_wait3A = arith.constant 0 : i32
      %dma_wait3A_350 = tpu.memref_slice %arg10[%add3A_188, %dma_wait3A] : memref<10240x128xf32, #tpu.memory_space<vmem_shared>> -> memref<16x128xf32, #tpu.memory_space<vmem_shared>>
      %dma_wait3A_351 = arith.constant 0 : i32
      %dma_wait3A_352 = tpu.memref_slice %arg10[%add3A_188, %dma_wait3A_351] : memref<10240x128xf32, #tpu.memory_space<vmem_shared>> -> memref<16x128xf32, #tpu.memory_space<vmem_shared>>
      tpu.wait_dma2 semaphore(%run_scoped3A : memref<!tpu.dma_semaphore, #tpu.memory_space<semaphore_mem>>) src(%arg9 : memref<16x128xf32, #tpu.memory_space<vmem>>) dst(%dma_wait3A_352 : memref<16x128xf32, #tpu.memory_space<vmem_shared>>)
      tpu.yield
    }) : () -> ()
    %mul3A_189 = arith.constant 640 : i32
    %mul3A_190 = arith.muli %arg1, %mul3A_189 : i32
    %add3A_191 = arith.constant 48 : i32
    %add3A_192 = arith.addi %mul3A_190, %add3A_191 : i32
    "tpu.region"() ({
      %run_scoped3A = tpu.sem_alloc : memref<!tpu.dma_semaphore, #tpu.memory_space<semaphore_mem>>
      %dma_start3A = arith.constant 0 : i32
      %dma_start3A_347 = tpu.memref_slice %arg10[%add3A_192, %dma_start3A] : memref<10240x128xf32, #tpu.memory_space<vmem_shared>> -> memref<16x128xf32, #tpu.memory_space<vmem_shared>>
      %dma_start3A_348 = arith.constant 0 : i32
      %dma_start3A_349 = tpu.memref_slice %arg10[%add3A_192, %dma_start3A_348] : memref<10240x128xf32, #tpu.memory_space<vmem_shared>> -> memref<16x128xf32, #tpu.memory_space<vmem_shared>>
      tpu.enqueue_dma source(%arg9 : memref<16x128xf32, #tpu.memory_space<vmem>>) target(%dma_start3A_349 : memref<16x128xf32, #tpu.memory_space<vmem_shared>>) target_semaphore(%run_scoped3A : memref<!tpu.dma_semaphore, #tpu.memory_space<semaphore_mem>>)
      %dma_wait3A = arith.constant 0 : i32
      %dma_wait3A_350 = tpu.memref_slice %arg10[%add3A_192, %dma_wait3A] : memref<10240x128xf32, #tpu.memory_space<vmem_shared>> -> memref<16x128xf32, #tpu.memory_space<vmem_shared>>
      %dma_wait3A_351 = arith.constant 0 : i32
      %dma_wait3A_352 = tpu.memref_slice %arg10[%add3A_192, %dma_wait3A_351] : memref<10240x128xf32, #tpu.memory_space<vmem_shared>> -> memref<16x128xf32, #tpu.memory_space<vmem_shared>>
      tpu.wait_dma2 semaphore(%run_scoped3A : memref<!tpu.dma_semaphore, #tpu.memory_space<semaphore_mem>>) src(%arg9 : memref<16x128xf32, #tpu.memory_space<vmem>>) dst(%dma_wait3A_352 : memref<16x128xf32, #tpu.memory_space<vmem_shared>>)
      tpu.yield
    }) : () -> ()
    %mul3A_193 = arith.constant 640 : i32
    %mul3A_194 = arith.muli %arg1, %mul3A_193 : i32
    %add3A_195 = arith.constant 64 : i32
    %add3A_196 = arith.addi %mul3A_194, %add3A_195 : i32
    "tpu.region"() ({
      %run_scoped3A = tpu.sem_alloc : memref<!tpu.dma_semaphore, #tpu.memory_space<semaphore_mem>>
      %dma_start3A = arith.constant 0 : i32
      %dma_start3A_347 = tpu.memref_slice %arg10[%add3A_196, %dma_start3A] : memref<10240x128xf32, #tpu.memory_space<vmem_shared>> -> memref<16x128xf32, #tpu.memory_space<vmem_shared>>
      %dma_start3A_348 = arith.constant 0 : i32
      %dma_start3A_349 = tpu.memref_slice %arg10[%add3A_196, %dma_start3A_348] : memref<10240x128xf32, #tpu.memory_space<vmem_shared>> -> memref<16x128xf32, #tpu.memory_space<vmem_shared>>
      tpu.enqueue_dma source(%arg9 : memref<16x128xf32, #tpu.memory_space<vmem>>) target(%dma_start3A_349 : memref<16x128xf32, #tpu.memory_space<vmem_shared>>) target_semaphore(%run_scoped3A : memref<!tpu.dma_semaphore, #tpu.memory_space<semaphore_mem>>)
      %dma_wait3A = arith.constant 0 : i32
      %dma_wait3A_350 = tpu.memref_slice %arg10[%add3A_196, %dma_wait3A] : memref<10240x128xf32, #tpu.memory_space<vmem_shared>> -> memref<16x128xf32, #tpu.memory_space<vmem_shared>>
      %dma_wait3A_351 = arith.constant 0 : i32
      %dma_wait3A_352 = tpu.memref_slice %arg10[%add3A_196, %dma_wait3A_351] : memref<10240x128xf32, #tpu.memory_space<vmem_shared>> -> memref<16x128xf32, #tpu.memory_space<vmem_shared>>
      tpu.wait_dma2 semaphore(%run_scoped3A : memref<!tpu.dma_semaphore, #tpu.memory_space<semaphore_mem>>) src(%arg9 : memref<16x128xf32, #tpu.memory_space<vmem>>) dst(%dma_wait3A_352 : memref<16x128xf32, #tpu.memory_space<vmem_shared>>)
      tpu.yield
    }) : () -> ()
    %mul3A_197 = arith.constant 640 : i32
    %mul3A_198 = arith.muli %arg1, %mul3A_197 : i32
    %add3A_199 = arith.constant 80 : i32
    %add3A_200 = arith.addi %mul3A_198, %add3A_199 : i32
    "tpu.region"() ({
      %run_scoped3A = tpu.sem_alloc : memref<!tpu.dma_semaphore, #tpu.memory_space<semaphore_mem>>
      %dma_start3A = arith.constant 0 : i32
      %dma_start3A_347 = tpu.memref_slice %arg10[%add3A_200, %dma_start3A] : memref<10240x128xf32, #tpu.memory_space<vmem_shared>> -> memref<16x128xf32, #tpu.memory_space<vmem_shared>>
      %dma_start3A_348 = arith.constant 0 : i32
      %dma_start3A_349 = tpu.memref_slice %arg10[%add3A_200, %dma_start3A_348] : memref<10240x128xf32, #tpu.memory_space<vmem_shared>> -> memref<16x128xf32, #tpu.memory_space<vmem_shared>>
      tpu.enqueue_dma source(%arg9 : memref<16x128xf32, #tpu.memory_space<vmem>>) target(%dma_start3A_349 : memref<16x128xf32, #tpu.memory_space<vmem_shared>>) target_semaphore(%run_scoped3A : memref<!tpu.dma_semaphore, #tpu.memory_space<semaphore_mem>>)
      %dma_wait3A = arith.constant 0 : i32
      %dma_wait3A_350 = tpu.memref_slice %arg10[%add3A_200, %dma_wait3A] : memref<10240x128xf32, #tpu.memory_space<vmem_shared>> -> memref<16x128xf32, #tpu.memory_space<vmem_shared>>
      %dma_wait3A_351 = arith.constant 0 : i32
      %dma_wait3A_352 = tpu.memref_slice %arg10[%add3A_200, %dma_wait3A_351] : memref<10240x128xf32, #tpu.memory_space<vmem_shared>> -> memref<16x128xf32, #tpu.memory_space<vmem_shared>>
      tpu.wait_dma2 semaphore(%run_scoped3A : memref<!tpu.dma_semaphore, #tpu.memory_space<semaphore_mem>>) src(%arg9 : memref<16x128xf32, #tpu.memory_space<vmem>>) dst(%dma_wait3A_352 : memref<16x128xf32, #tpu.memory_space<vmem_shared>>)
      tpu.yield
    }) : () -> ()
    %mul3A_201 = arith.constant 640 : i32
    %mul3A_202 = arith.muli %arg1, %mul3A_201 : i32
    %add3A_203 = arith.constant 96 : i32
    %add3A_204 = arith.addi %mul3A_202, %add3A_203 : i32
    "tpu.region"() ({
      %run_scoped3A = tpu.sem_alloc : memref<!tpu.dma_semaphore, #tpu.memory_space<semaphore_mem>>
      %dma_start3A = arith.constant 0 : i32
      %dma_start3A_347 = tpu.memref_slice %arg10[%add3A_204, %dma_start3A] : memref<10240x128xf32, #tpu.memory_space<vmem_shared>> -> memref<16x128xf32, #tpu.memory_space<vmem_shared>>
      %dma_start3A_348 = arith.constant 0 : i32
      %dma_start3A_349 = tpu.memref_slice %arg10[%add3A_204, %dma_start3A_348] : memref<10240x128xf32, #tpu.memory_space<vmem_shared>> -> memref<16x128xf32, #tpu.memory_space<vmem_shared>>
      tpu.enqueue_dma source(%arg9 : memref<16x128xf32, #tpu.memory_space<vmem>>) target(%dma_start3A_349 : memref<16x128xf32, #tpu.memory_space<vmem_shared>>) target_semaphore(%run_scoped3A : memref<!tpu.dma_semaphore, #tpu.memory_space<semaphore_mem>>)
      %dma_wait3A = arith.constant 0 : i32
      %dma_wait3A_350 = tpu.memref_slice %arg10[%add3A_204, %dma_wait3A] : memref<10240x128xf32, #tpu.memory_space<vmem_shared>> -> memref<16x128xf32, #tpu.memory_space<vmem_shared>>
      %dma_wait3A_351 = arith.constant 0 : i32
      %dma_wait3A_352 = tpu.memref_slice %arg10[%add3A_204, %dma_wait3A_351] : memref<10240x128xf32, #tpu.memory_space<vmem_shared>> -> memref<16x128xf32, #tpu.memory_space<vmem_shared>>
      tpu.wait_dma2 semaphore(%run_scoped3A : memref<!tpu.dma_semaphore, #tpu.memory_space<semaphore_mem>>) src(%arg9 : memref<16x128xf32, #tpu.memory_space<vmem>>) dst(%dma_wait3A_352 : memref<16x128xf32, #tpu.memory_space<vmem_shared>>)
      tpu.yield
    }) : () -> ()
    %mul3A_205 = arith.constant 640 : i32
    %mul3A_206 = arith.muli %arg1, %mul3A_205 : i32
    %add3A_207 = arith.constant 112 : i32
    %add3A_208 = arith.addi %mul3A_206, %add3A_207 : i32
    "tpu.region"() ({
      %run_scoped3A = tpu.sem_alloc : memref<!tpu.dma_semaphore, #tpu.memory_space<semaphore_mem>>
      %dma_start3A = arith.constant 0 : i32
      %dma_start3A_347 = tpu.memref_slice %arg10[%add3A_208, %dma_start3A] : memref<10240x128xf32, #tpu.memory_space<vmem_shared>> -> memref<16x128xf32, #tpu.memory_space<vmem_shared>>
      %dma_start3A_348 = arith.constant 0 : i32
      %dma_start3A_349 = tpu.memref_slice %arg10[%add3A_208, %dma_start3A_348] : memref<10240x128xf32, #tpu.memory_space<vmem_shared>> -> memref<16x128xf32, #tpu.memory_space<vmem_shared>>
      tpu.enqueue_dma source(%arg9 : memref<16x128xf32, #tpu.memory_space<vmem>>) target(%dma_start3A_349 : memref<16x128xf32, #tpu.memory_space<vmem_shared>>) target_semaphore(%run_scoped3A : memref<!tpu.dma_semaphore, #tpu.memory_space<semaphore_mem>>)
      %dma_wait3A = arith.constant 0 : i32
      %dma_wait3A_350 = tpu.memref_slice %arg10[%add3A_208, %dma_wait3A] : memref<10240x128xf32, #tpu.memory_space<vmem_shared>> -> memref<16x128xf32, #tpu.memory_space<vmem_shared>>
      %dma_wait3A_351 = arith.constant 0 : i32
      %dma_wait3A_352 = tpu.memref_slice %arg10[%add3A_208, %dma_wait3A_351] : memref<10240x128xf32, #tpu.memory_space<vmem_shared>> -> memref<16x128xf32, #tpu.memory_space<vmem_shared>>
      tpu.wait_dma2 semaphore(%run_scoped3A : memref<!tpu.dma_semaphore, #tpu.memory_space<semaphore_mem>>) src(%arg9 : memref<16x128xf32, #tpu.memory_space<vmem>>) dst(%dma_wait3A_352 : memref<16x128xf32, #tpu.memory_space<vmem_shared>>)
      tpu.yield
    }) : () -> ()
    %mul3A_209 = arith.constant 640 : i32
    %mul3A_210 = arith.muli %arg1, %mul3A_209 : i32
    %add3A_211 = arith.constant 128 : i32
    %add3A_212 = arith.addi %mul3A_210, %add3A_211 : i32
    "tpu.region"() ({
      %run_scoped3A = tpu.sem_alloc : memref<!tpu.dma_semaphore, #tpu.memory_space<semaphore_mem>>
      %dma_start3A = arith.constant 0 : i32
      %dma_start3A_347 = tpu.memref_slice %arg10[%add3A_212, %dma_start3A] : memref<10240x128xf32, #tpu.memory_space<vmem_shared>> -> memref<16x128xf32, #tpu.memory_space<vmem_shared>>
      %dma_start3A_348 = arith.constant 0 : i32
      %dma_start3A_349 = tpu.memref_slice %arg10[%add3A_212, %dma_start3A_348] : memref<10240x128xf32, #tpu.memory_space<vmem_shared>> -> memref<16x128xf32, #tpu.memory_space<vmem_shared>>
      tpu.enqueue_dma source(%arg9 : memref<16x128xf32, #tpu.memory_space<vmem>>) target(%dma_start3A_349 : memref<16x128xf32, #tpu.memory_space<vmem_shared>>) target_semaphore(%run_scoped3A : memref<!tpu.dma_semaphore, #tpu.memory_space<semaphore_mem>>)
      %dma_wait3A = arith.constant 0 : i32
      %dma_wait3A_350 = tpu.memref_slice %arg10[%add3A_212, %dma_wait3A] : memref<10240x128xf32, #tpu.memory_space<vmem_shared>> -> memref<16x128xf32, #tpu.memory_space<vmem_shared>>
      %dma_wait3A_351 = arith.constant 0 : i32
      %dma_wait3A_352 = tpu.memref_slice %arg10[%add3A_212, %dma_wait3A_351] : memref<10240x128xf32, #tpu.memory_space<vmem_shared>> -> memref<16x128xf32, #tpu.memory_space<vmem_shared>>
      tpu.wait_dma2 semaphore(%run_scoped3A : memref<!tpu.dma_semaphore, #tpu.memory_space<semaphore_mem>>) src(%arg9 : memref<16x128xf32, #tpu.memory_space<vmem>>) dst(%dma_wait3A_352 : memref<16x128xf32, #tpu.memory_space<vmem_shared>>)
      tpu.yield
    }) : () -> ()
    %mul3A_213 = arith.constant 640 : i32
    %mul3A_214 = arith.muli %arg1, %mul3A_213 : i32
    %add3A_215 = arith.constant 144 : i32
    %add3A_216 = arith.addi %mul3A_214, %add3A_215 : i32
    "tpu.region"() ({
      %run_scoped3A = tpu.sem_alloc : memref<!tpu.dma_semaphore, #tpu.memory_space<semaphore_mem>>
      %dma_start3A = arith.constant 0 : i32
      %dma_start3A_347 = tpu.memref_slice %arg10[%add3A_216, %dma_start3A] : memref<10240x128xf32, #tpu.memory_space<vmem_shared>> -> memref<16x128xf32, #tpu.memory_space<vmem_shared>>
      %dma_start3A_348 = arith.constant 0 : i32
      %dma_start3A_349 = tpu.memref_slice %arg10[%add3A_216, %dma_start3A_348] : memref<10240x128xf32, #tpu.memory_space<vmem_shared>> -> memref<16x128xf32, #tpu.memory_space<vmem_shared>>
      tpu.enqueue_dma source(%arg9 : memref<16x128xf32, #tpu.memory_space<vmem>>) target(%dma_start3A_349 : memref<16x128xf32, #tpu.memory_space<vmem_shared>>) target_semaphore(%run_scoped3A : memref<!tpu.dma_semaphore, #tpu.memory_space<semaphore_mem>>)
      %dma_wait3A = arith.constant 0 : i32
      %dma_wait3A_350 = tpu.memref_slice %arg10[%add3A_216, %dma_wait3A] : memref<10240x128xf32, #tpu.memory_space<vmem_shared>> -> memref<16x128xf32, #tpu.memory_space<vmem_shared>>
      %dma_wait3A_351 = arith.constant 0 : i32
      %dma_wait3A_352 = tpu.memref_slice %arg10[%add3A_216, %dma_wait3A_351] : memref<10240x128xf32, #tpu.memory_space<vmem_shared>> -> memref<16x128xf32, #tpu.memory_space<vmem_shared>>
      tpu.wait_dma2 semaphore(%run_scoped3A : memref<!tpu.dma_semaphore, #tpu.memory_space<semaphore_mem>>) src(%arg9 : memref<16x128xf32, #tpu.memory_space<vmem>>) dst(%dma_wait3A_352 : memref<16x128xf32, #tpu.memory_space<vmem_shared>>)
      tpu.yield
    }) : () -> ()
    %mul3A_217 = arith.constant 640 : i32
    %mul3A_218 = arith.muli %arg1, %mul3A_217 : i32
    %add3A_219 = arith.constant 160 : i32
    %add3A_220 = arith.addi %mul3A_218, %add3A_219 : i32
    "tpu.region"() ({
      %run_scoped3A = tpu.sem_alloc : memref<!tpu.dma_semaphore, #tpu.memory_space<semaphore_mem>>
      %dma_start3A = arith.constant 0 : i32
      %dma_start3A_347 = tpu.memref_slice %arg10[%add3A_220, %dma_start3A] : memref<10240x128xf32, #tpu.memory_space<vmem_shared>> -> memref<16x128xf32, #tpu.memory_space<vmem_shared>>
      %dma_start3A_348 = arith.constant 0 : i32
      %dma_start3A_349 = tpu.memref_slice %arg10[%add3A_220, %dma_start3A_348] : memref<10240x128xf32, #tpu.memory_space<vmem_shared>> -> memref<16x128xf32, #tpu.memory_space<vmem_shared>>
      tpu.enqueue_dma source(%arg9 : memref<16x128xf32, #tpu.memory_space<vmem>>) target(%dma_start3A_349 : memref<16x128xf32, #tpu.memory_space<vmem_shared>>) target_semaphore(%run_scoped3A : memref<!tpu.dma_semaphore, #tpu.memory_space<semaphore_mem>>)
      %dma_wait3A = arith.constant 0 : i32
      %dma_wait3A_350 = tpu.memref_slice %arg10[%add3A_220, %dma_wait3A] : memref<10240x128xf32, #tpu.memory_space<vmem_shared>> -> memref<16x128xf32, #tpu.memory_space<vmem_shared>>
      %dma_wait3A_351 = arith.constant 0 : i32
      %dma_wait3A_352 = tpu.memref_slice %arg10[%add3A_220, %dma_wait3A_351] : memref<10240x128xf32, #tpu.memory_space<vmem_shared>> -> memref<16x128xf32, #tpu.memory_space<vmem_shared>>
      tpu.wait_dma2 semaphore(%run_scoped3A : memref<!tpu.dma_semaphore, #tpu.memory_space<semaphore_mem>>) src(%arg9 : memref<16x128xf32, #tpu.memory_space<vmem>>) dst(%dma_wait3A_352 : memref<16x128xf32, #tpu.memory_space<vmem_shared>>)
      tpu.yield
    }) : () -> ()
    %mul3A_221 = arith.constant 640 : i32
    %mul3A_222 = arith.muli %arg1, %mul3A_221 : i32
    %add3A_223 = arith.constant 176 : i32
    %add3A_224 = arith.addi %mul3A_222, %add3A_223 : i32
    "tpu.region"() ({
      %run_scoped3A = tpu.sem_alloc : memref<!tpu.dma_semaphore, #tpu.memory_space<semaphore_mem>>
      %dma_start3A = arith.constant 0 : i32
      %dma_start3A_347 = tpu.memref_slice %arg10[%add3A_224, %dma_start3A] : memref<10240x128xf32, #tpu.memory_space<vmem_shared>> -> memref<16x128xf32, #tpu.memory_space<vmem_shared>>
      %dma_start3A_348 = arith.constant 0 : i32
      %dma_start3A_349 = tpu.memref_slice %arg10[%add3A_224, %dma_start3A_348] : memref<10240x128xf32, #tpu.memory_space<vmem_shared>> -> memref<16x128xf32, #tpu.memory_space<vmem_shared>>
      tpu.enqueue_dma source(%arg9 : memref<16x128xf32, #tpu.memory_space<vmem>>) target(%dma_start3A_349 : memref<16x128xf32, #tpu.memory_space<vmem_shared>>) target_semaphore(%run_scoped3A : memref<!tpu.dma_semaphore, #tpu.memory_space<semaphore_mem>>)
      %dma_wait3A = arith.constant 0 : i32
      %dma_wait3A_350 = tpu.memref_slice %arg10[%add3A_224, %dma_wait3A] : memref<10240x128xf32, #tpu.memory_space<vmem_shared>> -> memref<16x128xf32, #tpu.memory_space<vmem_shared>>
      %dma_wait3A_351 = arith.constant 0 : i32
      %dma_wait3A_352 = tpu.memref_slice %arg10[%add3A_224, %dma_wait3A_351] : memref<10240x128xf32, #tpu.memory_space<vmem_shared>> -> memref<16x128xf32, #tpu.memory_space<vmem_shared>>
      tpu.wait_dma2 semaphore(%run_scoped3A : memref<!tpu.dma_semaphore, #tpu.memory_space<semaphore_mem>>) src(%arg9 : memref<16x128xf32, #tpu.memory_space<vmem>>) dst(%dma_wait3A_352 : memref<16x128xf32, #tpu.memory_space<vmem_shared>>)
      tpu.yield
    }) : () -> ()
    %mul3A_225 = arith.constant 640 : i32
    %mul3A_226 = arith.muli %arg1, %mul3A_225 : i32
    %add3A_227 = arith.constant 192 : i32
    %add3A_228 = arith.addi %mul3A_226, %add3A_227 : i32
    "tpu.region"() ({
      %run_scoped3A = tpu.sem_alloc : memref<!tpu.dma_semaphore, #tpu.memory_space<semaphore_mem>>
      %dma_start3A = arith.constant 0 : i32
      %dma_start3A_347 = tpu.memref_slice %arg10[%add3A_228, %dma_start3A] : memref<10240x128xf32, #tpu.memory_space<vmem_shared>> -> memref<16x128xf32, #tpu.memory_space<vmem_shared>>
      %dma_start3A_348 = arith.constant 0 : i32
      %dma_start3A_349 = tpu.memref_slice %arg10[%add3A_228, %dma_start3A_348] : memref<10240x128xf32, #tpu.memory_space<vmem_shared>> -> memref<16x128xf32, #tpu.memory_space<vmem_shared>>
      tpu.enqueue_dma source(%arg9 : memref<16x128xf32, #tpu.memory_space<vmem>>) target(%dma_start3A_349 : memref<16x128xf32, #tpu.memory_space<vmem_shared>>) target_semaphore(%run_scoped3A : memref<!tpu.dma_semaphore, #tpu.memory_space<semaphore_mem>>)
      %dma_wait3A = arith.constant 0 : i32
      %dma_wait3A_350 = tpu.memref_slice %arg10[%add3A_228, %dma_wait3A] : memref<10240x128xf32, #tpu.memory_space<vmem_shared>> -> memref<16x128xf32, #tpu.memory_space<vmem_shared>>
      %dma_wait3A_351 = arith.constant 0 : i32
      %dma_wait3A_352 = tpu.memref_slice %arg10[%add3A_228, %dma_wait3A_351] : memref<10240x128xf32, #tpu.memory_space<vmem_shared>> -> memref<16x128xf32, #tpu.memory_space<vmem_shared>>
      tpu.wait_dma2 semaphore(%run_scoped3A : memref<!tpu.dma_semaphore, #tpu.memory_space<semaphore_mem>>) src(%arg9 : memref<16x128xf32, #tpu.memory_space<vmem>>) dst(%dma_wait3A_352 : memref<16x128xf32, #tpu.memory_space<vmem_shared>>)
      tpu.yield
    }) : () -> ()
    %mul3A_229 = arith.constant 640 : i32
    %mul3A_230 = arith.muli %arg1, %mul3A_229 : i32
    %add3A_231 = arith.constant 208 : i32
    %add3A_232 = arith.addi %mul3A_230, %add3A_231 : i32
    "tpu.region"() ({
      %run_scoped3A = tpu.sem_alloc : memref<!tpu.dma_semaphore, #tpu.memory_space<semaphore_mem>>
      %dma_start3A = arith.constant 0 : i32
      %dma_start3A_347 = tpu.memref_slice %arg10[%add3A_232, %dma_start3A] : memref<10240x128xf32, #tpu.memory_space<vmem_shared>> -> memref<16x128xf32, #tpu.memory_space<vmem_shared>>
      %dma_start3A_348 = arith.constant 0 : i32
      %dma_start3A_349 = tpu.memref_slice %arg10[%add3A_232, %dma_start3A_348] : memref<10240x128xf32, #tpu.memory_space<vmem_shared>> -> memref<16x128xf32, #tpu.memory_space<vmem_shared>>
      tpu.enqueue_dma source(%arg9 : memref<16x128xf32, #tpu.memory_space<vmem>>) target(%dma_start3A_349 : memref<16x128xf32, #tpu.memory_space<vmem_shared>>) target_semaphore(%run_scoped3A : memref<!tpu.dma_semaphore, #tpu.memory_space<semaphore_mem>>)
      %dma_wait3A = arith.constant 0 : i32
      %dma_wait3A_350 = tpu.memref_slice %arg10[%add3A_232, %dma_wait3A] : memref<10240x128xf32, #tpu.memory_space<vmem_shared>> -> memref<16x128xf32, #tpu.memory_space<vmem_shared>>
      %dma_wait3A_351 = arith.constant 0 : i32
      %dma_wait3A_352 = tpu.memref_slice %arg10[%add3A_232, %dma_wait3A_351] : memref<10240x128xf32, #tpu.memory_space<vmem_shared>> -> memref<16x128xf32, #tpu.memory_space<vmem_shared>>
      tpu.wait_dma2 semaphore(%run_scoped3A : memref<!tpu.dma_semaphore, #tpu.memory_space<semaphore_mem>>) src(%arg9 : memref<16x128xf32, #tpu.memory_space<vmem>>) dst(%dma_wait3A_352 : memref<16x128xf32, #tpu.memory_space<vmem_shared>>)
      tpu.yield
    }) : () -> ()
    %mul3A_233 = arith.constant 640 : i32
    %mul3A_234 = arith.muli %arg1, %mul3A_233 : i32
    %add3A_235 = arith.constant 224 : i32
    %add3A_236 = arith.addi %mul3A_234, %add3A_235 : i32
    "tpu.region"() ({
      %run_scoped3A = tpu.sem_alloc : memref<!tpu.dma_semaphore, #tpu.memory_space<semaphore_mem>>
      %dma_start3A = arith.constant 0 : i32
      %dma_start3A_347 = tpu.memref_slice %arg10[%add3A_236, %dma_start3A] : memref<10240x128xf32, #tpu.memory_space<vmem_shared>> -> memref<16x128xf32, #tpu.memory_space<vmem_shared>>
      %dma_start3A_348 = arith.constant 0 : i32
      %dma_start3A_349 = tpu.memref_slice %arg10[%add3A_236, %dma_start3A_348] : memref<10240x128xf32, #tpu.memory_space<vmem_shared>> -> memref<16x128xf32, #tpu.memory_space<vmem_shared>>
      tpu.enqueue_dma source(%arg9 : memref<16x128xf32, #tpu.memory_space<vmem>>) target(%dma_start3A_349 : memref<16x128xf32, #tpu.memory_space<vmem_shared>>) target_semaphore(%run_scoped3A : memref<!tpu.dma_semaphore, #tpu.memory_space<semaphore_mem>>)
      %dma_wait3A = arith.constant 0 : i32
      %dma_wait3A_350 = tpu.memref_slice %arg10[%add3A_236, %dma_wait3A] : memref<10240x128xf32, #tpu.memory_space<vmem_shared>> -> memref<16x128xf32, #tpu.memory_space<vmem_shared>>
      %dma_wait3A_351 = arith.constant 0 : i32
      %dma_wait3A_352 = tpu.memref_slice %arg10[%add3A_236, %dma_wait3A_351] : memref<10240x128xf32, #tpu.memory_space<vmem_shared>> -> memref<16x128xf32, #tpu.memory_space<vmem_shared>>
      tpu.wait_dma2 semaphore(%run_scoped3A : memref<!tpu.dma_semaphore, #tpu.memory_space<semaphore_mem>>) src(%arg9 : memref<16x128xf32, #tpu.memory_space<vmem>>) dst(%dma_wait3A_352 : memref<16x128xf32, #tpu.memory_space<vmem_shared>>)
      tpu.yield
    }) : () -> ()
    %mul3A_237 = arith.constant 640 : i32
    %mul3A_238 = arith.muli %arg1, %mul3A_237 : i32
    %add3A_239 = arith.constant 240 : i32
    %add3A_240 = arith.addi %mul3A_238, %add3A_239 : i32
    "tpu.region"() ({
      %run_scoped3A = tpu.sem_alloc : memref<!tpu.dma_semaphore, #tpu.memory_space<semaphore_mem>>
      %dma_start3A = arith.constant 0 : i32
      %dma_start3A_347 = tpu.memref_slice %arg10[%add3A_240, %dma_start3A] : memref<10240x128xf32, #tpu.memory_space<vmem_shared>> -> memref<16x128xf32, #tpu.memory_space<vmem_shared>>
      %dma_start3A_348 = arith.constant 0 : i32
      %dma_start3A_349 = tpu.memref_slice %arg10[%add3A_240, %dma_start3A_348] : memref<10240x128xf32, #tpu.memory_space<vmem_shared>> -> memref<16x128xf32, #tpu.memory_space<vmem_shared>>
      tpu.enqueue_dma source(%arg9 : memref<16x128xf32, #tpu.memory_space<vmem>>) target(%dma_start3A_349 : memref<16x128xf32, #tpu.memory_space<vmem_shared>>) target_semaphore(%run_scoped3A : memref<!tpu.dma_semaphore, #tpu.memory_space<semaphore_mem>>)
      %dma_wait3A = arith.constant 0 : i32
      %dma_wait3A_350 = tpu.memref_slice %arg10[%add3A_240, %dma_wait3A] : memref<10240x128xf32, #tpu.memory_space<vmem_shared>> -> memref<16x128xf32, #tpu.memory_space<vmem_shared>>
      %dma_wait3A_351 = arith.constant 0 : i32
      %dma_wait3A_352 = tpu.memref_slice %arg10[%add3A_240, %dma_wait3A_351] : memref<10240x128xf32, #tpu.memory_space<vmem_shared>> -> memref<16x128xf32, #tpu.memory_space<vmem_shared>>
      tpu.wait_dma2 semaphore(%run_scoped3A : memref<!tpu.dma_semaphore, #tpu.memory_space<semaphore_mem>>) src(%arg9 : memref<16x128xf32, #tpu.memory_space<vmem>>) dst(%dma_wait3A_352 : memref<16x128xf32, #tpu.memory_space<vmem_shared>>)
      tpu.yield
    }) : () -> ()
    %mul3A_241 = arith.constant 640 : i32
    %mul3A_242 = arith.muli %arg1, %mul3A_241 : i32
    %add3A_243 = arith.constant 256 : i32
    %add3A_244 = arith.addi %mul3A_242, %add3A_243 : i32
    "tpu.region"() ({
      %run_scoped3A = tpu.sem_alloc : memref<!tpu.dma_semaphore, #tpu.memory_space<semaphore_mem>>
      %dma_start3A = arith.constant 0 : i32
      %dma_start3A_347 = tpu.memref_slice %arg10[%add3A_244, %dma_start3A] : memref<10240x128xf32, #tpu.memory_space<vmem_shared>> -> memref<16x128xf32, #tpu.memory_space<vmem_shared>>
      %dma_start3A_348 = arith.constant 0 : i32
      %dma_start3A_349 = tpu.memref_slice %arg10[%add3A_244, %dma_start3A_348] : memref<10240x128xf32, #tpu.memory_space<vmem_shared>> -> memref<16x128xf32, #tpu.memory_space<vmem_shared>>
      tpu.enqueue_dma source(%arg9 : memref<16x128xf32, #tpu.memory_space<vmem>>) target(%dma_start3A_349 : memref<16x128xf32, #tpu.memory_space<vmem_shared>>) target_semaphore(%run_scoped3A : memref<!tpu.dma_semaphore, #tpu.memory_space<semaphore_mem>>)
      %dma_wait3A = arith.constant 0 : i32
      %dma_wait3A_350 = tpu.memref_slice %arg10[%add3A_244, %dma_wait3A] : memref<10240x128xf32, #tpu.memory_space<vmem_shared>> -> memref<16x128xf32, #tpu.memory_space<vmem_shared>>
      %dma_wait3A_351 = arith.constant 0 : i32
      %dma_wait3A_352 = tpu.memref_slice %arg10[%add3A_244, %dma_wait3A_351] : memref<10240x128xf32, #tpu.memory_space<vmem_shared>> -> memref<16x128xf32, #tpu.memory_space<vmem_shared>>
      tpu.wait_dma2 semaphore(%run_scoped3A : memref<!tpu.dma_semaphore, #tpu.memory_space<semaphore_mem>>) src(%arg9 : memref<16x128xf32, #tpu.memory_space<vmem>>) dst(%dma_wait3A_352 : memref<16x128xf32, #tpu.memory_space<vmem_shared>>)
      tpu.yield
    }) : () -> ()
    %mul3A_245 = arith.constant 640 : i32
    %mul3A_246 = arith.muli %arg1, %mul3A_245 : i32
    %add3A_247 = arith.constant 272 : i32
    %add3A_248 = arith.addi %mul3A_246, %add3A_247 : i32
    "tpu.region"() ({
      %run_scoped3A = tpu.sem_alloc : memref<!tpu.dma_semaphore, #tpu.memory_space<semaphore_mem>>
      %dma_start3A = arith.constant 0 : i32
      %dma_start3A_347 = tpu.memref_slice %arg10[%add3A_248, %dma_start3A] : memref<10240x128xf32, #tpu.memory_space<vmem_shared>> -> memref<16x128xf32, #tpu.memory_space<vmem_shared>>
      %dma_start3A_348 = arith.constant 0 : i32
      %dma_start3A_349 = tpu.memref_slice %arg10[%add3A_248, %dma_start3A_348] : memref<10240x128xf32, #tpu.memory_space<vmem_shared>> -> memref<16x128xf32, #tpu.memory_space<vmem_shared>>
      tpu.enqueue_dma source(%arg9 : memref<16x128xf32, #tpu.memory_space<vmem>>) target(%dma_start3A_349 : memref<16x128xf32, #tpu.memory_space<vmem_shared>>) target_semaphore(%run_scoped3A : memref<!tpu.dma_semaphore, #tpu.memory_space<semaphore_mem>>)
      %dma_wait3A = arith.constant 0 : i32
      %dma_wait3A_350 = tpu.memref_slice %arg10[%add3A_248, %dma_wait3A] : memref<10240x128xf32, #tpu.memory_space<vmem_shared>> -> memref<16x128xf32, #tpu.memory_space<vmem_shared>>
      %dma_wait3A_351 = arith.constant 0 : i32
      %dma_wait3A_352 = tpu.memref_slice %arg10[%add3A_248, %dma_wait3A_351] : memref<10240x128xf32, #tpu.memory_space<vmem_shared>> -> memref<16x128xf32, #tpu.memory_space<vmem_shared>>
      tpu.wait_dma2 semaphore(%run_scoped3A : memref<!tpu.dma_semaphore, #tpu.memory_space<semaphore_mem>>) src(%arg9 : memref<16x128xf32, #tpu.memory_space<vmem>>) dst(%dma_wait3A_352 : memref<16x128xf32, #tpu.memory_space<vmem_shared>>)
      tpu.yield
    }) : () -> ()
    %mul3A_249 = arith.constant 640 : i32
    %mul3A_250 = arith.muli %arg1, %mul3A_249 : i32
    %add3A_251 = arith.constant 288 : i32
    %add3A_252 = arith.addi %mul3A_250, %add3A_251 : i32
    "tpu.region"() ({
      %run_scoped3A = tpu.sem_alloc : memref<!tpu.dma_semaphore, #tpu.memory_space<semaphore_mem>>
      %dma_start3A = arith.constant 0 : i32
      %dma_start3A_347 = tpu.memref_slice %arg10[%add3A_252, %dma_start3A] : memref<10240x128xf32, #tpu.memory_space<vmem_shared>> -> memref<16x128xf32, #tpu.memory_space<vmem_shared>>
      %dma_start3A_348 = arith.constant 0 : i32
      %dma_start3A_349 = tpu.memref_slice %arg10[%add3A_252, %dma_start3A_348] : memref<10240x128xf32, #tpu.memory_space<vmem_shared>> -> memref<16x128xf32, #tpu.memory_space<vmem_shared>>
      tpu.enqueue_dma source(%arg9 : memref<16x128xf32, #tpu.memory_space<vmem>>) target(%dma_start3A_349 : memref<16x128xf32, #tpu.memory_space<vmem_shared>>) target_semaphore(%run_scoped3A : memref<!tpu.dma_semaphore, #tpu.memory_space<semaphore_mem>>)
      %dma_wait3A = arith.constant 0 : i32
      %dma_wait3A_350 = tpu.memref_slice %arg10[%add3A_252, %dma_wait3A] : memref<10240x128xf32, #tpu.memory_space<vmem_shared>> -> memref<16x128xf32, #tpu.memory_space<vmem_shared>>
      %dma_wait3A_351 = arith.constant 0 : i32
      %dma_wait3A_352 = tpu.memref_slice %arg10[%add3A_252, %dma_wait3A_351] : memref<10240x128xf32, #tpu.memory_space<vmem_shared>> -> memref<16x128xf32, #tpu.memory_space<vmem_shared>>
      tpu.wait_dma2 semaphore(%run_scoped3A : memref<!tpu.dma_semaphore, #tpu.memory_space<semaphore_mem>>) src(%arg9 : memref<16x128xf32, #tpu.memory_space<vmem>>) dst(%dma_wait3A_352 : memref<16x128xf32, #tpu.memory_space<vmem_shared>>)
      tpu.yield
    }) : () -> ()
    %mul3A_253 = arith.constant 640 : i32
    %mul3A_254 = arith.muli %arg1, %mul3A_253 : i32
    %add3A_255 = arith.constant 304 : i32
    %add3A_256 = arith.addi %mul3A_254, %add3A_255 : i32
    "tpu.region"() ({
      %run_scoped3A = tpu.sem_alloc : memref<!tpu.dma_semaphore, #tpu.memory_space<semaphore_mem>>
      %dma_start3A = arith.constant 0 : i32
      %dma_start3A_347 = tpu.memref_slice %arg10[%add3A_256, %dma_start3A] : memref<10240x128xf32, #tpu.memory_space<vmem_shared>> -> memref<16x128xf32, #tpu.memory_space<vmem_shared>>
      %dma_start3A_348 = arith.constant 0 : i32
      %dma_start3A_349 = tpu.memref_slice %arg10[%add3A_256, %dma_start3A_348] : memref<10240x128xf32, #tpu.memory_space<vmem_shared>> -> memref<16x128xf32, #tpu.memory_space<vmem_shared>>
      tpu.enqueue_dma source(%arg9 : memref<16x128xf32, #tpu.memory_space<vmem>>) target(%dma_start3A_349 : memref<16x128xf32, #tpu.memory_space<vmem_shared>>) target_semaphore(%run_scoped3A : memref<!tpu.dma_semaphore, #tpu.memory_space<semaphore_mem>>)
      %dma_wait3A = arith.constant 0 : i32
      %dma_wait3A_350 = tpu.memref_slice %arg10[%add3A_256, %dma_wait3A] : memref<10240x128xf32, #tpu.memory_space<vmem_shared>> -> memref<16x128xf32, #tpu.memory_space<vmem_shared>>
      %dma_wait3A_351 = arith.constant 0 : i32
      %dma_wait3A_352 = tpu.memref_slice %arg10[%add3A_256, %dma_wait3A_351] : memref<10240x128xf32, #tpu.memory_space<vmem_shared>> -> memref<16x128xf32, #tpu.memory_space<vmem_shared>>
      tpu.wait_dma2 semaphore(%run_scoped3A : memref<!tpu.dma_semaphore, #tpu.memory_space<semaphore_mem>>) src(%arg9 : memref<16x128xf32, #tpu.memory_space<vmem>>) dst(%dma_wait3A_352 : memref<16x128xf32, #tpu.memory_space<vmem_shared>>)
      tpu.yield
    }) : () -> ()
    %mul3A_257 = arith.constant 640 : i32
    %mul3A_258 = arith.muli %arg1, %mul3A_257 : i32
    %add3A_259 = arith.constant 320 : i32
    %add3A_260 = arith.addi %mul3A_258, %add3A_259 : i32
    "tpu.region"() ({
      %run_scoped3A = tpu.sem_alloc : memref<!tpu.dma_semaphore, #tpu.memory_space<semaphore_mem>>
      %dma_start3A = arith.constant 0 : i32
      %dma_start3A_347 = tpu.memref_slice %arg10[%add3A_260, %dma_start3A] : memref<10240x128xf32, #tpu.memory_space<vmem_shared>> -> memref<16x128xf32, #tpu.memory_space<vmem_shared>>
      %dma_start3A_348 = arith.constant 0 : i32
      %dma_start3A_349 = tpu.memref_slice %arg10[%add3A_260, %dma_start3A_348] : memref<10240x128xf32, #tpu.memory_space<vmem_shared>> -> memref<16x128xf32, #tpu.memory_space<vmem_shared>>
      tpu.enqueue_dma source(%arg9 : memref<16x128xf32, #tpu.memory_space<vmem>>) target(%dma_start3A_349 : memref<16x128xf32, #tpu.memory_space<vmem_shared>>) target_semaphore(%run_scoped3A : memref<!tpu.dma_semaphore, #tpu.memory_space<semaphore_mem>>)
      %dma_wait3A = arith.constant 0 : i32
      %dma_wait3A_350 = tpu.memref_slice %arg10[%add3A_260, %dma_wait3A] : memref<10240x128xf32, #tpu.memory_space<vmem_shared>> -> memref<16x128xf32, #tpu.memory_space<vmem_shared>>
      %dma_wait3A_351 = arith.constant 0 : i32
      %dma_wait3A_352 = tpu.memref_slice %arg10[%add3A_260, %dma_wait3A_351] : memref<10240x128xf32, #tpu.memory_space<vmem_shared>> -> memref<16x128xf32, #tpu.memory_space<vmem_shared>>
      tpu.wait_dma2 semaphore(%run_scoped3A : memref<!tpu.dma_semaphore, #tpu.memory_space<semaphore_mem>>) src(%arg9 : memref<16x128xf32, #tpu.memory_space<vmem>>) dst(%dma_wait3A_352 : memref<16x128xf32, #tpu.memory_space<vmem_shared>>)
      tpu.yield
    }) : () -> ()
    %mul3A_261 = arith.constant 640 : i32
    %mul3A_262 = arith.muli %arg1, %mul3A_261 : i32
    %add3A_263 = arith.constant 336 : i32
    %add3A_264 = arith.addi %mul3A_262, %add3A_263 : i32
    "tpu.region"() ({
      %run_scoped3A = tpu.sem_alloc : memref<!tpu.dma_semaphore, #tpu.memory_space<semaphore_mem>>
      %dma_start3A = arith.constant 0 : i32
      %dma_start3A_347 = tpu.memref_slice %arg10[%add3A_264, %dma_start3A] : memref<10240x128xf32, #tpu.memory_space<vmem_shared>> -> memref<16x128xf32, #tpu.memory_space<vmem_shared>>
      %dma_start3A_348 = arith.constant 0 : i32
      %dma_start3A_349 = tpu.memref_slice %arg10[%add3A_264, %dma_start3A_348] : memref<10240x128xf32, #tpu.memory_space<vmem_shared>> -> memref<16x128xf32, #tpu.memory_space<vmem_shared>>
      tpu.enqueue_dma source(%arg9 : memref<16x128xf32, #tpu.memory_space<vmem>>) target(%dma_start3A_349 : memref<16x128xf32, #tpu.memory_space<vmem_shared>>) target_semaphore(%run_scoped3A : memref<!tpu.dma_semaphore, #tpu.memory_space<semaphore_mem>>)
      %dma_wait3A = arith.constant 0 : i32
      %dma_wait3A_350 = tpu.memref_slice %arg10[%add3A_264, %dma_wait3A] : memref<10240x128xf32, #tpu.memory_space<vmem_shared>> -> memref<16x128xf32, #tpu.memory_space<vmem_shared>>
      %dma_wait3A_351 = arith.constant 0 : i32
      %dma_wait3A_352 = tpu.memref_slice %arg10[%add3A_264, %dma_wait3A_351] : memref<10240x128xf32, #tpu.memory_space<vmem_shared>> -> memref<16x128xf32, #tpu.memory_space<vmem_shared>>
      tpu.wait_dma2 semaphore(%run_scoped3A : memref<!tpu.dma_semaphore, #tpu.memory_space<semaphore_mem>>) src(%arg9 : memref<16x128xf32, #tpu.memory_space<vmem>>) dst(%dma_wait3A_352 : memref<16x128xf32, #tpu.memory_space<vmem_shared>>)
      tpu.yield
    }) : () -> ()
    %mul3A_265 = arith.constant 640 : i32
    %mul3A_266 = arith.muli %arg1, %mul3A_265 : i32
    %add3A_267 = arith.constant 352 : i32
    %add3A_268 = arith.addi %mul3A_266, %add3A_267 : i32
    "tpu.region"() ({
      %run_scoped3A = tpu.sem_alloc : memref<!tpu.dma_semaphore, #tpu.memory_space<semaphore_mem>>
      %dma_start3A = arith.constant 0 : i32
      %dma_start3A_347 = tpu.memref_slice %arg10[%add3A_268, %dma_start3A] : memref<10240x128xf32, #tpu.memory_space<vmem_shared>> -> memref<16x128xf32, #tpu.memory_space<vmem_shared>>
      %dma_start3A_348 = arith.constant 0 : i32
      %dma_start3A_349 = tpu.memref_slice %arg10[%add3A_268, %dma_start3A_348] : memref<10240x128xf32, #tpu.memory_space<vmem_shared>> -> memref<16x128xf32, #tpu.memory_space<vmem_shared>>
      tpu.enqueue_dma source(%arg9 : memref<16x128xf32, #tpu.memory_space<vmem>>) target(%dma_start3A_349 : memref<16x128xf32, #tpu.memory_space<vmem_shared>>) target_semaphore(%run_scoped3A : memref<!tpu.dma_semaphore, #tpu.memory_space<semaphore_mem>>)
      %dma_wait3A = arith.constant 0 : i32
      %dma_wait3A_350 = tpu.memref_slice %arg10[%add3A_268, %dma_wait3A] : memref<10240x128xf32, #tpu.memory_space<vmem_shared>> -> memref<16x128xf32, #tpu.memory_space<vmem_shared>>
      %dma_wait3A_351 = arith.constant 0 : i32
      %dma_wait3A_352 = tpu.memref_slice %arg10[%add3A_268, %dma_wait3A_351] : memref<10240x128xf32, #tpu.memory_space<vmem_shared>> -> memref<16x128xf32, #tpu.memory_space<vmem_shared>>
      tpu.wait_dma2 semaphore(%run_scoped3A : memref<!tpu.dma_semaphore, #tpu.memory_space<semaphore_mem>>) src(%arg9 : memref<16x128xf32, #tpu.memory_space<vmem>>) dst(%dma_wait3A_352 : memref<16x128xf32, #tpu.memory_space<vmem_shared>>)
      tpu.yield
    }) : () -> ()
    %mul3A_269 = arith.constant 640 : i32
    %mul3A_270 = arith.muli %arg1, %mul3A_269 : i32
    %add3A_271 = arith.constant 368 : i32
    %add3A_272 = arith.addi %mul3A_270, %add3A_271 : i32
    "tpu.region"() ({
      %run_scoped3A = tpu.sem_alloc : memref<!tpu.dma_semaphore, #tpu.memory_space<semaphore_mem>>
      %dma_start3A = arith.constant 0 : i32
      %dma_start3A_347 = tpu.memref_slice %arg10[%add3A_272, %dma_start3A] : memref<10240x128xf32, #tpu.memory_space<vmem_shared>> -> memref<16x128xf32, #tpu.memory_space<vmem_shared>>
      %dma_start3A_348 = arith.constant 0 : i32
      %dma_start3A_349 = tpu.memref_slice %arg10[%add3A_272, %dma_start3A_348] : memref<10240x128xf32, #tpu.memory_space<vmem_shared>> -> memref<16x128xf32, #tpu.memory_space<vmem_shared>>
      tpu.enqueue_dma source(%arg9 : memref<16x128xf32, #tpu.memory_space<vmem>>) target(%dma_start3A_349 : memref<16x128xf32, #tpu.memory_space<vmem_shared>>) target_semaphore(%run_scoped3A : memref<!tpu.dma_semaphore, #tpu.memory_space<semaphore_mem>>)
      %dma_wait3A = arith.constant 0 : i32
      %dma_wait3A_350 = tpu.memref_slice %arg10[%add3A_272, %dma_wait3A] : memref<10240x128xf32, #tpu.memory_space<vmem_shared>> -> memref<16x128xf32, #tpu.memory_space<vmem_shared>>
      %dma_wait3A_351 = arith.constant 0 : i32
      %dma_wait3A_352 = tpu.memref_slice %arg10[%add3A_272, %dma_wait3A_351] : memref<10240x128xf32, #tpu.memory_space<vmem_shared>> -> memref<16x128xf32, #tpu.memory_space<vmem_shared>>
      tpu.wait_dma2 semaphore(%run_scoped3A : memref<!tpu.dma_semaphore, #tpu.memory_space<semaphore_mem>>) src(%arg9 : memref<16x128xf32, #tpu.memory_space<vmem>>) dst(%dma_wait3A_352 : memref<16x128xf32, #tpu.memory_space<vmem_shared>>)
      tpu.yield
    }) : () -> ()
    %mul3A_273 = arith.constant 640 : i32
    %mul3A_274 = arith.muli %arg1, %mul3A_273 : i32
    %add3A_275 = arith.constant 384 : i32
    %add3A_276 = arith.addi %mul3A_274, %add3A_275 : i32
    "tpu.region"() ({
      %run_scoped3A = tpu.sem_alloc : memref<!tpu.dma_semaphore, #tpu.memory_space<semaphore_mem>>
      %dma_start3A = arith.constant 0 : i32
      %dma_start3A_347 = tpu.memref_slice %arg10[%add3A_276, %dma_start3A] : memref<10240x128xf32, #tpu.memory_space<vmem_shared>> -> memref<16x128xf32, #tpu.memory_space<vmem_shared>>
      %dma_start3A_348 = arith.constant 0 : i32
      %dma_start3A_349 = tpu.memref_slice %arg10[%add3A_276, %dma_start3A_348] : memref<10240x128xf32, #tpu.memory_space<vmem_shared>> -> memref<16x128xf32, #tpu.memory_space<vmem_shared>>
      tpu.enqueue_dma source(%arg9 : memref<16x128xf32, #tpu.memory_space<vmem>>) target(%dma_start3A_349 : memref<16x128xf32, #tpu.memory_space<vmem_shared>>) target_semaphore(%run_scoped3A : memref<!tpu.dma_semaphore, #tpu.memory_space<semaphore_mem>>)
      %dma_wait3A = arith.constant 0 : i32
      %dma_wait3A_350 = tpu.memref_slice %arg10[%add3A_276, %dma_wait3A] : memref<10240x128xf32, #tpu.memory_space<vmem_shared>> -> memref<16x128xf32, #tpu.memory_space<vmem_shared>>
      %dma_wait3A_351 = arith.constant 0 : i32
      %dma_wait3A_352 = tpu.memref_slice %arg10[%add3A_276, %dma_wait3A_351] : memref<10240x128xf32, #tpu.memory_space<vmem_shared>> -> memref<16x128xf32, #tpu.memory_space<vmem_shared>>
      tpu.wait_dma2 semaphore(%run_scoped3A : memref<!tpu.dma_semaphore, #tpu.memory_space<semaphore_mem>>) src(%arg9 : memref<16x128xf32, #tpu.memory_space<vmem>>) dst(%dma_wait3A_352 : memref<16x128xf32, #tpu.memory_space<vmem_shared>>)
      tpu.yield
    }) : () -> ()
    %mul3A_277 = arith.constant 640 : i32
    %mul3A_278 = arith.muli %arg1, %mul3A_277 : i32
    %add3A_279 = arith.constant 400 : i32
    %add3A_280 = arith.addi %mul3A_278, %add3A_279 : i32
    "tpu.region"() ({
      %run_scoped3A = tpu.sem_alloc : memref<!tpu.dma_semaphore, #tpu.memory_space<semaphore_mem>>
      %dma_start3A = arith.constant 0 : i32
      %dma_start3A_347 = tpu.memref_slice %arg10[%add3A_280, %dma_start3A] : memref<10240x128xf32, #tpu.memory_space<vmem_shared>> -> memref<16x128xf32, #tpu.memory_space<vmem_shared>>
      %dma_start3A_348 = arith.constant 0 : i32
      %dma_start3A_349 = tpu.memref_slice %arg10[%add3A_280, %dma_start3A_348] : memref<10240x128xf32, #tpu.memory_space<vmem_shared>> -> memref<16x128xf32, #tpu.memory_space<vmem_shared>>
      tpu.enqueue_dma source(%arg9 : memref<16x128xf32, #tpu.memory_space<vmem>>) target(%dma_start3A_349 : memref<16x128xf32, #tpu.memory_space<vmem_shared>>) target_semaphore(%run_scoped3A : memref<!tpu.dma_semaphore, #tpu.memory_space<semaphore_mem>>)
      %dma_wait3A = arith.constant 0 : i32
      %dma_wait3A_350 = tpu.memref_slice %arg10[%add3A_280, %dma_wait3A] : memref<10240x128xf32, #tpu.memory_space<vmem_shared>> -> memref<16x128xf32, #tpu.memory_space<vmem_shared>>
      %dma_wait3A_351 = arith.constant 0 : i32
      %dma_wait3A_352 = tpu.memref_slice %arg10[%add3A_280, %dma_wait3A_351] : memref<10240x128xf32, #tpu.memory_space<vmem_shared>> -> memref<16x128xf32, #tpu.memory_space<vmem_shared>>
      tpu.wait_dma2 semaphore(%run_scoped3A : memref<!tpu.dma_semaphore, #tpu.memory_space<semaphore_mem>>) src(%arg9 : memref<16x128xf32, #tpu.memory_space<vmem>>) dst(%dma_wait3A_352 : memref<16x128xf32, #tpu.memory_space<vmem_shared>>)
      tpu.yield
    }) : () -> ()
    %mul3A_281 = arith.constant 640 : i32
    %mul3A_282 = arith.muli %arg1, %mul3A_281 : i32
    %add3A_283 = arith.constant 416 : i32
    %add3A_284 = arith.addi %mul3A_282, %add3A_283 : i32
    "tpu.region"() ({
      %run_scoped3A = tpu.sem_alloc : memref<!tpu.dma_semaphore, #tpu.memory_space<semaphore_mem>>
      %dma_start3A = arith.constant 0 : i32
      %dma_start3A_347 = tpu.memref_slice %arg10[%add3A_284, %dma_start3A] : memref<10240x128xf32, #tpu.memory_space<vmem_shared>> -> memref<16x128xf32, #tpu.memory_space<vmem_shared>>
      %dma_start3A_348 = arith.constant 0 : i32
      %dma_start3A_349 = tpu.memref_slice %arg10[%add3A_284, %dma_start3A_348] : memref<10240x128xf32, #tpu.memory_space<vmem_shared>> -> memref<16x128xf32, #tpu.memory_space<vmem_shared>>
      tpu.enqueue_dma source(%arg9 : memref<16x128xf32, #tpu.memory_space<vmem>>) target(%dma_start3A_349 : memref<16x128xf32, #tpu.memory_space<vmem_shared>>) target_semaphore(%run_scoped3A : memref<!tpu.dma_semaphore, #tpu.memory_space<semaphore_mem>>)
      %dma_wait3A = arith.constant 0 : i32
      %dma_wait3A_350 = tpu.memref_slice %arg10[%add3A_284, %dma_wait3A] : memref<10240x128xf32, #tpu.memory_space<vmem_shared>> -> memref<16x128xf32, #tpu.memory_space<vmem_shared>>
      %dma_wait3A_351 = arith.constant 0 : i32
      %dma_wait3A_352 = tpu.memref_slice %arg10[%add3A_284, %dma_wait3A_351] : memref<10240x128xf32, #tpu.memory_space<vmem_shared>> -> memref<16x128xf32, #tpu.memory_space<vmem_shared>>
      tpu.wait_dma2 semaphore(%run_scoped3A : memref<!tpu.dma_semaphore, #tpu.memory_space<semaphore_mem>>) src(%arg9 : memref<16x128xf32, #tpu.memory_space<vmem>>) dst(%dma_wait3A_352 : memref<16x128xf32, #tpu.memory_space<vmem_shared>>)
      tpu.yield
    }) : () -> ()
    %mul3A_285 = arith.constant 640 : i32
    %mul3A_286 = arith.muli %arg1, %mul3A_285 : i32
    %add3A_287 = arith.constant 432 : i32
    %add3A_288 = arith.addi %mul3A_286, %add3A_287 : i32
    "tpu.region"() ({
      %run_scoped3A = tpu.sem_alloc : memref<!tpu.dma_semaphore, #tpu.memory_space<semaphore_mem>>
      %dma_start3A = arith.constant 0 : i32
      %dma_start3A_347 = tpu.memref_slice %arg10[%add3A_288, %dma_start3A] : memref<10240x128xf32, #tpu.memory_space<vmem_shared>> -> memref<16x128xf32, #tpu.memory_space<vmem_shared>>
      %dma_start3A_348 = arith.constant 0 : i32
      %dma_start3A_349 = tpu.memref_slice %arg10[%add3A_288, %dma_start3A_348] : memref<10240x128xf32, #tpu.memory_space<vmem_shared>> -> memref<16x128xf32, #tpu.memory_space<vmem_shared>>
      tpu.enqueue_dma source(%arg9 : memref<16x128xf32, #tpu.memory_space<vmem>>) target(%dma_start3A_349 : memref<16x128xf32, #tpu.memory_space<vmem_shared>>) target_semaphore(%run_scoped3A : memref<!tpu.dma_semaphore, #tpu.memory_space<semaphore_mem>>)
      %dma_wait3A = arith.constant 0 : i32
      %dma_wait3A_350 = tpu.memref_slice %arg10[%add3A_288, %dma_wait3A] : memref<10240x128xf32, #tpu.memory_space<vmem_shared>> -> memref<16x128xf32, #tpu.memory_space<vmem_shared>>
      %dma_wait3A_351 = arith.constant 0 : i32
      %dma_wait3A_352 = tpu.memref_slice %arg10[%add3A_288, %dma_wait3A_351] : memref<10240x128xf32, #tpu.memory_space<vmem_shared>> -> memref<16x128xf32, #tpu.memory_space<vmem_shared>>
      tpu.wait_dma2 semaphore(%run_scoped3A : memref<!tpu.dma_semaphore, #tpu.memory_space<semaphore_mem>>) src(%arg9 : memref<16x128xf32, #tpu.memory_space<vmem>>) dst(%dma_wait3A_352 : memref<16x128xf32, #tpu.memory_space<vmem_shared>>)
      tpu.yield
    }) : () -> ()
    %mul3A_289 = arith.constant 640 : i32
    %mul3A_290 = arith.muli %arg1, %mul3A_289 : i32
    %add3A_291 = arith.constant 448 : i32
    %add3A_292 = arith.addi %mul3A_290, %add3A_291 : i32
    "tpu.region"() ({
      %run_scoped3A = tpu.sem_alloc : memref<!tpu.dma_semaphore, #tpu.memory_space<semaphore_mem>>
      %dma_start3A = arith.constant 0 : i32
      %dma_start3A_347 = tpu.memref_slice %arg10[%add3A_292, %dma_start3A] : memref<10240x128xf32, #tpu.memory_space<vmem_shared>> -> memref<16x128xf32, #tpu.memory_space<vmem_shared>>
      %dma_start3A_348 = arith.constant 0 : i32
      %dma_start3A_349 = tpu.memref_slice %arg10[%add3A_292, %dma_start3A_348] : memref<10240x128xf32, #tpu.memory_space<vmem_shared>> -> memref<16x128xf32, #tpu.memory_space<vmem_shared>>
      tpu.enqueue_dma source(%arg9 : memref<16x128xf32, #tpu.memory_space<vmem>>) target(%dma_start3A_349 : memref<16x128xf32, #tpu.memory_space<vmem_shared>>) target_semaphore(%run_scoped3A : memref<!tpu.dma_semaphore, #tpu.memory_space<semaphore_mem>>)
      %dma_wait3A = arith.constant 0 : i32
      %dma_wait3A_350 = tpu.memref_slice %arg10[%add3A_292, %dma_wait3A] : memref<10240x128xf32, #tpu.memory_space<vmem_shared>> -> memref<16x128xf32, #tpu.memory_space<vmem_shared>>
      %dma_wait3A_351 = arith.constant 0 : i32
      %dma_wait3A_352 = tpu.memref_slice %arg10[%add3A_292, %dma_wait3A_351] : memref<10240x128xf32, #tpu.memory_space<vmem_shared>> -> memref<16x128xf32, #tpu.memory_space<vmem_shared>>
      tpu.wait_dma2 semaphore(%run_scoped3A : memref<!tpu.dma_semaphore, #tpu.memory_space<semaphore_mem>>) src(%arg9 : memref<16x128xf32, #tpu.memory_space<vmem>>) dst(%dma_wait3A_352 : memref<16x128xf32, #tpu.memory_space<vmem_shared>>)
      tpu.yield
    }) : () -> ()
    %mul3A_293 = arith.constant 640 : i32
    %mul3A_294 = arith.muli %arg1, %mul3A_293 : i32
    %add3A_295 = arith.constant 464 : i32
    %add3A_296 = arith.addi %mul3A_294, %add3A_295 : i32
    "tpu.region"() ({
      %run_scoped3A = tpu.sem_alloc : memref<!tpu.dma_semaphore, #tpu.memory_space<semaphore_mem>>
      %dma_start3A = arith.constant 0 : i32
      %dma_start3A_347 = tpu.memref_slice %arg10[%add3A_296, %dma_start3A] : memref<10240x128xf32, #tpu.memory_space<vmem_shared>> -> memref<16x128xf32, #tpu.memory_space<vmem_shared>>
      %dma_start3A_348 = arith.constant 0 : i32
      %dma_start3A_349 = tpu.memref_slice %arg10[%add3A_296, %dma_start3A_348] : memref<10240x128xf32, #tpu.memory_space<vmem_shared>> -> memref<16x128xf32, #tpu.memory_space<vmem_shared>>
      tpu.enqueue_dma source(%arg9 : memref<16x128xf32, #tpu.memory_space<vmem>>) target(%dma_start3A_349 : memref<16x128xf32, #tpu.memory_space<vmem_shared>>) target_semaphore(%run_scoped3A : memref<!tpu.dma_semaphore, #tpu.memory_space<semaphore_mem>>)
      %dma_wait3A = arith.constant 0 : i32
      %dma_wait3A_350 = tpu.memref_slice %arg10[%add3A_296, %dma_wait3A] : memref<10240x128xf32, #tpu.memory_space<vmem_shared>> -> memref<16x128xf32, #tpu.memory_space<vmem_shared>>
      %dma_wait3A_351 = arith.constant 0 : i32
      %dma_wait3A_352 = tpu.memref_slice %arg10[%add3A_296, %dma_wait3A_351] : memref<10240x128xf32, #tpu.memory_space<vmem_shared>> -> memref<16x128xf32, #tpu.memory_space<vmem_shared>>
      tpu.wait_dma2 semaphore(%run_scoped3A : memref<!tpu.dma_semaphore, #tpu.memory_space<semaphore_mem>>) src(%arg9 : memref<16x128xf32, #tpu.memory_space<vmem>>) dst(%dma_wait3A_352 : memref<16x128xf32, #tpu.memory_space<vmem_shared>>)
      tpu.yield
    }) : () -> ()
    %mul3A_297 = arith.constant 640 : i32
    %mul3A_298 = arith.muli %arg1, %mul3A_297 : i32
    %add3A_299 = arith.constant 480 : i32
    %add3A_300 = arith.addi %mul3A_298, %add3A_299 : i32
    "tpu.region"() ({
      %run_scoped3A = tpu.sem_alloc : memref<!tpu.dma_semaphore, #tpu.memory_space<semaphore_mem>>
      %dma_start3A = arith.constant 0 : i32
      %dma_start3A_347 = tpu.memref_slice %arg10[%add3A_300, %dma_start3A] : memref<10240x128xf32, #tpu.memory_space<vmem_shared>> -> memref<16x128xf32, #tpu.memory_space<vmem_shared>>
      %dma_start3A_348 = arith.constant 0 : i32
      %dma_start3A_349 = tpu.memref_slice %arg10[%add3A_300, %dma_start3A_348] : memref<10240x128xf32, #tpu.memory_space<vmem_shared>> -> memref<16x128xf32, #tpu.memory_space<vmem_shared>>
      tpu.enqueue_dma source(%arg9 : memref<16x128xf32, #tpu.memory_space<vmem>>) target(%dma_start3A_349 : memref<16x128xf32, #tpu.memory_space<vmem_shared>>) target_semaphore(%run_scoped3A : memref<!tpu.dma_semaphore, #tpu.memory_space<semaphore_mem>>)
      %dma_wait3A = arith.constant 0 : i32
      %dma_wait3A_350 = tpu.memref_slice %arg10[%add3A_300, %dma_wait3A] : memref<10240x128xf32, #tpu.memory_space<vmem_shared>> -> memref<16x128xf32, #tpu.memory_space<vmem_shared>>
      %dma_wait3A_351 = arith.constant 0 : i32
      %dma_wait3A_352 = tpu.memref_slice %arg10[%add3A_300, %dma_wait3A_351] : memref<10240x128xf32, #tpu.memory_space<vmem_shared>> -> memref<16x128xf32, #tpu.memory_space<vmem_shared>>
      tpu.wait_dma2 semaphore(%run_scoped3A : memref<!tpu.dma_semaphore, #tpu.memory_space<semaphore_mem>>) src(%arg9 : memref<16x128xf32, #tpu.memory_space<vmem>>) dst(%dma_wait3A_352 : memref<16x128xf32, #tpu.memory_space<vmem_shared>>)
      tpu.yield
    }) : () -> ()
    %mul3A_301 = arith.constant 640 : i32
    %mul3A_302 = arith.muli %arg1, %mul3A_301 : i32
    %add3A_303 = arith.constant 496 : i32
    %add3A_304 = arith.addi %mul3A_302, %add3A_303 : i32
    "tpu.region"() ({
      %run_scoped3A = tpu.sem_alloc : memref<!tpu.dma_semaphore, #tpu.memory_space<semaphore_mem>>
      %dma_start3A = arith.constant 0 : i32
      %dma_start3A_347 = tpu.memref_slice %arg10[%add3A_304, %dma_start3A] : memref<10240x128xf32, #tpu.memory_space<vmem_shared>> -> memref<16x128xf32, #tpu.memory_space<vmem_shared>>
      %dma_start3A_348 = arith.constant 0 : i32
      %dma_start3A_349 = tpu.memref_slice %arg10[%add3A_304, %dma_start3A_348] : memref<10240x128xf32, #tpu.memory_space<vmem_shared>> -> memref<16x128xf32, #tpu.memory_space<vmem_shared>>
      tpu.enqueue_dma source(%arg9 : memref<16x128xf32, #tpu.memory_space<vmem>>) target(%dma_start3A_349 : memref<16x128xf32, #tpu.memory_space<vmem_shared>>) target_semaphore(%run_scoped3A : memref<!tpu.dma_semaphore, #tpu.memory_space<semaphore_mem>>)
      %dma_wait3A = arith.constant 0 : i32
      %dma_wait3A_350 = tpu.memref_slice %arg10[%add3A_304, %dma_wait3A] : memref<10240x128xf32, #tpu.memory_space<vmem_shared>> -> memref<16x128xf32, #tpu.memory_space<vmem_shared>>
      %dma_wait3A_351 = arith.constant 0 : i32
      %dma_wait3A_352 = tpu.memref_slice %arg10[%add3A_304, %dma_wait3A_351] : memref<10240x128xf32, #tpu.memory_space<vmem_shared>> -> memref<16x128xf32, #tpu.memory_space<vmem_shared>>
      tpu.wait_dma2 semaphore(%run_scoped3A : memref<!tpu.dma_semaphore, #tpu.memory_space<semaphore_mem>>) src(%arg9 : memref<16x128xf32, #tpu.memory_space<vmem>>) dst(%dma_wait3A_352 : memref<16x128xf32, #tpu.memory_space<vmem_shared>>)
      tpu.yield
    }) : () -> ()
    %mul3A_305 = arith.constant 640 : i32
    %mul3A_306 = arith.muli %arg1, %mul3A_305 : i32
    %add3A_307 = arith.constant 512 : i32
    %add3A_308 = arith.addi %mul3A_306, %add3A_307 : i32
    "tpu.region"() ({
      %run_scoped3A = tpu.sem_alloc : memref<!tpu.dma_semaphore, #tpu.memory_space<semaphore_mem>>
      %dma_start3A = arith.constant 0 : i32
      %dma_start3A_347 = tpu.memref_slice %arg10[%add3A_308, %dma_start3A] : memref<10240x128xf32, #tpu.memory_space<vmem_shared>> -> memref<16x128xf32, #tpu.memory_space<vmem_shared>>
      %dma_start3A_348 = arith.constant 0 : i32
      %dma_start3A_349 = tpu.memref_slice %arg10[%add3A_308, %dma_start3A_348] : memref<10240x128xf32, #tpu.memory_space<vmem_shared>> -> memref<16x128xf32, #tpu.memory_space<vmem_shared>>
      tpu.enqueue_dma source(%arg9 : memref<16x128xf32, #tpu.memory_space<vmem>>) target(%dma_start3A_349 : memref<16x128xf32, #tpu.memory_space<vmem_shared>>) target_semaphore(%run_scoped3A : memref<!tpu.dma_semaphore, #tpu.memory_space<semaphore_mem>>)
      %dma_wait3A = arith.constant 0 : i32
      %dma_wait3A_350 = tpu.memref_slice %arg10[%add3A_308, %dma_wait3A] : memref<10240x128xf32, #tpu.memory_space<vmem_shared>> -> memref<16x128xf32, #tpu.memory_space<vmem_shared>>
      %dma_wait3A_351 = arith.constant 0 : i32
      %dma_wait3A_352 = tpu.memref_slice %arg10[%add3A_308, %dma_wait3A_351] : memref<10240x128xf32, #tpu.memory_space<vmem_shared>> -> memref<16x128xf32, #tpu.memory_space<vmem_shared>>
      tpu.wait_dma2 semaphore(%run_scoped3A : memref<!tpu.dma_semaphore, #tpu.memory_space<semaphore_mem>>) src(%arg9 : memref<16x128xf32, #tpu.memory_space<vmem>>) dst(%dma_wait3A_352 : memref<16x128xf32, #tpu.memory_space<vmem_shared>>)
      tpu.yield
    }) : () -> ()
    %mul3A_309 = arith.constant 640 : i32
    %mul3A_310 = arith.muli %arg1, %mul3A_309 : i32
    %add3A_311 = arith.constant 528 : i32
    %add3A_312 = arith.addi %mul3A_310, %add3A_311 : i32
    "tpu.region"() ({
      %run_scoped3A = tpu.sem_alloc : memref<!tpu.dma_semaphore, #tpu.memory_space<semaphore_mem>>
      %dma_start3A = arith.constant 0 : i32
      %dma_start3A_347 = tpu.memref_slice %arg10[%add3A_312, %dma_start3A] : memref<10240x128xf32, #tpu.memory_space<vmem_shared>> -> memref<16x128xf32, #tpu.memory_space<vmem_shared>>
      %dma_start3A_348 = arith.constant 0 : i32
      %dma_start3A_349 = tpu.memref_slice %arg10[%add3A_312, %dma_start3A_348] : memref<10240x128xf32, #tpu.memory_space<vmem_shared>> -> memref<16x128xf32, #tpu.memory_space<vmem_shared>>
      tpu.enqueue_dma source(%arg9 : memref<16x128xf32, #tpu.memory_space<vmem>>) target(%dma_start3A_349 : memref<16x128xf32, #tpu.memory_space<vmem_shared>>) target_semaphore(%run_scoped3A : memref<!tpu.dma_semaphore, #tpu.memory_space<semaphore_mem>>)
      %dma_wait3A = arith.constant 0 : i32
      %dma_wait3A_350 = tpu.memref_slice %arg10[%add3A_312, %dma_wait3A] : memref<10240x128xf32, #tpu.memory_space<vmem_shared>> -> memref<16x128xf32, #tpu.memory_space<vmem_shared>>
      %dma_wait3A_351 = arith.constant 0 : i32
      %dma_wait3A_352 = tpu.memref_slice %arg10[%add3A_312, %dma_wait3A_351] : memref<10240x128xf32, #tpu.memory_space<vmem_shared>> -> memref<16x128xf32, #tpu.memory_space<vmem_shared>>
      tpu.wait_dma2 semaphore(%run_scoped3A : memref<!tpu.dma_semaphore, #tpu.memory_space<semaphore_mem>>) src(%arg9 : memref<16x128xf32, #tpu.memory_space<vmem>>) dst(%dma_wait3A_352 : memref<16x128xf32, #tpu.memory_space<vmem_shared>>)
      tpu.yield
    }) : () -> ()
    %mul3A_313 = arith.constant 640 : i32
    %mul3A_314 = arith.muli %arg1, %mul3A_313 : i32
    %add3A_315 = arith.constant 544 : i32
    %add3A_316 = arith.addi %mul3A_314, %add3A_315 : i32
    "tpu.region"() ({
      %run_scoped3A = tpu.sem_alloc : memref<!tpu.dma_semaphore, #tpu.memory_space<semaphore_mem>>
      %dma_start3A = arith.constant 0 : i32
      %dma_start3A_347 = tpu.memref_slice %arg10[%add3A_316, %dma_start3A] : memref<10240x128xf32, #tpu.memory_space<vmem_shared>> -> memref<16x128xf32, #tpu.memory_space<vmem_shared>>
      %dma_start3A_348 = arith.constant 0 : i32
      %dma_start3A_349 = tpu.memref_slice %arg10[%add3A_316, %dma_start3A_348] : memref<10240x128xf32, #tpu.memory_space<vmem_shared>> -> memref<16x128xf32, #tpu.memory_space<vmem_shared>>
      tpu.enqueue_dma source(%arg9 : memref<16x128xf32, #tpu.memory_space<vmem>>) target(%dma_start3A_349 : memref<16x128xf32, #tpu.memory_space<vmem_shared>>) target_semaphore(%run_scoped3A : memref<!tpu.dma_semaphore, #tpu.memory_space<semaphore_mem>>)
      %dma_wait3A = arith.constant 0 : i32
      %dma_wait3A_350 = tpu.memref_slice %arg10[%add3A_316, %dma_wait3A] : memref<10240x128xf32, #tpu.memory_space<vmem_shared>> -> memref<16x128xf32, #tpu.memory_space<vmem_shared>>
      %dma_wait3A_351 = arith.constant 0 : i32
      %dma_wait3A_352 = tpu.memref_slice %arg10[%add3A_316, %dma_wait3A_351] : memref<10240x128xf32, #tpu.memory_space<vmem_shared>> -> memref<16x128xf32, #tpu.memory_space<vmem_shared>>
      tpu.wait_dma2 semaphore(%run_scoped3A : memref<!tpu.dma_semaphore, #tpu.memory_space<semaphore_mem>>) src(%arg9 : memref<16x128xf32, #tpu.memory_space<vmem>>) dst(%dma_wait3A_352 : memref<16x128xf32, #tpu.memory_space<vmem_shared>>)
      tpu.yield
    }) : () -> ()
    %mul3A_317 = arith.constant 640 : i32
    %mul3A_318 = arith.muli %arg1, %mul3A_317 : i32
    %add3A_319 = arith.constant 560 : i32
    %add3A_320 = arith.addi %mul3A_318, %add3A_319 : i32
    "tpu.region"() ({
      %run_scoped3A = tpu.sem_alloc : memref<!tpu.dma_semaphore, #tpu.memory_space<semaphore_mem>>
      %dma_start3A = arith.constant 0 : i32
      %dma_start3A_347 = tpu.memref_slice %arg10[%add3A_320, %dma_start3A] : memref<10240x128xf32, #tpu.memory_space<vmem_shared>> -> memref<16x128xf32, #tpu.memory_space<vmem_shared>>
      %dma_start3A_348 = arith.constant 0 : i32
      %dma_start3A_349 = tpu.memref_slice %arg10[%add3A_320, %dma_start3A_348] : memref<10240x128xf32, #tpu.memory_space<vmem_shared>> -> memref<16x128xf32, #tpu.memory_space<vmem_shared>>
      tpu.enqueue_dma source(%arg9 : memref<16x128xf32, #tpu.memory_space<vmem>>) target(%dma_start3A_349 : memref<16x128xf32, #tpu.memory_space<vmem_shared>>) target_semaphore(%run_scoped3A : memref<!tpu.dma_semaphore, #tpu.memory_space<semaphore_mem>>)
      %dma_wait3A = arith.constant 0 : i32
      %dma_wait3A_350 = tpu.memref_slice %arg10[%add3A_320, %dma_wait3A] : memref<10240x128xf32, #tpu.memory_space<vmem_shared>> -> memref<16x128xf32, #tpu.memory_space<vmem_shared>>
      %dma_wait3A_351 = arith.constant 0 : i32
      %dma_wait3A_352 = tpu.memref_slice %arg10[%add3A_320, %dma_wait3A_351] : memref<10240x128xf32, #tpu.memory_space<vmem_shared>> -> memref<16x128xf32, #tpu.memory_space<vmem_shared>>
      tpu.wait_dma2 semaphore(%run_scoped3A : memref<!tpu.dma_semaphore, #tpu.memory_space<semaphore_mem>>) src(%arg9 : memref<16x128xf32, #tpu.memory_space<vmem>>) dst(%dma_wait3A_352 : memref<16x128xf32, #tpu.memory_space<vmem_shared>>)
      tpu.yield
    }) : () -> ()
    %mul3A_321 = arith.constant 640 : i32
    %mul3A_322 = arith.muli %arg1, %mul3A_321 : i32
    %add3A_323 = arith.constant 576 : i32
    %add3A_324 = arith.addi %mul3A_322, %add3A_323 : i32
    "tpu.region"() ({
      %run_scoped3A = tpu.sem_alloc : memref<!tpu.dma_semaphore, #tpu.memory_space<semaphore_mem>>
      %dma_start3A = arith.constant 0 : i32
      %dma_start3A_347 = tpu.memref_slice %arg10[%add3A_324, %dma_start3A] : memref<10240x128xf32, #tpu.memory_space<vmem_shared>> -> memref<16x128xf32, #tpu.memory_space<vmem_shared>>
      %dma_start3A_348 = arith.constant 0 : i32
      %dma_start3A_349 = tpu.memref_slice %arg10[%add3A_324, %dma_start3A_348] : memref<10240x128xf32, #tpu.memory_space<vmem_shared>> -> memref<16x128xf32, #tpu.memory_space<vmem_shared>>
      tpu.enqueue_dma source(%arg9 : memref<16x128xf32, #tpu.memory_space<vmem>>) target(%dma_start3A_349 : memref<16x128xf32, #tpu.memory_space<vmem_shared>>) target_semaphore(%run_scoped3A : memref<!tpu.dma_semaphore, #tpu.memory_space<semaphore_mem>>)
      %dma_wait3A = arith.constant 0 : i32
      %dma_wait3A_350 = tpu.memref_slice %arg10[%add3A_324, %dma_wait3A] : memref<10240x128xf32, #tpu.memory_space<vmem_shared>> -> memref<16x128xf32, #tpu.memory_space<vmem_shared>>
      %dma_wait3A_351 = arith.constant 0 : i32
      %dma_wait3A_352 = tpu.memref_slice %arg10[%add3A_324, %dma_wait3A_351] : memref<10240x128xf32, #tpu.memory_space<vmem_shared>> -> memref<16x128xf32, #tpu.memory_space<vmem_shared>>
      tpu.wait_dma2 semaphore(%run_scoped3A : memref<!tpu.dma_semaphore, #tpu.memory_space<semaphore_mem>>) src(%arg9 : memref<16x128xf32, #tpu.memory_space<vmem>>) dst(%dma_wait3A_352 : memref<16x128xf32, #tpu.memory_space<vmem_shared>>)
      tpu.yield
    }) : () -> ()
    %mul3A_325 = arith.constant 640 : i32
    %mul3A_326 = arith.muli %arg1, %mul3A_325 : i32
    %add3A_327 = arith.constant 592 : i32
    %add3A_328 = arith.addi %mul3A_326, %add3A_327 : i32
    "tpu.region"() ({
      %run_scoped3A = tpu.sem_alloc : memref<!tpu.dma_semaphore, #tpu.memory_space<semaphore_mem>>
      %dma_start3A = arith.constant 0 : i32
      %dma_start3A_347 = tpu.memref_slice %arg10[%add3A_328, %dma_start3A] : memref<10240x128xf32, #tpu.memory_space<vmem_shared>> -> memref<16x128xf32, #tpu.memory_space<vmem_shared>>
      %dma_start3A_348 = arith.constant 0 : i32
      %dma_start3A_349 = tpu.memref_slice %arg10[%add3A_328, %dma_start3A_348] : memref<10240x128xf32, #tpu.memory_space<vmem_shared>> -> memref<16x128xf32, #tpu.memory_space<vmem_shared>>
      tpu.enqueue_dma source(%arg9 : memref<16x128xf32, #tpu.memory_space<vmem>>) target(%dma_start3A_349 : memref<16x128xf32, #tpu.memory_space<vmem_shared>>) target_semaphore(%run_scoped3A : memref<!tpu.dma_semaphore, #tpu.memory_space<semaphore_mem>>)
      %dma_wait3A = arith.constant 0 : i32
      %dma_wait3A_350 = tpu.memref_slice %arg10[%add3A_328, %dma_wait3A] : memref<10240x128xf32, #tpu.memory_space<vmem_shared>> -> memref<16x128xf32, #tpu.memory_space<vmem_shared>>
      %dma_wait3A_351 = arith.constant 0 : i32
      %dma_wait3A_352 = tpu.memref_slice %arg10[%add3A_328, %dma_wait3A_351] : memref<10240x128xf32, #tpu.memory_space<vmem_shared>> -> memref<16x128xf32, #tpu.memory_space<vmem_shared>>
      tpu.wait_dma2 semaphore(%run_scoped3A : memref<!tpu.dma_semaphore, #tpu.memory_space<semaphore_mem>>) src(%arg9 : memref<16x128xf32, #tpu.memory_space<vmem>>) dst(%dma_wait3A_352 : memref<16x128xf32, #tpu.memory_space<vmem_shared>>)
      tpu.yield
    }) : () -> ()
    %mul3A_329 = arith.constant 640 : i32
    %mul3A_330 = arith.muli %arg1, %mul3A_329 : i32
    %add3A_331 = arith.constant 608 : i32
    %add3A_332 = arith.addi %mul3A_330, %add3A_331 : i32
    "tpu.region"() ({
      %run_scoped3A = tpu.sem_alloc : memref<!tpu.dma_semaphore, #tpu.memory_space<semaphore_mem>>
      %dma_start3A = arith.constant 0 : i32
      %dma_start3A_347 = tpu.memref_slice %arg10[%add3A_332, %dma_start3A] : memref<10240x128xf32, #tpu.memory_space<vmem_shared>> -> memref<16x128xf32, #tpu.memory_space<vmem_shared>>
      %dma_start3A_348 = arith.constant 0 : i32
      %dma_start3A_349 = tpu.memref_slice %arg10[%add3A_332, %dma_start3A_348] : memref<10240x128xf32, #tpu.memory_space<vmem_shared>> -> memref<16x128xf32, #tpu.memory_space<vmem_shared>>
      tpu.enqueue_dma source(%arg9 : memref<16x128xf32, #tpu.memory_space<vmem>>) target(%dma_start3A_349 : memref<16x128xf32, #tpu.memory_space<vmem_shared>>) target_semaphore(%run_scoped3A : memref<!tpu.dma_semaphore, #tpu.memory_space<semaphore_mem>>)
      %dma_wait3A = arith.constant 0 : i32
      %dma_wait3A_350 = tpu.memref_slice %arg10[%add3A_332, %dma_wait3A] : memref<10240x128xf32, #tpu.memory_space<vmem_shared>> -> memref<16x128xf32, #tpu.memory_space<vmem_shared>>
      %dma_wait3A_351 = arith.constant 0 : i32
      %dma_wait3A_352 = tpu.memref_slice %arg10[%add3A_332, %dma_wait3A_351] : memref<10240x128xf32, #tpu.memory_space<vmem_shared>> -> memref<16x128xf32, #tpu.memory_space<vmem_shared>>
      tpu.wait_dma2 semaphore(%run_scoped3A : memref<!tpu.dma_semaphore, #tpu.memory_space<semaphore_mem>>) src(%arg9 : memref<16x128xf32, #tpu.memory_space<vmem>>) dst(%dma_wait3A_352 : memref<16x128xf32, #tpu.memory_space<vmem_shared>>)
      tpu.yield
    }) : () -> ()
    %mul3A_333 = arith.constant 640 : i32
    %mul3A_334 = arith.muli %arg1, %mul3A_333 : i32
    %add3A_335 = arith.constant 624 : i32
    %add3A_336 = arith.addi %mul3A_334, %add3A_335 : i32
    "tpu.region"() ({
      %run_scoped3A = tpu.sem_alloc : memref<!tpu.dma_semaphore, #tpu.memory_space<semaphore_mem>>
      %dma_start3A = arith.constant 0 : i32
      %dma_start3A_347 = tpu.memref_slice %arg10[%add3A_336, %dma_start3A] : memref<10240x128xf32, #tpu.memory_space<vmem_shared>> -> memref<16x128xf32, #tpu.memory_space<vmem_shared>>
      %dma_start3A_348 = arith.constant 0 : i32
      %dma_start3A_349 = tpu.memref_slice %arg10[%add3A_336, %dma_start3A_348] : memref<10240x128xf32, #tpu.memory_space<vmem_shared>> -> memref<16x128xf32, #tpu.memory_space<vmem_shared>>
      tpu.enqueue_dma source(%arg9 : memref<16x128xf32, #tpu.memory_space<vmem>>) target(%dma_start3A_349 : memref<16x128xf32, #tpu.memory_space<vmem_shared>>) target_semaphore(%run_scoped3A : memref<!tpu.dma_semaphore, #tpu.memory_space<semaphore_mem>>)
      %dma_wait3A = arith.constant 0 : i32
      %dma_wait3A_350 = tpu.memref_slice %arg10[%add3A_336, %dma_wait3A] : memref<10240x128xf32, #tpu.memory_space<vmem_shared>> -> memref<16x128xf32, #tpu.memory_space<vmem_shared>>
      %dma_wait3A_351 = arith.constant 0 : i32
      %dma_wait3A_352 = tpu.memref_slice %arg10[%add3A_336, %dma_wait3A_351] : memref<10240x128xf32, #tpu.memory_space<vmem_shared>> -> memref<16x128xf32, #tpu.memory_space<vmem_shared>>
      tpu.wait_dma2 semaphore(%run_scoped3A : memref<!tpu.dma_semaphore, #tpu.memory_space<semaphore_mem>>) src(%arg9 : memref<16x128xf32, #tpu.memory_space<vmem>>) dst(%dma_wait3A_352 : memref<16x128xf32, #tpu.memory_space<vmem_shared>>)
      tpu.yield
    }) : () -> ()
    %barrier3A_337 = arith.constant 0 : index
    tpu.barrier barrier_id(%barrier3A_337)
    %scan3A_338 = arith.constant 0 : i32
    %scan3A_339 = arith.constant 0 : i32
    %scan3A_340 = arith.constant 79 : i32
    %scan3A_341 = arith.addi %scan3A_339, %scan3A_340 : i32
    %scan3A_342 = arith.constant 1 : i32
    scf.for %scan3A_347 = %scan3A_339 to %scan3A_341 step %scan3A_342  : i32 {
      "tpu.region"() ({
        %run_scoped3A = tpu.sem_alloc : memref<!tpu.dma_semaphore, #tpu.memory_space<semaphore_mem>>
        %dma_start3A = arith.constant 0 : i32
        %dma_start3A_348 = tpu.memref_slice %arg6[%scan3A_347, %dma_start3A] : memref<79x128xi32, #tpu.memory_space<vmem>> -> memref<1x128xi32, #tpu.memory_space<vmem>>
        %dma_start3A_349 = tpu.memref_squeeze %dma_start3A_348 : memref<1x128xi32, #tpu.memory_space<vmem>> -> memref<128xi32, #tpu.memory_space<vmem>>
        %dma_start3A_350 = arith.constant 0 : i32
        %dma_start3A_351 = arith.constant 0 : i32
        %dma_start3A_352 = tpu.memref_slice %arg2[%add3A_176, %dma_start3A_350, %dma_start3A_351] : memref<4x10240x128xf32, #tpu.memory_space<hbm>> -> memref<1x10240x128xf32, #tpu.memory_space<hbm>>
        %dma_start3A_353 = tpu.memref_squeeze %dma_start3A_352 : memref<1x10240x128xf32, #tpu.memory_space<hbm>> -> memref<10240x128xf32, #tpu.memory_space<hbm>>
        %dma_start3A_354 = arith.constant 0 : i32
        %dma_start3A_355 = arith.constant 0 : i32
        %dma_start3A_356 = tpu.memref_slice %dma_start3A_353[%dma_start3A_354, %dma_start3A_355] : memref<10240x128xf32, #tpu.memory_space<hbm>> -> memref<10240x128xf32, #tpu.memory_space<hbm>>
        tpu.enqueue_indirect_dma source(%dma_start3A_356 : memref<10240x128xf32, #tpu.memory_space<hbm>>) target(%arg8 : memref<128x128xf32, #tpu.memory_space<vmem>>) offsets(%dma_start3A_349 : memref<128xi32, #tpu.memory_space<vmem>>) semaphore(%run_scoped3A : memref<!tpu.dma_semaphore, #tpu.memory_space<semaphore_mem>>)
        %dma_wait3A = arith.constant 0 : i32
        %dma_wait3A_357 = tpu.memref_slice %arg6[%scan3A_347, %dma_wait3A] : memref<79x128xi32, #tpu.memory_space<vmem>> -> memref<1x128xi32, #tpu.memory_space<vmem>>
        %dma_wait3A_358 = tpu.memref_squeeze %dma_wait3A_357 : memref<1x128xi32, #tpu.memory_space<vmem>> -> memref<128xi32, #tpu.memory_space<vmem>>
        %dma_wait3A_359 = arith.constant 0 : i32
        %dma_wait3A_360 = arith.constant 0 : i32
        %dma_wait3A_361 = tpu.memref_slice %arg2[%add3A_176, %dma_wait3A_359, %dma_wait3A_360] : memref<4x10240x128xf32, #tpu.memory_space<hbm>> -> memref<1x10240x128xf32, #tpu.memory_space<hbm>>
        %dma_wait3A_362 = tpu.memref_squeeze %dma_wait3A_361 : memref<1x10240x128xf32, #tpu.memory_space<hbm>> -> memref<10240x128xf32, #tpu.memory_space<hbm>>
        %dma_wait3A_363 = arith.constant 0 : i32
        %dma_wait3A_364 = arith.constant 0 : i32
        %dma_wait3A_365 = tpu.memref_slice %dma_wait3A_362[%dma_wait3A_363, %dma_wait3A_364] : memref<10240x128xf32, #tpu.memory_space<hbm>> -> memref<10240x128xf32, #tpu.memory_space<hbm>>
        tpu.wait_indirect_dma semaphore(%run_scoped3A : memref<!tpu.dma_semaphore, #tpu.memory_space<semaphore_mem>>) src(%dma_wait3A_365 : memref<10240x128xf32, #tpu.memory_space<hbm>>) dst(%arg8 : memref<128x128xf32, #tpu.memory_space<vmem>>)
        tpu.yield
      }) : () -> ()
      "tpu.region"() ({
        %run_scoped3A = tpu.sem_alloc : memref<!tpu.dma_semaphore, #tpu.memory_space<semaphore_mem>>
        %dma_start3A = arith.constant 0 : i32
        %dma_start3A_348 = tpu.memref_slice %arg7[%scan3A_347, %dma_start3A] : memref<79x128xi32, #tpu.memory_space<vmem>> -> memref<1x128xi32, #tpu.memory_space<vmem>>
        %dma_start3A_349 = tpu.memref_squeeze %dma_start3A_348 : memref<1x128xi32, #tpu.memory_space<vmem>> -> memref<128xi32, #tpu.memory_space<vmem>>
        %dma_start3A_350 = arith.constant 0 : i32
        %dma_start3A_351 = arith.constant 0 : i32
        %dma_start3A_352 = tpu.memref_slice %arg10[%dma_start3A_350, %dma_start3A_351] : memref<10240x128xf32, #tpu.memory_space<vmem_shared>> -> memref<10240x128xf32, #tpu.memory_space<vmem_shared>>
        tpu.enqueue_indirect_dma source(%arg8 : memref<128x128xf32, #tpu.memory_space<vmem>>) target(%dma_start3A_352 : memref<10240x128xf32, #tpu.memory_space<vmem_shared>>) offsets(%dma_start3A_349 : memref<128xi32, #tpu.memory_space<vmem>>) semaphore(%run_scoped3A : memref<!tpu.dma_semaphore, #tpu.memory_space<semaphore_mem>>) {add = true}
        %dma_wait3A = arith.constant 0 : i32
        %dma_wait3A_353 = tpu.memref_slice %arg7[%scan3A_347, %dma_wait3A] : memref<79x128xi32, #tpu.memory_space<vmem>> -> memref<1x128xi32, #tpu.memory_space<vmem>>
        %dma_wait3A_354 = tpu.memref_squeeze %dma_wait3A_353 : memref<1x128xi32, #tpu.memory_space<vmem>> -> memref<128xi32, #tpu.memory_space<vmem>>
        %dma_wait3A_355 = arith.constant 0 : i32
        %dma_wait3A_356 = arith.constant 0 : i32
        %dma_wait3A_357 = tpu.memref_slice %arg10[%dma_wait3A_355, %dma_wait3A_356] : memref<10240x128xf32, #tpu.memory_space<vmem_shared>> -> memref<10240x128xf32, #tpu.memory_space<vmem_shared>>
        tpu.wait_indirect_dma semaphore(%run_scoped3A : memref<!tpu.dma_semaphore, #tpu.memory_space<semaphore_mem>>) src(%arg8 : memref<128x128xf32, #tpu.memory_space<vmem>>) dst(%dma_wait3A_357 : memref<10240x128xf32, #tpu.memory_space<vmem_shared>>)
        tpu.yield
      }) : () -> ()
    }
    %scan3A_343 = arith.constant 79 : i32
    %barrier3A_344 = arith.constant 0 : index
    tpu.barrier barrier_id(%barrier3A_344)
    %mul3A_345 = arith.constant 640 : i32
    %mul3A_346 = arith.muli %arg1, %mul3A_345 : i32
    "tpu.region"() ({
      %run_scoped3A = tpu.sem_alloc : memref<!tpu.dma_semaphore, #tpu.memory_space<semaphore_mem>>
      %dma_start3A = arith.constant 0 : i32
      %dma_start3A_347 = arith.constant 0 : i32
      %dma_start3A_348 = tpu.memref_slice %arg5[%add3A_176, %dma_start3A, %dma_start3A_347] : memref<4x10240x128xf32, #tpu.memory_space<hbm>> -> memref<1x10240x128xf32, #tpu.memory_space<hbm>>
      %dma_start3A_349 = tpu.memref_squeeze %dma_start3A_348 : memref<1x10240x128xf32, #tpu.memory_space<hbm>> -> memref<10240x128xf32, #tpu.memory_space<hbm>>
      %dma_start3A_350 = arith.constant 0 : i32
      %dma_start3A_351 = tpu.memref_slice %dma_start3A_349[%mul3A_346, %dma_start3A_350] : memref<10240x128xf32, #tpu.memory_space<hbm>> -> memref<640x128xf32, #tpu.memory_space<hbm>>
      %dma_start3A_352 = arith.constant 0 : i32
      %dma_start3A_353 = tpu.memref_slice %arg10[%mul3A_346, %dma_start3A_352] : memref<10240x128xf32, #tpu.memory_space<vmem_shared>> -> memref<640x128xf32, #tpu.memory_space<vmem_shared>>
      tpu.enqueue_dma source(%dma_start3A_353 : memref<640x128xf32, #tpu.memory_space<vmem_shared>>) target(%dma_start3A_351 : memref<640x128xf32, #tpu.memory_space<hbm>>) target_semaphore(%run_scoped3A : memref<!tpu.dma_semaphore, #tpu.memory_space<semaphore_mem>>)
      %dma_wait3A = arith.constant 0 : i32
      %dma_wait3A_354 = arith.constant 0 : i32
      %dma_wait3A_355 = tpu.memref_slice %arg5[%add3A_176, %dma_wait3A, %dma_wait3A_354] : memref<4x10240x128xf32, #tpu.memory_space<hbm>> -> memref<1x10240x128xf32, #tpu.memory_space<hbm>>
      %dma_wait3A_356 = tpu.memref_squeeze %dma_wait3A_355 : memref<1x10240x128xf32, #tpu.memory_space<hbm>> -> memref<10240x128xf32, #tpu.memory_space<hbm>>
      %dma_wait3A_357 = arith.constant 0 : i32
      %dma_wait3A_358 = tpu.memref_slice %dma_wait3A_356[%mul3A_346, %dma_wait3A_357] : memref<10240x128xf32, #tpu.memory_space<hbm>> -> memref<640x128xf32, #tpu.memory_space<hbm>>
      %dma_wait3A_359 = arith.constant 0 : i32
      %dma_wait3A_360 = tpu.memref_slice %arg10[%mul3A_346, %dma_wait3A_359] : memref<10240x128xf32, #tpu.memory_space<vmem_shared>> -> memref<640x128xf32, #tpu.memory_space<vmem_shared>>
      tpu.wait_dma2 semaphore(%run_scoped3A : memref<!tpu.dma_semaphore, #tpu.memory_space<semaphore_mem>>) src(%dma_wait3A_360 : memref<640x128xf32, #tpu.memory_space<vmem_shared>>) dst(%dma_wait3A_358 : memref<640x128xf32, #tpu.memory_space<hbm>>)
      tpu.yield
    }) : () -> ()
    return
  }
}

#map = affine_map<(d0, d1) -> (0, 0, 0)>
module attributes {stable_mosaic.version = 14 : i64} {
  func.func @agg(%arg0: i32, %arg1: i32, %arg2: memref<2x10240x128xf32, #tpu.memory_space<hbm>>, %arg3: memref<16x79x128xi32, #tpu.memory_space<hbm>>, %arg4: memref<16x79x128xi32, #tpu.memory_space<hbm>>, %arg5: memref<2x10240x128xf32, #tpu.memory_space<hbm>>, %arg6: memref<79x128xi32, #tpu.memory_space<vmem>>, %arg7: memref<79x128xi32, #tpu.memory_space<vmem>>, %arg8: memref<128x128xf32, #tpu.memory_space<vmem>>, %arg9: memref<16x128xf32, #tpu.memory_space<vmem>>, %arg10: memref<10240x128xf32, #tpu.memory_space<vmem_shared>>) attributes {dimension_semantics = [#tpu.dimension_semantics<core_parallel>, #tpu.dimension_semantics<subcore_parallel>], iteration_bounds = array<i64: 2, 16>, scalar_prefetch = 0 : i64, scratch_operands = 5 : i64, tpu.core_type = #tpu.core_type<sc_vector_subcore>, window_params = [{transform_indices = #map}, {transform_indices = #map}, {transform_indices = #map}, {transform_indices = #map}]} {
    "tpu.region"() ({
      %run_scoped3A = tpu.sem_alloc : memref<!tpu.dma_semaphore, #tpu.memory_space<semaphore_mem>>
      %dma_start3A = arith.constant 0 : i32
      %dma_start3A_174 = arith.constant 0 : i32
      %dma_start3A_175 = tpu.memref_slice %arg3[%arg1, %dma_start3A, %dma_start3A_174] : memref<16x79x128xi32, #tpu.memory_space<hbm>> -> memref<1x79x128xi32, #tpu.memory_space<hbm>>
      %dma_start3A_176 = tpu.memref_squeeze %dma_start3A_175 : memref<1x79x128xi32, #tpu.memory_space<hbm>> -> memref<79x128xi32, #tpu.memory_space<hbm>>
      %dma_start3A_177 = arith.constant 0 : i32
      %dma_start3A_178 = arith.constant 0 : i32
      %dma_start3A_179 = tpu.memref_slice %arg3[%arg1, %dma_start3A_177, %dma_start3A_178] : memref<16x79x128xi32, #tpu.memory_space<hbm>> -> memref<1x79x128xi32, #tpu.memory_space<hbm>>
      %dma_start3A_180 = tpu.memref_squeeze %dma_start3A_179 : memref<1x79x128xi32, #tpu.memory_space<hbm>> -> memref<79x128xi32, #tpu.memory_space<hbm>>
      tpu.enqueue_dma source(%dma_start3A_180 : memref<79x128xi32, #tpu.memory_space<hbm>>) target(%arg6 : memref<79x128xi32, #tpu.memory_space<vmem>>) target_semaphore(%run_scoped3A : memref<!tpu.dma_semaphore, #tpu.memory_space<semaphore_mem>>)
      %dma_wait3A = arith.constant 0 : i32
      %dma_wait3A_181 = arith.constant 0 : i32
      %dma_wait3A_182 = tpu.memref_slice %arg3[%arg1, %dma_wait3A, %dma_wait3A_181] : memref<16x79x128xi32, #tpu.memory_space<hbm>> -> memref<1x79x128xi32, #tpu.memory_space<hbm>>
      %dma_wait3A_183 = tpu.memref_squeeze %dma_wait3A_182 : memref<1x79x128xi32, #tpu.memory_space<hbm>> -> memref<79x128xi32, #tpu.memory_space<hbm>>
      %dma_wait3A_184 = arith.constant 0 : i32
      %dma_wait3A_185 = arith.constant 0 : i32
      %dma_wait3A_186 = tpu.memref_slice %arg3[%arg1, %dma_wait3A_184, %dma_wait3A_185] : memref<16x79x128xi32, #tpu.memory_space<hbm>> -> memref<1x79x128xi32, #tpu.memory_space<hbm>>
      %dma_wait3A_187 = tpu.memref_squeeze %dma_wait3A_186 : memref<1x79x128xi32, #tpu.memory_space<hbm>> -> memref<79x128xi32, #tpu.memory_space<hbm>>
      tpu.wait_dma2 semaphore(%run_scoped3A : memref<!tpu.dma_semaphore, #tpu.memory_space<semaphore_mem>>) src(%dma_wait3A_187 : memref<79x128xi32, #tpu.memory_space<hbm>>) dst(%arg6 : memref<79x128xi32, #tpu.memory_space<vmem>>)
      tpu.yield
    }) : () -> ()
    "tpu.region"() ({
      %run_scoped3A = tpu.sem_alloc : memref<!tpu.dma_semaphore, #tpu.memory_space<semaphore_mem>>
      %dma_start3A = arith.constant 0 : i32
      %dma_start3A_174 = arith.constant 0 : i32
      %dma_start3A_175 = tpu.memref_slice %arg4[%arg1, %dma_start3A, %dma_start3A_174] : memref<16x79x128xi32, #tpu.memory_space<hbm>> -> memref<1x79x128xi32, #tpu.memory_space<hbm>>
      %dma_start3A_176 = tpu.memref_squeeze %dma_start3A_175 : memref<1x79x128xi32, #tpu.memory_space<hbm>> -> memref<79x128xi32, #tpu.memory_space<hbm>>
      %dma_start3A_177 = arith.constant 0 : i32
      %dma_start3A_178 = arith.constant 0 : i32
      %dma_start3A_179 = tpu.memref_slice %arg4[%arg1, %dma_start3A_177, %dma_start3A_178] : memref<16x79x128xi32, #tpu.memory_space<hbm>> -> memref<1x79x128xi32, #tpu.memory_space<hbm>>
      %dma_start3A_180 = tpu.memref_squeeze %dma_start3A_179 : memref<1x79x128xi32, #tpu.memory_space<hbm>> -> memref<79x128xi32, #tpu.memory_space<hbm>>
      tpu.enqueue_dma source(%dma_start3A_180 : memref<79x128xi32, #tpu.memory_space<hbm>>) target(%arg7 : memref<79x128xi32, #tpu.memory_space<vmem>>) target_semaphore(%run_scoped3A : memref<!tpu.dma_semaphore, #tpu.memory_space<semaphore_mem>>)
      %dma_wait3A = arith.constant 0 : i32
      %dma_wait3A_181 = arith.constant 0 : i32
      %dma_wait3A_182 = tpu.memref_slice %arg4[%arg1, %dma_wait3A, %dma_wait3A_181] : memref<16x79x128xi32, #tpu.memory_space<hbm>> -> memref<1x79x128xi32, #tpu.memory_space<hbm>>
      %dma_wait3A_183 = tpu.memref_squeeze %dma_wait3A_182 : memref<1x79x128xi32, #tpu.memory_space<hbm>> -> memref<79x128xi32, #tpu.memory_space<hbm>>
      %dma_wait3A_184 = arith.constant 0 : i32
      %dma_wait3A_185 = arith.constant 0 : i32
      %dma_wait3A_186 = tpu.memref_slice %arg4[%arg1, %dma_wait3A_184, %dma_wait3A_185] : memref<16x79x128xi32, #tpu.memory_space<hbm>> -> memref<1x79x128xi32, #tpu.memory_space<hbm>>
      %dma_wait3A_187 = tpu.memref_squeeze %dma_wait3A_186 : memref<1x79x128xi32, #tpu.memory_space<hbm>> -> memref<79x128xi32, #tpu.memory_space<hbm>>
      tpu.wait_dma2 semaphore(%run_scoped3A : memref<!tpu.dma_semaphore, #tpu.memory_space<semaphore_mem>>) src(%dma_wait3A_187 : memref<79x128xi32, #tpu.memory_space<hbm>>) dst(%arg7 : memref<79x128xi32, #tpu.memory_space<vmem>>)
      tpu.yield
    }) : () -> ()
    %scan3A = arith.constant 0 : i32
    %scan3A_0 = arith.constant 0 : i32
    %scan3A_1 = arith.constant 128 : i32
    %scan3A_2 = arith.addi %scan3A_0, %scan3A_1 : i32
    %scan3A_3 = arith.constant 1 : i32
    scf.for %scan3A_174 = %scan3A_0 to %scan3A_2 step %scan3A_3  : i32 {
      %broadcast_in_dim3A = arith.constant 0.000000e+00 : f32
      %broadcast_in_dim3A_175 = vector.broadcast %broadcast_in_dim3A : f32 to vector<16xf32>
      %jit3A = arith.constant 8 : i32
      %div3A = arith.divsi %scan3A_174, %jit3A : i32
      %sign3A = arith.constant 0 : i32
      %sign3A_176 = arith.cmpi sgt, %scan3A_174, %sign3A : i32
      %sign3A_177 = arith.extui %sign3A_176 : i1 to i32
      %sign3A_178 = arith.constant 0 : i32
      %sign3A_179 = arith.cmpi slt, %scan3A_174, %sign3A_178 : i32
      %sign3A_180 = arith.extui %sign3A_179 : i1 to i32
      %sign3A_181 = arith.subi %sign3A_177, %sign3A_180 : i32
      %sign3A_182 = arith.constant 0 : i32
      %sign3A_183 = arith.cmpi sgt, %jit3A, %sign3A_182 : i32
      %sign3A_184 = arith.extui %sign3A_183 : i1 to i32
      %sign3A_185 = arith.constant 0 : i32
      %sign3A_186 = arith.cmpi slt, %jit3A, %sign3A_185 : i32
      %sign3A_187 = arith.extui %sign3A_186 : i1 to i32
      %sign3A_188 = arith.subi %sign3A_184, %sign3A_187 : i32
      %ne3A = arith.cmpi ne, %sign3A_181, %sign3A_188 : i32
      %rem3A = arith.remsi %scan3A_174, %jit3A : i32
      %ne3A_189 = arith.constant 0 : i32
      %ne3A_190 = arith.cmpi ne, %rem3A, %ne3A_189 : i32
      %and3A = arith.andi %ne3A, %ne3A_190 : i1
      %sub3A = arith.constant 1 : i32
      %sub3A_191 = arith.subi %div3A, %sub3A : i32
      %select_n3A = arith.select %and3A, %sub3A_191, %div3A : i32
      %jit3A_192 = arith.constant 8 : i32
      %eq3A = arith.constant 0 : i32
      %eq3A_193 = arith.cmpi eq, %jit3A_192, %eq3A : i32
      %jit3A_194 = arith.constant 1 : i32
      %select_n3A_195 = arith.select %eq3A_193, %jit3A_194, %jit3A_192 : i32
      %rem3A_196 = arith.remsi %scan3A_174, %select_n3A_195 : i32
      %ne3A_197 = arith.constant 0 : i32
      %ne3A_198 = arith.cmpi ne, %rem3A_196, %ne3A_197 : i32
      %lt3A = arith.constant 0 : i32
      %lt3A_199 = arith.cmpi slt, %rem3A_196, %lt3A : i32
      %lt3A_200 = arith.constant 0 : i32
      %lt3A_201 = arith.cmpi slt, %select_n3A_195, %lt3A_200 : i32
      %ne3A_202 = arith.xori %lt3A_199, %lt3A_201 : i1
      %and3A_203 = arith.andi %ne3A_202, %ne3A_198 : i1
      %add3A_204 = arith.addi %rem3A_196, %select_n3A_195 : i32
      %select_n3A_205 = arith.select %and3A_203, %add3A_204, %rem3A_196 : i32
      %mul3A_206 = arith.constant 16 : i32
      %mul3A_207 = arith.muli %select_n3A_205, %mul3A_206 : i32
      %swap3A = arith.index_cast %select_n3A : i32 to index
      %swap3A_208 = arith.index_cast %mul3A_207 : i32 to index
      %swap3A_209 = tpu.vector_load %arg9[%swap3A, %swap3A_208] {strides = array<i32>} : memref<16x128xf32, #tpu.memory_space<vmem>>, vector<1x16xf32>,
      %swap3A_210 = vector.shape_cast %swap3A_209 : vector<1x16xf32> to vector<16xf32>
      %swap3A_211 = vector.shape_cast %broadcast_in_dim3A_175 : vector<16xf32> to vector<1x16xf32>
      tpu.vector_store %arg9[%swap3A, %swap3A_208], %swap3A_211 {strides = array<i32>} : memref<16x128xf32, #tpu.memory_space<vmem>>, vector<1x16xf32>,
    }
    %scan3A_4 = arith.constant 128 : i32
    %add3A = arith.constant 0 : i32
    %add3A_5 = arith.addi %add3A, %arg0 : i32
    %mul3A = arith.constant 640 : i32
    %mul3A_6 = arith.muli %arg1, %mul3A : i32
    %add3A_7 = arith.constant 0 : i32
    %add3A_8 = arith.addi %mul3A_6, %add3A_7 : i32
    "tpu.region"() ({
      %run_scoped3A = tpu.sem_alloc : memref<!tpu.dma_semaphore, #tpu.memory_space<semaphore_mem>>
      %dma_start3A = arith.constant 0 : i32
      %dma_start3A_174 = tpu.memref_slice %arg10[%add3A_8, %dma_start3A] : memref<10240x128xf32, #tpu.memory_space<vmem_shared>> -> memref<16x128xf32, #tpu.memory_space<vmem_shared>>
      %dma_start3A_175 = arith.constant 0 : i32
      %dma_start3A_176 = tpu.memref_slice %arg10[%add3A_8, %dma_start3A_175] : memref<10240x128xf32, #tpu.memory_space<vmem_shared>> -> memref<16x128xf32, #tpu.memory_space<vmem_shared>>
      tpu.enqueue_dma source(%arg9 : memref<16x128xf32, #tpu.memory_space<vmem>>) target(%dma_start3A_176 : memref<16x128xf32, #tpu.memory_space<vmem_shared>>) target_semaphore(%run_scoped3A : memref<!tpu.dma_semaphore, #tpu.memory_space<semaphore_mem>>)
      %dma_wait3A = arith.constant 0 : i32
      %dma_wait3A_177 = tpu.memref_slice %arg10[%add3A_8, %dma_wait3A] : memref<10240x128xf32, #tpu.memory_space<vmem_shared>> -> memref<16x128xf32, #tpu.memory_space<vmem_shared>>
      %dma_wait3A_178 = arith.constant 0 : i32
      %dma_wait3A_179 = tpu.memref_slice %arg10[%add3A_8, %dma_wait3A_178] : memref<10240x128xf32, #tpu.memory_space<vmem_shared>> -> memref<16x128xf32, #tpu.memory_space<vmem_shared>>
      tpu.wait_dma2 semaphore(%run_scoped3A : memref<!tpu.dma_semaphore, #tpu.memory_space<semaphore_mem>>) src(%arg9 : memref<16x128xf32, #tpu.memory_space<vmem>>) dst(%dma_wait3A_179 : memref<16x128xf32, #tpu.memory_space<vmem_shared>>)
      tpu.yield
    }) : () -> ()
    %mul3A_9 = arith.constant 640 : i32
    %mul3A_10 = arith.muli %arg1, %mul3A_9 : i32
    %add3A_11 = arith.constant 16 : i32
    %add3A_12 = arith.addi %mul3A_10, %add3A_11 : i32
    "tpu.region"() ({
      %run_scoped3A = tpu.sem_alloc : memref<!tpu.dma_semaphore, #tpu.memory_space<semaphore_mem>>
      %dma_start3A = arith.constant 0 : i32
      %dma_start3A_174 = tpu.memref_slice %arg10[%add3A_12, %dma_start3A] : memref<10240x128xf32, #tpu.memory_space<vmem_shared>> -> memref<16x128xf32, #tpu.memory_space<vmem_shared>>
      %dma_start3A_175 = arith.constant 0 : i32
      %dma_start3A_176 = tpu.memref_slice %arg10[%add3A_12, %dma_start3A_175] : memref<10240x128xf32, #tpu.memory_space<vmem_shared>> -> memref<16x128xf32, #tpu.memory_space<vmem_shared>>
      tpu.enqueue_dma source(%arg9 : memref<16x128xf32, #tpu.memory_space<vmem>>) target(%dma_start3A_176 : memref<16x128xf32, #tpu.memory_space<vmem_shared>>) target_semaphore(%run_scoped3A : memref<!tpu.dma_semaphore, #tpu.memory_space<semaphore_mem>>)
      %dma_wait3A = arith.constant 0 : i32
      %dma_wait3A_177 = tpu.memref_slice %arg10[%add3A_12, %dma_wait3A] : memref<10240x128xf32, #tpu.memory_space<vmem_shared>> -> memref<16x128xf32, #tpu.memory_space<vmem_shared>>
      %dma_wait3A_178 = arith.constant 0 : i32
      %dma_wait3A_179 = tpu.memref_slice %arg10[%add3A_12, %dma_wait3A_178] : memref<10240x128xf32, #tpu.memory_space<vmem_shared>> -> memref<16x128xf32, #tpu.memory_space<vmem_shared>>
      tpu.wait_dma2 semaphore(%run_scoped3A : memref<!tpu.dma_semaphore, #tpu.memory_space<semaphore_mem>>) src(%arg9 : memref<16x128xf32, #tpu.memory_space<vmem>>) dst(%dma_wait3A_179 : memref<16x128xf32, #tpu.memory_space<vmem_shared>>)
      tpu.yield
    }) : () -> ()
    %mul3A_13 = arith.constant 640 : i32
    %mul3A_14 = arith.muli %arg1, %mul3A_13 : i32
    %add3A_15 = arith.constant 32 : i32
    %add3A_16 = arith.addi %mul3A_14, %add3A_15 : i32
    "tpu.region"() ({
      %run_scoped3A = tpu.sem_alloc : memref<!tpu.dma_semaphore, #tpu.memory_space<semaphore_mem>>
      %dma_start3A = arith.constant 0 : i32
      %dma_start3A_174 = tpu.memref_slice %arg10[%add3A_16, %dma_start3A] : memref<10240x128xf32, #tpu.memory_space<vmem_shared>> -> memref<16x128xf32, #tpu.memory_space<vmem_shared>>
      %dma_start3A_175 = arith.constant 0 : i32
      %dma_start3A_176 = tpu.memref_slice %arg10[%add3A_16, %dma_start3A_175] : memref<10240x128xf32, #tpu.memory_space<vmem_shared>> -> memref<16x128xf32, #tpu.memory_space<vmem_shared>>
      tpu.enqueue_dma source(%arg9 : memref<16x128xf32, #tpu.memory_space<vmem>>) target(%dma_start3A_176 : memref<16x128xf32, #tpu.memory_space<vmem_shared>>) target_semaphore(%run_scoped3A : memref<!tpu.dma_semaphore, #tpu.memory_space<semaphore_mem>>)
      %dma_wait3A = arith.constant 0 : i32
      %dma_wait3A_177 = tpu.memref_slice %arg10[%add3A_16, %dma_wait3A] : memref<10240x128xf32, #tpu.memory_space<vmem_shared>> -> memref<16x128xf32, #tpu.memory_space<vmem_shared>>
      %dma_wait3A_178 = arith.constant 0 : i32
      %dma_wait3A_179 = tpu.memref_slice %arg10[%add3A_16, %dma_wait3A_178] : memref<10240x128xf32, #tpu.memory_space<vmem_shared>> -> memref<16x128xf32, #tpu.memory_space<vmem_shared>>
      tpu.wait_dma2 semaphore(%run_scoped3A : memref<!tpu.dma_semaphore, #tpu.memory_space<semaphore_mem>>) src(%arg9 : memref<16x128xf32, #tpu.memory_space<vmem>>) dst(%dma_wait3A_179 : memref<16x128xf32, #tpu.memory_space<vmem_shared>>)
      tpu.yield
    }) : () -> ()
    %mul3A_17 = arith.constant 640 : i32
    %mul3A_18 = arith.muli %arg1, %mul3A_17 : i32
    %add3A_19 = arith.constant 48 : i32
    %add3A_20 = arith.addi %mul3A_18, %add3A_19 : i32
    "tpu.region"() ({
      %run_scoped3A = tpu.sem_alloc : memref<!tpu.dma_semaphore, #tpu.memory_space<semaphore_mem>>
      %dma_start3A = arith.constant 0 : i32
      %dma_start3A_174 = tpu.memref_slice %arg10[%add3A_20, %dma_start3A] : memref<10240x128xf32, #tpu.memory_space<vmem_shared>> -> memref<16x128xf32, #tpu.memory_space<vmem_shared>>
      %dma_start3A_175 = arith.constant 0 : i32
      %dma_start3A_176 = tpu.memref_slice %arg10[%add3A_20, %dma_start3A_175] : memref<10240x128xf32, #tpu.memory_space<vmem_shared>> -> memref<16x128xf32, #tpu.memory_space<vmem_shared>>
      tpu.enqueue_dma source(%arg9 : memref<16x128xf32, #tpu.memory_space<vmem>>) target(%dma_start3A_176 : memref<16x128xf32, #tpu.memory_space<vmem_shared>>) target_semaphore(%run_scoped3A : memref<!tpu.dma_semaphore, #tpu.memory_space<semaphore_mem>>)
      %dma_wait3A = arith.constant 0 : i32
      %dma_wait3A_177 = tpu.memref_slice %arg10[%add3A_20, %dma_wait3A] : memref<10240x128xf32, #tpu.memory_space<vmem_shared>> -> memref<16x128xf32, #tpu.memory_space<vmem_shared>>
      %dma_wait3A_178 = arith.constant 0 : i32
      %dma_wait3A_179 = tpu.memref_slice %arg10[%add3A_20, %dma_wait3A_178] : memref<10240x128xf32, #tpu.memory_space<vmem_shared>> -> memref<16x128xf32, #tpu.memory_space<vmem_shared>>
      tpu.wait_dma2 semaphore(%run_scoped3A : memref<!tpu.dma_semaphore, #tpu.memory_space<semaphore_mem>>) src(%arg9 : memref<16x128xf32, #tpu.memory_space<vmem>>) dst(%dma_wait3A_179 : memref<16x128xf32, #tpu.memory_space<vmem_shared>>)
      tpu.yield
    }) : () -> ()
    %mul3A_21 = arith.constant 640 : i32
    %mul3A_22 = arith.muli %arg1, %mul3A_21 : i32
    %add3A_23 = arith.constant 64 : i32
    %add3A_24 = arith.addi %mul3A_22, %add3A_23 : i32
    "tpu.region"() ({
      %run_scoped3A = tpu.sem_alloc : memref<!tpu.dma_semaphore, #tpu.memory_space<semaphore_mem>>
      %dma_start3A = arith.constant 0 : i32
      %dma_start3A_174 = tpu.memref_slice %arg10[%add3A_24, %dma_start3A] : memref<10240x128xf32, #tpu.memory_space<vmem_shared>> -> memref<16x128xf32, #tpu.memory_space<vmem_shared>>
      %dma_start3A_175 = arith.constant 0 : i32
      %dma_start3A_176 = tpu.memref_slice %arg10[%add3A_24, %dma_start3A_175] : memref<10240x128xf32, #tpu.memory_space<vmem_shared>> -> memref<16x128xf32, #tpu.memory_space<vmem_shared>>
      tpu.enqueue_dma source(%arg9 : memref<16x128xf32, #tpu.memory_space<vmem>>) target(%dma_start3A_176 : memref<16x128xf32, #tpu.memory_space<vmem_shared>>) target_semaphore(%run_scoped3A : memref<!tpu.dma_semaphore, #tpu.memory_space<semaphore_mem>>)
      %dma_wait3A = arith.constant 0 : i32
      %dma_wait3A_177 = tpu.memref_slice %arg10[%add3A_24, %dma_wait3A] : memref<10240x128xf32, #tpu.memory_space<vmem_shared>> -> memref<16x128xf32, #tpu.memory_space<vmem_shared>>
      %dma_wait3A_178 = arith.constant 0 : i32
      %dma_wait3A_179 = tpu.memref_slice %arg10[%add3A_24, %dma_wait3A_178] : memref<10240x128xf32, #tpu.memory_space<vmem_shared>> -> memref<16x128xf32, #tpu.memory_space<vmem_shared>>
      tpu.wait_dma2 semaphore(%run_scoped3A : memref<!tpu.dma_semaphore, #tpu.memory_space<semaphore_mem>>) src(%arg9 : memref<16x128xf32, #tpu.memory_space<vmem>>) dst(%dma_wait3A_179 : memref<16x128xf32, #tpu.memory_space<vmem_shared>>)
      tpu.yield
    }) : () -> ()
    %mul3A_25 = arith.constant 640 : i32
    %mul3A_26 = arith.muli %arg1, %mul3A_25 : i32
    %add3A_27 = arith.constant 80 : i32
    %add3A_28 = arith.addi %mul3A_26, %add3A_27 : i32
    "tpu.region"() ({
      %run_scoped3A = tpu.sem_alloc : memref<!tpu.dma_semaphore, #tpu.memory_space<semaphore_mem>>
      %dma_start3A = arith.constant 0 : i32
      %dma_start3A_174 = tpu.memref_slice %arg10[%add3A_28, %dma_start3A] : memref<10240x128xf32, #tpu.memory_space<vmem_shared>> -> memref<16x128xf32, #tpu.memory_space<vmem_shared>>
      %dma_start3A_175 = arith.constant 0 : i32
      %dma_start3A_176 = tpu.memref_slice %arg10[%add3A_28, %dma_start3A_175] : memref<10240x128xf32, #tpu.memory_space<vmem_shared>> -> memref<16x128xf32, #tpu.memory_space<vmem_shared>>
      tpu.enqueue_dma source(%arg9 : memref<16x128xf32, #tpu.memory_space<vmem>>) target(%dma_start3A_176 : memref<16x128xf32, #tpu.memory_space<vmem_shared>>) target_semaphore(%run_scoped3A : memref<!tpu.dma_semaphore, #tpu.memory_space<semaphore_mem>>)
      %dma_wait3A = arith.constant 0 : i32
      %dma_wait3A_177 = tpu.memref_slice %arg10[%add3A_28, %dma_wait3A] : memref<10240x128xf32, #tpu.memory_space<vmem_shared>> -> memref<16x128xf32, #tpu.memory_space<vmem_shared>>
      %dma_wait3A_178 = arith.constant 0 : i32
      %dma_wait3A_179 = tpu.memref_slice %arg10[%add3A_28, %dma_wait3A_178] : memref<10240x128xf32, #tpu.memory_space<vmem_shared>> -> memref<16x128xf32, #tpu.memory_space<vmem_shared>>
      tpu.wait_dma2 semaphore(%run_scoped3A : memref<!tpu.dma_semaphore, #tpu.memory_space<semaphore_mem>>) src(%arg9 : memref<16x128xf32, #tpu.memory_space<vmem>>) dst(%dma_wait3A_179 : memref<16x128xf32, #tpu.memory_space<vmem_shared>>)
      tpu.yield
    }) : () -> ()
    %mul3A_29 = arith.constant 640 : i32
    %mul3A_30 = arith.muli %arg1, %mul3A_29 : i32
    %add3A_31 = arith.constant 96 : i32
    %add3A_32 = arith.addi %mul3A_30, %add3A_31 : i32
    "tpu.region"() ({
      %run_scoped3A = tpu.sem_alloc : memref<!tpu.dma_semaphore, #tpu.memory_space<semaphore_mem>>
      %dma_start3A = arith.constant 0 : i32
      %dma_start3A_174 = tpu.memref_slice %arg10[%add3A_32, %dma_start3A] : memref<10240x128xf32, #tpu.memory_space<vmem_shared>> -> memref<16x128xf32, #tpu.memory_space<vmem_shared>>
      %dma_start3A_175 = arith.constant 0 : i32
      %dma_start3A_176 = tpu.memref_slice %arg10[%add3A_32, %dma_start3A_175] : memref<10240x128xf32, #tpu.memory_space<vmem_shared>> -> memref<16x128xf32, #tpu.memory_space<vmem_shared>>
      tpu.enqueue_dma source(%arg9 : memref<16x128xf32, #tpu.memory_space<vmem>>) target(%dma_start3A_176 : memref<16x128xf32, #tpu.memory_space<vmem_shared>>) target_semaphore(%run_scoped3A : memref<!tpu.dma_semaphore, #tpu.memory_space<semaphore_mem>>)
      %dma_wait3A = arith.constant 0 : i32
      %dma_wait3A_177 = tpu.memref_slice %arg10[%add3A_32, %dma_wait3A] : memref<10240x128xf32, #tpu.memory_space<vmem_shared>> -> memref<16x128xf32, #tpu.memory_space<vmem_shared>>
      %dma_wait3A_178 = arith.constant 0 : i32
      %dma_wait3A_179 = tpu.memref_slice %arg10[%add3A_32, %dma_wait3A_178] : memref<10240x128xf32, #tpu.memory_space<vmem_shared>> -> memref<16x128xf32, #tpu.memory_space<vmem_shared>>
      tpu.wait_dma2 semaphore(%run_scoped3A : memref<!tpu.dma_semaphore, #tpu.memory_space<semaphore_mem>>) src(%arg9 : memref<16x128xf32, #tpu.memory_space<vmem>>) dst(%dma_wait3A_179 : memref<16x128xf32, #tpu.memory_space<vmem_shared>>)
      tpu.yield
    }) : () -> ()
    %mul3A_33 = arith.constant 640 : i32
    %mul3A_34 = arith.muli %arg1, %mul3A_33 : i32
    %add3A_35 = arith.constant 112 : i32
    %add3A_36 = arith.addi %mul3A_34, %add3A_35 : i32
    "tpu.region"() ({
      %run_scoped3A = tpu.sem_alloc : memref<!tpu.dma_semaphore, #tpu.memory_space<semaphore_mem>>
      %dma_start3A = arith.constant 0 : i32
      %dma_start3A_174 = tpu.memref_slice %arg10[%add3A_36, %dma_start3A] : memref<10240x128xf32, #tpu.memory_space<vmem_shared>> -> memref<16x128xf32, #tpu.memory_space<vmem_shared>>
      %dma_start3A_175 = arith.constant 0 : i32
      %dma_start3A_176 = tpu.memref_slice %arg10[%add3A_36, %dma_start3A_175] : memref<10240x128xf32, #tpu.memory_space<vmem_shared>> -> memref<16x128xf32, #tpu.memory_space<vmem_shared>>
      tpu.enqueue_dma source(%arg9 : memref<16x128xf32, #tpu.memory_space<vmem>>) target(%dma_start3A_176 : memref<16x128xf32, #tpu.memory_space<vmem_shared>>) target_semaphore(%run_scoped3A : memref<!tpu.dma_semaphore, #tpu.memory_space<semaphore_mem>>)
      %dma_wait3A = arith.constant 0 : i32
      %dma_wait3A_177 = tpu.memref_slice %arg10[%add3A_36, %dma_wait3A] : memref<10240x128xf32, #tpu.memory_space<vmem_shared>> -> memref<16x128xf32, #tpu.memory_space<vmem_shared>>
      %dma_wait3A_178 = arith.constant 0 : i32
      %dma_wait3A_179 = tpu.memref_slice %arg10[%add3A_36, %dma_wait3A_178] : memref<10240x128xf32, #tpu.memory_space<vmem_shared>> -> memref<16x128xf32, #tpu.memory_space<vmem_shared>>
      tpu.wait_dma2 semaphore(%run_scoped3A : memref<!tpu.dma_semaphore, #tpu.memory_space<semaphore_mem>>) src(%arg9 : memref<16x128xf32, #tpu.memory_space<vmem>>) dst(%dma_wait3A_179 : memref<16x128xf32, #tpu.memory_space<vmem_shared>>)
      tpu.yield
    }) : () -> ()
    %mul3A_37 = arith.constant 640 : i32
    %mul3A_38 = arith.muli %arg1, %mul3A_37 : i32
    %add3A_39 = arith.constant 128 : i32
    %add3A_40 = arith.addi %mul3A_38, %add3A_39 : i32
    "tpu.region"() ({
      %run_scoped3A = tpu.sem_alloc : memref<!tpu.dma_semaphore, #tpu.memory_space<semaphore_mem>>
      %dma_start3A = arith.constant 0 : i32
      %dma_start3A_174 = tpu.memref_slice %arg10[%add3A_40, %dma_start3A] : memref<10240x128xf32, #tpu.memory_space<vmem_shared>> -> memref<16x128xf32, #tpu.memory_space<vmem_shared>>
      %dma_start3A_175 = arith.constant 0 : i32
      %dma_start3A_176 = tpu.memref_slice %arg10[%add3A_40, %dma_start3A_175] : memref<10240x128xf32, #tpu.memory_space<vmem_shared>> -> memref<16x128xf32, #tpu.memory_space<vmem_shared>>
      tpu.enqueue_dma source(%arg9 : memref<16x128xf32, #tpu.memory_space<vmem>>) target(%dma_start3A_176 : memref<16x128xf32, #tpu.memory_space<vmem_shared>>) target_semaphore(%run_scoped3A : memref<!tpu.dma_semaphore, #tpu.memory_space<semaphore_mem>>)
      %dma_wait3A = arith.constant 0 : i32
      %dma_wait3A_177 = tpu.memref_slice %arg10[%add3A_40, %dma_wait3A] : memref<10240x128xf32, #tpu.memory_space<vmem_shared>> -> memref<16x128xf32, #tpu.memory_space<vmem_shared>>
      %dma_wait3A_178 = arith.constant 0 : i32
      %dma_wait3A_179 = tpu.memref_slice %arg10[%add3A_40, %dma_wait3A_178] : memref<10240x128xf32, #tpu.memory_space<vmem_shared>> -> memref<16x128xf32, #tpu.memory_space<vmem_shared>>
      tpu.wait_dma2 semaphore(%run_scoped3A : memref<!tpu.dma_semaphore, #tpu.memory_space<semaphore_mem>>) src(%arg9 : memref<16x128xf32, #tpu.memory_space<vmem>>) dst(%dma_wait3A_179 : memref<16x128xf32, #tpu.memory_space<vmem_shared>>)
      tpu.yield
    }) : () -> ()
    %mul3A_41 = arith.constant 640 : i32
    %mul3A_42 = arith.muli %arg1, %mul3A_41 : i32
    %add3A_43 = arith.constant 144 : i32
    %add3A_44 = arith.addi %mul3A_42, %add3A_43 : i32
    "tpu.region"() ({
      %run_scoped3A = tpu.sem_alloc : memref<!tpu.dma_semaphore, #tpu.memory_space<semaphore_mem>>
      %dma_start3A = arith.constant 0 : i32
      %dma_start3A_174 = tpu.memref_slice %arg10[%add3A_44, %dma_start3A] : memref<10240x128xf32, #tpu.memory_space<vmem_shared>> -> memref<16x128xf32, #tpu.memory_space<vmem_shared>>
      %dma_start3A_175 = arith.constant 0 : i32
      %dma_start3A_176 = tpu.memref_slice %arg10[%add3A_44, %dma_start3A_175] : memref<10240x128xf32, #tpu.memory_space<vmem_shared>> -> memref<16x128xf32, #tpu.memory_space<vmem_shared>>
      tpu.enqueue_dma source(%arg9 : memref<16x128xf32, #tpu.memory_space<vmem>>) target(%dma_start3A_176 : memref<16x128xf32, #tpu.memory_space<vmem_shared>>) target_semaphore(%run_scoped3A : memref<!tpu.dma_semaphore, #tpu.memory_space<semaphore_mem>>)
      %dma_wait3A = arith.constant 0 : i32
      %dma_wait3A_177 = tpu.memref_slice %arg10[%add3A_44, %dma_wait3A] : memref<10240x128xf32, #tpu.memory_space<vmem_shared>> -> memref<16x128xf32, #tpu.memory_space<vmem_shared>>
      %dma_wait3A_178 = arith.constant 0 : i32
      %dma_wait3A_179 = tpu.memref_slice %arg10[%add3A_44, %dma_wait3A_178] : memref<10240x128xf32, #tpu.memory_space<vmem_shared>> -> memref<16x128xf32, #tpu.memory_space<vmem_shared>>
      tpu.wait_dma2 semaphore(%run_scoped3A : memref<!tpu.dma_semaphore, #tpu.memory_space<semaphore_mem>>) src(%arg9 : memref<16x128xf32, #tpu.memory_space<vmem>>) dst(%dma_wait3A_179 : memref<16x128xf32, #tpu.memory_space<vmem_shared>>)
      tpu.yield
    }) : () -> ()
    %mul3A_45 = arith.constant 640 : i32
    %mul3A_46 = arith.muli %arg1, %mul3A_45 : i32
    %add3A_47 = arith.constant 160 : i32
    %add3A_48 = arith.addi %mul3A_46, %add3A_47 : i32
    "tpu.region"() ({
      %run_scoped3A = tpu.sem_alloc : memref<!tpu.dma_semaphore, #tpu.memory_space<semaphore_mem>>
      %dma_start3A = arith.constant 0 : i32
      %dma_start3A_174 = tpu.memref_slice %arg10[%add3A_48, %dma_start3A] : memref<10240x128xf32, #tpu.memory_space<vmem_shared>> -> memref<16x128xf32, #tpu.memory_space<vmem_shared>>
      %dma_start3A_175 = arith.constant 0 : i32
      %dma_start3A_176 = tpu.memref_slice %arg10[%add3A_48, %dma_start3A_175] : memref<10240x128xf32, #tpu.memory_space<vmem_shared>> -> memref<16x128xf32, #tpu.memory_space<vmem_shared>>
      tpu.enqueue_dma source(%arg9 : memref<16x128xf32, #tpu.memory_space<vmem>>) target(%dma_start3A_176 : memref<16x128xf32, #tpu.memory_space<vmem_shared>>) target_semaphore(%run_scoped3A : memref<!tpu.dma_semaphore, #tpu.memory_space<semaphore_mem>>)
      %dma_wait3A = arith.constant 0 : i32
      %dma_wait3A_177 = tpu.memref_slice %arg10[%add3A_48, %dma_wait3A] : memref<10240x128xf32, #tpu.memory_space<vmem_shared>> -> memref<16x128xf32, #tpu.memory_space<vmem_shared>>
      %dma_wait3A_178 = arith.constant 0 : i32
      %dma_wait3A_179 = tpu.memref_slice %arg10[%add3A_48, %dma_wait3A_178] : memref<10240x128xf32, #tpu.memory_space<vmem_shared>> -> memref<16x128xf32, #tpu.memory_space<vmem_shared>>
      tpu.wait_dma2 semaphore(%run_scoped3A : memref<!tpu.dma_semaphore, #tpu.memory_space<semaphore_mem>>) src(%arg9 : memref<16x128xf32, #tpu.memory_space<vmem>>) dst(%dma_wait3A_179 : memref<16x128xf32, #tpu.memory_space<vmem_shared>>)
      tpu.yield
    }) : () -> ()
    %mul3A_49 = arith.constant 640 : i32
    %mul3A_50 = arith.muli %arg1, %mul3A_49 : i32
    %add3A_51 = arith.constant 176 : i32
    %add3A_52 = arith.addi %mul3A_50, %add3A_51 : i32
    "tpu.region"() ({
      %run_scoped3A = tpu.sem_alloc : memref<!tpu.dma_semaphore, #tpu.memory_space<semaphore_mem>>
      %dma_start3A = arith.constant 0 : i32
      %dma_start3A_174 = tpu.memref_slice %arg10[%add3A_52, %dma_start3A] : memref<10240x128xf32, #tpu.memory_space<vmem_shared>> -> memref<16x128xf32, #tpu.memory_space<vmem_shared>>
      %dma_start3A_175 = arith.constant 0 : i32
      %dma_start3A_176 = tpu.memref_slice %arg10[%add3A_52, %dma_start3A_175] : memref<10240x128xf32, #tpu.memory_space<vmem_shared>> -> memref<16x128xf32, #tpu.memory_space<vmem_shared>>
      tpu.enqueue_dma source(%arg9 : memref<16x128xf32, #tpu.memory_space<vmem>>) target(%dma_start3A_176 : memref<16x128xf32, #tpu.memory_space<vmem_shared>>) target_semaphore(%run_scoped3A : memref<!tpu.dma_semaphore, #tpu.memory_space<semaphore_mem>>)
      %dma_wait3A = arith.constant 0 : i32
      %dma_wait3A_177 = tpu.memref_slice %arg10[%add3A_52, %dma_wait3A] : memref<10240x128xf32, #tpu.memory_space<vmem_shared>> -> memref<16x128xf32, #tpu.memory_space<vmem_shared>>
      %dma_wait3A_178 = arith.constant 0 : i32
      %dma_wait3A_179 = tpu.memref_slice %arg10[%add3A_52, %dma_wait3A_178] : memref<10240x128xf32, #tpu.memory_space<vmem_shared>> -> memref<16x128xf32, #tpu.memory_space<vmem_shared>>
      tpu.wait_dma2 semaphore(%run_scoped3A : memref<!tpu.dma_semaphore, #tpu.memory_space<semaphore_mem>>) src(%arg9 : memref<16x128xf32, #tpu.memory_space<vmem>>) dst(%dma_wait3A_179 : memref<16x128xf32, #tpu.memory_space<vmem_shared>>)
      tpu.yield
    }) : () -> ()
    %mul3A_53 = arith.constant 640 : i32
    %mul3A_54 = arith.muli %arg1, %mul3A_53 : i32
    %add3A_55 = arith.constant 192 : i32
    %add3A_56 = arith.addi %mul3A_54, %add3A_55 : i32
    "tpu.region"() ({
      %run_scoped3A = tpu.sem_alloc : memref<!tpu.dma_semaphore, #tpu.memory_space<semaphore_mem>>
      %dma_start3A = arith.constant 0 : i32
      %dma_start3A_174 = tpu.memref_slice %arg10[%add3A_56, %dma_start3A] : memref<10240x128xf32, #tpu.memory_space<vmem_shared>> -> memref<16x128xf32, #tpu.memory_space<vmem_shared>>
      %dma_start3A_175 = arith.constant 0 : i32
      %dma_start3A_176 = tpu.memref_slice %arg10[%add3A_56, %dma_start3A_175] : memref<10240x128xf32, #tpu.memory_space<vmem_shared>> -> memref<16x128xf32, #tpu.memory_space<vmem_shared>>
      tpu.enqueue_dma source(%arg9 : memref<16x128xf32, #tpu.memory_space<vmem>>) target(%dma_start3A_176 : memref<16x128xf32, #tpu.memory_space<vmem_shared>>) target_semaphore(%run_scoped3A : memref<!tpu.dma_semaphore, #tpu.memory_space<semaphore_mem>>)
      %dma_wait3A = arith.constant 0 : i32
      %dma_wait3A_177 = tpu.memref_slice %arg10[%add3A_56, %dma_wait3A] : memref<10240x128xf32, #tpu.memory_space<vmem_shared>> -> memref<16x128xf32, #tpu.memory_space<vmem_shared>>
      %dma_wait3A_178 = arith.constant 0 : i32
      %dma_wait3A_179 = tpu.memref_slice %arg10[%add3A_56, %dma_wait3A_178] : memref<10240x128xf32, #tpu.memory_space<vmem_shared>> -> memref<16x128xf32, #tpu.memory_space<vmem_shared>>
      tpu.wait_dma2 semaphore(%run_scoped3A : memref<!tpu.dma_semaphore, #tpu.memory_space<semaphore_mem>>) src(%arg9 : memref<16x128xf32, #tpu.memory_space<vmem>>) dst(%dma_wait3A_179 : memref<16x128xf32, #tpu.memory_space<vmem_shared>>)
      tpu.yield
    }) : () -> ()
    %mul3A_57 = arith.constant 640 : i32
    %mul3A_58 = arith.muli %arg1, %mul3A_57 : i32
    %add3A_59 = arith.constant 208 : i32
    %add3A_60 = arith.addi %mul3A_58, %add3A_59 : i32
    "tpu.region"() ({
      %run_scoped3A = tpu.sem_alloc : memref<!tpu.dma_semaphore, #tpu.memory_space<semaphore_mem>>
      %dma_start3A = arith.constant 0 : i32
      %dma_start3A_174 = tpu.memref_slice %arg10[%add3A_60, %dma_start3A] : memref<10240x128xf32, #tpu.memory_space<vmem_shared>> -> memref<16x128xf32, #tpu.memory_space<vmem_shared>>
      %dma_start3A_175 = arith.constant 0 : i32
      %dma_start3A_176 = tpu.memref_slice %arg10[%add3A_60, %dma_start3A_175] : memref<10240x128xf32, #tpu.memory_space<vmem_shared>> -> memref<16x128xf32, #tpu.memory_space<vmem_shared>>
      tpu.enqueue_dma source(%arg9 : memref<16x128xf32, #tpu.memory_space<vmem>>) target(%dma_start3A_176 : memref<16x128xf32, #tpu.memory_space<vmem_shared>>) target_semaphore(%run_scoped3A : memref<!tpu.dma_semaphore, #tpu.memory_space<semaphore_mem>>)
      %dma_wait3A = arith.constant 0 : i32
      %dma_wait3A_177 = tpu.memref_slice %arg10[%add3A_60, %dma_wait3A] : memref<10240x128xf32, #tpu.memory_space<vmem_shared>> -> memref<16x128xf32, #tpu.memory_space<vmem_shared>>
      %dma_wait3A_178 = arith.constant 0 : i32
      %dma_wait3A_179 = tpu.memref_slice %arg10[%add3A_60, %dma_wait3A_178] : memref<10240x128xf32, #tpu.memory_space<vmem_shared>> -> memref<16x128xf32, #tpu.memory_space<vmem_shared>>
      tpu.wait_dma2 semaphore(%run_scoped3A : memref<!tpu.dma_semaphore, #tpu.memory_space<semaphore_mem>>) src(%arg9 : memref<16x128xf32, #tpu.memory_space<vmem>>) dst(%dma_wait3A_179 : memref<16x128xf32, #tpu.memory_space<vmem_shared>>)
      tpu.yield
    }) : () -> ()
    %mul3A_61 = arith.constant 640 : i32
    %mul3A_62 = arith.muli %arg1, %mul3A_61 : i32
    %add3A_63 = arith.constant 224 : i32
    %add3A_64 = arith.addi %mul3A_62, %add3A_63 : i32
    "tpu.region"() ({
      %run_scoped3A = tpu.sem_alloc : memref<!tpu.dma_semaphore, #tpu.memory_space<semaphore_mem>>
      %dma_start3A = arith.constant 0 : i32
      %dma_start3A_174 = tpu.memref_slice %arg10[%add3A_64, %dma_start3A] : memref<10240x128xf32, #tpu.memory_space<vmem_shared>> -> memref<16x128xf32, #tpu.memory_space<vmem_shared>>
      %dma_start3A_175 = arith.constant 0 : i32
      %dma_start3A_176 = tpu.memref_slice %arg10[%add3A_64, %dma_start3A_175] : memref<10240x128xf32, #tpu.memory_space<vmem_shared>> -> memref<16x128xf32, #tpu.memory_space<vmem_shared>>
      tpu.enqueue_dma source(%arg9 : memref<16x128xf32, #tpu.memory_space<vmem>>) target(%dma_start3A_176 : memref<16x128xf32, #tpu.memory_space<vmem_shared>>) target_semaphore(%run_scoped3A : memref<!tpu.dma_semaphore, #tpu.memory_space<semaphore_mem>>)
      %dma_wait3A = arith.constant 0 : i32
      %dma_wait3A_177 = tpu.memref_slice %arg10[%add3A_64, %dma_wait3A] : memref<10240x128xf32, #tpu.memory_space<vmem_shared>> -> memref<16x128xf32, #tpu.memory_space<vmem_shared>>
      %dma_wait3A_178 = arith.constant 0 : i32
      %dma_wait3A_179 = tpu.memref_slice %arg10[%add3A_64, %dma_wait3A_178] : memref<10240x128xf32, #tpu.memory_space<vmem_shared>> -> memref<16x128xf32, #tpu.memory_space<vmem_shared>>
      tpu.wait_dma2 semaphore(%run_scoped3A : memref<!tpu.dma_semaphore, #tpu.memory_space<semaphore_mem>>) src(%arg9 : memref<16x128xf32, #tpu.memory_space<vmem>>) dst(%dma_wait3A_179 : memref<16x128xf32, #tpu.memory_space<vmem_shared>>)
      tpu.yield
    }) : () -> ()
    %mul3A_65 = arith.constant 640 : i32
    %mul3A_66 = arith.muli %arg1, %mul3A_65 : i32
    %add3A_67 = arith.constant 240 : i32
    %add3A_68 = arith.addi %mul3A_66, %add3A_67 : i32
    "tpu.region"() ({
      %run_scoped3A = tpu.sem_alloc : memref<!tpu.dma_semaphore, #tpu.memory_space<semaphore_mem>>
      %dma_start3A = arith.constant 0 : i32
      %dma_start3A_174 = tpu.memref_slice %arg10[%add3A_68, %dma_start3A] : memref<10240x128xf32, #tpu.memory_space<vmem_shared>> -> memref<16x128xf32, #tpu.memory_space<vmem_shared>>
      %dma_start3A_175 = arith.constant 0 : i32
      %dma_start3A_176 = tpu.memref_slice %arg10[%add3A_68, %dma_start3A_175] : memref<10240x128xf32, #tpu.memory_space<vmem_shared>> -> memref<16x128xf32, #tpu.memory_space<vmem_shared>>
      tpu.enqueue_dma source(%arg9 : memref<16x128xf32, #tpu.memory_space<vmem>>) target(%dma_start3A_176 : memref<16x128xf32, #tpu.memory_space<vmem_shared>>) target_semaphore(%run_scoped3A : memref<!tpu.dma_semaphore, #tpu.memory_space<semaphore_mem>>)
      %dma_wait3A = arith.constant 0 : i32
      %dma_wait3A_177 = tpu.memref_slice %arg10[%add3A_68, %dma_wait3A] : memref<10240x128xf32, #tpu.memory_space<vmem_shared>> -> memref<16x128xf32, #tpu.memory_space<vmem_shared>>
      %dma_wait3A_178 = arith.constant 0 : i32
      %dma_wait3A_179 = tpu.memref_slice %arg10[%add3A_68, %dma_wait3A_178] : memref<10240x128xf32, #tpu.memory_space<vmem_shared>> -> memref<16x128xf32, #tpu.memory_space<vmem_shared>>
      tpu.wait_dma2 semaphore(%run_scoped3A : memref<!tpu.dma_semaphore, #tpu.memory_space<semaphore_mem>>) src(%arg9 : memref<16x128xf32, #tpu.memory_space<vmem>>) dst(%dma_wait3A_179 : memref<16x128xf32, #tpu.memory_space<vmem_shared>>)
      tpu.yield
    }) : () -> ()
    %mul3A_69 = arith.constant 640 : i32
    %mul3A_70 = arith.muli %arg1, %mul3A_69 : i32
    %add3A_71 = arith.constant 256 : i32
    %add3A_72 = arith.addi %mul3A_70, %add3A_71 : i32
    "tpu.region"() ({
      %run_scoped3A = tpu.sem_alloc : memref<!tpu.dma_semaphore, #tpu.memory_space<semaphore_mem>>
      %dma_start3A = arith.constant 0 : i32
      %dma_start3A_174 = tpu.memref_slice %arg10[%add3A_72, %dma_start3A] : memref<10240x128xf32, #tpu.memory_space<vmem_shared>> -> memref<16x128xf32, #tpu.memory_space<vmem_shared>>
      %dma_start3A_175 = arith.constant 0 : i32
      %dma_start3A_176 = tpu.memref_slice %arg10[%add3A_72, %dma_start3A_175] : memref<10240x128xf32, #tpu.memory_space<vmem_shared>> -> memref<16x128xf32, #tpu.memory_space<vmem_shared>>
      tpu.enqueue_dma source(%arg9 : memref<16x128xf32, #tpu.memory_space<vmem>>) target(%dma_start3A_176 : memref<16x128xf32, #tpu.memory_space<vmem_shared>>) target_semaphore(%run_scoped3A : memref<!tpu.dma_semaphore, #tpu.memory_space<semaphore_mem>>)
      %dma_wait3A = arith.constant 0 : i32
      %dma_wait3A_177 = tpu.memref_slice %arg10[%add3A_72, %dma_wait3A] : memref<10240x128xf32, #tpu.memory_space<vmem_shared>> -> memref<16x128xf32, #tpu.memory_space<vmem_shared>>
      %dma_wait3A_178 = arith.constant 0 : i32
      %dma_wait3A_179 = tpu.memref_slice %arg10[%add3A_72, %dma_wait3A_178] : memref<10240x128xf32, #tpu.memory_space<vmem_shared>> -> memref<16x128xf32, #tpu.memory_space<vmem_shared>>
      tpu.wait_dma2 semaphore(%run_scoped3A : memref<!tpu.dma_semaphore, #tpu.memory_space<semaphore_mem>>) src(%arg9 : memref<16x128xf32, #tpu.memory_space<vmem>>) dst(%dma_wait3A_179 : memref<16x128xf32, #tpu.memory_space<vmem_shared>>)
      tpu.yield
    }) : () -> ()
    %mul3A_73 = arith.constant 640 : i32
    %mul3A_74 = arith.muli %arg1, %mul3A_73 : i32
    %add3A_75 = arith.constant 272 : i32
    %add3A_76 = arith.addi %mul3A_74, %add3A_75 : i32
    "tpu.region"() ({
      %run_scoped3A = tpu.sem_alloc : memref<!tpu.dma_semaphore, #tpu.memory_space<semaphore_mem>>
      %dma_start3A = arith.constant 0 : i32
      %dma_start3A_174 = tpu.memref_slice %arg10[%add3A_76, %dma_start3A] : memref<10240x128xf32, #tpu.memory_space<vmem_shared>> -> memref<16x128xf32, #tpu.memory_space<vmem_shared>>
      %dma_start3A_175 = arith.constant 0 : i32
      %dma_start3A_176 = tpu.memref_slice %arg10[%add3A_76, %dma_start3A_175] : memref<10240x128xf32, #tpu.memory_space<vmem_shared>> -> memref<16x128xf32, #tpu.memory_space<vmem_shared>>
      tpu.enqueue_dma source(%arg9 : memref<16x128xf32, #tpu.memory_space<vmem>>) target(%dma_start3A_176 : memref<16x128xf32, #tpu.memory_space<vmem_shared>>) target_semaphore(%run_scoped3A : memref<!tpu.dma_semaphore, #tpu.memory_space<semaphore_mem>>)
      %dma_wait3A = arith.constant 0 : i32
      %dma_wait3A_177 = tpu.memref_slice %arg10[%add3A_76, %dma_wait3A] : memref<10240x128xf32, #tpu.memory_space<vmem_shared>> -> memref<16x128xf32, #tpu.memory_space<vmem_shared>>
      %dma_wait3A_178 = arith.constant 0 : i32
      %dma_wait3A_179 = tpu.memref_slice %arg10[%add3A_76, %dma_wait3A_178] : memref<10240x128xf32, #tpu.memory_space<vmem_shared>> -> memref<16x128xf32, #tpu.memory_space<vmem_shared>>
      tpu.wait_dma2 semaphore(%run_scoped3A : memref<!tpu.dma_semaphore, #tpu.memory_space<semaphore_mem>>) src(%arg9 : memref<16x128xf32, #tpu.memory_space<vmem>>) dst(%dma_wait3A_179 : memref<16x128xf32, #tpu.memory_space<vmem_shared>>)
      tpu.yield
    }) : () -> ()
    %mul3A_77 = arith.constant 640 : i32
    %mul3A_78 = arith.muli %arg1, %mul3A_77 : i32
    %add3A_79 = arith.constant 288 : i32
    %add3A_80 = arith.addi %mul3A_78, %add3A_79 : i32
    "tpu.region"() ({
      %run_scoped3A = tpu.sem_alloc : memref<!tpu.dma_semaphore, #tpu.memory_space<semaphore_mem>>
      %dma_start3A = arith.constant 0 : i32
      %dma_start3A_174 = tpu.memref_slice %arg10[%add3A_80, %dma_start3A] : memref<10240x128xf32, #tpu.memory_space<vmem_shared>> -> memref<16x128xf32, #tpu.memory_space<vmem_shared>>
      %dma_start3A_175 = arith.constant 0 : i32
      %dma_start3A_176 = tpu.memref_slice %arg10[%add3A_80, %dma_start3A_175] : memref<10240x128xf32, #tpu.memory_space<vmem_shared>> -> memref<16x128xf32, #tpu.memory_space<vmem_shared>>
      tpu.enqueue_dma source(%arg9 : memref<16x128xf32, #tpu.memory_space<vmem>>) target(%dma_start3A_176 : memref<16x128xf32, #tpu.memory_space<vmem_shared>>) target_semaphore(%run_scoped3A : memref<!tpu.dma_semaphore, #tpu.memory_space<semaphore_mem>>)
      %dma_wait3A = arith.constant 0 : i32
      %dma_wait3A_177 = tpu.memref_slice %arg10[%add3A_80, %dma_wait3A] : memref<10240x128xf32, #tpu.memory_space<vmem_shared>> -> memref<16x128xf32, #tpu.memory_space<vmem_shared>>
      %dma_wait3A_178 = arith.constant 0 : i32
      %dma_wait3A_179 = tpu.memref_slice %arg10[%add3A_80, %dma_wait3A_178] : memref<10240x128xf32, #tpu.memory_space<vmem_shared>> -> memref<16x128xf32, #tpu.memory_space<vmem_shared>>
      tpu.wait_dma2 semaphore(%run_scoped3A : memref<!tpu.dma_semaphore, #tpu.memory_space<semaphore_mem>>) src(%arg9 : memref<16x128xf32, #tpu.memory_space<vmem>>) dst(%dma_wait3A_179 : memref<16x128xf32, #tpu.memory_space<vmem_shared>>)
      tpu.yield
    }) : () -> ()
    %mul3A_81 = arith.constant 640 : i32
    %mul3A_82 = arith.muli %arg1, %mul3A_81 : i32
    %add3A_83 = arith.constant 304 : i32
    %add3A_84 = arith.addi %mul3A_82, %add3A_83 : i32
    "tpu.region"() ({
      %run_scoped3A = tpu.sem_alloc : memref<!tpu.dma_semaphore, #tpu.memory_space<semaphore_mem>>
      %dma_start3A = arith.constant 0 : i32
      %dma_start3A_174 = tpu.memref_slice %arg10[%add3A_84, %dma_start3A] : memref<10240x128xf32, #tpu.memory_space<vmem_shared>> -> memref<16x128xf32, #tpu.memory_space<vmem_shared>>
      %dma_start3A_175 = arith.constant 0 : i32
      %dma_start3A_176 = tpu.memref_slice %arg10[%add3A_84, %dma_start3A_175] : memref<10240x128xf32, #tpu.memory_space<vmem_shared>> -> memref<16x128xf32, #tpu.memory_space<vmem_shared>>
      tpu.enqueue_dma source(%arg9 : memref<16x128xf32, #tpu.memory_space<vmem>>) target(%dma_start3A_176 : memref<16x128xf32, #tpu.memory_space<vmem_shared>>) target_semaphore(%run_scoped3A : memref<!tpu.dma_semaphore, #tpu.memory_space<semaphore_mem>>)
      %dma_wait3A = arith.constant 0 : i32
      %dma_wait3A_177 = tpu.memref_slice %arg10[%add3A_84, %dma_wait3A] : memref<10240x128xf32, #tpu.memory_space<vmem_shared>> -> memref<16x128xf32, #tpu.memory_space<vmem_shared>>
      %dma_wait3A_178 = arith.constant 0 : i32
      %dma_wait3A_179 = tpu.memref_slice %arg10[%add3A_84, %dma_wait3A_178] : memref<10240x128xf32, #tpu.memory_space<vmem_shared>> -> memref<16x128xf32, #tpu.memory_space<vmem_shared>>
      tpu.wait_dma2 semaphore(%run_scoped3A : memref<!tpu.dma_semaphore, #tpu.memory_space<semaphore_mem>>) src(%arg9 : memref<16x128xf32, #tpu.memory_space<vmem>>) dst(%dma_wait3A_179 : memref<16x128xf32, #tpu.memory_space<vmem_shared>>)
      tpu.yield
    }) : () -> ()
    %mul3A_85 = arith.constant 640 : i32
    %mul3A_86 = arith.muli %arg1, %mul3A_85 : i32
    %add3A_87 = arith.constant 320 : i32
    %add3A_88 = arith.addi %mul3A_86, %add3A_87 : i32
    "tpu.region"() ({
      %run_scoped3A = tpu.sem_alloc : memref<!tpu.dma_semaphore, #tpu.memory_space<semaphore_mem>>
      %dma_start3A = arith.constant 0 : i32
      %dma_start3A_174 = tpu.memref_slice %arg10[%add3A_88, %dma_start3A] : memref<10240x128xf32, #tpu.memory_space<vmem_shared>> -> memref<16x128xf32, #tpu.memory_space<vmem_shared>>
      %dma_start3A_175 = arith.constant 0 : i32
      %dma_start3A_176 = tpu.memref_slice %arg10[%add3A_88, %dma_start3A_175] : memref<10240x128xf32, #tpu.memory_space<vmem_shared>> -> memref<16x128xf32, #tpu.memory_space<vmem_shared>>
      tpu.enqueue_dma source(%arg9 : memref<16x128xf32, #tpu.memory_space<vmem>>) target(%dma_start3A_176 : memref<16x128xf32, #tpu.memory_space<vmem_shared>>) target_semaphore(%run_scoped3A : memref<!tpu.dma_semaphore, #tpu.memory_space<semaphore_mem>>)
      %dma_wait3A = arith.constant 0 : i32
      %dma_wait3A_177 = tpu.memref_slice %arg10[%add3A_88, %dma_wait3A] : memref<10240x128xf32, #tpu.memory_space<vmem_shared>> -> memref<16x128xf32, #tpu.memory_space<vmem_shared>>
      %dma_wait3A_178 = arith.constant 0 : i32
      %dma_wait3A_179 = tpu.memref_slice %arg10[%add3A_88, %dma_wait3A_178] : memref<10240x128xf32, #tpu.memory_space<vmem_shared>> -> memref<16x128xf32, #tpu.memory_space<vmem_shared>>
      tpu.wait_dma2 semaphore(%run_scoped3A : memref<!tpu.dma_semaphore, #tpu.memory_space<semaphore_mem>>) src(%arg9 : memref<16x128xf32, #tpu.memory_space<vmem>>) dst(%dma_wait3A_179 : memref<16x128xf32, #tpu.memory_space<vmem_shared>>)
      tpu.yield
    }) : () -> ()
    %mul3A_89 = arith.constant 640 : i32
    %mul3A_90 = arith.muli %arg1, %mul3A_89 : i32
    %add3A_91 = arith.constant 336 : i32
    %add3A_92 = arith.addi %mul3A_90, %add3A_91 : i32
    "tpu.region"() ({
      %run_scoped3A = tpu.sem_alloc : memref<!tpu.dma_semaphore, #tpu.memory_space<semaphore_mem>>
      %dma_start3A = arith.constant 0 : i32
      %dma_start3A_174 = tpu.memref_slice %arg10[%add3A_92, %dma_start3A] : memref<10240x128xf32, #tpu.memory_space<vmem_shared>> -> memref<16x128xf32, #tpu.memory_space<vmem_shared>>
      %dma_start3A_175 = arith.constant 0 : i32
      %dma_start3A_176 = tpu.memref_slice %arg10[%add3A_92, %dma_start3A_175] : memref<10240x128xf32, #tpu.memory_space<vmem_shared>> -> memref<16x128xf32, #tpu.memory_space<vmem_shared>>
      tpu.enqueue_dma source(%arg9 : memref<16x128xf32, #tpu.memory_space<vmem>>) target(%dma_start3A_176 : memref<16x128xf32, #tpu.memory_space<vmem_shared>>) target_semaphore(%run_scoped3A : memref<!tpu.dma_semaphore, #tpu.memory_space<semaphore_mem>>)
      %dma_wait3A = arith.constant 0 : i32
      %dma_wait3A_177 = tpu.memref_slice %arg10[%add3A_92, %dma_wait3A] : memref<10240x128xf32, #tpu.memory_space<vmem_shared>> -> memref<16x128xf32, #tpu.memory_space<vmem_shared>>
      %dma_wait3A_178 = arith.constant 0 : i32
      %dma_wait3A_179 = tpu.memref_slice %arg10[%add3A_92, %dma_wait3A_178] : memref<10240x128xf32, #tpu.memory_space<vmem_shared>> -> memref<16x128xf32, #tpu.memory_space<vmem_shared>>
      tpu.wait_dma2 semaphore(%run_scoped3A : memref<!tpu.dma_semaphore, #tpu.memory_space<semaphore_mem>>) src(%arg9 : memref<16x128xf32, #tpu.memory_space<vmem>>) dst(%dma_wait3A_179 : memref<16x128xf32, #tpu.memory_space<vmem_shared>>)
      tpu.yield
    }) : () -> ()
    %mul3A_93 = arith.constant 640 : i32
    %mul3A_94 = arith.muli %arg1, %mul3A_93 : i32
    %add3A_95 = arith.constant 352 : i32
    %add3A_96 = arith.addi %mul3A_94, %add3A_95 : i32
    "tpu.region"() ({
      %run_scoped3A = tpu.sem_alloc : memref<!tpu.dma_semaphore, #tpu.memory_space<semaphore_mem>>
      %dma_start3A = arith.constant 0 : i32
      %dma_start3A_174 = tpu.memref_slice %arg10[%add3A_96, %dma_start3A] : memref<10240x128xf32, #tpu.memory_space<vmem_shared>> -> memref<16x128xf32, #tpu.memory_space<vmem_shared>>
      %dma_start3A_175 = arith.constant 0 : i32
      %dma_start3A_176 = tpu.memref_slice %arg10[%add3A_96, %dma_start3A_175] : memref<10240x128xf32, #tpu.memory_space<vmem_shared>> -> memref<16x128xf32, #tpu.memory_space<vmem_shared>>
      tpu.enqueue_dma source(%arg9 : memref<16x128xf32, #tpu.memory_space<vmem>>) target(%dma_start3A_176 : memref<16x128xf32, #tpu.memory_space<vmem_shared>>) target_semaphore(%run_scoped3A : memref<!tpu.dma_semaphore, #tpu.memory_space<semaphore_mem>>)
      %dma_wait3A = arith.constant 0 : i32
      %dma_wait3A_177 = tpu.memref_slice %arg10[%add3A_96, %dma_wait3A] : memref<10240x128xf32, #tpu.memory_space<vmem_shared>> -> memref<16x128xf32, #tpu.memory_space<vmem_shared>>
      %dma_wait3A_178 = arith.constant 0 : i32
      %dma_wait3A_179 = tpu.memref_slice %arg10[%add3A_96, %dma_wait3A_178] : memref<10240x128xf32, #tpu.memory_space<vmem_shared>> -> memref<16x128xf32, #tpu.memory_space<vmem_shared>>
      tpu.wait_dma2 semaphore(%run_scoped3A : memref<!tpu.dma_semaphore, #tpu.memory_space<semaphore_mem>>) src(%arg9 : memref<16x128xf32, #tpu.memory_space<vmem>>) dst(%dma_wait3A_179 : memref<16x128xf32, #tpu.memory_space<vmem_shared>>)
      tpu.yield
    }) : () -> ()
    %mul3A_97 = arith.constant 640 : i32
    %mul3A_98 = arith.muli %arg1, %mul3A_97 : i32
    %add3A_99 = arith.constant 368 : i32
    %add3A_100 = arith.addi %mul3A_98, %add3A_99 : i32
    "tpu.region"() ({
      %run_scoped3A = tpu.sem_alloc : memref<!tpu.dma_semaphore, #tpu.memory_space<semaphore_mem>>
      %dma_start3A = arith.constant 0 : i32
      %dma_start3A_174 = tpu.memref_slice %arg10[%add3A_100, %dma_start3A] : memref<10240x128xf32, #tpu.memory_space<vmem_shared>> -> memref<16x128xf32, #tpu.memory_space<vmem_shared>>
      %dma_start3A_175 = arith.constant 0 : i32
      %dma_start3A_176 = tpu.memref_slice %arg10[%add3A_100, %dma_start3A_175] : memref<10240x128xf32, #tpu.memory_space<vmem_shared>> -> memref<16x128xf32, #tpu.memory_space<vmem_shared>>
      tpu.enqueue_dma source(%arg9 : memref<16x128xf32, #tpu.memory_space<vmem>>) target(%dma_start3A_176 : memref<16x128xf32, #tpu.memory_space<vmem_shared>>) target_semaphore(%run_scoped3A : memref<!tpu.dma_semaphore, #tpu.memory_space<semaphore_mem>>)
      %dma_wait3A = arith.constant 0 : i32
      %dma_wait3A_177 = tpu.memref_slice %arg10[%add3A_100, %dma_wait3A] : memref<10240x128xf32, #tpu.memory_space<vmem_shared>> -> memref<16x128xf32, #tpu.memory_space<vmem_shared>>
      %dma_wait3A_178 = arith.constant 0 : i32
      %dma_wait3A_179 = tpu.memref_slice %arg10[%add3A_100, %dma_wait3A_178] : memref<10240x128xf32, #tpu.memory_space<vmem_shared>> -> memref<16x128xf32, #tpu.memory_space<vmem_shared>>
      tpu.wait_dma2 semaphore(%run_scoped3A : memref<!tpu.dma_semaphore, #tpu.memory_space<semaphore_mem>>) src(%arg9 : memref<16x128xf32, #tpu.memory_space<vmem>>) dst(%dma_wait3A_179 : memref<16x128xf32, #tpu.memory_space<vmem_shared>>)
      tpu.yield
    }) : () -> ()
    %mul3A_101 = arith.constant 640 : i32
    %mul3A_102 = arith.muli %arg1, %mul3A_101 : i32
    %add3A_103 = arith.constant 384 : i32
    %add3A_104 = arith.addi %mul3A_102, %add3A_103 : i32
    "tpu.region"() ({
      %run_scoped3A = tpu.sem_alloc : memref<!tpu.dma_semaphore, #tpu.memory_space<semaphore_mem>>
      %dma_start3A = arith.constant 0 : i32
      %dma_start3A_174 = tpu.memref_slice %arg10[%add3A_104, %dma_start3A] : memref<10240x128xf32, #tpu.memory_space<vmem_shared>> -> memref<16x128xf32, #tpu.memory_space<vmem_shared>>
      %dma_start3A_175 = arith.constant 0 : i32
      %dma_start3A_176 = tpu.memref_slice %arg10[%add3A_104, %dma_start3A_175] : memref<10240x128xf32, #tpu.memory_space<vmem_shared>> -> memref<16x128xf32, #tpu.memory_space<vmem_shared>>
      tpu.enqueue_dma source(%arg9 : memref<16x128xf32, #tpu.memory_space<vmem>>) target(%dma_start3A_176 : memref<16x128xf32, #tpu.memory_space<vmem_shared>>) target_semaphore(%run_scoped3A : memref<!tpu.dma_semaphore, #tpu.memory_space<semaphore_mem>>)
      %dma_wait3A = arith.constant 0 : i32
      %dma_wait3A_177 = tpu.memref_slice %arg10[%add3A_104, %dma_wait3A] : memref<10240x128xf32, #tpu.memory_space<vmem_shared>> -> memref<16x128xf32, #tpu.memory_space<vmem_shared>>
      %dma_wait3A_178 = arith.constant 0 : i32
      %dma_wait3A_179 = tpu.memref_slice %arg10[%add3A_104, %dma_wait3A_178] : memref<10240x128xf32, #tpu.memory_space<vmem_shared>> -> memref<16x128xf32, #tpu.memory_space<vmem_shared>>
      tpu.wait_dma2 semaphore(%run_scoped3A : memref<!tpu.dma_semaphore, #tpu.memory_space<semaphore_mem>>) src(%arg9 : memref<16x128xf32, #tpu.memory_space<vmem>>) dst(%dma_wait3A_179 : memref<16x128xf32, #tpu.memory_space<vmem_shared>>)
      tpu.yield
    }) : () -> ()
    %mul3A_105 = arith.constant 640 : i32
    %mul3A_106 = arith.muli %arg1, %mul3A_105 : i32
    %add3A_107 = arith.constant 400 : i32
    %add3A_108 = arith.addi %mul3A_106, %add3A_107 : i32
    "tpu.region"() ({
      %run_scoped3A = tpu.sem_alloc : memref<!tpu.dma_semaphore, #tpu.memory_space<semaphore_mem>>
      %dma_start3A = arith.constant 0 : i32
      %dma_start3A_174 = tpu.memref_slice %arg10[%add3A_108, %dma_start3A] : memref<10240x128xf32, #tpu.memory_space<vmem_shared>> -> memref<16x128xf32, #tpu.memory_space<vmem_shared>>
      %dma_start3A_175 = arith.constant 0 : i32
      %dma_start3A_176 = tpu.memref_slice %arg10[%add3A_108, %dma_start3A_175] : memref<10240x128xf32, #tpu.memory_space<vmem_shared>> -> memref<16x128xf32, #tpu.memory_space<vmem_shared>>
      tpu.enqueue_dma source(%arg9 : memref<16x128xf32, #tpu.memory_space<vmem>>) target(%dma_start3A_176 : memref<16x128xf32, #tpu.memory_space<vmem_shared>>) target_semaphore(%run_scoped3A : memref<!tpu.dma_semaphore, #tpu.memory_space<semaphore_mem>>)
      %dma_wait3A = arith.constant 0 : i32
      %dma_wait3A_177 = tpu.memref_slice %arg10[%add3A_108, %dma_wait3A] : memref<10240x128xf32, #tpu.memory_space<vmem_shared>> -> memref<16x128xf32, #tpu.memory_space<vmem_shared>>
      %dma_wait3A_178 = arith.constant 0 : i32
      %dma_wait3A_179 = tpu.memref_slice %arg10[%add3A_108, %dma_wait3A_178] : memref<10240x128xf32, #tpu.memory_space<vmem_shared>> -> memref<16x128xf32, #tpu.memory_space<vmem_shared>>
      tpu.wait_dma2 semaphore(%run_scoped3A : memref<!tpu.dma_semaphore, #tpu.memory_space<semaphore_mem>>) src(%arg9 : memref<16x128xf32, #tpu.memory_space<vmem>>) dst(%dma_wait3A_179 : memref<16x128xf32, #tpu.memory_space<vmem_shared>>)
      tpu.yield
    }) : () -> ()
    %mul3A_109 = arith.constant 640 : i32
    %mul3A_110 = arith.muli %arg1, %mul3A_109 : i32
    %add3A_111 = arith.constant 416 : i32
    %add3A_112 = arith.addi %mul3A_110, %add3A_111 : i32
    "tpu.region"() ({
      %run_scoped3A = tpu.sem_alloc : memref<!tpu.dma_semaphore, #tpu.memory_space<semaphore_mem>>
      %dma_start3A = arith.constant 0 : i32
      %dma_start3A_174 = tpu.memref_slice %arg10[%add3A_112, %dma_start3A] : memref<10240x128xf32, #tpu.memory_space<vmem_shared>> -> memref<16x128xf32, #tpu.memory_space<vmem_shared>>
      %dma_start3A_175 = arith.constant 0 : i32
      %dma_start3A_176 = tpu.memref_slice %arg10[%add3A_112, %dma_start3A_175] : memref<10240x128xf32, #tpu.memory_space<vmem_shared>> -> memref<16x128xf32, #tpu.memory_space<vmem_shared>>
      tpu.enqueue_dma source(%arg9 : memref<16x128xf32, #tpu.memory_space<vmem>>) target(%dma_start3A_176 : memref<16x128xf32, #tpu.memory_space<vmem_shared>>) target_semaphore(%run_scoped3A : memref<!tpu.dma_semaphore, #tpu.memory_space<semaphore_mem>>)
      %dma_wait3A = arith.constant 0 : i32
      %dma_wait3A_177 = tpu.memref_slice %arg10[%add3A_112, %dma_wait3A] : memref<10240x128xf32, #tpu.memory_space<vmem_shared>> -> memref<16x128xf32, #tpu.memory_space<vmem_shared>>
      %dma_wait3A_178 = arith.constant 0 : i32
      %dma_wait3A_179 = tpu.memref_slice %arg10[%add3A_112, %dma_wait3A_178] : memref<10240x128xf32, #tpu.memory_space<vmem_shared>> -> memref<16x128xf32, #tpu.memory_space<vmem_shared>>
      tpu.wait_dma2 semaphore(%run_scoped3A : memref<!tpu.dma_semaphore, #tpu.memory_space<semaphore_mem>>) src(%arg9 : memref<16x128xf32, #tpu.memory_space<vmem>>) dst(%dma_wait3A_179 : memref<16x128xf32, #tpu.memory_space<vmem_shared>>)
      tpu.yield
    }) : () -> ()
    %mul3A_113 = arith.constant 640 : i32
    %mul3A_114 = arith.muli %arg1, %mul3A_113 : i32
    %add3A_115 = arith.constant 432 : i32
    %add3A_116 = arith.addi %mul3A_114, %add3A_115 : i32
    "tpu.region"() ({
      %run_scoped3A = tpu.sem_alloc : memref<!tpu.dma_semaphore, #tpu.memory_space<semaphore_mem>>
      %dma_start3A = arith.constant 0 : i32
      %dma_start3A_174 = tpu.memref_slice %arg10[%add3A_116, %dma_start3A] : memref<10240x128xf32, #tpu.memory_space<vmem_shared>> -> memref<16x128xf32, #tpu.memory_space<vmem_shared>>
      %dma_start3A_175 = arith.constant 0 : i32
      %dma_start3A_176 = tpu.memref_slice %arg10[%add3A_116, %dma_start3A_175] : memref<10240x128xf32, #tpu.memory_space<vmem_shared>> -> memref<16x128xf32, #tpu.memory_space<vmem_shared>>
      tpu.enqueue_dma source(%arg9 : memref<16x128xf32, #tpu.memory_space<vmem>>) target(%dma_start3A_176 : memref<16x128xf32, #tpu.memory_space<vmem_shared>>) target_semaphore(%run_scoped3A : memref<!tpu.dma_semaphore, #tpu.memory_space<semaphore_mem>>)
      %dma_wait3A = arith.constant 0 : i32
      %dma_wait3A_177 = tpu.memref_slice %arg10[%add3A_116, %dma_wait3A] : memref<10240x128xf32, #tpu.memory_space<vmem_shared>> -> memref<16x128xf32, #tpu.memory_space<vmem_shared>>
      %dma_wait3A_178 = arith.constant 0 : i32
      %dma_wait3A_179 = tpu.memref_slice %arg10[%add3A_116, %dma_wait3A_178] : memref<10240x128xf32, #tpu.memory_space<vmem_shared>> -> memref<16x128xf32, #tpu.memory_space<vmem_shared>>
      tpu.wait_dma2 semaphore(%run_scoped3A : memref<!tpu.dma_semaphore, #tpu.memory_space<semaphore_mem>>) src(%arg9 : memref<16x128xf32, #tpu.memory_space<vmem>>) dst(%dma_wait3A_179 : memref<16x128xf32, #tpu.memory_space<vmem_shared>>)
      tpu.yield
    }) : () -> ()
    %mul3A_117 = arith.constant 640 : i32
    %mul3A_118 = arith.muli %arg1, %mul3A_117 : i32
    %add3A_119 = arith.constant 448 : i32
    %add3A_120 = arith.addi %mul3A_118, %add3A_119 : i32
    "tpu.region"() ({
      %run_scoped3A = tpu.sem_alloc : memref<!tpu.dma_semaphore, #tpu.memory_space<semaphore_mem>>
      %dma_start3A = arith.constant 0 : i32
      %dma_start3A_174 = tpu.memref_slice %arg10[%add3A_120, %dma_start3A] : memref<10240x128xf32, #tpu.memory_space<vmem_shared>> -> memref<16x128xf32, #tpu.memory_space<vmem_shared>>
      %dma_start3A_175 = arith.constant 0 : i32
      %dma_start3A_176 = tpu.memref_slice %arg10[%add3A_120, %dma_start3A_175] : memref<10240x128xf32, #tpu.memory_space<vmem_shared>> -> memref<16x128xf32, #tpu.memory_space<vmem_shared>>
      tpu.enqueue_dma source(%arg9 : memref<16x128xf32, #tpu.memory_space<vmem>>) target(%dma_start3A_176 : memref<16x128xf32, #tpu.memory_space<vmem_shared>>) target_semaphore(%run_scoped3A : memref<!tpu.dma_semaphore, #tpu.memory_space<semaphore_mem>>)
      %dma_wait3A = arith.constant 0 : i32
      %dma_wait3A_177 = tpu.memref_slice %arg10[%add3A_120, %dma_wait3A] : memref<10240x128xf32, #tpu.memory_space<vmem_shared>> -> memref<16x128xf32, #tpu.memory_space<vmem_shared>>
      %dma_wait3A_178 = arith.constant 0 : i32
      %dma_wait3A_179 = tpu.memref_slice %arg10[%add3A_120, %dma_wait3A_178] : memref<10240x128xf32, #tpu.memory_space<vmem_shared>> -> memref<16x128xf32, #tpu.memory_space<vmem_shared>>
      tpu.wait_dma2 semaphore(%run_scoped3A : memref<!tpu.dma_semaphore, #tpu.memory_space<semaphore_mem>>) src(%arg9 : memref<16x128xf32, #tpu.memory_space<vmem>>) dst(%dma_wait3A_179 : memref<16x128xf32, #tpu.memory_space<vmem_shared>>)
      tpu.yield
    }) : () -> ()
    %mul3A_121 = arith.constant 640 : i32
    %mul3A_122 = arith.muli %arg1, %mul3A_121 : i32
    %add3A_123 = arith.constant 464 : i32
    %add3A_124 = arith.addi %mul3A_122, %add3A_123 : i32
    "tpu.region"() ({
      %run_scoped3A = tpu.sem_alloc : memref<!tpu.dma_semaphore, #tpu.memory_space<semaphore_mem>>
      %dma_start3A = arith.constant 0 : i32
      %dma_start3A_174 = tpu.memref_slice %arg10[%add3A_124, %dma_start3A] : memref<10240x128xf32, #tpu.memory_space<vmem_shared>> -> memref<16x128xf32, #tpu.memory_space<vmem_shared>>
      %dma_start3A_175 = arith.constant 0 : i32
      %dma_start3A_176 = tpu.memref_slice %arg10[%add3A_124, %dma_start3A_175] : memref<10240x128xf32, #tpu.memory_space<vmem_shared>> -> memref<16x128xf32, #tpu.memory_space<vmem_shared>>
      tpu.enqueue_dma source(%arg9 : memref<16x128xf32, #tpu.memory_space<vmem>>) target(%dma_start3A_176 : memref<16x128xf32, #tpu.memory_space<vmem_shared>>) target_semaphore(%run_scoped3A : memref<!tpu.dma_semaphore, #tpu.memory_space<semaphore_mem>>)
      %dma_wait3A = arith.constant 0 : i32
      %dma_wait3A_177 = tpu.memref_slice %arg10[%add3A_124, %dma_wait3A] : memref<10240x128xf32, #tpu.memory_space<vmem_shared>> -> memref<16x128xf32, #tpu.memory_space<vmem_shared>>
      %dma_wait3A_178 = arith.constant 0 : i32
      %dma_wait3A_179 = tpu.memref_slice %arg10[%add3A_124, %dma_wait3A_178] : memref<10240x128xf32, #tpu.memory_space<vmem_shared>> -> memref<16x128xf32, #tpu.memory_space<vmem_shared>>
      tpu.wait_dma2 semaphore(%run_scoped3A : memref<!tpu.dma_semaphore, #tpu.memory_space<semaphore_mem>>) src(%arg9 : memref<16x128xf32, #tpu.memory_space<vmem>>) dst(%dma_wait3A_179 : memref<16x128xf32, #tpu.memory_space<vmem_shared>>)
      tpu.yield
    }) : () -> ()
    %mul3A_125 = arith.constant 640 : i32
    %mul3A_126 = arith.muli %arg1, %mul3A_125 : i32
    %add3A_127 = arith.constant 480 : i32
    %add3A_128 = arith.addi %mul3A_126, %add3A_127 : i32
    "tpu.region"() ({
      %run_scoped3A = tpu.sem_alloc : memref<!tpu.dma_semaphore, #tpu.memory_space<semaphore_mem>>
      %dma_start3A = arith.constant 0 : i32
      %dma_start3A_174 = tpu.memref_slice %arg10[%add3A_128, %dma_start3A] : memref<10240x128xf32, #tpu.memory_space<vmem_shared>> -> memref<16x128xf32, #tpu.memory_space<vmem_shared>>
      %dma_start3A_175 = arith.constant 0 : i32
      %dma_start3A_176 = tpu.memref_slice %arg10[%add3A_128, %dma_start3A_175] : memref<10240x128xf32, #tpu.memory_space<vmem_shared>> -> memref<16x128xf32, #tpu.memory_space<vmem_shared>>
      tpu.enqueue_dma source(%arg9 : memref<16x128xf32, #tpu.memory_space<vmem>>) target(%dma_start3A_176 : memref<16x128xf32, #tpu.memory_space<vmem_shared>>) target_semaphore(%run_scoped3A : memref<!tpu.dma_semaphore, #tpu.memory_space<semaphore_mem>>)
      %dma_wait3A = arith.constant 0 : i32
      %dma_wait3A_177 = tpu.memref_slice %arg10[%add3A_128, %dma_wait3A] : memref<10240x128xf32, #tpu.memory_space<vmem_shared>> -> memref<16x128xf32, #tpu.memory_space<vmem_shared>>
      %dma_wait3A_178 = arith.constant 0 : i32
      %dma_wait3A_179 = tpu.memref_slice %arg10[%add3A_128, %dma_wait3A_178] : memref<10240x128xf32, #tpu.memory_space<vmem_shared>> -> memref<16x128xf32, #tpu.memory_space<vmem_shared>>
      tpu.wait_dma2 semaphore(%run_scoped3A : memref<!tpu.dma_semaphore, #tpu.memory_space<semaphore_mem>>) src(%arg9 : memref<16x128xf32, #tpu.memory_space<vmem>>) dst(%dma_wait3A_179 : memref<16x128xf32, #tpu.memory_space<vmem_shared>>)
      tpu.yield
    }) : () -> ()
    %mul3A_129 = arith.constant 640 : i32
    %mul3A_130 = arith.muli %arg1, %mul3A_129 : i32
    %add3A_131 = arith.constant 496 : i32
    %add3A_132 = arith.addi %mul3A_130, %add3A_131 : i32
    "tpu.region"() ({
      %run_scoped3A = tpu.sem_alloc : memref<!tpu.dma_semaphore, #tpu.memory_space<semaphore_mem>>
      %dma_start3A = arith.constant 0 : i32
      %dma_start3A_174 = tpu.memref_slice %arg10[%add3A_132, %dma_start3A] : memref<10240x128xf32, #tpu.memory_space<vmem_shared>> -> memref<16x128xf32, #tpu.memory_space<vmem_shared>>
      %dma_start3A_175 = arith.constant 0 : i32
      %dma_start3A_176 = tpu.memref_slice %arg10[%add3A_132, %dma_start3A_175] : memref<10240x128xf32, #tpu.memory_space<vmem_shared>> -> memref<16x128xf32, #tpu.memory_space<vmem_shared>>
      tpu.enqueue_dma source(%arg9 : memref<16x128xf32, #tpu.memory_space<vmem>>) target(%dma_start3A_176 : memref<16x128xf32, #tpu.memory_space<vmem_shared>>) target_semaphore(%run_scoped3A : memref<!tpu.dma_semaphore, #tpu.memory_space<semaphore_mem>>)
      %dma_wait3A = arith.constant 0 : i32
      %dma_wait3A_177 = tpu.memref_slice %arg10[%add3A_132, %dma_wait3A] : memref<10240x128xf32, #tpu.memory_space<vmem_shared>> -> memref<16x128xf32, #tpu.memory_space<vmem_shared>>
      %dma_wait3A_178 = arith.constant 0 : i32
      %dma_wait3A_179 = tpu.memref_slice %arg10[%add3A_132, %dma_wait3A_178] : memref<10240x128xf32, #tpu.memory_space<vmem_shared>> -> memref<16x128xf32, #tpu.memory_space<vmem_shared>>
      tpu.wait_dma2 semaphore(%run_scoped3A : memref<!tpu.dma_semaphore, #tpu.memory_space<semaphore_mem>>) src(%arg9 : memref<16x128xf32, #tpu.memory_space<vmem>>) dst(%dma_wait3A_179 : memref<16x128xf32, #tpu.memory_space<vmem_shared>>)
      tpu.yield
    }) : () -> ()
    %mul3A_133 = arith.constant 640 : i32
    %mul3A_134 = arith.muli %arg1, %mul3A_133 : i32
    %add3A_135 = arith.constant 512 : i32
    %add3A_136 = arith.addi %mul3A_134, %add3A_135 : i32
    "tpu.region"() ({
      %run_scoped3A = tpu.sem_alloc : memref<!tpu.dma_semaphore, #tpu.memory_space<semaphore_mem>>
      %dma_start3A = arith.constant 0 : i32
      %dma_start3A_174 = tpu.memref_slice %arg10[%add3A_136, %dma_start3A] : memref<10240x128xf32, #tpu.memory_space<vmem_shared>> -> memref<16x128xf32, #tpu.memory_space<vmem_shared>>
      %dma_start3A_175 = arith.constant 0 : i32
      %dma_start3A_176 = tpu.memref_slice %arg10[%add3A_136, %dma_start3A_175] : memref<10240x128xf32, #tpu.memory_space<vmem_shared>> -> memref<16x128xf32, #tpu.memory_space<vmem_shared>>
      tpu.enqueue_dma source(%arg9 : memref<16x128xf32, #tpu.memory_space<vmem>>) target(%dma_start3A_176 : memref<16x128xf32, #tpu.memory_space<vmem_shared>>) target_semaphore(%run_scoped3A : memref<!tpu.dma_semaphore, #tpu.memory_space<semaphore_mem>>)
      %dma_wait3A = arith.constant 0 : i32
      %dma_wait3A_177 = tpu.memref_slice %arg10[%add3A_136, %dma_wait3A] : memref<10240x128xf32, #tpu.memory_space<vmem_shared>> -> memref<16x128xf32, #tpu.memory_space<vmem_shared>>
      %dma_wait3A_178 = arith.constant 0 : i32
      %dma_wait3A_179 = tpu.memref_slice %arg10[%add3A_136, %dma_wait3A_178] : memref<10240x128xf32, #tpu.memory_space<vmem_shared>> -> memref<16x128xf32, #tpu.memory_space<vmem_shared>>
      tpu.wait_dma2 semaphore(%run_scoped3A : memref<!tpu.dma_semaphore, #tpu.memory_space<semaphore_mem>>) src(%arg9 : memref<16x128xf32, #tpu.memory_space<vmem>>) dst(%dma_wait3A_179 : memref<16x128xf32, #tpu.memory_space<vmem_shared>>)
      tpu.yield
    }) : () -> ()
    %mul3A_137 = arith.constant 640 : i32
    %mul3A_138 = arith.muli %arg1, %mul3A_137 : i32
    %add3A_139 = arith.constant 528 : i32
    %add3A_140 = arith.addi %mul3A_138, %add3A_139 : i32
    "tpu.region"() ({
      %run_scoped3A = tpu.sem_alloc : memref<!tpu.dma_semaphore, #tpu.memory_space<semaphore_mem>>
      %dma_start3A = arith.constant 0 : i32
      %dma_start3A_174 = tpu.memref_slice %arg10[%add3A_140, %dma_start3A] : memref<10240x128xf32, #tpu.memory_space<vmem_shared>> -> memref<16x128xf32, #tpu.memory_space<vmem_shared>>
      %dma_start3A_175 = arith.constant 0 : i32
      %dma_start3A_176 = tpu.memref_slice %arg10[%add3A_140, %dma_start3A_175] : memref<10240x128xf32, #tpu.memory_space<vmem_shared>> -> memref<16x128xf32, #tpu.memory_space<vmem_shared>>
      tpu.enqueue_dma source(%arg9 : memref<16x128xf32, #tpu.memory_space<vmem>>) target(%dma_start3A_176 : memref<16x128xf32, #tpu.memory_space<vmem_shared>>) target_semaphore(%run_scoped3A : memref<!tpu.dma_semaphore, #tpu.memory_space<semaphore_mem>>)
      %dma_wait3A = arith.constant 0 : i32
      %dma_wait3A_177 = tpu.memref_slice %arg10[%add3A_140, %dma_wait3A] : memref<10240x128xf32, #tpu.memory_space<vmem_shared>> -> memref<16x128xf32, #tpu.memory_space<vmem_shared>>
      %dma_wait3A_178 = arith.constant 0 : i32
      %dma_wait3A_179 = tpu.memref_slice %arg10[%add3A_140, %dma_wait3A_178] : memref<10240x128xf32, #tpu.memory_space<vmem_shared>> -> memref<16x128xf32, #tpu.memory_space<vmem_shared>>
      tpu.wait_dma2 semaphore(%run_scoped3A : memref<!tpu.dma_semaphore, #tpu.memory_space<semaphore_mem>>) src(%arg9 : memref<16x128xf32, #tpu.memory_space<vmem>>) dst(%dma_wait3A_179 : memref<16x128xf32, #tpu.memory_space<vmem_shared>>)
      tpu.yield
    }) : () -> ()
    %mul3A_141 = arith.constant 640 : i32
    %mul3A_142 = arith.muli %arg1, %mul3A_141 : i32
    %add3A_143 = arith.constant 544 : i32
    %add3A_144 = arith.addi %mul3A_142, %add3A_143 : i32
    "tpu.region"() ({
      %run_scoped3A = tpu.sem_alloc : memref<!tpu.dma_semaphore, #tpu.memory_space<semaphore_mem>>
      %dma_start3A = arith.constant 0 : i32
      %dma_start3A_174 = tpu.memref_slice %arg10[%add3A_144, %dma_start3A] : memref<10240x128xf32, #tpu.memory_space<vmem_shared>> -> memref<16x128xf32, #tpu.memory_space<vmem_shared>>
      %dma_start3A_175 = arith.constant 0 : i32
      %dma_start3A_176 = tpu.memref_slice %arg10[%add3A_144, %dma_start3A_175] : memref<10240x128xf32, #tpu.memory_space<vmem_shared>> -> memref<16x128xf32, #tpu.memory_space<vmem_shared>>
      tpu.enqueue_dma source(%arg9 : memref<16x128xf32, #tpu.memory_space<vmem>>) target(%dma_start3A_176 : memref<16x128xf32, #tpu.memory_space<vmem_shared>>) target_semaphore(%run_scoped3A : memref<!tpu.dma_semaphore, #tpu.memory_space<semaphore_mem>>)
      %dma_wait3A = arith.constant 0 : i32
      %dma_wait3A_177 = tpu.memref_slice %arg10[%add3A_144, %dma_wait3A] : memref<10240x128xf32, #tpu.memory_space<vmem_shared>> -> memref<16x128xf32, #tpu.memory_space<vmem_shared>>
      %dma_wait3A_178 = arith.constant 0 : i32
      %dma_wait3A_179 = tpu.memref_slice %arg10[%add3A_144, %dma_wait3A_178] : memref<10240x128xf32, #tpu.memory_space<vmem_shared>> -> memref<16x128xf32, #tpu.memory_space<vmem_shared>>
      tpu.wait_dma2 semaphore(%run_scoped3A : memref<!tpu.dma_semaphore, #tpu.memory_space<semaphore_mem>>) src(%arg9 : memref<16x128xf32, #tpu.memory_space<vmem>>) dst(%dma_wait3A_179 : memref<16x128xf32, #tpu.memory_space<vmem_shared>>)
      tpu.yield
    }) : () -> ()
    %mul3A_145 = arith.constant 640 : i32
    %mul3A_146 = arith.muli %arg1, %mul3A_145 : i32
    %add3A_147 = arith.constant 560 : i32
    %add3A_148 = arith.addi %mul3A_146, %add3A_147 : i32
    "tpu.region"() ({
      %run_scoped3A = tpu.sem_alloc : memref<!tpu.dma_semaphore, #tpu.memory_space<semaphore_mem>>
      %dma_start3A = arith.constant 0 : i32
      %dma_start3A_174 = tpu.memref_slice %arg10[%add3A_148, %dma_start3A] : memref<10240x128xf32, #tpu.memory_space<vmem_shared>> -> memref<16x128xf32, #tpu.memory_space<vmem_shared>>
      %dma_start3A_175 = arith.constant 0 : i32
      %dma_start3A_176 = tpu.memref_slice %arg10[%add3A_148, %dma_start3A_175] : memref<10240x128xf32, #tpu.memory_space<vmem_shared>> -> memref<16x128xf32, #tpu.memory_space<vmem_shared>>
      tpu.enqueue_dma source(%arg9 : memref<16x128xf32, #tpu.memory_space<vmem>>) target(%dma_start3A_176 : memref<16x128xf32, #tpu.memory_space<vmem_shared>>) target_semaphore(%run_scoped3A : memref<!tpu.dma_semaphore, #tpu.memory_space<semaphore_mem>>)
      %dma_wait3A = arith.constant 0 : i32
      %dma_wait3A_177 = tpu.memref_slice %arg10[%add3A_148, %dma_wait3A] : memref<10240x128xf32, #tpu.memory_space<vmem_shared>> -> memref<16x128xf32, #tpu.memory_space<vmem_shared>>
      %dma_wait3A_178 = arith.constant 0 : i32
      %dma_wait3A_179 = tpu.memref_slice %arg10[%add3A_148, %dma_wait3A_178] : memref<10240x128xf32, #tpu.memory_space<vmem_shared>> -> memref<16x128xf32, #tpu.memory_space<vmem_shared>>
      tpu.wait_dma2 semaphore(%run_scoped3A : memref<!tpu.dma_semaphore, #tpu.memory_space<semaphore_mem>>) src(%arg9 : memref<16x128xf32, #tpu.memory_space<vmem>>) dst(%dma_wait3A_179 : memref<16x128xf32, #tpu.memory_space<vmem_shared>>)
      tpu.yield
    }) : () -> ()
    %mul3A_149 = arith.constant 640 : i32
    %mul3A_150 = arith.muli %arg1, %mul3A_149 : i32
    %add3A_151 = arith.constant 576 : i32
    %add3A_152 = arith.addi %mul3A_150, %add3A_151 : i32
    "tpu.region"() ({
      %run_scoped3A = tpu.sem_alloc : memref<!tpu.dma_semaphore, #tpu.memory_space<semaphore_mem>>
      %dma_start3A = arith.constant 0 : i32
      %dma_start3A_174 = tpu.memref_slice %arg10[%add3A_152, %dma_start3A] : memref<10240x128xf32, #tpu.memory_space<vmem_shared>> -> memref<16x128xf32, #tpu.memory_space<vmem_shared>>
      %dma_start3A_175 = arith.constant 0 : i32
      %dma_start3A_176 = tpu.memref_slice %arg10[%add3A_152, %dma_start3A_175] : memref<10240x128xf32, #tpu.memory_space<vmem_shared>> -> memref<16x128xf32, #tpu.memory_space<vmem_shared>>
      tpu.enqueue_dma source(%arg9 : memref<16x128xf32, #tpu.memory_space<vmem>>) target(%dma_start3A_176 : memref<16x128xf32, #tpu.memory_space<vmem_shared>>) target_semaphore(%run_scoped3A : memref<!tpu.dma_semaphore, #tpu.memory_space<semaphore_mem>>)
      %dma_wait3A = arith.constant 0 : i32
      %dma_wait3A_177 = tpu.memref_slice %arg10[%add3A_152, %dma_wait3A] : memref<10240x128xf32, #tpu.memory_space<vmem_shared>> -> memref<16x128xf32, #tpu.memory_space<vmem_shared>>
      %dma_wait3A_178 = arith.constant 0 : i32
      %dma_wait3A_179 = tpu.memref_slice %arg10[%add3A_152, %dma_wait3A_178] : memref<10240x128xf32, #tpu.memory_space<vmem_shared>> -> memref<16x128xf32, #tpu.memory_space<vmem_shared>>
      tpu.wait_dma2 semaphore(%run_scoped3A : memref<!tpu.dma_semaphore, #tpu.memory_space<semaphore_mem>>) src(%arg9 : memref<16x128xf32, #tpu.memory_space<vmem>>) dst(%dma_wait3A_179 : memref<16x128xf32, #tpu.memory_space<vmem_shared>>)
      tpu.yield
    }) : () -> ()
    %mul3A_153 = arith.constant 640 : i32
    %mul3A_154 = arith.muli %arg1, %mul3A_153 : i32
    %add3A_155 = arith.constant 592 : i32
    %add3A_156 = arith.addi %mul3A_154, %add3A_155 : i32
    "tpu.region"() ({
      %run_scoped3A = tpu.sem_alloc : memref<!tpu.dma_semaphore, #tpu.memory_space<semaphore_mem>>
      %dma_start3A = arith.constant 0 : i32
      %dma_start3A_174 = tpu.memref_slice %arg10[%add3A_156, %dma_start3A] : memref<10240x128xf32, #tpu.memory_space<vmem_shared>> -> memref<16x128xf32, #tpu.memory_space<vmem_shared>>
      %dma_start3A_175 = arith.constant 0 : i32
      %dma_start3A_176 = tpu.memref_slice %arg10[%add3A_156, %dma_start3A_175] : memref<10240x128xf32, #tpu.memory_space<vmem_shared>> -> memref<16x128xf32, #tpu.memory_space<vmem_shared>>
      tpu.enqueue_dma source(%arg9 : memref<16x128xf32, #tpu.memory_space<vmem>>) target(%dma_start3A_176 : memref<16x128xf32, #tpu.memory_space<vmem_shared>>) target_semaphore(%run_scoped3A : memref<!tpu.dma_semaphore, #tpu.memory_space<semaphore_mem>>)
      %dma_wait3A = arith.constant 0 : i32
      %dma_wait3A_177 = tpu.memref_slice %arg10[%add3A_156, %dma_wait3A] : memref<10240x128xf32, #tpu.memory_space<vmem_shared>> -> memref<16x128xf32, #tpu.memory_space<vmem_shared>>
      %dma_wait3A_178 = arith.constant 0 : i32
      %dma_wait3A_179 = tpu.memref_slice %arg10[%add3A_156, %dma_wait3A_178] : memref<10240x128xf32, #tpu.memory_space<vmem_shared>> -> memref<16x128xf32, #tpu.memory_space<vmem_shared>>
      tpu.wait_dma2 semaphore(%run_scoped3A : memref<!tpu.dma_semaphore, #tpu.memory_space<semaphore_mem>>) src(%arg9 : memref<16x128xf32, #tpu.memory_space<vmem>>) dst(%dma_wait3A_179 : memref<16x128xf32, #tpu.memory_space<vmem_shared>>)
      tpu.yield
    }) : () -> ()
    %mul3A_157 = arith.constant 640 : i32
    %mul3A_158 = arith.muli %arg1, %mul3A_157 : i32
    %add3A_159 = arith.constant 608 : i32
    %add3A_160 = arith.addi %mul3A_158, %add3A_159 : i32
    "tpu.region"() ({
      %run_scoped3A = tpu.sem_alloc : memref<!tpu.dma_semaphore, #tpu.memory_space<semaphore_mem>>
      %dma_start3A = arith.constant 0 : i32
      %dma_start3A_174 = tpu.memref_slice %arg10[%add3A_160, %dma_start3A] : memref<10240x128xf32, #tpu.memory_space<vmem_shared>> -> memref<16x128xf32, #tpu.memory_space<vmem_shared>>
      %dma_start3A_175 = arith.constant 0 : i32
      %dma_start3A_176 = tpu.memref_slice %arg10[%add3A_160, %dma_start3A_175] : memref<10240x128xf32, #tpu.memory_space<vmem_shared>> -> memref<16x128xf32, #tpu.memory_space<vmem_shared>>
      tpu.enqueue_dma source(%arg9 : memref<16x128xf32, #tpu.memory_space<vmem>>) target(%dma_start3A_176 : memref<16x128xf32, #tpu.memory_space<vmem_shared>>) target_semaphore(%run_scoped3A : memref<!tpu.dma_semaphore, #tpu.memory_space<semaphore_mem>>)
      %dma_wait3A = arith.constant 0 : i32
      %dma_wait3A_177 = tpu.memref_slice %arg10[%add3A_160, %dma_wait3A] : memref<10240x128xf32, #tpu.memory_space<vmem_shared>> -> memref<16x128xf32, #tpu.memory_space<vmem_shared>>
      %dma_wait3A_178 = arith.constant 0 : i32
      %dma_wait3A_179 = tpu.memref_slice %arg10[%add3A_160, %dma_wait3A_178] : memref<10240x128xf32, #tpu.memory_space<vmem_shared>> -> memref<16x128xf32, #tpu.memory_space<vmem_shared>>
      tpu.wait_dma2 semaphore(%run_scoped3A : memref<!tpu.dma_semaphore, #tpu.memory_space<semaphore_mem>>) src(%arg9 : memref<16x128xf32, #tpu.memory_space<vmem>>) dst(%dma_wait3A_179 : memref<16x128xf32, #tpu.memory_space<vmem_shared>>)
      tpu.yield
    }) : () -> ()
    %mul3A_161 = arith.constant 640 : i32
    %mul3A_162 = arith.muli %arg1, %mul3A_161 : i32
    %add3A_163 = arith.constant 624 : i32
    %add3A_164 = arith.addi %mul3A_162, %add3A_163 : i32
    "tpu.region"() ({
      %run_scoped3A = tpu.sem_alloc : memref<!tpu.dma_semaphore, #tpu.memory_space<semaphore_mem>>
      %dma_start3A = arith.constant 0 : i32
      %dma_start3A_174 = tpu.memref_slice %arg10[%add3A_164, %dma_start3A] : memref<10240x128xf32, #tpu.memory_space<vmem_shared>> -> memref<16x128xf32, #tpu.memory_space<vmem_shared>>
      %dma_start3A_175 = arith.constant 0 : i32
      %dma_start3A_176 = tpu.memref_slice %arg10[%add3A_164, %dma_start3A_175] : memref<10240x128xf32, #tpu.memory_space<vmem_shared>> -> memref<16x128xf32, #tpu.memory_space<vmem_shared>>
      tpu.enqueue_dma source(%arg9 : memref<16x128xf32, #tpu.memory_space<vmem>>) target(%dma_start3A_176 : memref<16x128xf32, #tpu.memory_space<vmem_shared>>) target_semaphore(%run_scoped3A : memref<!tpu.dma_semaphore, #tpu.memory_space<semaphore_mem>>)
      %dma_wait3A = arith.constant 0 : i32
      %dma_wait3A_177 = tpu.memref_slice %arg10[%add3A_164, %dma_wait3A] : memref<10240x128xf32, #tpu.memory_space<vmem_shared>> -> memref<16x128xf32, #tpu.memory_space<vmem_shared>>
      %dma_wait3A_178 = arith.constant 0 : i32
      %dma_wait3A_179 = tpu.memref_slice %arg10[%add3A_164, %dma_wait3A_178] : memref<10240x128xf32, #tpu.memory_space<vmem_shared>> -> memref<16x128xf32, #tpu.memory_space<vmem_shared>>
      tpu.wait_dma2 semaphore(%run_scoped3A : memref<!tpu.dma_semaphore, #tpu.memory_space<semaphore_mem>>) src(%arg9 : memref<16x128xf32, #tpu.memory_space<vmem>>) dst(%dma_wait3A_179 : memref<16x128xf32, #tpu.memory_space<vmem_shared>>)
      tpu.yield
    }) : () -> ()
    %barrier3A = arith.constant 0 : index
    tpu.barrier barrier_id(%barrier3A)
    %scan3A_165 = arith.constant 0 : i32
    %scan3A_166 = arith.constant 0 : i32
    %scan3A_167 = arith.constant 79 : i32
    %scan3A_168 = arith.addi %scan3A_166, %scan3A_167 : i32
    %scan3A_169 = arith.constant 1 : i32
    scf.for %scan3A_174 = %scan3A_166 to %scan3A_168 step %scan3A_169  : i32 {
      "tpu.region"() ({
        %run_scoped3A = tpu.sem_alloc : memref<!tpu.dma_semaphore, #tpu.memory_space<semaphore_mem>>
        %dma_start3A = arith.constant 0 : i32
        %dma_start3A_175 = tpu.memref_slice %arg6[%scan3A_174, %dma_start3A] : memref<79x128xi32, #tpu.memory_space<vmem>> -> memref<1x128xi32, #tpu.memory_space<vmem>>
        %dma_start3A_176 = tpu.memref_squeeze %dma_start3A_175 : memref<1x128xi32, #tpu.memory_space<vmem>> -> memref<128xi32, #tpu.memory_space<vmem>>
        %dma_start3A_177 = arith.constant 0 : i32
        %dma_start3A_178 = arith.constant 0 : i32
        %dma_start3A_179 = tpu.memref_slice %arg2[%add3A_5, %dma_start3A_177, %dma_start3A_178] : memref<2x10240x128xf32, #tpu.memory_space<hbm>> -> memref<1x10240x128xf32, #tpu.memory_space<hbm>>
        %dma_start3A_180 = tpu.memref_squeeze %dma_start3A_179 : memref<1x10240x128xf32, #tpu.memory_space<hbm>> -> memref<10240x128xf32, #tpu.memory_space<hbm>>
        %dma_start3A_181 = arith.constant 0 : i32
        %dma_start3A_182 = arith.constant 0 : i32
        %dma_start3A_183 = tpu.memref_slice %dma_start3A_180[%dma_start3A_181, %dma_start3A_182] : memref<10240x128xf32, #tpu.memory_space<hbm>> -> memref<10240x128xf32, #tpu.memory_space<hbm>>
        tpu.enqueue_indirect_dma source(%dma_start3A_183 : memref<10240x128xf32, #tpu.memory_space<hbm>>) target(%arg8 : memref<128x128xf32, #tpu.memory_space<vmem>>) offsets(%dma_start3A_176 : memref<128xi32, #tpu.memory_space<vmem>>) semaphore(%run_scoped3A : memref<!tpu.dma_semaphore, #tpu.memory_space<semaphore_mem>>)
        %dma_wait3A = arith.constant 0 : i32
        %dma_wait3A_184 = tpu.memref_slice %arg6[%scan3A_174, %dma_wait3A] : memref<79x128xi32, #tpu.memory_space<vmem>> -> memref<1x128xi32, #tpu.memory_space<vmem>>
        %dma_wait3A_185 = tpu.memref_squeeze %dma_wait3A_184 : memref<1x128xi32, #tpu.memory_space<vmem>> -> memref<128xi32, #tpu.memory_space<vmem>>
        %dma_wait3A_186 = arith.constant 0 : i32
        %dma_wait3A_187 = arith.constant 0 : i32
        %dma_wait3A_188 = tpu.memref_slice %arg2[%add3A_5, %dma_wait3A_186, %dma_wait3A_187] : memref<2x10240x128xf32, #tpu.memory_space<hbm>> -> memref<1x10240x128xf32, #tpu.memory_space<hbm>>
        %dma_wait3A_189 = tpu.memref_squeeze %dma_wait3A_188 : memref<1x10240x128xf32, #tpu.memory_space<hbm>> -> memref<10240x128xf32, #tpu.memory_space<hbm>>
        %dma_wait3A_190 = arith.constant 0 : i32
        %dma_wait3A_191 = arith.constant 0 : i32
        %dma_wait3A_192 = tpu.memref_slice %dma_wait3A_189[%dma_wait3A_190, %dma_wait3A_191] : memref<10240x128xf32, #tpu.memory_space<hbm>> -> memref<10240x128xf32, #tpu.memory_space<hbm>>
        tpu.wait_indirect_dma semaphore(%run_scoped3A : memref<!tpu.dma_semaphore, #tpu.memory_space<semaphore_mem>>) src(%dma_wait3A_192 : memref<10240x128xf32, #tpu.memory_space<hbm>>) dst(%arg8 : memref<128x128xf32, #tpu.memory_space<vmem>>)
        tpu.yield
      }) : () -> ()
      "tpu.region"() ({
        %run_scoped3A = tpu.sem_alloc : memref<!tpu.dma_semaphore, #tpu.memory_space<semaphore_mem>>
        %dma_start3A = arith.constant 0 : i32
        %dma_start3A_175 = tpu.memref_slice %arg7[%scan3A_174, %dma_start3A] : memref<79x128xi32, #tpu.memory_space<vmem>> -> memref<1x128xi32, #tpu.memory_space<vmem>>
        %dma_start3A_176 = tpu.memref_squeeze %dma_start3A_175 : memref<1x128xi32, #tpu.memory_space<vmem>> -> memref<128xi32, #tpu.memory_space<vmem>>
        %dma_start3A_177 = arith.constant 0 : i32
        %dma_start3A_178 = arith.constant 0 : i32
        %dma_start3A_179 = tpu.memref_slice %arg10[%dma_start3A_177, %dma_start3A_178] : memref<10240x128xf32, #tpu.memory_space<vmem_shared>> -> memref<10240x128xf32, #tpu.memory_space<vmem_shared>>
        tpu.enqueue_indirect_dma source(%arg8 : memref<128x128xf32, #tpu.memory_space<vmem>>) target(%dma_start3A_179 : memref<10240x128xf32, #tpu.memory_space<vmem_shared>>) offsets(%dma_start3A_176 : memref<128xi32, #tpu.memory_space<vmem>>) semaphore(%run_scoped3A : memref<!tpu.dma_semaphore, #tpu.memory_space<semaphore_mem>>) {add = true}
        %dma_wait3A = arith.constant 0 : i32
        %dma_wait3A_180 = tpu.memref_slice %arg7[%scan3A_174, %dma_wait3A] : memref<79x128xi32, #tpu.memory_space<vmem>> -> memref<1x128xi32, #tpu.memory_space<vmem>>
        %dma_wait3A_181 = tpu.memref_squeeze %dma_wait3A_180 : memref<1x128xi32, #tpu.memory_space<vmem>> -> memref<128xi32, #tpu.memory_space<vmem>>
        %dma_wait3A_182 = arith.constant 0 : i32
        %dma_wait3A_183 = arith.constant 0 : i32
        %dma_wait3A_184 = tpu.memref_slice %arg10[%dma_wait3A_182, %dma_wait3A_183] : memref<10240x128xf32, #tpu.memory_space<vmem_shared>> -> memref<10240x128xf32, #tpu.memory_space<vmem_shared>>
        tpu.wait_indirect_dma semaphore(%run_scoped3A : memref<!tpu.dma_semaphore, #tpu.memory_space<semaphore_mem>>) src(%arg8 : memref<128x128xf32, #tpu.memory_space<vmem>>) dst(%dma_wait3A_184 : memref<10240x128xf32, #tpu.memory_space<vmem_shared>>)
        tpu.yield
      }) : () -> ()
    }
    %scan3A_170 = arith.constant 79 : i32
    %barrier3A_171 = arith.constant 0 : index
    tpu.barrier barrier_id(%barrier3A_171)
    %mul3A_172 = arith.constant 640 : i32
    %mul3A_173 = arith.muli %arg1, %mul3A_172 : i32
    "tpu.region"() ({
      %run_scoped3A = tpu.sem_alloc : memref<!tpu.dma_semaphore, #tpu.memory_space<semaphore_mem>>
      %dma_start3A = arith.constant 0 : i32
      %dma_start3A_174 = arith.constant 0 : i32
      %dma_start3A_175 = tpu.memref_slice %arg5[%add3A_5, %dma_start3A, %dma_start3A_174] : memref<2x10240x128xf32, #tpu.memory_space<hbm>> -> memref<1x10240x128xf32, #tpu.memory_space<hbm>>
      %dma_start3A_176 = tpu.memref_squeeze %dma_start3A_175 : memref<1x10240x128xf32, #tpu.memory_space<hbm>> -> memref<10240x128xf32, #tpu.memory_space<hbm>>
      %dma_start3A_177 = arith.constant 0 : i32
      %dma_start3A_178 = tpu.memref_slice %dma_start3A_176[%mul3A_173, %dma_start3A_177] : memref<10240x128xf32, #tpu.memory_space<hbm>> -> memref<640x128xf32, #tpu.memory_space<hbm>>
      %dma_start3A_179 = arith.constant 0 : i32
      %dma_start3A_180 = tpu.memref_slice %arg10[%mul3A_173, %dma_start3A_179] : memref<10240x128xf32, #tpu.memory_space<vmem_shared>> -> memref<640x128xf32, #tpu.memory_space<vmem_shared>>
      tpu.enqueue_dma source(%dma_start3A_180 : memref<640x128xf32, #tpu.memory_space<vmem_shared>>) target(%dma_start3A_178 : memref<640x128xf32, #tpu.memory_space<hbm>>) target_semaphore(%run_scoped3A : memref<!tpu.dma_semaphore, #tpu.memory_space<semaphore_mem>>)
      %dma_wait3A = arith.constant 0 : i32
      %dma_wait3A_181 = arith.constant 0 : i32
      %dma_wait3A_182 = tpu.memref_slice %arg5[%add3A_5, %dma_wait3A, %dma_wait3A_181] : memref<2x10240x128xf32, #tpu.memory_space<hbm>> -> memref<1x10240x128xf32, #tpu.memory_space<hbm>>
      %dma_wait3A_183 = tpu.memref_squeeze %dma_wait3A_182 : memref<1x10240x128xf32, #tpu.memory_space<hbm>> -> memref<10240x128xf32, #tpu.memory_space<hbm>>
      %dma_wait3A_184 = arith.constant 0 : i32
      %dma_wait3A_185 = tpu.memref_slice %dma_wait3A_183[%mul3A_173, %dma_wait3A_184] : memref<10240x128xf32, #tpu.memory_space<hbm>> -> memref<640x128xf32, #tpu.memory_space<hbm>>
      %dma_wait3A_186 = arith.constant 0 : i32
      %dma_wait3A_187 = tpu.memref_slice %arg10[%mul3A_173, %dma_wait3A_186] : memref<10240x128xf32, #tpu.memory_space<vmem_shared>> -> memref<640x128xf32, #tpu.memory_space<vmem_shared>>
      tpu.wait_dma2 semaphore(%run_scoped3A : memref<!tpu.dma_semaphore, #tpu.memory_space<semaphore_mem>>) src(%dma_wait3A_187 : memref<640x128xf32, #tpu.memory_space<vmem_shared>>) dst(%dma_wait3A_185 : memref<640x128xf32, #tpu.memory_space<hbm>>)
      tpu.yield
    }) : () -> ()
    return
  }
}

#map = affine_map<(d0, d1) -> (0, 0, 0)>
module attributes {stable_mosaic.version = 14 : i64} {
  func.func @agg(%arg0: i32, %arg1: i32, %arg2: memref<2x10240x128xf32, #tpu.memory_space<hbm>>, %arg3: memref<16x79x128xi32, #tpu.memory_space<hbm>>, %arg4: memref<16x79x128xi32, #tpu.memory_space<hbm>>, %arg5: memref<2x10240x128xf32, #tpu.memory_space<hbm>>, %arg6: memref<79x128xi32, #tpu.memory_space<vmem>>, %arg7: memref<79x128xi32, #tpu.memory_space<vmem>>, %arg8: memref<128x128xf32, #tpu.memory_space<vmem>>, %arg9: memref<16x128xf32, #tpu.memory_space<vmem>>, %arg10: memref<10240x128xf32, #tpu.memory_space<vmem_shared>>) attributes {dimension_semantics = [#tpu.dimension_semantics<core_parallel>, #tpu.dimension_semantics<subcore_parallel>], iteration_bounds = array<i64: 2, 16>, scalar_prefetch = 0 : i64, scratch_operands = 5 : i64, tpu.core_type = #tpu.core_type<sc_vector_subcore>, window_params = [{transform_indices = #map}, {transform_indices = #map}, {transform_indices = #map}, {transform_indices = #map}]} {
    "tpu.region"() ({
      %run_scoped3A = tpu.sem_alloc : memref<!tpu.dma_semaphore, #tpu.memory_space<semaphore_mem>>
      %dma_start3A = arith.constant 0 : i32
      %dma_start3A_174 = arith.constant 0 : i32
      %dma_start3A_175 = tpu.memref_slice %arg3[%arg1, %dma_start3A, %dma_start3A_174] : memref<16x79x128xi32, #tpu.memory_space<hbm>> -> memref<1x79x128xi32, #tpu.memory_space<hbm>>
      %dma_start3A_176 = tpu.memref_squeeze %dma_start3A_175 : memref<1x79x128xi32, #tpu.memory_space<hbm>> -> memref<79x128xi32, #tpu.memory_space<hbm>>
      %dma_start3A_177 = arith.constant 0 : i32
      %dma_start3A_178 = arith.constant 0 : i32
      %dma_start3A_179 = tpu.memref_slice %arg3[%arg1, %dma_start3A_177, %dma_start3A_178] : memref<16x79x128xi32, #tpu.memory_space<hbm>> -> memref<1x79x128xi32, #tpu.memory_space<hbm>>
      %dma_start3A_180 = tpu.memref_squeeze %dma_start3A_179 : memref<1x79x128xi32, #tpu.memory_space<hbm>> -> memref<79x128xi32, #tpu.memory_space<hbm>>
      tpu.enqueue_dma source(%dma_start3A_180 : memref<79x128xi32, #tpu.memory_space<hbm>>) target(%arg6 : memref<79x128xi32, #tpu.memory_space<vmem>>) target_semaphore(%run_scoped3A : memref<!tpu.dma_semaphore, #tpu.memory_space<semaphore_mem>>)
      %dma_wait3A = arith.constant 0 : i32
      %dma_wait3A_181 = arith.constant 0 : i32
      %dma_wait3A_182 = tpu.memref_slice %arg3[%arg1, %dma_wait3A, %dma_wait3A_181] : memref<16x79x128xi32, #tpu.memory_space<hbm>> -> memref<1x79x128xi32, #tpu.memory_space<hbm>>
      %dma_wait3A_183 = tpu.memref_squeeze %dma_wait3A_182 : memref<1x79x128xi32, #tpu.memory_space<hbm>> -> memref<79x128xi32, #tpu.memory_space<hbm>>
      %dma_wait3A_184 = arith.constant 0 : i32
      %dma_wait3A_185 = arith.constant 0 : i32
      %dma_wait3A_186 = tpu.memref_slice %arg3[%arg1, %dma_wait3A_184, %dma_wait3A_185] : memref<16x79x128xi32, #tpu.memory_space<hbm>> -> memref<1x79x128xi32, #tpu.memory_space<hbm>>
      %dma_wait3A_187 = tpu.memref_squeeze %dma_wait3A_186 : memref<1x79x128xi32, #tpu.memory_space<hbm>> -> memref<79x128xi32, #tpu.memory_space<hbm>>
      tpu.wait_dma2 semaphore(%run_scoped3A : memref<!tpu.dma_semaphore, #tpu.memory_space<semaphore_mem>>) src(%dma_wait3A_187 : memref<79x128xi32, #tpu.memory_space<hbm>>) dst(%arg6 : memref<79x128xi32, #tpu.memory_space<vmem>>)
      tpu.yield
    }) : () -> ()
    "tpu.region"() ({
      %run_scoped3A = tpu.sem_alloc : memref<!tpu.dma_semaphore, #tpu.memory_space<semaphore_mem>>
      %dma_start3A = arith.constant 0 : i32
      %dma_start3A_174 = arith.constant 0 : i32
      %dma_start3A_175 = tpu.memref_slice %arg4[%arg1, %dma_start3A, %dma_start3A_174] : memref<16x79x128xi32, #tpu.memory_space<hbm>> -> memref<1x79x128xi32, #tpu.memory_space<hbm>>
      %dma_start3A_176 = tpu.memref_squeeze %dma_start3A_175 : memref<1x79x128xi32, #tpu.memory_space<hbm>> -> memref<79x128xi32, #tpu.memory_space<hbm>>
      %dma_start3A_177 = arith.constant 0 : i32
      %dma_start3A_178 = arith.constant 0 : i32
      %dma_start3A_179 = tpu.memref_slice %arg4[%arg1, %dma_start3A_177, %dma_start3A_178] : memref<16x79x128xi32, #tpu.memory_space<hbm>> -> memref<1x79x128xi32, #tpu.memory_space<hbm>>
      %dma_start3A_180 = tpu.memref_squeeze %dma_start3A_179 : memref<1x79x128xi32, #tpu.memory_space<hbm>> -> memref<79x128xi32, #tpu.memory_space<hbm>>
      tpu.enqueue_dma source(%dma_start3A_180 : memref<79x128xi32, #tpu.memory_space<hbm>>) target(%arg7 : memref<79x128xi32, #tpu.memory_space<vmem>>) target_semaphore(%run_scoped3A : memref<!tpu.dma_semaphore, #tpu.memory_space<semaphore_mem>>)
      %dma_wait3A = arith.constant 0 : i32
      %dma_wait3A_181 = arith.constant 0 : i32
      %dma_wait3A_182 = tpu.memref_slice %arg4[%arg1, %dma_wait3A, %dma_wait3A_181] : memref<16x79x128xi32, #tpu.memory_space<hbm>> -> memref<1x79x128xi32, #tpu.memory_space<hbm>>
      %dma_wait3A_183 = tpu.memref_squeeze %dma_wait3A_182 : memref<1x79x128xi32, #tpu.memory_space<hbm>> -> memref<79x128xi32, #tpu.memory_space<hbm>>
      %dma_wait3A_184 = arith.constant 0 : i32
      %dma_wait3A_185 = arith.constant 0 : i32
      %dma_wait3A_186 = tpu.memref_slice %arg4[%arg1, %dma_wait3A_184, %dma_wait3A_185] : memref<16x79x128xi32, #tpu.memory_space<hbm>> -> memref<1x79x128xi32, #tpu.memory_space<hbm>>
      %dma_wait3A_187 = tpu.memref_squeeze %dma_wait3A_186 : memref<1x79x128xi32, #tpu.memory_space<hbm>> -> memref<79x128xi32, #tpu.memory_space<hbm>>
      tpu.wait_dma2 semaphore(%run_scoped3A : memref<!tpu.dma_semaphore, #tpu.memory_space<semaphore_mem>>) src(%dma_wait3A_187 : memref<79x128xi32, #tpu.memory_space<hbm>>) dst(%arg7 : memref<79x128xi32, #tpu.memory_space<vmem>>)
      tpu.yield
    }) : () -> ()
    %scan3A = arith.constant 0 : i32
    %scan3A_0 = arith.constant 0 : i32
    %scan3A_1 = arith.constant 128 : i32
    %scan3A_2 = arith.addi %scan3A_0, %scan3A_1 : i32
    %scan3A_3 = arith.constant 1 : i32
    scf.for %scan3A_174 = %scan3A_0 to %scan3A_2 step %scan3A_3  : i32 {
      %broadcast_in_dim3A = arith.constant 0.000000e+00 : f32
      %broadcast_in_dim3A_175 = vector.broadcast %broadcast_in_dim3A : f32 to vector<16xf32>
      %jit3A = arith.constant 8 : i32
      %div3A = arith.divsi %scan3A_174, %jit3A : i32
      %sign3A = arith.constant 0 : i32
      %sign3A_176 = arith.cmpi sgt, %scan3A_174, %sign3A : i32
      %sign3A_177 = arith.extui %sign3A_176 : i1 to i32
      %sign3A_178 = arith.constant 0 : i32
      %sign3A_179 = arith.cmpi slt, %scan3A_174, %sign3A_178 : i32
      %sign3A_180 = arith.extui %sign3A_179 : i1 to i32
      %sign3A_181 = arith.subi %sign3A_177, %sign3A_180 : i32
      %sign3A_182 = arith.constant 0 : i32
      %sign3A_183 = arith.cmpi sgt, %jit3A, %sign3A_182 : i32
      %sign3A_184 = arith.extui %sign3A_183 : i1 to i32
      %sign3A_185 = arith.constant 0 : i32
      %sign3A_186 = arith.cmpi slt, %jit3A, %sign3A_185 : i32
      %sign3A_187 = arith.extui %sign3A_186 : i1 to i32
      %sign3A_188 = arith.subi %sign3A_184, %sign3A_187 : i32
      %ne3A = arith.cmpi ne, %sign3A_181, %sign3A_188 : i32
      %rem3A = arith.remsi %scan3A_174, %jit3A : i32
      %ne3A_189 = arith.constant 0 : i32
      %ne3A_190 = arith.cmpi ne, %rem3A, %ne3A_189 : i32
      %and3A = arith.andi %ne3A, %ne3A_190 : i1
      %sub3A = arith.constant 1 : i32
      %sub3A_191 = arith.subi %div3A, %sub3A : i32
      %select_n3A = arith.select %and3A, %sub3A_191, %div3A : i32
      %jit3A_192 = arith.constant 8 : i32
      %eq3A = arith.constant 0 : i32
      %eq3A_193 = arith.cmpi eq, %jit3A_192, %eq3A : i32
      %jit3A_194 = arith.constant 1 : i32
      %select_n3A_195 = arith.select %eq3A_193, %jit3A_194, %jit3A_192 : i32
      %rem3A_196 = arith.remsi %scan3A_174, %select_n3A_195 : i32
      %ne3A_197 = arith.constant 0 : i32
      %ne3A_198 = arith.cmpi ne, %rem3A_196, %ne3A_197 : i32
      %lt3A = arith.constant 0 : i32
      %lt3A_199 = arith.cmpi slt, %rem3A_196, %lt3A : i32
      %lt3A_200 = arith.constant 0 : i32
      %lt3A_201 = arith.cmpi slt, %select_n3A_195, %lt3A_200 : i32
      %ne3A_202 = arith.xori %lt3A_199, %lt3A_201 : i1
      %and3A_203 = arith.andi %ne3A_202, %ne3A_198 : i1
      %add3A_204 = arith.addi %rem3A_196, %select_n3A_195 : i32
      %select_n3A_205 = arith.select %and3A_203, %add3A_204, %rem3A_196 : i32
      %mul3A_206 = arith.constant 16 : i32
      %mul3A_207 = arith.muli %select_n3A_205, %mul3A_206 : i32
      %swap3A = arith.index_cast %select_n3A : i32 to index
      %swap3A_208 = arith.index_cast %mul3A_207 : i32 to index
      %swap3A_209 = tpu.vector_load %arg9[%swap3A, %swap3A_208] {strides = array<i32>} : memref<16x128xf32, #tpu.memory_space<vmem>>, vector<1x16xf32>,
      %swap3A_210 = vector.shape_cast %swap3A_209 : vector<1x16xf32> to vector<16xf32>
      %swap3A_211 = vector.shape_cast %broadcast_in_dim3A_175 : vector<16xf32> to vector<1x16xf32>
      tpu.vector_store %arg9[%swap3A, %swap3A_208], %swap3A_211 {strides = array<i32>} : memref<16x128xf32, #tpu.memory_space<vmem>>, vector<1x16xf32>,
    }
    %scan3A_4 = arith.constant 128 : i32
    %add3A = arith.constant 0 : i32
    %add3A_5 = arith.addi %add3A, %arg0 : i32
    %mul3A = arith.constant 640 : i32
    %mul3A_6 = arith.muli %arg1, %mul3A : i32
    %add3A_7 = arith.constant 0 : i32
    %add3A_8 = arith.addi %mul3A_6, %add3A_7 : i32
    "tpu.region"() ({
      %run_scoped3A = tpu.sem_alloc : memref<!tpu.dma_semaphore, #tpu.memory_space<semaphore_mem>>
      %dma_start3A = arith.constant 0 : i32
      %dma_start3A_174 = tpu.memref_slice %arg10[%add3A_8, %dma_start3A] : memref<10240x128xf32, #tpu.memory_space<vmem_shared>> -> memref<16x128xf32, #tpu.memory_space<vmem_shared>>
      %dma_start3A_175 = arith.constant 0 : i32
      %dma_start3A_176 = tpu.memref_slice %arg10[%add3A_8, %dma_start3A_175] : memref<10240x128xf32, #tpu.memory_space<vmem_shared>> -> memref<16x128xf32, #tpu.memory_space<vmem_shared>>
      tpu.enqueue_dma source(%arg9 : memref<16x128xf32, #tpu.memory_space<vmem>>) target(%dma_start3A_176 : memref<16x128xf32, #tpu.memory_space<vmem_shared>>) target_semaphore(%run_scoped3A : memref<!tpu.dma_semaphore, #tpu.memory_space<semaphore_mem>>)
      %dma_wait3A = arith.constant 0 : i32
      %dma_wait3A_177 = tpu.memref_slice %arg10[%add3A_8, %dma_wait3A] : memref<10240x128xf32, #tpu.memory_space<vmem_shared>> -> memref<16x128xf32, #tpu.memory_space<vmem_shared>>
      %dma_wait3A_178 = arith.constant 0 : i32
      %dma_wait3A_179 = tpu.memref_slice %arg10[%add3A_8, %dma_wait3A_178] : memref<10240x128xf32, #tpu.memory_space<vmem_shared>> -> memref<16x128xf32, #tpu.memory_space<vmem_shared>>
      tpu.wait_dma2 semaphore(%run_scoped3A : memref<!tpu.dma_semaphore, #tpu.memory_space<semaphore_mem>>) src(%arg9 : memref<16x128xf32, #tpu.memory_space<vmem>>) dst(%dma_wait3A_179 : memref<16x128xf32, #tpu.memory_space<vmem_shared>>)
      tpu.yield
    }) : () -> ()
    %mul3A_9 = arith.constant 640 : i32
    %mul3A_10 = arith.muli %arg1, %mul3A_9 : i32
    %add3A_11 = arith.constant 16 : i32
    %add3A_12 = arith.addi %mul3A_10, %add3A_11 : i32
    "tpu.region"() ({
      %run_scoped3A = tpu.sem_alloc : memref<!tpu.dma_semaphore, #tpu.memory_space<semaphore_mem>>
      %dma_start3A = arith.constant 0 : i32
      %dma_start3A_174 = tpu.memref_slice %arg10[%add3A_12, %dma_start3A] : memref<10240x128xf32, #tpu.memory_space<vmem_shared>> -> memref<16x128xf32, #tpu.memory_space<vmem_shared>>
      %dma_start3A_175 = arith.constant 0 : i32
      %dma_start3A_176 = tpu.memref_slice %arg10[%add3A_12, %dma_start3A_175] : memref<10240x128xf32, #tpu.memory_space<vmem_shared>> -> memref<16x128xf32, #tpu.memory_space<vmem_shared>>
      tpu.enqueue_dma source(%arg9 : memref<16x128xf32, #tpu.memory_space<vmem>>) target(%dma_start3A_176 : memref<16x128xf32, #tpu.memory_space<vmem_shared>>) target_semaphore(%run_scoped3A : memref<!tpu.dma_semaphore, #tpu.memory_space<semaphore_mem>>)
      %dma_wait3A = arith.constant 0 : i32
      %dma_wait3A_177 = tpu.memref_slice %arg10[%add3A_12, %dma_wait3A] : memref<10240x128xf32, #tpu.memory_space<vmem_shared>> -> memref<16x128xf32, #tpu.memory_space<vmem_shared>>
      %dma_wait3A_178 = arith.constant 0 : i32
      %dma_wait3A_179 = tpu.memref_slice %arg10[%add3A_12, %dma_wait3A_178] : memref<10240x128xf32, #tpu.memory_space<vmem_shared>> -> memref<16x128xf32, #tpu.memory_space<vmem_shared>>
      tpu.wait_dma2 semaphore(%run_scoped3A : memref<!tpu.dma_semaphore, #tpu.memory_space<semaphore_mem>>) src(%arg9 : memref<16x128xf32, #tpu.memory_space<vmem>>) dst(%dma_wait3A_179 : memref<16x128xf32, #tpu.memory_space<vmem_shared>>)
      tpu.yield
    }) : () -> ()
    %mul3A_13 = arith.constant 640 : i32
    %mul3A_14 = arith.muli %arg1, %mul3A_13 : i32
    %add3A_15 = arith.constant 32 : i32
    %add3A_16 = arith.addi %mul3A_14, %add3A_15 : i32
    "tpu.region"() ({
      %run_scoped3A = tpu.sem_alloc : memref<!tpu.dma_semaphore, #tpu.memory_space<semaphore_mem>>
      %dma_start3A = arith.constant 0 : i32
      %dma_start3A_174 = tpu.memref_slice %arg10[%add3A_16, %dma_start3A] : memref<10240x128xf32, #tpu.memory_space<vmem_shared>> -> memref<16x128xf32, #tpu.memory_space<vmem_shared>>
      %dma_start3A_175 = arith.constant 0 : i32
      %dma_start3A_176 = tpu.memref_slice %arg10[%add3A_16, %dma_start3A_175] : memref<10240x128xf32, #tpu.memory_space<vmem_shared>> -> memref<16x128xf32, #tpu.memory_space<vmem_shared>>
      tpu.enqueue_dma source(%arg9 : memref<16x128xf32, #tpu.memory_space<vmem>>) target(%dma_start3A_176 : memref<16x128xf32, #tpu.memory_space<vmem_shared>>) target_semaphore(%run_scoped3A : memref<!tpu.dma_semaphore, #tpu.memory_space<semaphore_mem>>)
      %dma_wait3A = arith.constant 0 : i32
      %dma_wait3A_177 = tpu.memref_slice %arg10[%add3A_16, %dma_wait3A] : memref<10240x128xf32, #tpu.memory_space<vmem_shared>> -> memref<16x128xf32, #tpu.memory_space<vmem_shared>>
      %dma_wait3A_178 = arith.constant 0 : i32
      %dma_wait3A_179 = tpu.memref_slice %arg10[%add3A_16, %dma_wait3A_178] : memref<10240x128xf32, #tpu.memory_space<vmem_shared>> -> memref<16x128xf32, #tpu.memory_space<vmem_shared>>
      tpu.wait_dma2 semaphore(%run_scoped3A : memref<!tpu.dma_semaphore, #tpu.memory_space<semaphore_mem>>) src(%arg9 : memref<16x128xf32, #tpu.memory_space<vmem>>) dst(%dma_wait3A_179 : memref<16x128xf32, #tpu.memory_space<vmem_shared>>)
      tpu.yield
    }) : () -> ()
    %mul3A_17 = arith.constant 640 : i32
    %mul3A_18 = arith.muli %arg1, %mul3A_17 : i32
    %add3A_19 = arith.constant 48 : i32
    %add3A_20 = arith.addi %mul3A_18, %add3A_19 : i32
    "tpu.region"() ({
      %run_scoped3A = tpu.sem_alloc : memref<!tpu.dma_semaphore, #tpu.memory_space<semaphore_mem>>
      %dma_start3A = arith.constant 0 : i32
      %dma_start3A_174 = tpu.memref_slice %arg10[%add3A_20, %dma_start3A] : memref<10240x128xf32, #tpu.memory_space<vmem_shared>> -> memref<16x128xf32, #tpu.memory_space<vmem_shared>>
      %dma_start3A_175 = arith.constant 0 : i32
      %dma_start3A_176 = tpu.memref_slice %arg10[%add3A_20, %dma_start3A_175] : memref<10240x128xf32, #tpu.memory_space<vmem_shared>> -> memref<16x128xf32, #tpu.memory_space<vmem_shared>>
      tpu.enqueue_dma source(%arg9 : memref<16x128xf32, #tpu.memory_space<vmem>>) target(%dma_start3A_176 : memref<16x128xf32, #tpu.memory_space<vmem_shared>>) target_semaphore(%run_scoped3A : memref<!tpu.dma_semaphore, #tpu.memory_space<semaphore_mem>>)
      %dma_wait3A = arith.constant 0 : i32
      %dma_wait3A_177 = tpu.memref_slice %arg10[%add3A_20, %dma_wait3A] : memref<10240x128xf32, #tpu.memory_space<vmem_shared>> -> memref<16x128xf32, #tpu.memory_space<vmem_shared>>
      %dma_wait3A_178 = arith.constant 0 : i32
      %dma_wait3A_179 = tpu.memref_slice %arg10[%add3A_20, %dma_wait3A_178] : memref<10240x128xf32, #tpu.memory_space<vmem_shared>> -> memref<16x128xf32, #tpu.memory_space<vmem_shared>>
      tpu.wait_dma2 semaphore(%run_scoped3A : memref<!tpu.dma_semaphore, #tpu.memory_space<semaphore_mem>>) src(%arg9 : memref<16x128xf32, #tpu.memory_space<vmem>>) dst(%dma_wait3A_179 : memref<16x128xf32, #tpu.memory_space<vmem_shared>>)
      tpu.yield
    }) : () -> ()
    %mul3A_21 = arith.constant 640 : i32
    %mul3A_22 = arith.muli %arg1, %mul3A_21 : i32
    %add3A_23 = arith.constant 64 : i32
    %add3A_24 = arith.addi %mul3A_22, %add3A_23 : i32
    "tpu.region"() ({
      %run_scoped3A = tpu.sem_alloc : memref<!tpu.dma_semaphore, #tpu.memory_space<semaphore_mem>>
      %dma_start3A = arith.constant 0 : i32
      %dma_start3A_174 = tpu.memref_slice %arg10[%add3A_24, %dma_start3A] : memref<10240x128xf32, #tpu.memory_space<vmem_shared>> -> memref<16x128xf32, #tpu.memory_space<vmem_shared>>
      %dma_start3A_175 = arith.constant 0 : i32
      %dma_start3A_176 = tpu.memref_slice %arg10[%add3A_24, %dma_start3A_175] : memref<10240x128xf32, #tpu.memory_space<vmem_shared>> -> memref<16x128xf32, #tpu.memory_space<vmem_shared>>
      tpu.enqueue_dma source(%arg9 : memref<16x128xf32, #tpu.memory_space<vmem>>) target(%dma_start3A_176 : memref<16x128xf32, #tpu.memory_space<vmem_shared>>) target_semaphore(%run_scoped3A : memref<!tpu.dma_semaphore, #tpu.memory_space<semaphore_mem>>)
      %dma_wait3A = arith.constant 0 : i32
      %dma_wait3A_177 = tpu.memref_slice %arg10[%add3A_24, %dma_wait3A] : memref<10240x128xf32, #tpu.memory_space<vmem_shared>> -> memref<16x128xf32, #tpu.memory_space<vmem_shared>>
      %dma_wait3A_178 = arith.constant 0 : i32
      %dma_wait3A_179 = tpu.memref_slice %arg10[%add3A_24, %dma_wait3A_178] : memref<10240x128xf32, #tpu.memory_space<vmem_shared>> -> memref<16x128xf32, #tpu.memory_space<vmem_shared>>
      tpu.wait_dma2 semaphore(%run_scoped3A : memref<!tpu.dma_semaphore, #tpu.memory_space<semaphore_mem>>) src(%arg9 : memref<16x128xf32, #tpu.memory_space<vmem>>) dst(%dma_wait3A_179 : memref<16x128xf32, #tpu.memory_space<vmem_shared>>)
      tpu.yield
    }) : () -> ()
    %mul3A_25 = arith.constant 640 : i32
    %mul3A_26 = arith.muli %arg1, %mul3A_25 : i32
    %add3A_27 = arith.constant 80 : i32
    %add3A_28 = arith.addi %mul3A_26, %add3A_27 : i32
    "tpu.region"() ({
      %run_scoped3A = tpu.sem_alloc : memref<!tpu.dma_semaphore, #tpu.memory_space<semaphore_mem>>
      %dma_start3A = arith.constant 0 : i32
      %dma_start3A_174 = tpu.memref_slice %arg10[%add3A_28, %dma_start3A] : memref<10240x128xf32, #tpu.memory_space<vmem_shared>> -> memref<16x128xf32, #tpu.memory_space<vmem_shared>>
      %dma_start3A_175 = arith.constant 0 : i32
      %dma_start3A_176 = tpu.memref_slice %arg10[%add3A_28, %dma_start3A_175] : memref<10240x128xf32, #tpu.memory_space<vmem_shared>> -> memref<16x128xf32, #tpu.memory_space<vmem_shared>>
      tpu.enqueue_dma source(%arg9 : memref<16x128xf32, #tpu.memory_space<vmem>>) target(%dma_start3A_176 : memref<16x128xf32, #tpu.memory_space<vmem_shared>>) target_semaphore(%run_scoped3A : memref<!tpu.dma_semaphore, #tpu.memory_space<semaphore_mem>>)
      %dma_wait3A = arith.constant 0 : i32
      %dma_wait3A_177 = tpu.memref_slice %arg10[%add3A_28, %dma_wait3A] : memref<10240x128xf32, #tpu.memory_space<vmem_shared>> -> memref<16x128xf32, #tpu.memory_space<vmem_shared>>
      %dma_wait3A_178 = arith.constant 0 : i32
      %dma_wait3A_179 = tpu.memref_slice %arg10[%add3A_28, %dma_wait3A_178] : memref<10240x128xf32, #tpu.memory_space<vmem_shared>> -> memref<16x128xf32, #tpu.memory_space<vmem_shared>>
      tpu.wait_dma2 semaphore(%run_scoped3A : memref<!tpu.dma_semaphore, #tpu.memory_space<semaphore_mem>>) src(%arg9 : memref<16x128xf32, #tpu.memory_space<vmem>>) dst(%dma_wait3A_179 : memref<16x128xf32, #tpu.memory_space<vmem_shared>>)
      tpu.yield
    }) : () -> ()
    %mul3A_29 = arith.constant 640 : i32
    %mul3A_30 = arith.muli %arg1, %mul3A_29 : i32
    %add3A_31 = arith.constant 96 : i32
    %add3A_32 = arith.addi %mul3A_30, %add3A_31 : i32
    "tpu.region"() ({
      %run_scoped3A = tpu.sem_alloc : memref<!tpu.dma_semaphore, #tpu.memory_space<semaphore_mem>>
      %dma_start3A = arith.constant 0 : i32
      %dma_start3A_174 = tpu.memref_slice %arg10[%add3A_32, %dma_start3A] : memref<10240x128xf32, #tpu.memory_space<vmem_shared>> -> memref<16x128xf32, #tpu.memory_space<vmem_shared>>
      %dma_start3A_175 = arith.constant 0 : i32
      %dma_start3A_176 = tpu.memref_slice %arg10[%add3A_32, %dma_start3A_175] : memref<10240x128xf32, #tpu.memory_space<vmem_shared>> -> memref<16x128xf32, #tpu.memory_space<vmem_shared>>
      tpu.enqueue_dma source(%arg9 : memref<16x128xf32, #tpu.memory_space<vmem>>) target(%dma_start3A_176 : memref<16x128xf32, #tpu.memory_space<vmem_shared>>) target_semaphore(%run_scoped3A : memref<!tpu.dma_semaphore, #tpu.memory_space<semaphore_mem>>)
      %dma_wait3A = arith.constant 0 : i32
      %dma_wait3A_177 = tpu.memref_slice %arg10[%add3A_32, %dma_wait3A] : memref<10240x128xf32, #tpu.memory_space<vmem_shared>> -> memref<16x128xf32, #tpu.memory_space<vmem_shared>>
      %dma_wait3A_178 = arith.constant 0 : i32
      %dma_wait3A_179 = tpu.memref_slice %arg10[%add3A_32, %dma_wait3A_178] : memref<10240x128xf32, #tpu.memory_space<vmem_shared>> -> memref<16x128xf32, #tpu.memory_space<vmem_shared>>
      tpu.wait_dma2 semaphore(%run_scoped3A : memref<!tpu.dma_semaphore, #tpu.memory_space<semaphore_mem>>) src(%arg9 : memref<16x128xf32, #tpu.memory_space<vmem>>) dst(%dma_wait3A_179 : memref<16x128xf32, #tpu.memory_space<vmem_shared>>)
      tpu.yield
    }) : () -> ()
    %mul3A_33 = arith.constant 640 : i32
    %mul3A_34 = arith.muli %arg1, %mul3A_33 : i32
    %add3A_35 = arith.constant 112 : i32
    %add3A_36 = arith.addi %mul3A_34, %add3A_35 : i32
    "tpu.region"() ({
      %run_scoped3A = tpu.sem_alloc : memref<!tpu.dma_semaphore, #tpu.memory_space<semaphore_mem>>
      %dma_start3A = arith.constant 0 : i32
      %dma_start3A_174 = tpu.memref_slice %arg10[%add3A_36, %dma_start3A] : memref<10240x128xf32, #tpu.memory_space<vmem_shared>> -> memref<16x128xf32, #tpu.memory_space<vmem_shared>>
      %dma_start3A_175 = arith.constant 0 : i32
      %dma_start3A_176 = tpu.memref_slice %arg10[%add3A_36, %dma_start3A_175] : memref<10240x128xf32, #tpu.memory_space<vmem_shared>> -> memref<16x128xf32, #tpu.memory_space<vmem_shared>>
      tpu.enqueue_dma source(%arg9 : memref<16x128xf32, #tpu.memory_space<vmem>>) target(%dma_start3A_176 : memref<16x128xf32, #tpu.memory_space<vmem_shared>>) target_semaphore(%run_scoped3A : memref<!tpu.dma_semaphore, #tpu.memory_space<semaphore_mem>>)
      %dma_wait3A = arith.constant 0 : i32
      %dma_wait3A_177 = tpu.memref_slice %arg10[%add3A_36, %dma_wait3A] : memref<10240x128xf32, #tpu.memory_space<vmem_shared>> -> memref<16x128xf32, #tpu.memory_space<vmem_shared>>
      %dma_wait3A_178 = arith.constant 0 : i32
      %dma_wait3A_179 = tpu.memref_slice %arg10[%add3A_36, %dma_wait3A_178] : memref<10240x128xf32, #tpu.memory_space<vmem_shared>> -> memref<16x128xf32, #tpu.memory_space<vmem_shared>>
      tpu.wait_dma2 semaphore(%run_scoped3A : memref<!tpu.dma_semaphore, #tpu.memory_space<semaphore_mem>>) src(%arg9 : memref<16x128xf32, #tpu.memory_space<vmem>>) dst(%dma_wait3A_179 : memref<16x128xf32, #tpu.memory_space<vmem_shared>>)
      tpu.yield
    }) : () -> ()
    %mul3A_37 = arith.constant 640 : i32
    %mul3A_38 = arith.muli %arg1, %mul3A_37 : i32
    %add3A_39 = arith.constant 128 : i32
    %add3A_40 = arith.addi %mul3A_38, %add3A_39 : i32
    "tpu.region"() ({
      %run_scoped3A = tpu.sem_alloc : memref<!tpu.dma_semaphore, #tpu.memory_space<semaphore_mem>>
      %dma_start3A = arith.constant 0 : i32
      %dma_start3A_174 = tpu.memref_slice %arg10[%add3A_40, %dma_start3A] : memref<10240x128xf32, #tpu.memory_space<vmem_shared>> -> memref<16x128xf32, #tpu.memory_space<vmem_shared>>
      %dma_start3A_175 = arith.constant 0 : i32
      %dma_start3A_176 = tpu.memref_slice %arg10[%add3A_40, %dma_start3A_175] : memref<10240x128xf32, #tpu.memory_space<vmem_shared>> -> memref<16x128xf32, #tpu.memory_space<vmem_shared>>
      tpu.enqueue_dma source(%arg9 : memref<16x128xf32, #tpu.memory_space<vmem>>) target(%dma_start3A_176 : memref<16x128xf32, #tpu.memory_space<vmem_shared>>) target_semaphore(%run_scoped3A : memref<!tpu.dma_semaphore, #tpu.memory_space<semaphore_mem>>)
      %dma_wait3A = arith.constant 0 : i32
      %dma_wait3A_177 = tpu.memref_slice %arg10[%add3A_40, %dma_wait3A] : memref<10240x128xf32, #tpu.memory_space<vmem_shared>> -> memref<16x128xf32, #tpu.memory_space<vmem_shared>>
      %dma_wait3A_178 = arith.constant 0 : i32
      %dma_wait3A_179 = tpu.memref_slice %arg10[%add3A_40, %dma_wait3A_178] : memref<10240x128xf32, #tpu.memory_space<vmem_shared>> -> memref<16x128xf32, #tpu.memory_space<vmem_shared>>
      tpu.wait_dma2 semaphore(%run_scoped3A : memref<!tpu.dma_semaphore, #tpu.memory_space<semaphore_mem>>) src(%arg9 : memref<16x128xf32, #tpu.memory_space<vmem>>) dst(%dma_wait3A_179 : memref<16x128xf32, #tpu.memory_space<vmem_shared>>)
      tpu.yield
    }) : () -> ()
    %mul3A_41 = arith.constant 640 : i32
    %mul3A_42 = arith.muli %arg1, %mul3A_41 : i32
    %add3A_43 = arith.constant 144 : i32
    %add3A_44 = arith.addi %mul3A_42, %add3A_43 : i32
    "tpu.region"() ({
      %run_scoped3A = tpu.sem_alloc : memref<!tpu.dma_semaphore, #tpu.memory_space<semaphore_mem>>
      %dma_start3A = arith.constant 0 : i32
      %dma_start3A_174 = tpu.memref_slice %arg10[%add3A_44, %dma_start3A] : memref<10240x128xf32, #tpu.memory_space<vmem_shared>> -> memref<16x128xf32, #tpu.memory_space<vmem_shared>>
      %dma_start3A_175 = arith.constant 0 : i32
      %dma_start3A_176 = tpu.memref_slice %arg10[%add3A_44, %dma_start3A_175] : memref<10240x128xf32, #tpu.memory_space<vmem_shared>> -> memref<16x128xf32, #tpu.memory_space<vmem_shared>>
      tpu.enqueue_dma source(%arg9 : memref<16x128xf32, #tpu.memory_space<vmem>>) target(%dma_start3A_176 : memref<16x128xf32, #tpu.memory_space<vmem_shared>>) target_semaphore(%run_scoped3A : memref<!tpu.dma_semaphore, #tpu.memory_space<semaphore_mem>>)
      %dma_wait3A = arith.constant 0 : i32
      %dma_wait3A_177 = tpu.memref_slice %arg10[%add3A_44, %dma_wait3A] : memref<10240x128xf32, #tpu.memory_space<vmem_shared>> -> memref<16x128xf32, #tpu.memory_space<vmem_shared>>
      %dma_wait3A_178 = arith.constant 0 : i32
      %dma_wait3A_179 = tpu.memref_slice %arg10[%add3A_44, %dma_wait3A_178] : memref<10240x128xf32, #tpu.memory_space<vmem_shared>> -> memref<16x128xf32, #tpu.memory_space<vmem_shared>>
      tpu.wait_dma2 semaphore(%run_scoped3A : memref<!tpu.dma_semaphore, #tpu.memory_space<semaphore_mem>>) src(%arg9 : memref<16x128xf32, #tpu.memory_space<vmem>>) dst(%dma_wait3A_179 : memref<16x128xf32, #tpu.memory_space<vmem_shared>>)
      tpu.yield
    }) : () -> ()
    %mul3A_45 = arith.constant 640 : i32
    %mul3A_46 = arith.muli %arg1, %mul3A_45 : i32
    %add3A_47 = arith.constant 160 : i32
    %add3A_48 = arith.addi %mul3A_46, %add3A_47 : i32
    "tpu.region"() ({
      %run_scoped3A = tpu.sem_alloc : memref<!tpu.dma_semaphore, #tpu.memory_space<semaphore_mem>>
      %dma_start3A = arith.constant 0 : i32
      %dma_start3A_174 = tpu.memref_slice %arg10[%add3A_48, %dma_start3A] : memref<10240x128xf32, #tpu.memory_space<vmem_shared>> -> memref<16x128xf32, #tpu.memory_space<vmem_shared>>
      %dma_start3A_175 = arith.constant 0 : i32
      %dma_start3A_176 = tpu.memref_slice %arg10[%add3A_48, %dma_start3A_175] : memref<10240x128xf32, #tpu.memory_space<vmem_shared>> -> memref<16x128xf32, #tpu.memory_space<vmem_shared>>
      tpu.enqueue_dma source(%arg9 : memref<16x128xf32, #tpu.memory_space<vmem>>) target(%dma_start3A_176 : memref<16x128xf32, #tpu.memory_space<vmem_shared>>) target_semaphore(%run_scoped3A : memref<!tpu.dma_semaphore, #tpu.memory_space<semaphore_mem>>)
      %dma_wait3A = arith.constant 0 : i32
      %dma_wait3A_177 = tpu.memref_slice %arg10[%add3A_48, %dma_wait3A] : memref<10240x128xf32, #tpu.memory_space<vmem_shared>> -> memref<16x128xf32, #tpu.memory_space<vmem_shared>>
      %dma_wait3A_178 = arith.constant 0 : i32
      %dma_wait3A_179 = tpu.memref_slice %arg10[%add3A_48, %dma_wait3A_178] : memref<10240x128xf32, #tpu.memory_space<vmem_shared>> -> memref<16x128xf32, #tpu.memory_space<vmem_shared>>
      tpu.wait_dma2 semaphore(%run_scoped3A : memref<!tpu.dma_semaphore, #tpu.memory_space<semaphore_mem>>) src(%arg9 : memref<16x128xf32, #tpu.memory_space<vmem>>) dst(%dma_wait3A_179 : memref<16x128xf32, #tpu.memory_space<vmem_shared>>)
      tpu.yield
    }) : () -> ()
    %mul3A_49 = arith.constant 640 : i32
    %mul3A_50 = arith.muli %arg1, %mul3A_49 : i32
    %add3A_51 = arith.constant 176 : i32
    %add3A_52 = arith.addi %mul3A_50, %add3A_51 : i32
    "tpu.region"() ({
      %run_scoped3A = tpu.sem_alloc : memref<!tpu.dma_semaphore, #tpu.memory_space<semaphore_mem>>
      %dma_start3A = arith.constant 0 : i32
      %dma_start3A_174 = tpu.memref_slice %arg10[%add3A_52, %dma_start3A] : memref<10240x128xf32, #tpu.memory_space<vmem_shared>> -> memref<16x128xf32, #tpu.memory_space<vmem_shared>>
      %dma_start3A_175 = arith.constant 0 : i32
      %dma_start3A_176 = tpu.memref_slice %arg10[%add3A_52, %dma_start3A_175] : memref<10240x128xf32, #tpu.memory_space<vmem_shared>> -> memref<16x128xf32, #tpu.memory_space<vmem_shared>>
      tpu.enqueue_dma source(%arg9 : memref<16x128xf32, #tpu.memory_space<vmem>>) target(%dma_start3A_176 : memref<16x128xf32, #tpu.memory_space<vmem_shared>>) target_semaphore(%run_scoped3A : memref<!tpu.dma_semaphore, #tpu.memory_space<semaphore_mem>>)
      %dma_wait3A = arith.constant 0 : i32
      %dma_wait3A_177 = tpu.memref_slice %arg10[%add3A_52, %dma_wait3A] : memref<10240x128xf32, #tpu.memory_space<vmem_shared>> -> memref<16x128xf32, #tpu.memory_space<vmem_shared>>
      %dma_wait3A_178 = arith.constant 0 : i32
      %dma_wait3A_179 = tpu.memref_slice %arg10[%add3A_52, %dma_wait3A_178] : memref<10240x128xf32, #tpu.memory_space<vmem_shared>> -> memref<16x128xf32, #tpu.memory_space<vmem_shared>>
      tpu.wait_dma2 semaphore(%run_scoped3A : memref<!tpu.dma_semaphore, #tpu.memory_space<semaphore_mem>>) src(%arg9 : memref<16x128xf32, #tpu.memory_space<vmem>>) dst(%dma_wait3A_179 : memref<16x128xf32, #tpu.memory_space<vmem_shared>>)
      tpu.yield
    }) : () -> ()
    %mul3A_53 = arith.constant 640 : i32
    %mul3A_54 = arith.muli %arg1, %mul3A_53 : i32
    %add3A_55 = arith.constant 192 : i32
    %add3A_56 = arith.addi %mul3A_54, %add3A_55 : i32
    "tpu.region"() ({
      %run_scoped3A = tpu.sem_alloc : memref<!tpu.dma_semaphore, #tpu.memory_space<semaphore_mem>>
      %dma_start3A = arith.constant 0 : i32
      %dma_start3A_174 = tpu.memref_slice %arg10[%add3A_56, %dma_start3A] : memref<10240x128xf32, #tpu.memory_space<vmem_shared>> -> memref<16x128xf32, #tpu.memory_space<vmem_shared>>
      %dma_start3A_175 = arith.constant 0 : i32
      %dma_start3A_176 = tpu.memref_slice %arg10[%add3A_56, %dma_start3A_175] : memref<10240x128xf32, #tpu.memory_space<vmem_shared>> -> memref<16x128xf32, #tpu.memory_space<vmem_shared>>
      tpu.enqueue_dma source(%arg9 : memref<16x128xf32, #tpu.memory_space<vmem>>) target(%dma_start3A_176 : memref<16x128xf32, #tpu.memory_space<vmem_shared>>) target_semaphore(%run_scoped3A : memref<!tpu.dma_semaphore, #tpu.memory_space<semaphore_mem>>)
      %dma_wait3A = arith.constant 0 : i32
      %dma_wait3A_177 = tpu.memref_slice %arg10[%add3A_56, %dma_wait3A] : memref<10240x128xf32, #tpu.memory_space<vmem_shared>> -> memref<16x128xf32, #tpu.memory_space<vmem_shared>>
      %dma_wait3A_178 = arith.constant 0 : i32
      %dma_wait3A_179 = tpu.memref_slice %arg10[%add3A_56, %dma_wait3A_178] : memref<10240x128xf32, #tpu.memory_space<vmem_shared>> -> memref<16x128xf32, #tpu.memory_space<vmem_shared>>
      tpu.wait_dma2 semaphore(%run_scoped3A : memref<!tpu.dma_semaphore, #tpu.memory_space<semaphore_mem>>) src(%arg9 : memref<16x128xf32, #tpu.memory_space<vmem>>) dst(%dma_wait3A_179 : memref<16x128xf32, #tpu.memory_space<vmem_shared>>)
      tpu.yield
    }) : () -> ()
    %mul3A_57 = arith.constant 640 : i32
    %mul3A_58 = arith.muli %arg1, %mul3A_57 : i32
    %add3A_59 = arith.constant 208 : i32
    %add3A_60 = arith.addi %mul3A_58, %add3A_59 : i32
    "tpu.region"() ({
      %run_scoped3A = tpu.sem_alloc : memref<!tpu.dma_semaphore, #tpu.memory_space<semaphore_mem>>
      %dma_start3A = arith.constant 0 : i32
      %dma_start3A_174 = tpu.memref_slice %arg10[%add3A_60, %dma_start3A] : memref<10240x128xf32, #tpu.memory_space<vmem_shared>> -> memref<16x128xf32, #tpu.memory_space<vmem_shared>>
      %dma_start3A_175 = arith.constant 0 : i32
      %dma_start3A_176 = tpu.memref_slice %arg10[%add3A_60, %dma_start3A_175] : memref<10240x128xf32, #tpu.memory_space<vmem_shared>> -> memref<16x128xf32, #tpu.memory_space<vmem_shared>>
      tpu.enqueue_dma source(%arg9 : memref<16x128xf32, #tpu.memory_space<vmem>>) target(%dma_start3A_176 : memref<16x128xf32, #tpu.memory_space<vmem_shared>>) target_semaphore(%run_scoped3A : memref<!tpu.dma_semaphore, #tpu.memory_space<semaphore_mem>>)
      %dma_wait3A = arith.constant 0 : i32
      %dma_wait3A_177 = tpu.memref_slice %arg10[%add3A_60, %dma_wait3A] : memref<10240x128xf32, #tpu.memory_space<vmem_shared>> -> memref<16x128xf32, #tpu.memory_space<vmem_shared>>
      %dma_wait3A_178 = arith.constant 0 : i32
      %dma_wait3A_179 = tpu.memref_slice %arg10[%add3A_60, %dma_wait3A_178] : memref<10240x128xf32, #tpu.memory_space<vmem_shared>> -> memref<16x128xf32, #tpu.memory_space<vmem_shared>>
      tpu.wait_dma2 semaphore(%run_scoped3A : memref<!tpu.dma_semaphore, #tpu.memory_space<semaphore_mem>>) src(%arg9 : memref<16x128xf32, #tpu.memory_space<vmem>>) dst(%dma_wait3A_179 : memref<16x128xf32, #tpu.memory_space<vmem_shared>>)
      tpu.yield
    }) : () -> ()
    %mul3A_61 = arith.constant 640 : i32
    %mul3A_62 = arith.muli %arg1, %mul3A_61 : i32
    %add3A_63 = arith.constant 224 : i32
    %add3A_64 = arith.addi %mul3A_62, %add3A_63 : i32
    "tpu.region"() ({
      %run_scoped3A = tpu.sem_alloc : memref<!tpu.dma_semaphore, #tpu.memory_space<semaphore_mem>>
      %dma_start3A = arith.constant 0 : i32
      %dma_start3A_174 = tpu.memref_slice %arg10[%add3A_64, %dma_start3A] : memref<10240x128xf32, #tpu.memory_space<vmem_shared>> -> memref<16x128xf32, #tpu.memory_space<vmem_shared>>
      %dma_start3A_175 = arith.constant 0 : i32
      %dma_start3A_176 = tpu.memref_slice %arg10[%add3A_64, %dma_start3A_175] : memref<10240x128xf32, #tpu.memory_space<vmem_shared>> -> memref<16x128xf32, #tpu.memory_space<vmem_shared>>
      tpu.enqueue_dma source(%arg9 : memref<16x128xf32, #tpu.memory_space<vmem>>) target(%dma_start3A_176 : memref<16x128xf32, #tpu.memory_space<vmem_shared>>) target_semaphore(%run_scoped3A : memref<!tpu.dma_semaphore, #tpu.memory_space<semaphore_mem>>)
      %dma_wait3A = arith.constant 0 : i32
      %dma_wait3A_177 = tpu.memref_slice %arg10[%add3A_64, %dma_wait3A] : memref<10240x128xf32, #tpu.memory_space<vmem_shared>> -> memref<16x128xf32, #tpu.memory_space<vmem_shared>>
      %dma_wait3A_178 = arith.constant 0 : i32
      %dma_wait3A_179 = tpu.memref_slice %arg10[%add3A_64, %dma_wait3A_178] : memref<10240x128xf32, #tpu.memory_space<vmem_shared>> -> memref<16x128xf32, #tpu.memory_space<vmem_shared>>
      tpu.wait_dma2 semaphore(%run_scoped3A : memref<!tpu.dma_semaphore, #tpu.memory_space<semaphore_mem>>) src(%arg9 : memref<16x128xf32, #tpu.memory_space<vmem>>) dst(%dma_wait3A_179 : memref<16x128xf32, #tpu.memory_space<vmem_shared>>)
      tpu.yield
    }) : () -> ()
    %mul3A_65 = arith.constant 640 : i32
    %mul3A_66 = arith.muli %arg1, %mul3A_65 : i32
    %add3A_67 = arith.constant 240 : i32
    %add3A_68 = arith.addi %mul3A_66, %add3A_67 : i32
    "tpu.region"() ({
      %run_scoped3A = tpu.sem_alloc : memref<!tpu.dma_semaphore, #tpu.memory_space<semaphore_mem>>
      %dma_start3A = arith.constant 0 : i32
      %dma_start3A_174 = tpu.memref_slice %arg10[%add3A_68, %dma_start3A] : memref<10240x128xf32, #tpu.memory_space<vmem_shared>> -> memref<16x128xf32, #tpu.memory_space<vmem_shared>>
      %dma_start3A_175 = arith.constant 0 : i32
      %dma_start3A_176 = tpu.memref_slice %arg10[%add3A_68, %dma_start3A_175] : memref<10240x128xf32, #tpu.memory_space<vmem_shared>> -> memref<16x128xf32, #tpu.memory_space<vmem_shared>>
      tpu.enqueue_dma source(%arg9 : memref<16x128xf32, #tpu.memory_space<vmem>>) target(%dma_start3A_176 : memref<16x128xf32, #tpu.memory_space<vmem_shared>>) target_semaphore(%run_scoped3A : memref<!tpu.dma_semaphore, #tpu.memory_space<semaphore_mem>>)
      %dma_wait3A = arith.constant 0 : i32
      %dma_wait3A_177 = tpu.memref_slice %arg10[%add3A_68, %dma_wait3A] : memref<10240x128xf32, #tpu.memory_space<vmem_shared>> -> memref<16x128xf32, #tpu.memory_space<vmem_shared>>
      %dma_wait3A_178 = arith.constant 0 : i32
      %dma_wait3A_179 = tpu.memref_slice %arg10[%add3A_68, %dma_wait3A_178] : memref<10240x128xf32, #tpu.memory_space<vmem_shared>> -> memref<16x128xf32, #tpu.memory_space<vmem_shared>>
      tpu.wait_dma2 semaphore(%run_scoped3A : memref<!tpu.dma_semaphore, #tpu.memory_space<semaphore_mem>>) src(%arg9 : memref<16x128xf32, #tpu.memory_space<vmem>>) dst(%dma_wait3A_179 : memref<16x128xf32, #tpu.memory_space<vmem_shared>>)
      tpu.yield
    }) : () -> ()
    %mul3A_69 = arith.constant 640 : i32
    %mul3A_70 = arith.muli %arg1, %mul3A_69 : i32
    %add3A_71 = arith.constant 256 : i32
    %add3A_72 = arith.addi %mul3A_70, %add3A_71 : i32
    "tpu.region"() ({
      %run_scoped3A = tpu.sem_alloc : memref<!tpu.dma_semaphore, #tpu.memory_space<semaphore_mem>>
      %dma_start3A = arith.constant 0 : i32
      %dma_start3A_174 = tpu.memref_slice %arg10[%add3A_72, %dma_start3A] : memref<10240x128xf32, #tpu.memory_space<vmem_shared>> -> memref<16x128xf32, #tpu.memory_space<vmem_shared>>
      %dma_start3A_175 = arith.constant 0 : i32
      %dma_start3A_176 = tpu.memref_slice %arg10[%add3A_72, %dma_start3A_175] : memref<10240x128xf32, #tpu.memory_space<vmem_shared>> -> memref<16x128xf32, #tpu.memory_space<vmem_shared>>
      tpu.enqueue_dma source(%arg9 : memref<16x128xf32, #tpu.memory_space<vmem>>) target(%dma_start3A_176 : memref<16x128xf32, #tpu.memory_space<vmem_shared>>) target_semaphore(%run_scoped3A : memref<!tpu.dma_semaphore, #tpu.memory_space<semaphore_mem>>)
      %dma_wait3A = arith.constant 0 : i32
      %dma_wait3A_177 = tpu.memref_slice %arg10[%add3A_72, %dma_wait3A] : memref<10240x128xf32, #tpu.memory_space<vmem_shared>> -> memref<16x128xf32, #tpu.memory_space<vmem_shared>>
      %dma_wait3A_178 = arith.constant 0 : i32
      %dma_wait3A_179 = tpu.memref_slice %arg10[%add3A_72, %dma_wait3A_178] : memref<10240x128xf32, #tpu.memory_space<vmem_shared>> -> memref<16x128xf32, #tpu.memory_space<vmem_shared>>
      tpu.wait_dma2 semaphore(%run_scoped3A : memref<!tpu.dma_semaphore, #tpu.memory_space<semaphore_mem>>) src(%arg9 : memref<16x128xf32, #tpu.memory_space<vmem>>) dst(%dma_wait3A_179 : memref<16x128xf32, #tpu.memory_space<vmem_shared>>)
      tpu.yield
    }) : () -> ()
    %mul3A_73 = arith.constant 640 : i32
    %mul3A_74 = arith.muli %arg1, %mul3A_73 : i32
    %add3A_75 = arith.constant 272 : i32
    %add3A_76 = arith.addi %mul3A_74, %add3A_75 : i32
    "tpu.region"() ({
      %run_scoped3A = tpu.sem_alloc : memref<!tpu.dma_semaphore, #tpu.memory_space<semaphore_mem>>
      %dma_start3A = arith.constant 0 : i32
      %dma_start3A_174 = tpu.memref_slice %arg10[%add3A_76, %dma_start3A] : memref<10240x128xf32, #tpu.memory_space<vmem_shared>> -> memref<16x128xf32, #tpu.memory_space<vmem_shared>>
      %dma_start3A_175 = arith.constant 0 : i32
      %dma_start3A_176 = tpu.memref_slice %arg10[%add3A_76, %dma_start3A_175] : memref<10240x128xf32, #tpu.memory_space<vmem_shared>> -> memref<16x128xf32, #tpu.memory_space<vmem_shared>>
      tpu.enqueue_dma source(%arg9 : memref<16x128xf32, #tpu.memory_space<vmem>>) target(%dma_start3A_176 : memref<16x128xf32, #tpu.memory_space<vmem_shared>>) target_semaphore(%run_scoped3A : memref<!tpu.dma_semaphore, #tpu.memory_space<semaphore_mem>>)
      %dma_wait3A = arith.constant 0 : i32
      %dma_wait3A_177 = tpu.memref_slice %arg10[%add3A_76, %dma_wait3A] : memref<10240x128xf32, #tpu.memory_space<vmem_shared>> -> memref<16x128xf32, #tpu.memory_space<vmem_shared>>
      %dma_wait3A_178 = arith.constant 0 : i32
      %dma_wait3A_179 = tpu.memref_slice %arg10[%add3A_76, %dma_wait3A_178] : memref<10240x128xf32, #tpu.memory_space<vmem_shared>> -> memref<16x128xf32, #tpu.memory_space<vmem_shared>>
      tpu.wait_dma2 semaphore(%run_scoped3A : memref<!tpu.dma_semaphore, #tpu.memory_space<semaphore_mem>>) src(%arg9 : memref<16x128xf32, #tpu.memory_space<vmem>>) dst(%dma_wait3A_179 : memref<16x128xf32, #tpu.memory_space<vmem_shared>>)
      tpu.yield
    }) : () -> ()
    %mul3A_77 = arith.constant 640 : i32
    %mul3A_78 = arith.muli %arg1, %mul3A_77 : i32
    %add3A_79 = arith.constant 288 : i32
    %add3A_80 = arith.addi %mul3A_78, %add3A_79 : i32
    "tpu.region"() ({
      %run_scoped3A = tpu.sem_alloc : memref<!tpu.dma_semaphore, #tpu.memory_space<semaphore_mem>>
      %dma_start3A = arith.constant 0 : i32
      %dma_start3A_174 = tpu.memref_slice %arg10[%add3A_80, %dma_start3A] : memref<10240x128xf32, #tpu.memory_space<vmem_shared>> -> memref<16x128xf32, #tpu.memory_space<vmem_shared>>
      %dma_start3A_175 = arith.constant 0 : i32
      %dma_start3A_176 = tpu.memref_slice %arg10[%add3A_80, %dma_start3A_175] : memref<10240x128xf32, #tpu.memory_space<vmem_shared>> -> memref<16x128xf32, #tpu.memory_space<vmem_shared>>
      tpu.enqueue_dma source(%arg9 : memref<16x128xf32, #tpu.memory_space<vmem>>) target(%dma_start3A_176 : memref<16x128xf32, #tpu.memory_space<vmem_shared>>) target_semaphore(%run_scoped3A : memref<!tpu.dma_semaphore, #tpu.memory_space<semaphore_mem>>)
      %dma_wait3A = arith.constant 0 : i32
      %dma_wait3A_177 = tpu.memref_slice %arg10[%add3A_80, %dma_wait3A] : memref<10240x128xf32, #tpu.memory_space<vmem_shared>> -> memref<16x128xf32, #tpu.memory_space<vmem_shared>>
      %dma_wait3A_178 = arith.constant 0 : i32
      %dma_wait3A_179 = tpu.memref_slice %arg10[%add3A_80, %dma_wait3A_178] : memref<10240x128xf32, #tpu.memory_space<vmem_shared>> -> memref<16x128xf32, #tpu.memory_space<vmem_shared>>
      tpu.wait_dma2 semaphore(%run_scoped3A : memref<!tpu.dma_semaphore, #tpu.memory_space<semaphore_mem>>) src(%arg9 : memref<16x128xf32, #tpu.memory_space<vmem>>) dst(%dma_wait3A_179 : memref<16x128xf32, #tpu.memory_space<vmem_shared>>)
      tpu.yield
    }) : () -> ()
    %mul3A_81 = arith.constant 640 : i32
    %mul3A_82 = arith.muli %arg1, %mul3A_81 : i32
    %add3A_83 = arith.constant 304 : i32
    %add3A_84 = arith.addi %mul3A_82, %add3A_83 : i32
    "tpu.region"() ({
      %run_scoped3A = tpu.sem_alloc : memref<!tpu.dma_semaphore, #tpu.memory_space<semaphore_mem>>
      %dma_start3A = arith.constant 0 : i32
      %dma_start3A_174 = tpu.memref_slice %arg10[%add3A_84, %dma_start3A] : memref<10240x128xf32, #tpu.memory_space<vmem_shared>> -> memref<16x128xf32, #tpu.memory_space<vmem_shared>>
      %dma_start3A_175 = arith.constant 0 : i32
      %dma_start3A_176 = tpu.memref_slice %arg10[%add3A_84, %dma_start3A_175] : memref<10240x128xf32, #tpu.memory_space<vmem_shared>> -> memref<16x128xf32, #tpu.memory_space<vmem_shared>>
      tpu.enqueue_dma source(%arg9 : memref<16x128xf32, #tpu.memory_space<vmem>>) target(%dma_start3A_176 : memref<16x128xf32, #tpu.memory_space<vmem_shared>>) target_semaphore(%run_scoped3A : memref<!tpu.dma_semaphore, #tpu.memory_space<semaphore_mem>>)
      %dma_wait3A = arith.constant 0 : i32
      %dma_wait3A_177 = tpu.memref_slice %arg10[%add3A_84, %dma_wait3A] : memref<10240x128xf32, #tpu.memory_space<vmem_shared>> -> memref<16x128xf32, #tpu.memory_space<vmem_shared>>
      %dma_wait3A_178 = arith.constant 0 : i32
      %dma_wait3A_179 = tpu.memref_slice %arg10[%add3A_84, %dma_wait3A_178] : memref<10240x128xf32, #tpu.memory_space<vmem_shared>> -> memref<16x128xf32, #tpu.memory_space<vmem_shared>>
      tpu.wait_dma2 semaphore(%run_scoped3A : memref<!tpu.dma_semaphore, #tpu.memory_space<semaphore_mem>>) src(%arg9 : memref<16x128xf32, #tpu.memory_space<vmem>>) dst(%dma_wait3A_179 : memref<16x128xf32, #tpu.memory_space<vmem_shared>>)
      tpu.yield
    }) : () -> ()
    %mul3A_85 = arith.constant 640 : i32
    %mul3A_86 = arith.muli %arg1, %mul3A_85 : i32
    %add3A_87 = arith.constant 320 : i32
    %add3A_88 = arith.addi %mul3A_86, %add3A_87 : i32
    "tpu.region"() ({
      %run_scoped3A = tpu.sem_alloc : memref<!tpu.dma_semaphore, #tpu.memory_space<semaphore_mem>>
      %dma_start3A = arith.constant 0 : i32
      %dma_start3A_174 = tpu.memref_slice %arg10[%add3A_88, %dma_start3A] : memref<10240x128xf32, #tpu.memory_space<vmem_shared>> -> memref<16x128xf32, #tpu.memory_space<vmem_shared>>
      %dma_start3A_175 = arith.constant 0 : i32
      %dma_start3A_176 = tpu.memref_slice %arg10[%add3A_88, %dma_start3A_175] : memref<10240x128xf32, #tpu.memory_space<vmem_shared>> -> memref<16x128xf32, #tpu.memory_space<vmem_shared>>
      tpu.enqueue_dma source(%arg9 : memref<16x128xf32, #tpu.memory_space<vmem>>) target(%dma_start3A_176 : memref<16x128xf32, #tpu.memory_space<vmem_shared>>) target_semaphore(%run_scoped3A : memref<!tpu.dma_semaphore, #tpu.memory_space<semaphore_mem>>)
      %dma_wait3A = arith.constant 0 : i32
      %dma_wait3A_177 = tpu.memref_slice %arg10[%add3A_88, %dma_wait3A] : memref<10240x128xf32, #tpu.memory_space<vmem_shared>> -> memref<16x128xf32, #tpu.memory_space<vmem_shared>>
      %dma_wait3A_178 = arith.constant 0 : i32
      %dma_wait3A_179 = tpu.memref_slice %arg10[%add3A_88, %dma_wait3A_178] : memref<10240x128xf32, #tpu.memory_space<vmem_shared>> -> memref<16x128xf32, #tpu.memory_space<vmem_shared>>
      tpu.wait_dma2 semaphore(%run_scoped3A : memref<!tpu.dma_semaphore, #tpu.memory_space<semaphore_mem>>) src(%arg9 : memref<16x128xf32, #tpu.memory_space<vmem>>) dst(%dma_wait3A_179 : memref<16x128xf32, #tpu.memory_space<vmem_shared>>)
      tpu.yield
    }) : () -> ()
    %mul3A_89 = arith.constant 640 : i32
    %mul3A_90 = arith.muli %arg1, %mul3A_89 : i32
    %add3A_91 = arith.constant 336 : i32
    %add3A_92 = arith.addi %mul3A_90, %add3A_91 : i32
    "tpu.region"() ({
      %run_scoped3A = tpu.sem_alloc : memref<!tpu.dma_semaphore, #tpu.memory_space<semaphore_mem>>
      %dma_start3A = arith.constant 0 : i32
      %dma_start3A_174 = tpu.memref_slice %arg10[%add3A_92, %dma_start3A] : memref<10240x128xf32, #tpu.memory_space<vmem_shared>> -> memref<16x128xf32, #tpu.memory_space<vmem_shared>>
      %dma_start3A_175 = arith.constant 0 : i32
      %dma_start3A_176 = tpu.memref_slice %arg10[%add3A_92, %dma_start3A_175] : memref<10240x128xf32, #tpu.memory_space<vmem_shared>> -> memref<16x128xf32, #tpu.memory_space<vmem_shared>>
      tpu.enqueue_dma source(%arg9 : memref<16x128xf32, #tpu.memory_space<vmem>>) target(%dma_start3A_176 : memref<16x128xf32, #tpu.memory_space<vmem_shared>>) target_semaphore(%run_scoped3A : memref<!tpu.dma_semaphore, #tpu.memory_space<semaphore_mem>>)
      %dma_wait3A = arith.constant 0 : i32
      %dma_wait3A_177 = tpu.memref_slice %arg10[%add3A_92, %dma_wait3A] : memref<10240x128xf32, #tpu.memory_space<vmem_shared>> -> memref<16x128xf32, #tpu.memory_space<vmem_shared>>
      %dma_wait3A_178 = arith.constant 0 : i32
      %dma_wait3A_179 = tpu.memref_slice %arg10[%add3A_92, %dma_wait3A_178] : memref<10240x128xf32, #tpu.memory_space<vmem_shared>> -> memref<16x128xf32, #tpu.memory_space<vmem_shared>>
      tpu.wait_dma2 semaphore(%run_scoped3A : memref<!tpu.dma_semaphore, #tpu.memory_space<semaphore_mem>>) src(%arg9 : memref<16x128xf32, #tpu.memory_space<vmem>>) dst(%dma_wait3A_179 : memref<16x128xf32, #tpu.memory_space<vmem_shared>>)
      tpu.yield
    }) : () -> ()
    %mul3A_93 = arith.constant 640 : i32
    %mul3A_94 = arith.muli %arg1, %mul3A_93 : i32
    %add3A_95 = arith.constant 352 : i32
    %add3A_96 = arith.addi %mul3A_94, %add3A_95 : i32
    "tpu.region"() ({
      %run_scoped3A = tpu.sem_alloc : memref<!tpu.dma_semaphore, #tpu.memory_space<semaphore_mem>>
      %dma_start3A = arith.constant 0 : i32
      %dma_start3A_174 = tpu.memref_slice %arg10[%add3A_96, %dma_start3A] : memref<10240x128xf32, #tpu.memory_space<vmem_shared>> -> memref<16x128xf32, #tpu.memory_space<vmem_shared>>
      %dma_start3A_175 = arith.constant 0 : i32
      %dma_start3A_176 = tpu.memref_slice %arg10[%add3A_96, %dma_start3A_175] : memref<10240x128xf32, #tpu.memory_space<vmem_shared>> -> memref<16x128xf32, #tpu.memory_space<vmem_shared>>
      tpu.enqueue_dma source(%arg9 : memref<16x128xf32, #tpu.memory_space<vmem>>) target(%dma_start3A_176 : memref<16x128xf32, #tpu.memory_space<vmem_shared>>) target_semaphore(%run_scoped3A : memref<!tpu.dma_semaphore, #tpu.memory_space<semaphore_mem>>)
      %dma_wait3A = arith.constant 0 : i32
      %dma_wait3A_177 = tpu.memref_slice %arg10[%add3A_96, %dma_wait3A] : memref<10240x128xf32, #tpu.memory_space<vmem_shared>> -> memref<16x128xf32, #tpu.memory_space<vmem_shared>>
      %dma_wait3A_178 = arith.constant 0 : i32
      %dma_wait3A_179 = tpu.memref_slice %arg10[%add3A_96, %dma_wait3A_178] : memref<10240x128xf32, #tpu.memory_space<vmem_shared>> -> memref<16x128xf32, #tpu.memory_space<vmem_shared>>
      tpu.wait_dma2 semaphore(%run_scoped3A : memref<!tpu.dma_semaphore, #tpu.memory_space<semaphore_mem>>) src(%arg9 : memref<16x128xf32, #tpu.memory_space<vmem>>) dst(%dma_wait3A_179 : memref<16x128xf32, #tpu.memory_space<vmem_shared>>)
      tpu.yield
    }) : () -> ()
    %mul3A_97 = arith.constant 640 : i32
    %mul3A_98 = arith.muli %arg1, %mul3A_97 : i32
    %add3A_99 = arith.constant 368 : i32
    %add3A_100 = arith.addi %mul3A_98, %add3A_99 : i32
    "tpu.region"() ({
      %run_scoped3A = tpu.sem_alloc : memref<!tpu.dma_semaphore, #tpu.memory_space<semaphore_mem>>
      %dma_start3A = arith.constant 0 : i32
      %dma_start3A_174 = tpu.memref_slice %arg10[%add3A_100, %dma_start3A] : memref<10240x128xf32, #tpu.memory_space<vmem_shared>> -> memref<16x128xf32, #tpu.memory_space<vmem_shared>>
      %dma_start3A_175 = arith.constant 0 : i32
      %dma_start3A_176 = tpu.memref_slice %arg10[%add3A_100, %dma_start3A_175] : memref<10240x128xf32, #tpu.memory_space<vmem_shared>> -> memref<16x128xf32, #tpu.memory_space<vmem_shared>>
      tpu.enqueue_dma source(%arg9 : memref<16x128xf32, #tpu.memory_space<vmem>>) target(%dma_start3A_176 : memref<16x128xf32, #tpu.memory_space<vmem_shared>>) target_semaphore(%run_scoped3A : memref<!tpu.dma_semaphore, #tpu.memory_space<semaphore_mem>>)
      %dma_wait3A = arith.constant 0 : i32
      %dma_wait3A_177 = tpu.memref_slice %arg10[%add3A_100, %dma_wait3A] : memref<10240x128xf32, #tpu.memory_space<vmem_shared>> -> memref<16x128xf32, #tpu.memory_space<vmem_shared>>
      %dma_wait3A_178 = arith.constant 0 : i32
      %dma_wait3A_179 = tpu.memref_slice %arg10[%add3A_100, %dma_wait3A_178] : memref<10240x128xf32, #tpu.memory_space<vmem_shared>> -> memref<16x128xf32, #tpu.memory_space<vmem_shared>>
      tpu.wait_dma2 semaphore(%run_scoped3A : memref<!tpu.dma_semaphore, #tpu.memory_space<semaphore_mem>>) src(%arg9 : memref<16x128xf32, #tpu.memory_space<vmem>>) dst(%dma_wait3A_179 : memref<16x128xf32, #tpu.memory_space<vmem_shared>>)
      tpu.yield
    }) : () -> ()
    %mul3A_101 = arith.constant 640 : i32
    %mul3A_102 = arith.muli %arg1, %mul3A_101 : i32
    %add3A_103 = arith.constant 384 : i32
    %add3A_104 = arith.addi %mul3A_102, %add3A_103 : i32
    "tpu.region"() ({
      %run_scoped3A = tpu.sem_alloc : memref<!tpu.dma_semaphore, #tpu.memory_space<semaphore_mem>>
      %dma_start3A = arith.constant 0 : i32
      %dma_start3A_174 = tpu.memref_slice %arg10[%add3A_104, %dma_start3A] : memref<10240x128xf32, #tpu.memory_space<vmem_shared>> -> memref<16x128xf32, #tpu.memory_space<vmem_shared>>
      %dma_start3A_175 = arith.constant 0 : i32
      %dma_start3A_176 = tpu.memref_slice %arg10[%add3A_104, %dma_start3A_175] : memref<10240x128xf32, #tpu.memory_space<vmem_shared>> -> memref<16x128xf32, #tpu.memory_space<vmem_shared>>
      tpu.enqueue_dma source(%arg9 : memref<16x128xf32, #tpu.memory_space<vmem>>) target(%dma_start3A_176 : memref<16x128xf32, #tpu.memory_space<vmem_shared>>) target_semaphore(%run_scoped3A : memref<!tpu.dma_semaphore, #tpu.memory_space<semaphore_mem>>)
      %dma_wait3A = arith.constant 0 : i32
      %dma_wait3A_177 = tpu.memref_slice %arg10[%add3A_104, %dma_wait3A] : memref<10240x128xf32, #tpu.memory_space<vmem_shared>> -> memref<16x128xf32, #tpu.memory_space<vmem_shared>>
      %dma_wait3A_178 = arith.constant 0 : i32
      %dma_wait3A_179 = tpu.memref_slice %arg10[%add3A_104, %dma_wait3A_178] : memref<10240x128xf32, #tpu.memory_space<vmem_shared>> -> memref<16x128xf32, #tpu.memory_space<vmem_shared>>
      tpu.wait_dma2 semaphore(%run_scoped3A : memref<!tpu.dma_semaphore, #tpu.memory_space<semaphore_mem>>) src(%arg9 : memref<16x128xf32, #tpu.memory_space<vmem>>) dst(%dma_wait3A_179 : memref<16x128xf32, #tpu.memory_space<vmem_shared>>)
      tpu.yield
    }) : () -> ()
    %mul3A_105 = arith.constant 640 : i32
    %mul3A_106 = arith.muli %arg1, %mul3A_105 : i32
    %add3A_107 = arith.constant 400 : i32
    %add3A_108 = arith.addi %mul3A_106, %add3A_107 : i32
    "tpu.region"() ({
      %run_scoped3A = tpu.sem_alloc : memref<!tpu.dma_semaphore, #tpu.memory_space<semaphore_mem>>
      %dma_start3A = arith.constant 0 : i32
      %dma_start3A_174 = tpu.memref_slice %arg10[%add3A_108, %dma_start3A] : memref<10240x128xf32, #tpu.memory_space<vmem_shared>> -> memref<16x128xf32, #tpu.memory_space<vmem_shared>>
      %dma_start3A_175 = arith.constant 0 : i32
      %dma_start3A_176 = tpu.memref_slice %arg10[%add3A_108, %dma_start3A_175] : memref<10240x128xf32, #tpu.memory_space<vmem_shared>> -> memref<16x128xf32, #tpu.memory_space<vmem_shared>>
      tpu.enqueue_dma source(%arg9 : memref<16x128xf32, #tpu.memory_space<vmem>>) target(%dma_start3A_176 : memref<16x128xf32, #tpu.memory_space<vmem_shared>>) target_semaphore(%run_scoped3A : memref<!tpu.dma_semaphore, #tpu.memory_space<semaphore_mem>>)
      %dma_wait3A = arith.constant 0 : i32
      %dma_wait3A_177 = tpu.memref_slice %arg10[%add3A_108, %dma_wait3A] : memref<10240x128xf32, #tpu.memory_space<vmem_shared>> -> memref<16x128xf32, #tpu.memory_space<vmem_shared>>
      %dma_wait3A_178 = arith.constant 0 : i32
      %dma_wait3A_179 = tpu.memref_slice %arg10[%add3A_108, %dma_wait3A_178] : memref<10240x128xf32, #tpu.memory_space<vmem_shared>> -> memref<16x128xf32, #tpu.memory_space<vmem_shared>>
      tpu.wait_dma2 semaphore(%run_scoped3A : memref<!tpu.dma_semaphore, #tpu.memory_space<semaphore_mem>>) src(%arg9 : memref<16x128xf32, #tpu.memory_space<vmem>>) dst(%dma_wait3A_179 : memref<16x128xf32, #tpu.memory_space<vmem_shared>>)
      tpu.yield
    }) : () -> ()
    %mul3A_109 = arith.constant 640 : i32
    %mul3A_110 = arith.muli %arg1, %mul3A_109 : i32
    %add3A_111 = arith.constant 416 : i32
    %add3A_112 = arith.addi %mul3A_110, %add3A_111 : i32
    "tpu.region"() ({
      %run_scoped3A = tpu.sem_alloc : memref<!tpu.dma_semaphore, #tpu.memory_space<semaphore_mem>>
      %dma_start3A = arith.constant 0 : i32
      %dma_start3A_174 = tpu.memref_slice %arg10[%add3A_112, %dma_start3A] : memref<10240x128xf32, #tpu.memory_space<vmem_shared>> -> memref<16x128xf32, #tpu.memory_space<vmem_shared>>
      %dma_start3A_175 = arith.constant 0 : i32
      %dma_start3A_176 = tpu.memref_slice %arg10[%add3A_112, %dma_start3A_175] : memref<10240x128xf32, #tpu.memory_space<vmem_shared>> -> memref<16x128xf32, #tpu.memory_space<vmem_shared>>
      tpu.enqueue_dma source(%arg9 : memref<16x128xf32, #tpu.memory_space<vmem>>) target(%dma_start3A_176 : memref<16x128xf32, #tpu.memory_space<vmem_shared>>) target_semaphore(%run_scoped3A : memref<!tpu.dma_semaphore, #tpu.memory_space<semaphore_mem>>)
      %dma_wait3A = arith.constant 0 : i32
      %dma_wait3A_177 = tpu.memref_slice %arg10[%add3A_112, %dma_wait3A] : memref<10240x128xf32, #tpu.memory_space<vmem_shared>> -> memref<16x128xf32, #tpu.memory_space<vmem_shared>>
      %dma_wait3A_178 = arith.constant 0 : i32
      %dma_wait3A_179 = tpu.memref_slice %arg10[%add3A_112, %dma_wait3A_178] : memref<10240x128xf32, #tpu.memory_space<vmem_shared>> -> memref<16x128xf32, #tpu.memory_space<vmem_shared>>
      tpu.wait_dma2 semaphore(%run_scoped3A : memref<!tpu.dma_semaphore, #tpu.memory_space<semaphore_mem>>) src(%arg9 : memref<16x128xf32, #tpu.memory_space<vmem>>) dst(%dma_wait3A_179 : memref<16x128xf32, #tpu.memory_space<vmem_shared>>)
      tpu.yield
    }) : () -> ()
    %mul3A_113 = arith.constant 640 : i32
    %mul3A_114 = arith.muli %arg1, %mul3A_113 : i32
    %add3A_115 = arith.constant 432 : i32
    %add3A_116 = arith.addi %mul3A_114, %add3A_115 : i32
    "tpu.region"() ({
      %run_scoped3A = tpu.sem_alloc : memref<!tpu.dma_semaphore, #tpu.memory_space<semaphore_mem>>
      %dma_start3A = arith.constant 0 : i32
      %dma_start3A_174 = tpu.memref_slice %arg10[%add3A_116, %dma_start3A] : memref<10240x128xf32, #tpu.memory_space<vmem_shared>> -> memref<16x128xf32, #tpu.memory_space<vmem_shared>>
      %dma_start3A_175 = arith.constant 0 : i32
      %dma_start3A_176 = tpu.memref_slice %arg10[%add3A_116, %dma_start3A_175] : memref<10240x128xf32, #tpu.memory_space<vmem_shared>> -> memref<16x128xf32, #tpu.memory_space<vmem_shared>>
      tpu.enqueue_dma source(%arg9 : memref<16x128xf32, #tpu.memory_space<vmem>>) target(%dma_start3A_176 : memref<16x128xf32, #tpu.memory_space<vmem_shared>>) target_semaphore(%run_scoped3A : memref<!tpu.dma_semaphore, #tpu.memory_space<semaphore_mem>>)
      %dma_wait3A = arith.constant 0 : i32
      %dma_wait3A_177 = tpu.memref_slice %arg10[%add3A_116, %dma_wait3A] : memref<10240x128xf32, #tpu.memory_space<vmem_shared>> -> memref<16x128xf32, #tpu.memory_space<vmem_shared>>
      %dma_wait3A_178 = arith.constant 0 : i32
      %dma_wait3A_179 = tpu.memref_slice %arg10[%add3A_116, %dma_wait3A_178] : memref<10240x128xf32, #tpu.memory_space<vmem_shared>> -> memref<16x128xf32, #tpu.memory_space<vmem_shared>>
      tpu.wait_dma2 semaphore(%run_scoped3A : memref<!tpu.dma_semaphore, #tpu.memory_space<semaphore_mem>>) src(%arg9 : memref<16x128xf32, #tpu.memory_space<vmem>>) dst(%dma_wait3A_179 : memref<16x128xf32, #tpu.memory_space<vmem_shared>>)
      tpu.yield
    }) : () -> ()
    %mul3A_117 = arith.constant 640 : i32
    %mul3A_118 = arith.muli %arg1, %mul3A_117 : i32
    %add3A_119 = arith.constant 448 : i32
    %add3A_120 = arith.addi %mul3A_118, %add3A_119 : i32
    "tpu.region"() ({
      %run_scoped3A = tpu.sem_alloc : memref<!tpu.dma_semaphore, #tpu.memory_space<semaphore_mem>>
      %dma_start3A = arith.constant 0 : i32
      %dma_start3A_174 = tpu.memref_slice %arg10[%add3A_120, %dma_start3A] : memref<10240x128xf32, #tpu.memory_space<vmem_shared>> -> memref<16x128xf32, #tpu.memory_space<vmem_shared>>
      %dma_start3A_175 = arith.constant 0 : i32
      %dma_start3A_176 = tpu.memref_slice %arg10[%add3A_120, %dma_start3A_175] : memref<10240x128xf32, #tpu.memory_space<vmem_shared>> -> memref<16x128xf32, #tpu.memory_space<vmem_shared>>
      tpu.enqueue_dma source(%arg9 : memref<16x128xf32, #tpu.memory_space<vmem>>) target(%dma_start3A_176 : memref<16x128xf32, #tpu.memory_space<vmem_shared>>) target_semaphore(%run_scoped3A : memref<!tpu.dma_semaphore, #tpu.memory_space<semaphore_mem>>)
      %dma_wait3A = arith.constant 0 : i32
      %dma_wait3A_177 = tpu.memref_slice %arg10[%add3A_120, %dma_wait3A] : memref<10240x128xf32, #tpu.memory_space<vmem_shared>> -> memref<16x128xf32, #tpu.memory_space<vmem_shared>>
      %dma_wait3A_178 = arith.constant 0 : i32
      %dma_wait3A_179 = tpu.memref_slice %arg10[%add3A_120, %dma_wait3A_178] : memref<10240x128xf32, #tpu.memory_space<vmem_shared>> -> memref<16x128xf32, #tpu.memory_space<vmem_shared>>
      tpu.wait_dma2 semaphore(%run_scoped3A : memref<!tpu.dma_semaphore, #tpu.memory_space<semaphore_mem>>) src(%arg9 : memref<16x128xf32, #tpu.memory_space<vmem>>) dst(%dma_wait3A_179 : memref<16x128xf32, #tpu.memory_space<vmem_shared>>)
      tpu.yield
    }) : () -> ()
    %mul3A_121 = arith.constant 640 : i32
    %mul3A_122 = arith.muli %arg1, %mul3A_121 : i32
    %add3A_123 = arith.constant 464 : i32
    %add3A_124 = arith.addi %mul3A_122, %add3A_123 : i32
    "tpu.region"() ({
      %run_scoped3A = tpu.sem_alloc : memref<!tpu.dma_semaphore, #tpu.memory_space<semaphore_mem>>
      %dma_start3A = arith.constant 0 : i32
      %dma_start3A_174 = tpu.memref_slice %arg10[%add3A_124, %dma_start3A] : memref<10240x128xf32, #tpu.memory_space<vmem_shared>> -> memref<16x128xf32, #tpu.memory_space<vmem_shared>>
      %dma_start3A_175 = arith.constant 0 : i32
      %dma_start3A_176 = tpu.memref_slice %arg10[%add3A_124, %dma_start3A_175] : memref<10240x128xf32, #tpu.memory_space<vmem_shared>> -> memref<16x128xf32, #tpu.memory_space<vmem_shared>>
      tpu.enqueue_dma source(%arg9 : memref<16x128xf32, #tpu.memory_space<vmem>>) target(%dma_start3A_176 : memref<16x128xf32, #tpu.memory_space<vmem_shared>>) target_semaphore(%run_scoped3A : memref<!tpu.dma_semaphore, #tpu.memory_space<semaphore_mem>>)
      %dma_wait3A = arith.constant 0 : i32
      %dma_wait3A_177 = tpu.memref_slice %arg10[%add3A_124, %dma_wait3A] : memref<10240x128xf32, #tpu.memory_space<vmem_shared>> -> memref<16x128xf32, #tpu.memory_space<vmem_shared>>
      %dma_wait3A_178 = arith.constant 0 : i32
      %dma_wait3A_179 = tpu.memref_slice %arg10[%add3A_124, %dma_wait3A_178] : memref<10240x128xf32, #tpu.memory_space<vmem_shared>> -> memref<16x128xf32, #tpu.memory_space<vmem_shared>>
      tpu.wait_dma2 semaphore(%run_scoped3A : memref<!tpu.dma_semaphore, #tpu.memory_space<semaphore_mem>>) src(%arg9 : memref<16x128xf32, #tpu.memory_space<vmem>>) dst(%dma_wait3A_179 : memref<16x128xf32, #tpu.memory_space<vmem_shared>>)
      tpu.yield
    }) : () -> ()
    %mul3A_125 = arith.constant 640 : i32
    %mul3A_126 = arith.muli %arg1, %mul3A_125 : i32
    %add3A_127 = arith.constant 480 : i32
    %add3A_128 = arith.addi %mul3A_126, %add3A_127 : i32
    "tpu.region"() ({
      %run_scoped3A = tpu.sem_alloc : memref<!tpu.dma_semaphore, #tpu.memory_space<semaphore_mem>>
      %dma_start3A = arith.constant 0 : i32
      %dma_start3A_174 = tpu.memref_slice %arg10[%add3A_128, %dma_start3A] : memref<10240x128xf32, #tpu.memory_space<vmem_shared>> -> memref<16x128xf32, #tpu.memory_space<vmem_shared>>
      %dma_start3A_175 = arith.constant 0 : i32
      %dma_start3A_176 = tpu.memref_slice %arg10[%add3A_128, %dma_start3A_175] : memref<10240x128xf32, #tpu.memory_space<vmem_shared>> -> memref<16x128xf32, #tpu.memory_space<vmem_shared>>
      tpu.enqueue_dma source(%arg9 : memref<16x128xf32, #tpu.memory_space<vmem>>) target(%dma_start3A_176 : memref<16x128xf32, #tpu.memory_space<vmem_shared>>) target_semaphore(%run_scoped3A : memref<!tpu.dma_semaphore, #tpu.memory_space<semaphore_mem>>)
      %dma_wait3A = arith.constant 0 : i32
      %dma_wait3A_177 = tpu.memref_slice %arg10[%add3A_128, %dma_wait3A] : memref<10240x128xf32, #tpu.memory_space<vmem_shared>> -> memref<16x128xf32, #tpu.memory_space<vmem_shared>>
      %dma_wait3A_178 = arith.constant 0 : i32
      %dma_wait3A_179 = tpu.memref_slice %arg10[%add3A_128, %dma_wait3A_178] : memref<10240x128xf32, #tpu.memory_space<vmem_shared>> -> memref<16x128xf32, #tpu.memory_space<vmem_shared>>
      tpu.wait_dma2 semaphore(%run_scoped3A : memref<!tpu.dma_semaphore, #tpu.memory_space<semaphore_mem>>) src(%arg9 : memref<16x128xf32, #tpu.memory_space<vmem>>) dst(%dma_wait3A_179 : memref<16x128xf32, #tpu.memory_space<vmem_shared>>)
      tpu.yield
    }) : () -> ()
    %mul3A_129 = arith.constant 640 : i32
    %mul3A_130 = arith.muli %arg1, %mul3A_129 : i32
    %add3A_131 = arith.constant 496 : i32
    %add3A_132 = arith.addi %mul3A_130, %add3A_131 : i32
    "tpu.region"() ({
      %run_scoped3A = tpu.sem_alloc : memref<!tpu.dma_semaphore, #tpu.memory_space<semaphore_mem>>
      %dma_start3A = arith.constant 0 : i32
      %dma_start3A_174 = tpu.memref_slice %arg10[%add3A_132, %dma_start3A] : memref<10240x128xf32, #tpu.memory_space<vmem_shared>> -> memref<16x128xf32, #tpu.memory_space<vmem_shared>>
      %dma_start3A_175 = arith.constant 0 : i32
      %dma_start3A_176 = tpu.memref_slice %arg10[%add3A_132, %dma_start3A_175] : memref<10240x128xf32, #tpu.memory_space<vmem_shared>> -> memref<16x128xf32, #tpu.memory_space<vmem_shared>>
      tpu.enqueue_dma source(%arg9 : memref<16x128xf32, #tpu.memory_space<vmem>>) target(%dma_start3A_176 : memref<16x128xf32, #tpu.memory_space<vmem_shared>>) target_semaphore(%run_scoped3A : memref<!tpu.dma_semaphore, #tpu.memory_space<semaphore_mem>>)
      %dma_wait3A = arith.constant 0 : i32
      %dma_wait3A_177 = tpu.memref_slice %arg10[%add3A_132, %dma_wait3A] : memref<10240x128xf32, #tpu.memory_space<vmem_shared>> -> memref<16x128xf32, #tpu.memory_space<vmem_shared>>
      %dma_wait3A_178 = arith.constant 0 : i32
      %dma_wait3A_179 = tpu.memref_slice %arg10[%add3A_132, %dma_wait3A_178] : memref<10240x128xf32, #tpu.memory_space<vmem_shared>> -> memref<16x128xf32, #tpu.memory_space<vmem_shared>>
      tpu.wait_dma2 semaphore(%run_scoped3A : memref<!tpu.dma_semaphore, #tpu.memory_space<semaphore_mem>>) src(%arg9 : memref<16x128xf32, #tpu.memory_space<vmem>>) dst(%dma_wait3A_179 : memref<16x128xf32, #tpu.memory_space<vmem_shared>>)
      tpu.yield
    }) : () -> ()
    %mul3A_133 = arith.constant 640 : i32
    %mul3A_134 = arith.muli %arg1, %mul3A_133 : i32
    %add3A_135 = arith.constant 512 : i32
    %add3A_136 = arith.addi %mul3A_134, %add3A_135 : i32
    "tpu.region"() ({
      %run_scoped3A = tpu.sem_alloc : memref<!tpu.dma_semaphore, #tpu.memory_space<semaphore_mem>>
      %dma_start3A = arith.constant 0 : i32
      %dma_start3A_174 = tpu.memref_slice %arg10[%add3A_136, %dma_start3A] : memref<10240x128xf32, #tpu.memory_space<vmem_shared>> -> memref<16x128xf32, #tpu.memory_space<vmem_shared>>
      %dma_start3A_175 = arith.constant 0 : i32
      %dma_start3A_176 = tpu.memref_slice %arg10[%add3A_136, %dma_start3A_175] : memref<10240x128xf32, #tpu.memory_space<vmem_shared>> -> memref<16x128xf32, #tpu.memory_space<vmem_shared>>
      tpu.enqueue_dma source(%arg9 : memref<16x128xf32, #tpu.memory_space<vmem>>) target(%dma_start3A_176 : memref<16x128xf32, #tpu.memory_space<vmem_shared>>) target_semaphore(%run_scoped3A : memref<!tpu.dma_semaphore, #tpu.memory_space<semaphore_mem>>)
      %dma_wait3A = arith.constant 0 : i32
      %dma_wait3A_177 = tpu.memref_slice %arg10[%add3A_136, %dma_wait3A] : memref<10240x128xf32, #tpu.memory_space<vmem_shared>> -> memref<16x128xf32, #tpu.memory_space<vmem_shared>>
      %dma_wait3A_178 = arith.constant 0 : i32
      %dma_wait3A_179 = tpu.memref_slice %arg10[%add3A_136, %dma_wait3A_178] : memref<10240x128xf32, #tpu.memory_space<vmem_shared>> -> memref<16x128xf32, #tpu.memory_space<vmem_shared>>
      tpu.wait_dma2 semaphore(%run_scoped3A : memref<!tpu.dma_semaphore, #tpu.memory_space<semaphore_mem>>) src(%arg9 : memref<16x128xf32, #tpu.memory_space<vmem>>) dst(%dma_wait3A_179 : memref<16x128xf32, #tpu.memory_space<vmem_shared>>)
      tpu.yield
    }) : () -> ()
    %mul3A_137 = arith.constant 640 : i32
    %mul3A_138 = arith.muli %arg1, %mul3A_137 : i32
    %add3A_139 = arith.constant 528 : i32
    %add3A_140 = arith.addi %mul3A_138, %add3A_139 : i32
    "tpu.region"() ({
      %run_scoped3A = tpu.sem_alloc : memref<!tpu.dma_semaphore, #tpu.memory_space<semaphore_mem>>
      %dma_start3A = arith.constant 0 : i32
      %dma_start3A_174 = tpu.memref_slice %arg10[%add3A_140, %dma_start3A] : memref<10240x128xf32, #tpu.memory_space<vmem_shared>> -> memref<16x128xf32, #tpu.memory_space<vmem_shared>>
      %dma_start3A_175 = arith.constant 0 : i32
      %dma_start3A_176 = tpu.memref_slice %arg10[%add3A_140, %dma_start3A_175] : memref<10240x128xf32, #tpu.memory_space<vmem_shared>> -> memref<16x128xf32, #tpu.memory_space<vmem_shared>>
      tpu.enqueue_dma source(%arg9 : memref<16x128xf32, #tpu.memory_space<vmem>>) target(%dma_start3A_176 : memref<16x128xf32, #tpu.memory_space<vmem_shared>>) target_semaphore(%run_scoped3A : memref<!tpu.dma_semaphore, #tpu.memory_space<semaphore_mem>>)
      %dma_wait3A = arith.constant 0 : i32
      %dma_wait3A_177 = tpu.memref_slice %arg10[%add3A_140, %dma_wait3A] : memref<10240x128xf32, #tpu.memory_space<vmem_shared>> -> memref<16x128xf32, #tpu.memory_space<vmem_shared>>
      %dma_wait3A_178 = arith.constant 0 : i32
      %dma_wait3A_179 = tpu.memref_slice %arg10[%add3A_140, %dma_wait3A_178] : memref<10240x128xf32, #tpu.memory_space<vmem_shared>> -> memref<16x128xf32, #tpu.memory_space<vmem_shared>>
      tpu.wait_dma2 semaphore(%run_scoped3A : memref<!tpu.dma_semaphore, #tpu.memory_space<semaphore_mem>>) src(%arg9 : memref<16x128xf32, #tpu.memory_space<vmem>>) dst(%dma_wait3A_179 : memref<16x128xf32, #tpu.memory_space<vmem_shared>>)
      tpu.yield
    }) : () -> ()
    %mul3A_141 = arith.constant 640 : i32
    %mul3A_142 = arith.muli %arg1, %mul3A_141 : i32
    %add3A_143 = arith.constant 544 : i32
    %add3A_144 = arith.addi %mul3A_142, %add3A_143 : i32
    "tpu.region"() ({
      %run_scoped3A = tpu.sem_alloc : memref<!tpu.dma_semaphore, #tpu.memory_space<semaphore_mem>>
      %dma_start3A = arith.constant 0 : i32
      %dma_start3A_174 = tpu.memref_slice %arg10[%add3A_144, %dma_start3A] : memref<10240x128xf32, #tpu.memory_space<vmem_shared>> -> memref<16x128xf32, #tpu.memory_space<vmem_shared>>
      %dma_start3A_175 = arith.constant 0 : i32
      %dma_start3A_176 = tpu.memref_slice %arg10[%add3A_144, %dma_start3A_175] : memref<10240x128xf32, #tpu.memory_space<vmem_shared>> -> memref<16x128xf32, #tpu.memory_space<vmem_shared>>
      tpu.enqueue_dma source(%arg9 : memref<16x128xf32, #tpu.memory_space<vmem>>) target(%dma_start3A_176 : memref<16x128xf32, #tpu.memory_space<vmem_shared>>) target_semaphore(%run_scoped3A : memref<!tpu.dma_semaphore, #tpu.memory_space<semaphore_mem>>)
      %dma_wait3A = arith.constant 0 : i32
      %dma_wait3A_177 = tpu.memref_slice %arg10[%add3A_144, %dma_wait3A] : memref<10240x128xf32, #tpu.memory_space<vmem_shared>> -> memref<16x128xf32, #tpu.memory_space<vmem_shared>>
      %dma_wait3A_178 = arith.constant 0 : i32
      %dma_wait3A_179 = tpu.memref_slice %arg10[%add3A_144, %dma_wait3A_178] : memref<10240x128xf32, #tpu.memory_space<vmem_shared>> -> memref<16x128xf32, #tpu.memory_space<vmem_shared>>
      tpu.wait_dma2 semaphore(%run_scoped3A : memref<!tpu.dma_semaphore, #tpu.memory_space<semaphore_mem>>) src(%arg9 : memref<16x128xf32, #tpu.memory_space<vmem>>) dst(%dma_wait3A_179 : memref<16x128xf32, #tpu.memory_space<vmem_shared>>)
      tpu.yield
    }) : () -> ()
    %mul3A_145 = arith.constant 640 : i32
    %mul3A_146 = arith.muli %arg1, %mul3A_145 : i32
    %add3A_147 = arith.constant 560 : i32
    %add3A_148 = arith.addi %mul3A_146, %add3A_147 : i32
    "tpu.region"() ({
      %run_scoped3A = tpu.sem_alloc : memref<!tpu.dma_semaphore, #tpu.memory_space<semaphore_mem>>
      %dma_start3A = arith.constant 0 : i32
      %dma_start3A_174 = tpu.memref_slice %arg10[%add3A_148, %dma_start3A] : memref<10240x128xf32, #tpu.memory_space<vmem_shared>> -> memref<16x128xf32, #tpu.memory_space<vmem_shared>>
      %dma_start3A_175 = arith.constant 0 : i32
      %dma_start3A_176 = tpu.memref_slice %arg10[%add3A_148, %dma_start3A_175] : memref<10240x128xf32, #tpu.memory_space<vmem_shared>> -> memref<16x128xf32, #tpu.memory_space<vmem_shared>>
      tpu.enqueue_dma source(%arg9 : memref<16x128xf32, #tpu.memory_space<vmem>>) target(%dma_start3A_176 : memref<16x128xf32, #tpu.memory_space<vmem_shared>>) target_semaphore(%run_scoped3A : memref<!tpu.dma_semaphore, #tpu.memory_space<semaphore_mem>>)
      %dma_wait3A = arith.constant 0 : i32
      %dma_wait3A_177 = tpu.memref_slice %arg10[%add3A_148, %dma_wait3A] : memref<10240x128xf32, #tpu.memory_space<vmem_shared>> -> memref<16x128xf32, #tpu.memory_space<vmem_shared>>
      %dma_wait3A_178 = arith.constant 0 : i32
      %dma_wait3A_179 = tpu.memref_slice %arg10[%add3A_148, %dma_wait3A_178] : memref<10240x128xf32, #tpu.memory_space<vmem_shared>> -> memref<16x128xf32, #tpu.memory_space<vmem_shared>>
      tpu.wait_dma2 semaphore(%run_scoped3A : memref<!tpu.dma_semaphore, #tpu.memory_space<semaphore_mem>>) src(%arg9 : memref<16x128xf32, #tpu.memory_space<vmem>>) dst(%dma_wait3A_179 : memref<16x128xf32, #tpu.memory_space<vmem_shared>>)
      tpu.yield
    }) : () -> ()
    %mul3A_149 = arith.constant 640 : i32
    %mul3A_150 = arith.muli %arg1, %mul3A_149 : i32
    %add3A_151 = arith.constant 576 : i32
    %add3A_152 = arith.addi %mul3A_150, %add3A_151 : i32
    "tpu.region"() ({
      %run_scoped3A = tpu.sem_alloc : memref<!tpu.dma_semaphore, #tpu.memory_space<semaphore_mem>>
      %dma_start3A = arith.constant 0 : i32
      %dma_start3A_174 = tpu.memref_slice %arg10[%add3A_152, %dma_start3A] : memref<10240x128xf32, #tpu.memory_space<vmem_shared>> -> memref<16x128xf32, #tpu.memory_space<vmem_shared>>
      %dma_start3A_175 = arith.constant 0 : i32
      %dma_start3A_176 = tpu.memref_slice %arg10[%add3A_152, %dma_start3A_175] : memref<10240x128xf32, #tpu.memory_space<vmem_shared>> -> memref<16x128xf32, #tpu.memory_space<vmem_shared>>
      tpu.enqueue_dma source(%arg9 : memref<16x128xf32, #tpu.memory_space<vmem>>) target(%dma_start3A_176 : memref<16x128xf32, #tpu.memory_space<vmem_shared>>) target_semaphore(%run_scoped3A : memref<!tpu.dma_semaphore, #tpu.memory_space<semaphore_mem>>)
      %dma_wait3A = arith.constant 0 : i32
      %dma_wait3A_177 = tpu.memref_slice %arg10[%add3A_152, %dma_wait3A] : memref<10240x128xf32, #tpu.memory_space<vmem_shared>> -> memref<16x128xf32, #tpu.memory_space<vmem_shared>>
      %dma_wait3A_178 = arith.constant 0 : i32
      %dma_wait3A_179 = tpu.memref_slice %arg10[%add3A_152, %dma_wait3A_178] : memref<10240x128xf32, #tpu.memory_space<vmem_shared>> -> memref<16x128xf32, #tpu.memory_space<vmem_shared>>
      tpu.wait_dma2 semaphore(%run_scoped3A : memref<!tpu.dma_semaphore, #tpu.memory_space<semaphore_mem>>) src(%arg9 : memref<16x128xf32, #tpu.memory_space<vmem>>) dst(%dma_wait3A_179 : memref<16x128xf32, #tpu.memory_space<vmem_shared>>)
      tpu.yield
    }) : () -> ()
    %mul3A_153 = arith.constant 640 : i32
    %mul3A_154 = arith.muli %arg1, %mul3A_153 : i32
    %add3A_155 = arith.constant 592 : i32
    %add3A_156 = arith.addi %mul3A_154, %add3A_155 : i32
    "tpu.region"() ({
      %run_scoped3A = tpu.sem_alloc : memref<!tpu.dma_semaphore, #tpu.memory_space<semaphore_mem>>
      %dma_start3A = arith.constant 0 : i32
      %dma_start3A_174 = tpu.memref_slice %arg10[%add3A_156, %dma_start3A] : memref<10240x128xf32, #tpu.memory_space<vmem_shared>> -> memref<16x128xf32, #tpu.memory_space<vmem_shared>>
      %dma_start3A_175 = arith.constant 0 : i32
      %dma_start3A_176 = tpu.memref_slice %arg10[%add3A_156, %dma_start3A_175] : memref<10240x128xf32, #tpu.memory_space<vmem_shared>> -> memref<16x128xf32, #tpu.memory_space<vmem_shared>>
      tpu.enqueue_dma source(%arg9 : memref<16x128xf32, #tpu.memory_space<vmem>>) target(%dma_start3A_176 : memref<16x128xf32, #tpu.memory_space<vmem_shared>>) target_semaphore(%run_scoped3A : memref<!tpu.dma_semaphore, #tpu.memory_space<semaphore_mem>>)
      %dma_wait3A = arith.constant 0 : i32
      %dma_wait3A_177 = tpu.memref_slice %arg10[%add3A_156, %dma_wait3A] : memref<10240x128xf32, #tpu.memory_space<vmem_shared>> -> memref<16x128xf32, #tpu.memory_space<vmem_shared>>
      %dma_wait3A_178 = arith.constant 0 : i32
      %dma_wait3A_179 = tpu.memref_slice %arg10[%add3A_156, %dma_wait3A_178] : memref<10240x128xf32, #tpu.memory_space<vmem_shared>> -> memref<16x128xf32, #tpu.memory_space<vmem_shared>>
      tpu.wait_dma2 semaphore(%run_scoped3A : memref<!tpu.dma_semaphore, #tpu.memory_space<semaphore_mem>>) src(%arg9 : memref<16x128xf32, #tpu.memory_space<vmem>>) dst(%dma_wait3A_179 : memref<16x128xf32, #tpu.memory_space<vmem_shared>>)
      tpu.yield
    }) : () -> ()
    %mul3A_157 = arith.constant 640 : i32
    %mul3A_158 = arith.muli %arg1, %mul3A_157 : i32
    %add3A_159 = arith.constant 608 : i32
    %add3A_160 = arith.addi %mul3A_158, %add3A_159 : i32
    "tpu.region"() ({
      %run_scoped3A = tpu.sem_alloc : memref<!tpu.dma_semaphore, #tpu.memory_space<semaphore_mem>>
      %dma_start3A = arith.constant 0 : i32
      %dma_start3A_174 = tpu.memref_slice %arg10[%add3A_160, %dma_start3A] : memref<10240x128xf32, #tpu.memory_space<vmem_shared>> -> memref<16x128xf32, #tpu.memory_space<vmem_shared>>
      %dma_start3A_175 = arith.constant 0 : i32
      %dma_start3A_176 = tpu.memref_slice %arg10[%add3A_160, %dma_start3A_175] : memref<10240x128xf32, #tpu.memory_space<vmem_shared>> -> memref<16x128xf32, #tpu.memory_space<vmem_shared>>
      tpu.enqueue_dma source(%arg9 : memref<16x128xf32, #tpu.memory_space<vmem>>) target(%dma_start3A_176 : memref<16x128xf32, #tpu.memory_space<vmem_shared>>) target_semaphore(%run_scoped3A : memref<!tpu.dma_semaphore, #tpu.memory_space<semaphore_mem>>)
      %dma_wait3A = arith.constant 0 : i32
      %dma_wait3A_177 = tpu.memref_slice %arg10[%add3A_160, %dma_wait3A] : memref<10240x128xf32, #tpu.memory_space<vmem_shared>> -> memref<16x128xf32, #tpu.memory_space<vmem_shared>>
      %dma_wait3A_178 = arith.constant 0 : i32
      %dma_wait3A_179 = tpu.memref_slice %arg10[%add3A_160, %dma_wait3A_178] : memref<10240x128xf32, #tpu.memory_space<vmem_shared>> -> memref<16x128xf32, #tpu.memory_space<vmem_shared>>
      tpu.wait_dma2 semaphore(%run_scoped3A : memref<!tpu.dma_semaphore, #tpu.memory_space<semaphore_mem>>) src(%arg9 : memref<16x128xf32, #tpu.memory_space<vmem>>) dst(%dma_wait3A_179 : memref<16x128xf32, #tpu.memory_space<vmem_shared>>)
      tpu.yield
    }) : () -> ()
    %mul3A_161 = arith.constant 640 : i32
    %mul3A_162 = arith.muli %arg1, %mul3A_161 : i32
    %add3A_163 = arith.constant 624 : i32
    %add3A_164 = arith.addi %mul3A_162, %add3A_163 : i32
    "tpu.region"() ({
      %run_scoped3A = tpu.sem_alloc : memref<!tpu.dma_semaphore, #tpu.memory_space<semaphore_mem>>
      %dma_start3A = arith.constant 0 : i32
      %dma_start3A_174 = tpu.memref_slice %arg10[%add3A_164, %dma_start3A] : memref<10240x128xf32, #tpu.memory_space<vmem_shared>> -> memref<16x128xf32, #tpu.memory_space<vmem_shared>>
      %dma_start3A_175 = arith.constant 0 : i32
      %dma_start3A_176 = tpu.memref_slice %arg10[%add3A_164, %dma_start3A_175] : memref<10240x128xf32, #tpu.memory_space<vmem_shared>> -> memref<16x128xf32, #tpu.memory_space<vmem_shared>>
      tpu.enqueue_dma source(%arg9 : memref<16x128xf32, #tpu.memory_space<vmem>>) target(%dma_start3A_176 : memref<16x128xf32, #tpu.memory_space<vmem_shared>>) target_semaphore(%run_scoped3A : memref<!tpu.dma_semaphore, #tpu.memory_space<semaphore_mem>>)
      %dma_wait3A = arith.constant 0 : i32
      %dma_wait3A_177 = tpu.memref_slice %arg10[%add3A_164, %dma_wait3A] : memref<10240x128xf32, #tpu.memory_space<vmem_shared>> -> memref<16x128xf32, #tpu.memory_space<vmem_shared>>
      %dma_wait3A_178 = arith.constant 0 : i32
      %dma_wait3A_179 = tpu.memref_slice %arg10[%add3A_164, %dma_wait3A_178] : memref<10240x128xf32, #tpu.memory_space<vmem_shared>> -> memref<16x128xf32, #tpu.memory_space<vmem_shared>>
      tpu.wait_dma2 semaphore(%run_scoped3A : memref<!tpu.dma_semaphore, #tpu.memory_space<semaphore_mem>>) src(%arg9 : memref<16x128xf32, #tpu.memory_space<vmem>>) dst(%dma_wait3A_179 : memref<16x128xf32, #tpu.memory_space<vmem_shared>>)
      tpu.yield
    }) : () -> ()
    %barrier3A = arith.constant 0 : index
    tpu.barrier barrier_id(%barrier3A)
    %scan3A_165 = arith.constant 0 : i32
    %scan3A_166 = arith.constant 0 : i32
    %scan3A_167 = arith.constant 79 : i32
    %scan3A_168 = arith.addi %scan3A_166, %scan3A_167 : i32
    %scan3A_169 = arith.constant 1 : i32
    scf.for %scan3A_174 = %scan3A_166 to %scan3A_168 step %scan3A_169  : i32 {
      "tpu.region"() ({
        %run_scoped3A = tpu.sem_alloc : memref<!tpu.dma_semaphore, #tpu.memory_space<semaphore_mem>>
        %dma_start3A = arith.constant 0 : i32
        %dma_start3A_175 = tpu.memref_slice %arg6[%scan3A_174, %dma_start3A] : memref<79x128xi32, #tpu.memory_space<vmem>> -> memref<1x128xi32, #tpu.memory_space<vmem>>
        %dma_start3A_176 = tpu.memref_squeeze %dma_start3A_175 : memref<1x128xi32, #tpu.memory_space<vmem>> -> memref<128xi32, #tpu.memory_space<vmem>>
        %dma_start3A_177 = arith.constant 0 : i32
        %dma_start3A_178 = arith.constant 0 : i32
        %dma_start3A_179 = tpu.memref_slice %arg2[%add3A_5, %dma_start3A_177, %dma_start3A_178] : memref<2x10240x128xf32, #tpu.memory_space<hbm>> -> memref<1x10240x128xf32, #tpu.memory_space<hbm>>
        %dma_start3A_180 = tpu.memref_squeeze %dma_start3A_179 : memref<1x10240x128xf32, #tpu.memory_space<hbm>> -> memref<10240x128xf32, #tpu.memory_space<hbm>>
        %dma_start3A_181 = arith.constant 0 : i32
        %dma_start3A_182 = arith.constant 0 : i32
        %dma_start3A_183 = tpu.memref_slice %dma_start3A_180[%dma_start3A_181, %dma_start3A_182] : memref<10240x128xf32, #tpu.memory_space<hbm>> -> memref<10240x128xf32, #tpu.memory_space<hbm>>
        tpu.enqueue_indirect_dma source(%dma_start3A_183 : memref<10240x128xf32, #tpu.memory_space<hbm>>) target(%arg8 : memref<128x128xf32, #tpu.memory_space<vmem>>) offsets(%dma_start3A_176 : memref<128xi32, #tpu.memory_space<vmem>>) semaphore(%run_scoped3A : memref<!tpu.dma_semaphore, #tpu.memory_space<semaphore_mem>>)
        %dma_wait3A = arith.constant 0 : i32
        %dma_wait3A_184 = tpu.memref_slice %arg6[%scan3A_174, %dma_wait3A] : memref<79x128xi32, #tpu.memory_space<vmem>> -> memref<1x128xi32, #tpu.memory_space<vmem>>
        %dma_wait3A_185 = tpu.memref_squeeze %dma_wait3A_184 : memref<1x128xi32, #tpu.memory_space<vmem>> -> memref<128xi32, #tpu.memory_space<vmem>>
        %dma_wait3A_186 = arith.constant 0 : i32
        %dma_wait3A_187 = arith.constant 0 : i32
        %dma_wait3A_188 = tpu.memref_slice %arg2[%add3A_5, %dma_wait3A_186, %dma_wait3A_187] : memref<2x10240x128xf32, #tpu.memory_space<hbm>> -> memref<1x10240x128xf32, #tpu.memory_space<hbm>>
        %dma_wait3A_189 = tpu.memref_squeeze %dma_wait3A_188 : memref<1x10240x128xf32, #tpu.memory_space<hbm>> -> memref<10240x128xf32, #tpu.memory_space<hbm>>
        %dma_wait3A_190 = arith.constant 0 : i32
        %dma_wait3A_191 = arith.constant 0 : i32
        %dma_wait3A_192 = tpu.memref_slice %dma_wait3A_189[%dma_wait3A_190, %dma_wait3A_191] : memref<10240x128xf32, #tpu.memory_space<hbm>> -> memref<10240x128xf32, #tpu.memory_space<hbm>>
        tpu.wait_indirect_dma semaphore(%run_scoped3A : memref<!tpu.dma_semaphore, #tpu.memory_space<semaphore_mem>>) src(%dma_wait3A_192 : memref<10240x128xf32, #tpu.memory_space<hbm>>) dst(%arg8 : memref<128x128xf32, #tpu.memory_space<vmem>>)
        tpu.yield
      }) : () -> ()
      "tpu.region"() ({
        %run_scoped3A = tpu.sem_alloc : memref<!tpu.dma_semaphore, #tpu.memory_space<semaphore_mem>>
        %dma_start3A = arith.constant 0 : i32
        %dma_start3A_175 = tpu.memref_slice %arg7[%scan3A_174, %dma_start3A] : memref<79x128xi32, #tpu.memory_space<vmem>> -> memref<1x128xi32, #tpu.memory_space<vmem>>
        %dma_start3A_176 = tpu.memref_squeeze %dma_start3A_175 : memref<1x128xi32, #tpu.memory_space<vmem>> -> memref<128xi32, #tpu.memory_space<vmem>>
        %dma_start3A_177 = arith.constant 0 : i32
        %dma_start3A_178 = arith.constant 0 : i32
        %dma_start3A_179 = tpu.memref_slice %arg10[%dma_start3A_177, %dma_start3A_178] : memref<10240x128xf32, #tpu.memory_space<vmem_shared>> -> memref<10240x128xf32, #tpu.memory_space<vmem_shared>>
        tpu.enqueue_indirect_dma source(%arg8 : memref<128x128xf32, #tpu.memory_space<vmem>>) target(%dma_start3A_179 : memref<10240x128xf32, #tpu.memory_space<vmem_shared>>) offsets(%dma_start3A_176 : memref<128xi32, #tpu.memory_space<vmem>>) semaphore(%run_scoped3A : memref<!tpu.dma_semaphore, #tpu.memory_space<semaphore_mem>>) {add = true}
        %dma_wait3A = arith.constant 0 : i32
        %dma_wait3A_180 = tpu.memref_slice %arg7[%scan3A_174, %dma_wait3A] : memref<79x128xi32, #tpu.memory_space<vmem>> -> memref<1x128xi32, #tpu.memory_space<vmem>>
        %dma_wait3A_181 = tpu.memref_squeeze %dma_wait3A_180 : memref<1x128xi32, #tpu.memory_space<vmem>> -> memref<128xi32, #tpu.memory_space<vmem>>
        %dma_wait3A_182 = arith.constant 0 : i32
        %dma_wait3A_183 = arith.constant 0 : i32
        %dma_wait3A_184 = tpu.memref_slice %arg10[%dma_wait3A_182, %dma_wait3A_183] : memref<10240x128xf32, #tpu.memory_space<vmem_shared>> -> memref<10240x128xf32, #tpu.memory_space<vmem_shared>>
        tpu.wait_indirect_dma semaphore(%run_scoped3A : memref<!tpu.dma_semaphore, #tpu.memory_space<semaphore_mem>>) src(%arg8 : memref<128x128xf32, #tpu.memory_space<vmem>>) dst(%dma_wait3A_184 : memref<10240x128xf32, #tpu.memory_space<vmem_shared>>)
        tpu.yield
      }) : () -> ()
    }
    %scan3A_170 = arith.constant 79 : i32
    %barrier3A_171 = arith.constant 0 : index
    tpu.barrier barrier_id(%barrier3A_171)
    %mul3A_172 = arith.constant 640 : i32
    %mul3A_173 = arith.muli %arg1, %mul3A_172 : i32
    "tpu.region"() ({
      %run_scoped3A = tpu.sem_alloc : memref<!tpu.dma_semaphore, #tpu.memory_space<semaphore_mem>>
      %dma_start3A = arith.constant 0 : i32
      %dma_start3A_174 = arith.constant 0 : i32
      %dma_start3A_175 = tpu.memref_slice %arg5[%add3A_5, %dma_start3A, %dma_start3A_174] : memref<2x10240x128xf32, #tpu.memory_space<hbm>> -> memref<1x10240x128xf32, #tpu.memory_space<hbm>>
      %dma_start3A_176 = tpu.memref_squeeze %dma_start3A_175 : memref<1x10240x128xf32, #tpu.memory_space<hbm>> -> memref<10240x128xf32, #tpu.memory_space<hbm>>
      %dma_start3A_177 = arith.constant 0 : i32
      %dma_start3A_178 = tpu.memref_slice %dma_start3A_176[%mul3A_173, %dma_start3A_177] : memref<10240x128xf32, #tpu.memory_space<hbm>> -> memref<640x128xf32, #tpu.memory_space<hbm>>
      %dma_start3A_179 = arith.constant 0 : i32
      %dma_start3A_180 = tpu.memref_slice %arg10[%mul3A_173, %dma_start3A_179] : memref<10240x128xf32, #tpu.memory_space<vmem_shared>> -> memref<640x128xf32, #tpu.memory_space<vmem_shared>>
      tpu.enqueue_dma source(%dma_start3A_180 : memref<640x128xf32, #tpu.memory_space<vmem_shared>>) target(%dma_start3A_178 : memref<640x128xf32, #tpu.memory_space<hbm>>) target_semaphore(%run_scoped3A : memref<!tpu.dma_semaphore, #tpu.memory_space<semaphore_mem>>)
      %dma_wait3A = arith.constant 0 : i32
      %dma_wait3A_181 = arith.constant 0 : i32
      %dma_wait3A_182 = tpu.memref_slice %arg5[%add3A_5, %dma_wait3A, %dma_wait3A_181] : memref<2x10240x128xf32, #tpu.memory_space<hbm>> -> memref<1x10240x128xf32, #tpu.memory_space<hbm>>
      %dma_wait3A_183 = tpu.memref_squeeze %dma_wait3A_182 : memref<1x10240x128xf32, #tpu.memory_space<hbm>> -> memref<10240x128xf32, #tpu.memory_space<hbm>>
      %dma_wait3A_184 = arith.constant 0 : i32
      %dma_wait3A_185 = tpu.memref_slice %dma_wait3A_183[%mul3A_173, %dma_wait3A_184] : memref<10240x128xf32, #tpu.memory_space<hbm>> -> memref<640x128xf32, #tpu.memory_space<hbm>>
      %dma_wait3A_186 = arith.constant 0 : i32
      %dma_wait3A_187 = tpu.memref_slice %arg10[%mul3A_173, %dma_wait3A_186] : memref<10240x128xf32, #tpu.memory_space<vmem_shared>> -> memref<640x128xf32, #tpu.memory_space<vmem_shared>>
      tpu.wait_dma2 semaphore(%run_scoped3A : memref<!tpu.dma_semaphore, #tpu.memory_space<semaphore_mem>>) src(%dma_wait3A_187 : memref<640x128xf32, #tpu.memory_space<vmem_shared>>) dst(%dma_wait3A_185 : memref<640x128xf32, #tpu.memory_space<hbm>>)
      tpu.yield
    }) : () -> ()
    return
  }
}

module attributes {stable_mosaic.version = 14 : i64} {
  func.func @_prep_body(%arg0: i32, %arg1: memref<2x256x1xf32, #tpu.memory_space<vmem>>, %arg2: memref<256x256xf32, #tpu.memory_space<vmem>>, %arg3: memref<256x1xf32, #tpu.memory_space<vmem>>, %arg4: memref<2x256x128xf32, #tpu.memory_space<vmem>>) attributes {dimension_semantics = [#tpu.dimension_semantics<arbitrary>], iteration_bounds = array<i64: 40>, scalar_prefetch = 0 : i64, scratch_operands = 0 : i64, tpu.core_type = #tpu.core_type<tc>, window_params = [{transform_indices = @transform_0, window_bounds = array<i64: 2, 256, 1>}, {transform_indices = @transform_1, window_bounds = array<i64: 256, 256>}, {transform_indices = @transform_2, window_bounds = array<i64: 256, 1>}, {transform_indices = @transform_3, window_bounds = array<i64: 2, 256, 128>}]} {
    %get3A = arith.constant 0 : index
    %get3A_0 = arith.constant 0 : index
    %get3A_1 = arith.constant 0 : index
    %get3A_2 = vector.load %arg1[%get3A, %get3A_0, %get3A_1] : memref<2x256x1xf32, #tpu.memory_space<vmem>>, vector<1x256x1xf32>
    %get3A_3 = vector.shape_cast %get3A_2 : vector<1x256x1xf32> to vector<256x1xf32>
    %get3A_4 = arith.constant 1 : index
    %get3A_5 = arith.constant 0 : index
    %get3A_6 = arith.constant 0 : index
    %get3A_7 = vector.load %arg1[%get3A_4, %get3A_5, %get3A_6] : memref<2x256x1xf32, #tpu.memory_space<vmem>>, vector<1x256x1xf32>
    %get3A_8 = vector.shape_cast %get3A_7 : vector<1x256x1xf32> to vector<256x1xf32>
    %add3A = arith.addf %get3A_3, %get3A_8 : vector<256x1xf32>
    %add3A_9 = arith.constant 1.000000e+00 : f32
    %add3A_10 = vector.broadcast %add3A_9 : f32 to vector<256x1xf32>
    %add3A_11 = arith.addf %add3A, %add3A_10 : vector<256x1xf32>
    %rsqrt3A = math.rsqrt %add3A_11 : vector<256x1xf32>
    %swap3A = arith.constant 0 : index
    %swap3A_12 = arith.constant 0 : index
    %swap3A_13 = vector.load %arg3[%swap3A, %swap3A_12] : memref<256x1xf32, #tpu.memory_space<vmem>>, vector<256x1xf32>
    tpu.vector_store %arg3[%swap3A, %swap3A_12], %rsqrt3A {strides = array<i32>} : memref<256x1xf32, #tpu.memory_space<vmem>>, vector<256x1xf32>,
    %get3A_14 = arith.constant 0 : index
    %get3A_15 = arith.constant 0 : index
    %get3A_16 = vector.load %arg2[%get3A_14, %get3A_15] : memref<256x256xf32, #tpu.memory_space<vmem>>, vector<256x256xf32>
    %mul3A = vector.broadcast %rsqrt3A : vector<256x1xf32> to vector<256x256xf32>
    %mul3A_17 = arith.mulf %get3A_16, %mul3A : vector<256x256xf32>
    %slice3A = vector.extract_strided_slice %mul3A_17 {offsets = [0, 0], sizes = [256, 128], strides = [1, 1]} : vector<256x256xf32> to vector<256x128xf32>
    %swap3A_18 = arith.constant 0 : index
    %swap3A_19 = arith.constant 0 : index
    %swap3A_20 = arith.constant 0 : index
    %swap3A_21 = vector.load %arg4[%swap3A_18, %swap3A_19, %swap3A_20] : memref<2x256x128xf32, #tpu.memory_space<vmem>>, vector<1x256x128xf32>
    %swap3A_22 = vector.shape_cast %swap3A_21 : vector<1x256x128xf32> to vector<256x128xf32>
    %swap3A_23 = vector.shape_cast %slice3A : vector<256x128xf32> to vector<1x256x128xf32>
    tpu.vector_store %arg4[%swap3A_18, %swap3A_19, %swap3A_20], %swap3A_23 {strides = array<i32>} : memref<2x256x128xf32, #tpu.memory_space<vmem>>, vector<1x256x128xf32>,
    %slice3A_24 = vector.extract_strided_slice %mul3A_17 {offsets = [0, 128], sizes = [256, 128], strides = [1, 1]} : vector<256x256xf32> to vector<256x128xf32>
    %swap3A_25 = arith.constant 1 : index
    %swap3A_26 = arith.constant 0 : index
    %swap3A_27 = arith.constant 0 : index
    %swap3A_28 = vector.load %arg4[%swap3A_25, %swap3A_26, %swap3A_27] : memref<2x256x128xf32, #tpu.memory_space<vmem>>, vector<1x256x128xf32>
    %swap3A_29 = vector.shape_cast %swap3A_28 : vector<1x256x128xf32> to vector<256x128xf32>
    %swap3A_30 = vector.shape_cast %slice3A_24 : vector<256x128xf32> to vector<1x256x128xf32>
    tpu.vector_store %arg4[%swap3A_25, %swap3A_26, %swap3A_27], %swap3A_30 {strides = array<i32>} : memref<2x256x128xf32, #tpu.memory_space<vmem>>, vector<1x256x128xf32>,
    return
  }
  func.func @transform_0(%arg0: i32) -> (i32, i32, i32) {
    %c0_i32 = arith.constant 0 : i32
    %c0_i32_0 = arith.constant 0 : i32
    %c0_i32_1 = arith.constant 0 : i32
    return %c0_i32, %arg0, %c0_i32_0 : i32, i32, i32
  }
  func.func @transform_1(%arg0: i32) -> (i32, i32) {
    %c0_i32 = arith.constant 0 : i32
    %c0_i32_0 = arith.constant 0 : i32
    return %arg0, %c0_i32 : i32, i32
  }
  func.func @transform_2(%arg0: i32) -> (i32, i32) {
    %c0_i32 = arith.constant 0 : i32
    %c0_i32_0 = arith.constant 0 : i32
    return %arg0, %c0_i32 : i32, i32
  }
  func.func @transform_3(%arg0: i32) -> (i32, i32, i32) {
    %c0_i32 = arith.constant 0 : i32
    %c0_i32_0 = arith.constant 0 : i32
    %c0_i32_1 = arith.constant 0 : i32
    return %c0_i32, %arg0, %c0_i32_0 : i32, i32, i32
  }
}

module attributes {stable_mosaic.version = 14 : i64} {
  func.func @_l12_body(%arg0: i32, %arg1: memref<2x256x128xf32, #tpu.memory_space<vmem>>, %arg2: memref<2x256x128xf32, #tpu.memory_space<vmem>>, %arg3: memref<256x1xf32, #tpu.memory_space<vmem>>, %arg4: memref<2x128x1024xf32, #tpu.memory_space<vmem>>, %arg5: memref<1x1024xf32, #tpu.memory_space<vmem>>, %arg6: memref<1024x512xf32, #tpu.memory_space<vmem>>, %arg7: memref<4x256x128xf32, #tpu.memory_space<vmem>>) attributes {dimension_semantics = [#tpu.dimension_semantics<arbitrary>], iteration_bounds = array<i64: 40>, scalar_prefetch = 0 : i64, scratch_operands = 0 : i64, tpu.core_type = #tpu.core_type<tc>, window_params = [{transform_indices = @transform_0, window_bounds = array<i64: 2, 256, 128>}, {transform_indices = @transform_1, window_bounds = array<i64: 2, 256, 128>}, {transform_indices = @transform_2, window_bounds = array<i64: 256, 1>}, {pipeline_mode = #tpu.pipeline_mode<synchronous>, transform_indices = @transform_3, window_bounds = array<i64: 2, 128, 1024>}, {pipeline_mode = #tpu.pipeline_mode<synchronous>, transform_indices = @transform_4, window_bounds = array<i64: 1, 1024>}, {pipeline_mode = #tpu.pipeline_mode<synchronous>, transform_indices = @transform_5, window_bounds = array<i64: 1024, 512>}, {transform_indices = @transform_6, window_bounds = array<i64: 4, 256, 128>}]} {
    %get3A = arith.constant 0 : index
    %get3A_0 = arith.constant 0 : index
    %get3A_1 = vector.load %arg3[%get3A, %get3A_0] : memref<256x1xf32, #tpu.memory_space<vmem>>, vector<256x1xf32>
    %get3A_2 = arith.constant 0 : index
    %get3A_3 = arith.constant 0 : index
    %get3A_4 = vector.load %arg5[%get3A_2, %get3A_3] : memref<1x1024xf32, #tpu.memory_space<vmem>>, vector<1x1024xf32>
    %get3A_5 = arith.constant 0 : index
    %get3A_6 = arith.constant 0 : index
    %get3A_7 = arith.constant 0 : index
    %get3A_8 = vector.load %arg1[%get3A_5, %get3A_6, %get3A_7] : memref<2x256x128xf32, #tpu.memory_space<vmem>>, vector<1x256x128xf32>
    %get3A_9 = vector.shape_cast %get3A_8 : vector<1x256x128xf32> to vector<256x128xf32>
    %get3A_10 = arith.constant 0 : index
    %get3A_11 = arith.constant 0 : index
    %get3A_12 = arith.constant 0 : index
    %get3A_13 = vector.load %arg2[%get3A_10, %get3A_11, %get3A_12] : memref<2x256x128xf32, #tpu.memory_space<vmem>>, vector<1x256x128xf32>
    %get3A_14 = vector.shape_cast %get3A_13 : vector<1x256x128xf32> to vector<256x128xf32>
    %add3A = arith.addf %get3A_9, %get3A_14 : vector<256x128xf32>
    %mul3A = vector.broadcast %get3A_1 : vector<256x1xf32> to vector<256x128xf32>
    %mul3A_15 = arith.mulf %mul3A, %add3A : vector<256x128xf32>
    %get3A_16 = arith.constant 0 : index
    %get3A_17 = arith.constant 0 : index
    %get3A_18 = arith.constant 0 : index
    %get3A_19 = vector.load %arg4[%get3A_16, %get3A_17, %get3A_18] : memref<2x128x1024xf32, #tpu.memory_space<vmem>>, vector<1x128x1024xf32>
    %get3A_20 = vector.shape_cast %get3A_19 : vector<1x128x1024xf32> to vector<128x1024xf32>
    %dot_general3A = arith.constant dense<0.000000e+00> : vector<256x1024xf32>
    %dot_general3A_21 = tpu.matmul %mul3A_15, %get3A_20, %dot_general3A {dimension_numbers = #tpu.dot_dimension_numbers<[1], [0], [0], [1], [0, 0, 1, 1], [], []>, transpose_lhs_hint = false} : vector<256x128xf32>, vector<128x1024xf32>, vector<256x1024xf32> -> vector<256x1024xf32>
    %add3A_22 = vector.broadcast %get3A_4 : vector<1x1024xf32> to vector<256x1024xf32>
    %add3A_23 = arith.addf %add3A_22, %dot_general3A_21 : vector<256x1024xf32>
    %get3A_24 = arith.constant 1 : index
    %get3A_25 = arith.constant 0 : index
    %get3A_26 = arith.constant 0 : index
    %get3A_27 = vector.load %arg1[%get3A_24, %get3A_25, %get3A_26] : memref<2x256x128xf32, #tpu.memory_space<vmem>>, vector<1x256x128xf32>
    %get3A_28 = vector.shape_cast %get3A_27 : vector<1x256x128xf32> to vector<256x128xf32>
    %get3A_29 = arith.constant 1 : index
    %get3A_30 = arith.constant 0 : index
    %get3A_31 = arith.constant 0 : index
    %get3A_32 = vector.load %arg2[%get3A_29, %get3A_30, %get3A_31] : memref<2x256x128xf32, #tpu.memory_space<vmem>>, vector<1x256x128xf32>
    %get3A_33 = vector.shape_cast %get3A_32 : vector<1x256x128xf32> to vector<256x128xf32>
    %add3A_34 = arith.addf %get3A_28, %get3A_33 : vector<256x128xf32>
    %mul3A_35 = vector.broadcast %get3A_1 : vector<256x1xf32> to vector<256x128xf32>
    %mul3A_36 = arith.mulf %mul3A_35, %add3A_34 : vector<256x128xf32>
    %get3A_37 = arith.constant 1 : index
    %get3A_38 = arith.constant 0 : index
    %get3A_39 = arith.constant 0 : index
    %get3A_40 = vector.load %arg4[%get3A_37, %get3A_38, %get3A_39] : memref<2x128x1024xf32, #tpu.memory_space<vmem>>, vector<1x128x1024xf32>
    %get3A_41 = vector.shape_cast %get3A_40 : vector<1x128x1024xf32> to vector<128x1024xf32>
    %dot_general3A_42 = arith.constant dense<0.000000e+00> : vector<256x1024xf32>
    %dot_general3A_43 = tpu.matmul %mul3A_36, %get3A_41, %dot_general3A_42 {dimension_numbers = #tpu.dot_dimension_numbers<[1], [0], [0], [1], [0, 0, 1, 1], [], []>, transpose_lhs_hint = false} : vector<256x128xf32>, vector<128x1024xf32>, vector<256x1024xf32> -> vector<256x1024xf32>
    %add3A_44 = arith.addf %add3A_23, %dot_general3A_43 : vector<256x1024xf32>
    %max3A = arith.constant 0.000000e+00 : f32
    %max3A_45 = vector.broadcast %max3A : f32 to vector<256x1024xf32>
    %max3A_46 = arith.maximumf %add3A_44, %max3A_45 : vector<256x1024xf32>
    %get3A_47 = arith.constant 0 : index
    %get3A_48 = arith.constant 0 : index
    %get3A_49 = vector.load %arg6[%get3A_47, %get3A_48] : memref<1024x512xf32, #tpu.memory_space<vmem>>, vector<1024x512xf32>
    %dot_general3A_50 = arith.constant dense<0.000000e+00> : vector<256x512xf32>
    %dot_general3A_51 = tpu.matmul %max3A_46, %get3A_49, %dot_general3A_50 {dimension_numbers = #tpu.dot_dimension_numbers<[1], [0], [0], [1], [0, 0, 1, 1], [], []>, transpose_lhs_hint = false} : vector<256x1024xf32>, vector<1024x512xf32>, vector<256x512xf32> -> vector<256x512xf32>
    %slice3A = vector.extract_strided_slice %dot_general3A_51 {offsets = [0, 0], sizes = [256, 128], strides = [1, 1]} : vector<256x512xf32> to vector<256x128xf32>
    %mul3A_52 = vector.broadcast %get3A_1 : vector<256x1xf32> to vector<256x128xf32>
    %mul3A_53 = arith.mulf %mul3A_52, %slice3A : vector<256x128xf32>
    %swap3A = arith.constant 0 : index
    %swap3A_54 = arith.constant 0 : index
    %swap3A_55 = arith.constant 0 : index
    %swap3A_56 = vector.load %arg7[%swap3A, %swap3A_54, %swap3A_55] : memref<4x256x128xf32, #tpu.memory_space<vmem>>, vector<1x256x128xf32>
    %swap3A_57 = vector.shape_cast %swap3A_56 : vector<1x256x128xf32> to vector<256x128xf32>
    %swap3A_58 = vector.shape_cast %mul3A_53 : vector<256x128xf32> to vector<1x256x128xf32>
    tpu.vector_store %arg7[%swap3A, %swap3A_54, %swap3A_55], %swap3A_58 {strides = array<i32>} : memref<4x256x128xf32, #tpu.memory_space<vmem>>, vector<1x256x128xf32>,
    %slice3A_59 = vector.extract_strided_slice %dot_general3A_51 {offsets = [0, 128], sizes = [256, 128], strides = [1, 1]} : vector<256x512xf32> to vector<256x128xf32>
    %mul3A_60 = vector.broadcast %get3A_1 : vector<256x1xf32> to vector<256x128xf32>
    %mul3A_61 = arith.mulf %mul3A_60, %slice3A_59 : vector<256x128xf32>
    %swap3A_62 = arith.constant 1 : index
    %swap3A_63 = arith.constant 0 : index
    %swap3A_64 = arith.constant 0 : index
    %swap3A_65 = vector.load %arg7[%swap3A_62, %swap3A_63, %swap3A_64] : memref<4x256x128xf32, #tpu.memory_space<vmem>>, vector<1x256x128xf32>
    %swap3A_66 = vector.shape_cast %swap3A_65 : vector<1x256x128xf32> to vector<256x128xf32>
    %swap3A_67 = vector.shape_cast %mul3A_61 : vector<256x128xf32> to vector<1x256x128xf32>
    tpu.vector_store %arg7[%swap3A_62, %swap3A_63, %swap3A_64], %swap3A_67 {strides = array<i32>} : memref<4x256x128xf32, #tpu.memory_space<vmem>>, vector<1x256x128xf32>,
    %slice3A_68 = vector.extract_strided_slice %dot_general3A_51 {offsets = [0, 256], sizes = [256, 128], strides = [1, 1]} : vector<256x512xf32> to vector<256x128xf32>
    %mul3A_69 = vector.broadcast %get3A_1 : vector<256x1xf32> to vector<256x128xf32>
    %mul3A_70 = arith.mulf %mul3A_69, %slice3A_68 : vector<256x128xf32>
    %swap3A_71 = arith.constant 2 : index
    %swap3A_72 = arith.constant 0 : index
    %swap3A_73 = arith.constant 0 : index
    %swap3A_74 = vector.load %arg7[%swap3A_71, %swap3A_72, %swap3A_73] : memref<4x256x128xf32, #tpu.memory_space<vmem>>, vector<1x256x128xf32>
    %swap3A_75 = vector.shape_cast %swap3A_74 : vector<1x256x128xf32> to vector<256x128xf32>
    %swap3A_76 = vector.shape_cast %mul3A_70 : vector<256x128xf32> to vector<1x256x128xf32>
    tpu.vector_store %arg7[%swap3A_71, %swap3A_72, %swap3A_73], %swap3A_76 {strides = array<i32>} : memref<4x256x128xf32, #tpu.memory_space<vmem>>, vector<1x256x128xf32>,
    %slice3A_77 = vector.extract_strided_slice %dot_general3A_51 {offsets = [0, 384], sizes = [256, 128], strides = [1, 1]} : vector<256x512xf32> to vector<256x128xf32>
    %mul3A_78 = vector.broadcast %get3A_1 : vector<256x1xf32> to vector<256x128xf32>
    %mul3A_79 = arith.mulf %mul3A_78, %slice3A_77 : vector<256x128xf32>
    %swap3A_80 = arith.constant 3 : index
    %swap3A_81 = arith.constant 0 : index
    %swap3A_82 = arith.constant 0 : index
    %swap3A_83 = vector.load %arg7[%swap3A_80, %swap3A_81, %swap3A_82] : memref<4x256x128xf32, #tpu.memory_space<vmem>>, vector<1x256x128xf32>
    %swap3A_84 = vector.shape_cast %swap3A_83 : vector<1x256x128xf32> to vector<256x128xf32>
    %swap3A_85 = vector.shape_cast %mul3A_79 : vector<256x128xf32> to vector<1x256x128xf32>
    tpu.vector_store %arg7[%swap3A_80, %swap3A_81, %swap3A_82], %swap3A_85 {strides = array<i32>} : memref<4x256x128xf32, #tpu.memory_space<vmem>>, vector<1x256x128xf32>,
    return
  }
  func.func @transform_0(%arg0: i32) -> (i32, i32, i32) {
    %c0_i32 = arith.constant 0 : i32
    %c0_i32_0 = arith.constant 0 : i32
    %c0_i32_1 = arith.constant 0 : i32
    return %c0_i32, %arg0, %c0_i32_0 : i32, i32, i32
  }
  func.func @transform_1(%arg0: i32) -> (i32, i32, i32) {
    %c0_i32 = arith.constant 0 : i32
    %c0_i32_0 = arith.constant 0 : i32
    %c0_i32_1 = arith.constant 0 : i32
    return %c0_i32, %arg0, %c0_i32_0 : i32, i32, i32
  }
  func.func @transform_2(%arg0: i32) -> (i32, i32) {
    %c0_i32 = arith.constant 0 : i32
    %c0_i32_0 = arith.constant 0 : i32
    return %arg0, %c0_i32 : i32, i32
  }
  func.func @transform_3(%arg0: i32) -> (i32, i32, i32) {
    %c0_i32 = arith.constant 0 : i32
    %c0_i32_0 = arith.constant 0 : i32
    %c0_i32_1 = arith.constant 0 : i32
    %c0_i32_2 = arith.constant 0 : i32
    return %c0_i32, %c0_i32_0, %c0_i32_1 : i32, i32, i32
  }
  func.func @transform_4(%arg0: i32) -> (i32, i32) {
    %c0_i32 = arith.constant 0 : i32
    %c0_i32_0 = arith.constant 0 : i32
    %c0_i32_1 = arith.constant 0 : i32
    return %c0_i32, %c0_i32_0 : i32, i32
  }
  func.func @transform_5(%arg0: i32) -> (i32, i32) {
    %c0_i32 = arith.constant 0 : i32
    %c0_i32_0 = arith.constant 0 : i32
    %c0_i32_1 = arith.constant 0 : i32
    return %c0_i32, %c0_i32_0 : i32, i32
  }
  func.func @transform_6(%arg0: i32) -> (i32, i32, i32) {
    %c0_i32 = arith.constant 0 : i32
    %c0_i32_0 = arith.constant 0 : i32
    %c0_i32_1 = arith.constant 0 : i32
    return %c0_i32, %arg0, %c0_i32_0 : i32, i32, i32
  }
}

module attributes {stable_mosaic.version = 14 : i64} {
  func.func @_l23_body(%arg0: i32, %arg1: memref<4x256x128xf32, #tpu.memory_space<vmem>>, %arg2: memref<4x256x128xf32, #tpu.memory_space<vmem>>, %arg3: memref<256x1xf32, #tpu.memory_space<vmem>>, %arg4: memref<1x512xf32, #tpu.memory_space<vmem>>, %arg5: memref<4x128x256xf32, #tpu.memory_space<vmem>>, %arg6: memref<2x256x128xf32, #tpu.memory_space<vmem>>) attributes {dimension_semantics = [#tpu.dimension_semantics<arbitrary>], iteration_bounds = array<i64: 40>, scalar_prefetch = 0 : i64, scratch_operands = 0 : i64, tpu.core_type = #tpu.core_type<tc>, window_params = [{transform_indices = @transform_0, window_bounds = array<i64: 4, 256, 128>}, {transform_indices = @transform_1, window_bounds = array<i64: 4, 256, 128>}, {transform_indices = @transform_2, window_bounds = array<i64: 256, 1>}, {pipeline_mode = #tpu.pipeline_mode<synchronous>, transform_indices = @transform_3, window_bounds = array<i64: 1, 512>}, {pipeline_mode = #tpu.pipeline_mode<synchronous>, transform_indices = @transform_4, window_bounds = array<i64: 4, 128, 256>}, {transform_indices = @transform_5, window_bounds = array<i64: 2, 256, 128>}]} {
    %get3A = arith.constant 0 : index
    %get3A_0 = arith.constant 0 : index
    %get3A_1 = vector.load %arg3[%get3A, %get3A_0] : memref<256x1xf32, #tpu.memory_space<vmem>>, vector<256x1xf32>
    %broadcast_in_dim3A = arith.constant 0.000000e+00 : f32
    %broadcast_in_dim3A_2 = vector.broadcast %broadcast_in_dim3A : f32 to vector<256x256xf32>
    %get3A_3 = arith.constant 0 : index
    %get3A_4 = arith.constant 0 : index
    %get3A_5 = arith.constant 0 : index
    %get3A_6 = vector.load %arg1[%get3A_3, %get3A_4, %get3A_5] : memref<4x256x128xf32, #tpu.memory_space<vmem>>, vector<1x256x128xf32>
    %get3A_7 = vector.shape_cast %get3A_6 : vector<1x256x128xf32> to vector<256x128xf32>
    %get3A_8 = arith.constant 0 : index
    %get3A_9 = arith.constant 0 : index
    %get3A_10 = arith.constant 0 : index
    %get3A_11 = vector.load %arg2[%get3A_8, %get3A_9, %get3A_10] : memref<4x256x128xf32, #tpu.memory_space<vmem>>, vector<1x256x128xf32>
    %get3A_12 = vector.shape_cast %get3A_11 : vector<1x256x128xf32> to vector<256x128xf32>
    %add3A = arith.addf %get3A_7, %get3A_12 : vector<256x128xf32>
    %mul3A = vector.broadcast %get3A_1 : vector<256x1xf32> to vector<256x128xf32>
    %mul3A_13 = arith.mulf %mul3A, %add3A : vector<256x128xf32>
    %get3A_14 = arith.constant 0 : index
    %get3A_15 = arith.constant 0 : index
    %get3A_16 = vector.load %arg4[%get3A_14, %get3A_15] : memref<1x512xf32, #tpu.memory_space<vmem>>, vector<1x128xf32>
    %get3A_17 = vector.shape_cast %get3A_16 : vector<1x128xf32> to vector<128xf32>
    %broadcast_in_dim3A_18 = vector.shape_cast %get3A_17 : vector<128xf32> to vector<1x128xf32>
    %add3A_19 = vector.broadcast %broadcast_in_dim3A_18 : vector<1x128xf32> to vector<256x128xf32>
    %add3A_20 = arith.addf %mul3A_13, %add3A_19 : vector<256x128xf32>
    %max3A = arith.constant 0.000000e+00 : f32
    %max3A_21 = vector.broadcast %max3A : f32 to vector<256x128xf32>
    %max3A_22 = arith.maximumf %add3A_20, %max3A_21 : vector<256x128xf32>
    %get3A_23 = arith.constant 0 : index
    %get3A_24 = arith.constant 0 : index
    %get3A_25 = arith.constant 0 : index
    %get3A_26 = vector.load %arg5[%get3A_23, %get3A_24, %get3A_25] : memref<4x128x256xf32, #tpu.memory_space<vmem>>, vector<1x128x256xf32>
    %get3A_27 = vector.shape_cast %get3A_26 : vector<1x128x256xf32> to vector<128x256xf32>
    %dot_general3A = arith.constant dense<0.000000e+00> : vector<256x256xf32>
    %dot_general3A_28 = tpu.matmul %max3A_22, %get3A_27, %dot_general3A {dimension_numbers = #tpu.dot_dimension_numbers<[1], [0], [0], [1], [0, 0, 1, 1], [], []>, transpose_lhs_hint = false} : vector<256x128xf32>, vector<128x256xf32>, vector<256x256xf32> -> vector<256x256xf32>
    %add3A_29 = arith.addf %broadcast_in_dim3A_2, %dot_general3A_28 : vector<256x256xf32>
    %get3A_30 = arith.constant 1 : index
    %get3A_31 = arith.constant 0 : index
    %get3A_32 = arith.constant 0 : index
    %get3A_33 = vector.load %arg1[%get3A_30, %get3A_31, %get3A_32] : memref<4x256x128xf32, #tpu.memory_space<vmem>>, vector<1x256x128xf32>
    %get3A_34 = vector.shape_cast %get3A_33 : vector<1x256x128xf32> to vector<256x128xf32>
    %get3A_35 = arith.constant 1 : index
    %get3A_36 = arith.constant 0 : index
    %get3A_37 = arith.constant 0 : index
    %get3A_38 = vector.load %arg2[%get3A_35, %get3A_36, %get3A_37] : memref<4x256x128xf32, #tpu.memory_space<vmem>>, vector<1x256x128xf32>
    %get3A_39 = vector.shape_cast %get3A_38 : vector<1x256x128xf32> to vector<256x128xf32>
    %add3A_40 = arith.addf %get3A_34, %get3A_39 : vector<256x128xf32>
    %mul3A_41 = vector.broadcast %get3A_1 : vector<256x1xf32> to vector<256x128xf32>
    %mul3A_42 = arith.mulf %mul3A_41, %add3A_40 : vector<256x128xf32>
    %get3A_43 = arith.constant 0 : index
    %get3A_44 = arith.constant 128 : index
    %get3A_45 = vector.load %arg4[%get3A_43, %get3A_44] : memref<1x512xf32, #tpu.memory_space<vmem>>, vector<1x128xf32>
    %get3A_46 = vector.shape_cast %get3A_45 : vector<1x128xf32> to vector<128xf32>
    %broadcast_in_dim3A_47 = vector.shape_cast %get3A_46 : vector<128xf32> to vector<1x128xf32>
    %add3A_48 = vector.broadcast %broadcast_in_dim3A_47 : vector<1x128xf32> to vector<256x128xf32>
    %add3A_49 = arith.addf %mul3A_42, %add3A_48 : vector<256x128xf32>
    %max3A_50 = arith.constant 0.000000e+00 : f32
    %max3A_51 = vector.broadcast %max3A_50 : f32 to vector<256x128xf32>
    %max3A_52 = arith.maximumf %add3A_49, %max3A_51 : vector<256x128xf32>
    %get3A_53 = arith.constant 1 : index
    %get3A_54 = arith.constant 0 : index
    %get3A_55 = arith.constant 0 : index
    %get3A_56 = vector.load %arg5[%get3A_53, %get3A_54, %get3A_55] : memref<4x128x256xf32, #tpu.memory_space<vmem>>, vector<1x128x256xf32>
    %get3A_57 = vector.shape_cast %get3A_56 : vector<1x128x256xf32> to vector<128x256xf32>
    %dot_general3A_58 = arith.constant dense<0.000000e+00> : vector<256x256xf32>
    %dot_general3A_59 = tpu.matmul %max3A_52, %get3A_57, %dot_general3A_58 {dimension_numbers = #tpu.dot_dimension_numbers<[1], [0], [0], [1], [0, 0, 1, 1], [], []>, transpose_lhs_hint = false} : vector<256x128xf32>, vector<128x256xf32>, vector<256x256xf32> -> vector<256x256xf32>
    %add3A_60 = arith.addf %add3A_29, %dot_general3A_59 : vector<256x256xf32>
    %get3A_61 = arith.constant 2 : index
    %get3A_62 = arith.constant 0 : index
    %get3A_63 = arith.constant 0 : index
    %get3A_64 = vector.load %arg1[%get3A_61, %get3A_62, %get3A_63] : memref<4x256x128xf32, #tpu.memory_space<vmem>>, vector<1x256x128xf32>
    %get3A_65 = vector.shape_cast %get3A_64 : vector<1x256x128xf32> to vector<256x128xf32>
    %get3A_66 = arith.constant 2 : index
    %get3A_67 = arith.constant 0 : index
    %get3A_68 = arith.constant 0 : index
    %get3A_69 = vector.load %arg2[%get3A_66, %get3A_67, %get3A_68] : memref<4x256x128xf32, #tpu.memory_space<vmem>>, vector<1x256x128xf32>
    %get3A_70 = vector.shape_cast %get3A_69 : vector<1x256x128xf32> to vector<256x128xf32>
    %add3A_71 = arith.addf %get3A_65, %get3A_70 : vector<256x128xf32>
    %mul3A_72 = vector.broadcast %get3A_1 : vector<256x1xf32> to vector<256x128xf32>
    %mul3A_73 = arith.mulf %mul3A_72, %add3A_71 : vector<256x128xf32>
    %get3A_74 = arith.constant 0 : index
    %get3A_75 = arith.constant 256 : index
    %get3A_76 = vector.load %arg4[%get3A_74, %get3A_75] : memref<1x512xf32, #tpu.memory_space<vmem>>, vector<1x128xf32>
    %get3A_77 = vector.shape_cast %get3A_76 : vector<1x128xf32> to vector<128xf32>
    %broadcast_in_dim3A_78 = vector.shape_cast %get3A_77 : vector<128xf32> to vector<1x128xf32>
    %add3A_79 = vector.broadcast %broadcast_in_dim3A_78 : vector<1x128xf32> to vector<256x128xf32>
    %add3A_80 = arith.addf %mul3A_73, %add3A_79 : vector<256x128xf32>
    %max3A_81 = arith.constant 0.000000e+00 : f32
    %max3A_82 = vector.broadcast %max3A_81 : f32 to vector<256x128xf32>
    %max3A_83 = arith.maximumf %add3A_80, %max3A_82 : vector<256x128xf32>
    %get3A_84 = arith.constant 2 : index
    %get3A_85 = arith.constant 0 : index
    %get3A_86 = arith.constant 0 : index
    %get3A_87 = vector.load %arg5[%get3A_84, %get3A_85, %get3A_86] : memref<4x128x256xf32, #tpu.memory_space<vmem>>, vector<1x128x256xf32>
    %get3A_88 = vector.shape_cast %get3A_87 : vector<1x128x256xf32> to vector<128x256xf32>
    %dot_general3A_89 = arith.constant dense<0.000000e+00> : vector<256x256xf32>
    %dot_general3A_90 = tpu.matmul %max3A_83, %get3A_88, %dot_general3A_89 {dimension_numbers = #tpu.dot_dimension_numbers<[1], [0], [0], [1], [0, 0, 1, 1], [], []>, transpose_lhs_hint = false} : vector<256x128xf32>, vector<128x256xf32>, vector<256x256xf32> -> vector<256x256xf32>
    %add3A_91 = arith.addf %add3A_60, %dot_general3A_90 : vector<256x256xf32>
    %get3A_92 = arith.constant 3 : index
    %get3A_93 = arith.constant 0 : index
    %get3A_94 = arith.constant 0 : index
    %get3A_95 = vector.load %arg1[%get3A_92, %get3A_93, %get3A_94] : memref<4x256x128xf32, #tpu.memory_space<vmem>>, vector<1x256x128xf32>
    %get3A_96 = vector.shape_cast %get3A_95 : vector<1x256x128xf32> to vector<256x128xf32>
    %get3A_97 = arith.constant 3 : index
    %get3A_98 = arith.constant 0 : index
    %get3A_99 = arith.constant 0 : index
    %get3A_100 = vector.load %arg2[%get3A_97, %get3A_98, %get3A_99] : memref<4x256x128xf32, #tpu.memory_space<vmem>>, vector<1x256x128xf32>
    %get3A_101 = vector.shape_cast %get3A_100 : vector<1x256x128xf32> to vector<256x128xf32>
    %add3A_102 = arith.addf %get3A_96, %get3A_101 : vector<256x128xf32>
    %mul3A_103 = vector.broadcast %get3A_1 : vector<256x1xf32> to vector<256x128xf32>
    %mul3A_104 = arith.mulf %mul3A_103, %add3A_102 : vector<256x128xf32>
    %get3A_105 = arith.constant 0 : index
    %get3A_106 = arith.constant 384 : index
    %get3A_107 = vector.load %arg4[%get3A_105, %get3A_106] : memref<1x512xf32, #tpu.memory_space<vmem>>, vector<1x128xf32>
    %get3A_108 = vector.shape_cast %get3A_107 : vector<1x128xf32> to vector<128xf32>
    %broadcast_in_dim3A_109 = vector.shape_cast %get3A_108 : vector<128xf32> to vector<1x128xf32>
    %add3A_110 = vector.broadcast %broadcast_in_dim3A_109 : vector<1x128xf32> to vector<256x128xf32>
    %add3A_111 = arith.addf %mul3A_104, %add3A_110 : vector<256x128xf32>
    %max3A_112 = arith.constant 0.000000e+00 : f32
    %max3A_113 = vector.broadcast %max3A_112 : f32 to vector<256x128xf32>
    %max3A_114 = arith.maximumf %add3A_111, %max3A_113 : vector<256x128xf32>
    %get3A_115 = arith.constant 3 : index
    %get3A_116 = arith.constant 0 : index
    %get3A_117 = arith.constant 0 : index
    %get3A_118 = vector.load %arg5[%get3A_115, %get3A_116, %get3A_117] : memref<4x128x256xf32, #tpu.memory_space<vmem>>, vector<1x128x256xf32>
    %get3A_119 = vector.shape_cast %get3A_118 : vector<1x128x256xf32> to vector<128x256xf32>
    %dot_general3A_120 = arith.constant dense<0.000000e+00> : vector<256x256xf32>
    %dot_general3A_121 = tpu.matmul %max3A_114, %get3A_119, %dot_general3A_120 {dimension_numbers = #tpu.dot_dimension_numbers<[1], [0], [0], [1], [0, 0, 1, 1], [], []>, transpose_lhs_hint = false} : vector<256x128xf32>, vector<128x256xf32>, vector<256x256xf32> -> vector<256x256xf32>
    %add3A_122 = arith.addf %add3A_91, %dot_general3A_121 : vector<256x256xf32>
    %slice3A = vector.extract_strided_slice %add3A_122 {offsets = [0, 0], sizes = [256, 128], strides = [1, 1]} : vector<256x256xf32> to vector<256x128xf32>
    %mul3A_123 = vector.broadcast %get3A_1 : vector<256x1xf32> to vector<256x128xf32>
    %mul3A_124 = arith.mulf %mul3A_123, %slice3A : vector<256x128xf32>
    %swap3A = arith.constant 0 : index
    %swap3A_125 = arith.constant 0 : index
    %swap3A_126 = arith.constant 0 : index
    %swap3A_127 = vector.load %arg6[%swap3A, %swap3A_125, %swap3A_126] : memref<2x256x128xf32, #tpu.memory_space<vmem>>, vector<1x256x128xf32>
    %swap3A_128 = vector.shape_cast %swap3A_127 : vector<1x256x128xf32> to vector<256x128xf32>
    %swap3A_129 = vector.shape_cast %mul3A_124 : vector<256x128xf32> to vector<1x256x128xf32>
    tpu.vector_store %arg6[%swap3A, %swap3A_125, %swap3A_126], %swap3A_129 {strides = array<i32>} : memref<2x256x128xf32, #tpu.memory_space<vmem>>, vector<1x256x128xf32>,
    %slice3A_130 = vector.extract_strided_slice %add3A_122 {offsets = [0, 128], sizes = [256, 128], strides = [1, 1]} : vector<256x256xf32> to vector<256x128xf32>
    %mul3A_131 = vector.broadcast %get3A_1 : vector<256x1xf32> to vector<256x128xf32>
    %mul3A_132 = arith.mulf %mul3A_131, %slice3A_130 : vector<256x128xf32>
    %swap3A_133 = arith.constant 1 : index
    %swap3A_134 = arith.constant 0 : index
    %swap3A_135 = arith.constant 0 : index
    %swap3A_136 = vector.load %arg6[%swap3A_133, %swap3A_134, %swap3A_135] : memref<2x256x128xf32, #tpu.memory_space<vmem>>, vector<1x256x128xf32>
    %swap3A_137 = vector.shape_cast %swap3A_136 : vector<1x256x128xf32> to vector<256x128xf32>
    %swap3A_138 = vector.shape_cast %mul3A_132 : vector<256x128xf32> to vector<1x256x128xf32>
    tpu.vector_store %arg6[%swap3A_133, %swap3A_134, %swap3A_135], %swap3A_138 {strides = array<i32>} : memref<2x256x128xf32, #tpu.memory_space<vmem>>, vector<1x256x128xf32>,
    return
  }
  func.func @transform_0(%arg0: i32) -> (i32, i32, i32) {
    %c0_i32 = arith.constant 0 : i32
    %c0_i32_0 = arith.constant 0 : i32
    %c0_i32_1 = arith.constant 0 : i32
    return %c0_i32, %arg0, %c0_i32_0 : i32, i32, i32
  }
  func.func @transform_1(%arg0: i32) -> (i32, i32, i32) {
    %c0_i32 = arith.constant 0 : i32
    %c0_i32_0 = arith.constant 0 : i32
    %c0_i32_1 = arith.constant 0 : i32
    return %c0_i32, %arg0, %c0_i32_0 : i32, i32, i32
  }
  func.func @transform_2(%arg0: i32) -> (i32, i32) {
    %c0_i32 = arith.constant 0 : i32
    %c0_i32_0 = arith.constant 0 : i32
    return %arg0, %c0_i32 : i32, i32
  }
  func.func @transform_3(%arg0: i32) -> (i32, i32) {
    %c0_i32 = arith.constant 0 : i32
    %c0_i32_0 = arith.constant 0 : i32
    %c0_i32_1 = arith.constant 0 : i32
    return %c0_i32, %c0_i32_0 : i32, i32
  }
  func.func @transform_4(%arg0: i32) -> (i32, i32, i32) {
    %c0_i32 = arith.constant 0 : i32
    %c0_i32_0 = arith.constant 0 : i32
    %c0_i32_1 = arith.constant 0 : i32
    %c0_i32_2 = arith.constant 0 : i32
    return %c0_i32, %c0_i32_0, %c0_i32_1 : i32, i32, i32
  }
  func.func @transform_5(%arg0: i32) -> (i32, i32, i32) {
    %c0_i32 = arith.constant 0 : i32
    %c0_i32_0 = arith.constant 0 : i32
    %c0_i32_1 = arith.constant 0 : i32
    return %c0_i32, %arg0, %c0_i32_0 : i32, i32, i32
  }
}

module attributes {stable_mosaic.version = 14 : i64} {
  func.func @_final_body(%arg0: i32, %arg1: memref<2x256x128xf32, #tpu.memory_space<vmem>>, %arg2: memref<2x256x128xf32, #tpu.memory_space<vmem>>, %arg3: memref<256x1xf32, #tpu.memory_space<vmem>>, %arg4: memref<1x256xf32, #tpu.memory_space<vmem>>, %arg5: memref<256x256xf32, #tpu.memory_space<vmem>>) attributes {dimension_semantics = [#tpu.dimension_semantics<arbitrary>], iteration_bounds = array<i64: 40>, scalar_prefetch = 0 : i64, scratch_operands = 0 : i64, tpu.core_type = #tpu.core_type<tc>, window_params = [{transform_indices = @transform_0, window_bounds = array<i64: 2, 256, 128>}, {transform_indices = @transform_1, window_bounds = array<i64: 2, 256, 128>}, {transform_indices = @transform_2, window_bounds = array<i64: 256, 1>}, {pipeline_mode = #tpu.pipeline_mode<synchronous>, transform_indices = @transform_3, window_bounds = array<i64: 1, 256>}, {transform_indices = @transform_4, window_bounds = array<i64: 256, 256>}]} {
    %get3A = arith.constant 0 : index
    %get3A_0 = arith.constant 0 : index
    %get3A_1 = vector.load %arg3[%get3A, %get3A_0] : memref<256x1xf32, #tpu.memory_space<vmem>>, vector<256x1xf32>
    %get3A_2 = arith.constant 0 : index
    %get3A_3 = arith.constant 0 : index
    %get3A_4 = arith.constant 0 : index
    %get3A_5 = vector.load %arg1[%get3A_2, %get3A_3, %get3A_4] : memref<2x256x128xf32, #tpu.memory_space<vmem>>, vector<1x256x128xf32>
    %get3A_6 = vector.shape_cast %get3A_5 : vector<1x256x128xf32> to vector<256x128xf32>
    %get3A_7 = arith.constant 0 : index
    %get3A_8 = arith.constant 0 : index
    %get3A_9 = arith.constant 0 : index
    %get3A_10 = vector.load %arg2[%get3A_7, %get3A_8, %get3A_9] : memref<2x256x128xf32, #tpu.memory_space<vmem>>, vector<1x256x128xf32>
    %get3A_11 = vector.shape_cast %get3A_10 : vector<1x256x128xf32> to vector<256x128xf32>
    %add3A = arith.addf %get3A_6, %get3A_11 : vector<256x128xf32>
    %mul3A = vector.broadcast %get3A_1 : vector<256x1xf32> to vector<256x128xf32>
    %mul3A_12 = arith.mulf %mul3A, %add3A : vector<256x128xf32>
    %get3A_13 = arith.constant 0 : index
    %get3A_14 = arith.constant 0 : index
    %get3A_15 = vector.load %arg4[%get3A_13, %get3A_14] : memref<1x256xf32, #tpu.memory_space<vmem>>, vector<1x128xf32>
    %get3A_16 = vector.shape_cast %get3A_15 : vector<1x128xf32> to vector<128xf32>
    %broadcast_in_dim3A = vector.shape_cast %get3A_16 : vector<128xf32> to vector<1x128xf32>
    %add3A_17 = vector.broadcast %broadcast_in_dim3A : vector<1x128xf32> to vector<256x128xf32>
    %add3A_18 = arith.addf %mul3A_12, %add3A_17 : vector<256x128xf32>
    %swap3A = arith.constant 0 : index
    %swap3A_19 = arith.constant 0 : index
    %swap3A_20 = vector.load %arg5[%swap3A, %swap3A_19] : memref<256x256xf32, #tpu.memory_space<vmem>>, vector<256x128xf32>
    tpu.vector_store %arg5[%swap3A, %swap3A_19], %add3A_18 {strides = array<i32>} : memref<256x256xf32, #tpu.memory_space<vmem>>, vector<256x128xf32>,
    %get3A_21 = arith.constant 1 : index
    %get3A_22 = arith.constant 0 : index
    %get3A_23 = arith.constant 0 : index
    %get3A_24 = vector.load %arg1[%get3A_21, %get3A_22, %get3A_23] : memref<2x256x128xf32, #tpu.memory_space<vmem>>, vector<1x256x128xf32>
    %get3A_25 = vector.shape_cast %get3A_24 : vector<1x256x128xf32> to vector<256x128xf32>
    %get3A_26 = arith.constant 1 : index
    %get3A_27 = arith.constant 0 : index
    %get3A_28 = arith.constant 0 : index
    %get3A_29 = vector.load %arg2[%get3A_26, %get3A_27, %get3A_28] : memref<2x256x128xf32, #tpu.memory_space<vmem>>, vector<1x256x128xf32>
    %get3A_30 = vector.shape_cast %get3A_29 : vector<1x256x128xf32> to vector<256x128xf32>
    %add3A_31 = arith.addf %get3A_25, %get3A_30 : vector<256x128xf32>
    %mul3A_32 = vector.broadcast %get3A_1 : vector<256x1xf32> to vector<256x128xf32>
    %mul3A_33 = arith.mulf %mul3A_32, %add3A_31 : vector<256x128xf32>
    %get3A_34 = arith.constant 0 : index
    %get3A_35 = arith.constant 128 : index
    %get3A_36 = vector.load %arg4[%get3A_34, %get3A_35] : memref<1x256xf32, #tpu.memory_space<vmem>>, vector<1x128xf32>
    %get3A_37 = vector.shape_cast %get3A_36 : vector<1x128xf32> to vector<128xf32>
    %broadcast_in_dim3A_38 = vector.shape_cast %get3A_37 : vector<128xf32> to vector<1x128xf32>
    %add3A_39 = vector.broadcast %broadcast_in_dim3A_38 : vector<1x128xf32> to vector<256x128xf32>
    %add3A_40 = arith.addf %mul3A_33, %add3A_39 : vector<256x128xf32>
    %swap3A_41 = arith.constant 0 : index
    %swap3A_42 = arith.constant 128 : index
    %swap3A_43 = vector.load %arg5[%swap3A_41, %swap3A_42] : memref<256x256xf32, #tpu.memory_space<vmem>>, vector<256x128xf32>
    tpu.vector_store %arg5[%swap3A_41, %swap3A_42], %add3A_40 {strides = array<i32>} : memref<256x256xf32, #tpu.memory_space<vmem>>, vector<256x128xf32>,
    return
  }
  func.func @transform_0(%arg0: i32) -> (i32, i32, i32) {
    %c0_i32 = arith.constant 0 : i32
    %c0_i32_0 = arith.constant 0 : i32
    %c0_i32_1 = arith.constant 0 : i32
    return %c0_i32, %arg0, %c0_i32_0 : i32, i32, i32
  }
  func.func @transform_1(%arg0: i32) -> (i32, i32, i32) {
    %c0_i32 = arith.constant 0 : i32
    %c0_i32_0 = arith.constant 0 : i32
    %c0_i32_1 = arith.constant 0 : i32
    return %c0_i32, %arg0, %c0_i32_0 : i32, i32, i32
  }
  func.func @transform_2(%arg0: i32) -> (i32, i32) {
    %c0_i32 = arith.constant 0 : i32
    %c0_i32_0 = arith.constant 0 : i32
    return %arg0, %c0_i32 : i32, i32
  }
  func.func @transform_3(%arg0: i32) -> (i32, i32) {
    %c0_i32 = arith.constant 0 : i32
    %c0_i32_0 = arith.constant 0 : i32
    %c0_i32_1 = arith.constant 0 : i32
    return %c0_i32, %c0_i32_0 : i32, i32
  }
  func.func @transform_4(%arg0: i32) -> (i32, i32) {
    %c0_i32 = arith.constant 0 : i32
    %c0_i32_0 = arith.constant 0 : i32
    return %arg0, %c0_i32 : i32, i32
  }
}

</mosaic_0001>

<sc_bundles>
// kernel: kernel.10.cloned.1.call-start
scs
__scs_entry_jumppad:
0x0: {  	(pc) =	sbr.rel $0x88, $3  }
0x1: {  	(tag) =	ssettag $0x0;
	lr =	simm.s32 $0x1  }
0x2: {  	[smem:$0x3F99] =	sst lr;
	_ =	strace $0xD0000000  }
0x3: {  	_ = 	snop  }
0x4: {  	_ = 	snop  }
0x5: {  	_ = 	snop  }
0x6: {  	_ = 	snop  }
0x7: {  	_ = 	snop  }
__scs_overlays_trampoline_lowered:
0x8: {  	[smem:$0x3FA8] =	sst s0  }
0x9: {  	[smem:$0x3FA9] =	sst s1  }
0xa: {  	[smem:$0x3FAA] =	sst s2  }
0xb: {  	[smem:$0x3FAB] =	sst s3  }
0xc: {  	[smem:$0x3FAC] =	sst s4  }
0xd: {  	[smem:$0x3FAD] =	sst s5  }
0xe: {  	[smem:$0x3FAE] =	sst s6  }
0xf: {  	[smem:$0x3FAF] =	sst s7  }
0x10: {  	[smem:$0x3FB0] =	sst s8  }
0x11: {  	[smem:$0x3FB1] =	sst s9;
	s0 =	simm.s32 @!p0 $0x0  }
0x12: {  	s1 =	sld [smem:$0x3F97];
	s0 =	simm.s32 @p0 $0x1  }
0x13: {  	[smem:$0x3FB2] =	sst s0;
	s0 =	simm.s32 @!p1 $0x0  }
0x14: {  	s2 =	sld [smem:$0x3F96];
	s0 =	simm.s32 @p1 $0x1  }
0x15: {  	[smem:$0x3FB3] =	sst s0;
	s0 =	simm.s32 @!p2 $0x0  }
0x16: {  	s3 =	sld [smem:$0x3FDB];
	s0 =	simm.s32 @p2 $0x1  }
0x17: {  	s4 =	simm.s32 $0x1BF5;
	[smem:$0x3FB5] =	sst s0  }
0x18: {  	s0 =	sld [smem:$0x3F98];
	_ =	swait.ge [sflag:s4], $0x0  }
0x19: {  	s7 =	sld [smem:$0x3F99]  }
0x1a: {  	s8 =	sadd.s32 $0xFFFFE003, lr  }
0x1b: {  	s9 =	sadd.s32 $0xFFFFFEF7, lr;
	s5 =	simm.s32 $0xFFFFFFFF;
	p2 =	slt.u32 s8, $0xFFFFF086  }
0x1c: {  	p1 =	slt.u32 s9, $0xF7A;
	s5 =	simm.s32 @!p2 $0x0  }
0x1d: {  	s5 =	simm.s32 @p1 $0x1;
	p0 =	seq.s32 s7, s2  }
0x1e: {  	s7 =	smul.u32 @!p0 $0xF7A, s2;
	p2 =	seq.s32 @!p0 s5, $0x0  }
0x1f: {  	s9 =	smul.u32 $0xF7A, s1;
	s8 =	simm.s32 @!p0 $0x1BF5;
	p2 =	por !p2, p0  }
0x20: {  	[sflag:s8] =	ssyncset.s32 @!p0 $0xFFFFF086;
	s6 =	sadd.s32 @!p0 s3, s7;
	s7 =	simm.s32 @!p0 $0x108  }
0x21: {  	s3 =	sadd.s32 s3, s9;
	s6 =	sadd.s32 @!p0 $0x88, s6;
	s7 =	simm.s32 @p2 $0x1082  }
0x22: {  	[simem:s7], [sflag:s8] =	dma.local @!p0 [hbm:s6], $0xF7A  }
0x23: {  	s9 =	sor.u32 $0xD0000000, s2;
	s6 =	simm.s32 $0x108;
	_ =	swait.ge @!p0 [sflag:s8], $0x0  }
0x24: {  	s3 =	sadd.s32 $0x88, s3;
	s6 =	simm.s32 @!p1 $0x1082;
	[sflag:s4] =	ssyncset.s32 $0xFFFFF086  }
0x25: {  	[simem:s6], [sflag:s4] =	dma.local [hbm:s3], $0xF7A  }
0x26: {  	[smem:$0x3F99] =	sst s1;
	(tag) =	ssettag s2;
	_ =	strace s9  }
0x27: {  	s1 =	sld [smem:$0x3FA9]  }
0x28: {  	s2 =	sld [smem:$0x3FAA]  }
0x29: {  	s4 =	sld [smem:$0x3FAC]  }
0x2a: {  	p0 =	seq.s32 s5, $0x0;
	s5 =	sld [smem:$0x3FAD]  }
0x2b: {  	s6 =	sld [smem:$0x3FAE]  }
0x2c: {  	s7 =	sld [smem:$0x3FAF]  }
0x2d: {  	s3 =	simm.s32 $0x108;
	s8 =	sld [smem:$0x3FB0]  }
0x2e: {  	s3 =	simm.s32 @!p0 $0x1082;
	s9 =	sld [smem:$0x3FB1]  }
0x2f: {  	lr =	sadd.s32 s0, s3;
	s0 =	sld [smem:$0x3FA8]  }
0x30: {  	s3 =	sld [smem:$0x3FAB]  }
0x31: {  	[smem:$0x3FB4] =	sst s10  }
0x32: {  	s10 =	sld [smem:$0x3FB2];
	_ =	sdelay $0x3  }
0x33: {  	p0 =	seq.s32 s10, $0x1;
	s10 =	sld [smem:$0x3FB4];
	_ =	sdelay $0x3  }
0x34: {  	[smem:$0x3FB4] =	sst s10  }
0x35: {  	s10 =	sld [smem:$0x3FB3];
	_ =	sdelay $0x3  }
0x36: {  	p1 =	seq.s32 s10, $0x1;
	s10 =	sld [smem:$0x3FB4];
	_ =	sdelay $0x3  }
0x37: {  	[smem:$0x3FB4] =	sst s10  }
0x38: {  	s10 =	sld [smem:$0x3FB5]  }
0x39: {  	_ = 	snop;
	(pc) =	sbr.ind lr, $3  }
0x3a: {  	_ = 	snop  }
0x3b: {  	_ = 	snop  }
0x3c: {  	p2 =	seq.s32 s10, $0x1;
	s10 =	sld [smem:$0x3FB4]  }
0x3d: {  	_ =	shalt  }
0x3e: {  	_ =	shalt  }
0x3f: {  	_ =	shalt  }
0x40: {  	_ =	shalt  }
0x41: {  	_ =	shalt  }
0x42: {  	_ =	shalt  }
0x43: {  	_ =	shalt  }
0x44: {  	_ =	shalt  }
0x45: {  	_ =	shalt  }
0x46: {  	_ =	shalt  }
0x47: {  	_ =	shalt  }
0x48: {  	_ =	shalt  }
0x49: {  	_ =	shalt  }
0x4a: {  	_ =	shalt  }
0x4b: {  	_ =	shalt  }
0x4c: {  	_ =	shalt  }
0x4d: {  	_ =	shalt  }
0x4e: {  	_ =	shalt  }
0x4f: {  	_ =	shalt  }
0x50: {  	_ =	shalt  }
0x51: {  	_ =	shalt  }
0x52: {  	_ =	shalt  }
0x53: {  	_ =	shalt  }
0x54: {  	_ =	shalt  }
0x55: {  	_ =	shalt  }
0x56: {  	_ =	shalt  }
0x57: {  	_ =	shalt  }
0x58: {  	_ =	shalt  }
0x59: {  	_ =	shalt  }
0x5a: {  	_ =	shalt  }
0x5b: {  	_ =	shalt  }
0x5c: {  	_ =	shalt  }
0x5d: {  	_ =	shalt  }
0x5e: {  	_ =	shalt  }
0x5f: {  	_ =	shalt  }
0x60: {  	_ =	shalt  }
0x61: {  	_ =	shalt  }
0x62: {  	_ =	shalt  }
0x63: {  	_ =	shalt  }
0x64: {  	_ =	shalt  }
0x65: {  	_ =	shalt  }
0x66: {  	_ =	shalt  }
0x67: {  	_ =	shalt  }
0x68: {  	_ =	shalt  }
0x69: {  	_ =	shalt  }
0x6a: {  	_ =	shalt  }
0x6b: {  	_ =	shalt  }
0x6c: {  	_ =	shalt  }
0x6d: {  	_ =	shalt  }
0x6e: {  	_ =	shalt  }
0x6f: {  	_ =	shalt  }
0x70: {  	_ =	shalt  }
0x71: {  	_ =	shalt  }
0x72: {  	_ =	shalt  }
0x73: {  	_ =	shalt  }
0x74: {  	_ =	shalt  }
0x75: {  	_ =	shalt  }
0x76: {  	_ =	shalt  }
0x77: {  	_ =	shalt  }
0x78: {  	_ =	shalt  }
0x79: {  	_ =	shalt  }
0x7a: {  	_ =	shalt  }
0x7b: {  	_ =	shalt  }
0x7c: {  	_ =	shalt  }
0x7d: {  	_ =	shalt  }
0x7e: {  	_ =	shalt  }
0x7f: {  	_ =	shalt  }
0x80: {  	_ =	shalt  }
0x81: {  	_ =	shalt  }
0x82: {  	_ =	shalt  }
0x83: {  	_ =	shalt  }
0x84: {  	_ =	shalt  }
0x85: {  	_ =	shalt  }
0x86: {  	_ =	shalt  }
0x87: {  	_ =	shalt  }
.Lfunc_end0:
.L_simem_size_0:
called_computation_lowered:
.L_overlay_start_0:
0x88: {  	s2 =	sld [smem:$0x3FD9]  }
0x89: {  	s3 =	sld [smem:$0x3FFE];
	_ =	sdelay $0x1  }
0x8a: {  	s1 =	srdreg.scid  }
0x8b: {  	s0 =	sand.u32 $0x1, s1  }
0x8c: {  	s17 =	sshll.u32 s0, $0xA;
	s2 =	sadd.s32 s3, s2  }
0x8d: {  	s2 =	sadd.s32 s2, s17  }
0x8e: {  	[smem:$0x3FC0] =	sst s2  }
0x8f: {  	_ = 	snop  }
0x90: {  	s2 =	sld [smem:$0x3FD0];
	(tm) =	ssettm $0x1  }
0x91: {  	s18 =	sld [smem:$0x3FFB];
	_ =	sdelay $0x3  }
0x92: {  	_ =	strace s18  }
0x93: {  	s3 =	sld [smem:$0x3FFC];
	_ =	sdelay $0x3  }
0x94: {  	_ =	strace s3  }
0x95: {  	s3 =	sld [smem:$0x3FFD];
	_ =	sdelay $0x3  }
0x96: {  	_ =	strace s3  }
0x97: {  	_ =	strace $0x8FFFFFFF  }
0x98: {  	s19 =	sld [smem:$0x3FDB];
	_ =	sdelay $0x1  }
0x99: {  	s4 =	simm.s32 $_scs_section_size  }
0x9a: {  	s5 =	simm.s32 $_size__tile_overlayer_lowered;
	s6 =	simm.s32 $_tile_overlayer_lowered  }
0x9b: {  	s22 =	simm.s32 $0x1BFF;
	s21 =	sshll.u32 s6, $0x1;
	s3 =	sadd.s32 s4, s19  }
0x9c: {  	s7 =	simm.s32 $0x0;
	s20 =	sshll.u32 s5, $0x1;
	s5 =	sadd.s32 s21, s3  }
0x9d: {  	[timem:s7], [sflag:s22] =	dma.local [hbm:s5], s20  }
0x9e: {  	_ =	swait.ge [sflag:s22], s20  }
0x9f: {  	s4 =	ssub.s32 $0x0, s20;
	[sflag:s22] =	ssyncset.done $0x0  }
0xa0: {  	[sflag:s22] =	ssyncadd.s32 s4;
	_ =	sdelay $0x1  }
0xa1: {  	s23 =	simm.s32 $0x1B8B  }
0xa2: {  	_ =	swait.ge [sflag:s23], $0x1  }
0xa3: {  	[sflag:s23] =	ssyncset.done $0x0  }
0xa4: {  	s25 =	simm.s32 $0x1B8E;
	s24 =	sld [smem:$0x3FFE];
	[sflag:s23] =	ssyncadd.s32 $0xFFFFFFFF  }
0xa5: {  	s26 =	simm.s32 $execute0_lowered;
	[smem:$0x3FD2] =	sst s25  }
0xa6: {  	s5 =	sshll.u32 s26, $0x1;
	_ =	strace $0x80000046;
	[dreg:$0x1] =	wrdreg $0xFFFFFFFF  }
0xa7: {  	s28 =	simm.s32 $_size_execute0_lowered;
	s3 =	sadd.s32 s3, s5;
	[dreg:$0x0] =	wrdreg $0x0  }
0xa8: {  	s5 =	sshll.u32 s28, $0x1;
	[dreg:$0x2] =	wrdreg s3  }
0xa9: {  	[dreg:$0x3] =	wrdreg s5  }
0xaa: {  	[dreg:$0x4] =	wrdreg $0xC0  }
0xab: {  	_ =	task [dreg:s7], $0x5FFFF  }
0xac: {  	[dreg:$0x1] =	wrdreg $0xFFFFFFFF  }
0xad: {  	[dreg:$0x0] =	wrdreg $0x60  }
0xae: {  	[dreg:$0x2] =	wrdreg s2  }
0xaf: {  	[dreg:$0x3] =	wrdreg s24  }
0xb0: {  	[dreg:$0x4] =	wrdreg $0x2B000  }
0xb1: {  	[dreg:$0x5] =	wrdreg $0x9  }
0xb2: {  	_ =	task.clear_ibuf [dreg:s7], $0x6FFFF;
	_ =	strace $0x90000046  }
0xb3: {  	s29 =	simm.s32 $0x9;
	_ =	strace $0x80000048  }
0xb4: {  	_ =	swait.ge [sflag:s29], $0x1  }
0xb5: {  	[sflag:s29] =	ssyncadd.s32 $0xFFFFFFFF  }
0xb6: {  	_ =	strace $0x90000048  }
0xb7: {  	_ =	sfence  }
0xb8: {  	s30 =	sld [smem:$0x0];
	_ =	sdelay $0x2  }
0xb9: {  	s31 =	sshll.u32 s1, $0xD;
	s1 =	sshrl.u32 s1, $0x2  }
0xba: {  	s3 =	sand.u32 $0x4000, s31;
	s1 =	sadd.s32 s1, s30  }
0xbb: {  	s0 =	sor.u32 s3, s0;
	s1 =	sshll.u32 s1, $0x11  }
0xbc: {  	s0 =	sor.u32 s1, s0  }
0xbd: {  	s0 =	sadd.s32 $0x8F2B, s0  }
0xbe: {  	[sflag:s0] =	ssyncadd.remote.s32 $0x1  }
0xbf: {  	_ =	sfence.sel $0xFFFF  }
0xc0: {  	[dreg:$0x0] =	wrdreg $0xFFFFFFFF;
	(pc) =	sbr.abs _section_cstart, $3  }
0xc1: {  	[dreg:$0x1] =	wrdreg $0xFFFFFFFF  }
0xc2: {  	_ =	task.clear_ibuf [dreg:s7], $0x2FFFF;
	_ =	strace $0x9FFFFFFF  }
0xc3: {  	(tm) =	ssettm $0x7FFFFFFF  }
tec
execute0_lowered:
.L_overlay_start_1:
0x0: {  	(tag) =	ssettag $0x1  }
0x1: {  	s5 =	rddreg [dreg:$0x0]  }
0x2: {  	s7 =	rddreg [dreg:$0x1]  }
0x3: {  	s2 =	rddreg [dreg:$0x2]  }
0x4: {  	s0 =	rddreg [dreg:$0x3];
	s4 =	srdreg.scid  }
0x5: {  	s3 =	simm.s32 $0x0;
	s1 =	stileid.u32;
	s14 =	simm.s32 $0x20  }
0x6: {  	s15 =	simm.s32 $0x10;
	s16 =	simm.s32 $0x0;
	s12 =	smul.u32 $0xA0, s1  }
0x7: {  	s6 =	sand.u32 $0x1, s4;
	[smem:$0x7FF] =	sst s3;
	s9 =	smul.u32 $0xA00, s1  }
0x8: {  	s31 =	sshll.u32 s1, $0x6;
	s4 =	sshll.u32 s6, $0x4;
	s8 =	ssub.s32 $0x2, s6  }
0x9: {  	_ =	strace $0x80000047;
	p0 =	seq.s32 s6, $0x1;
	s4 =	sor.u32 s1, s4  }
0xa: {  	s10 =	sshrl.u32 s8, $0x1;
	s13 =	sadd.s32 s12, s7;
	s30 =	sshrl.u32 s9, $0x2  }
0xb: {  	s9 =	simm.s32 $0x1;
	s11 =	smul.u32 $0x500, s4;
	s8 =	ssub.s32 s8, s10  }
0xc: {  	s4 =	sadd.s32 s30, s2;
	s6 =	sadd.s32 $0x1E00, s13;
	s13 =	sadd.s32 $0x1E10, s7  }
0xd: {  	s10 =	simm.s32 $0x40;
	s7 =	smax.u32 s8, $0x1;
	s8 =	simm.s32 $0x2880  }
0xe: {  	s12 =	sadd.s32 @p0 s12, s13;
	s13 =	sshrl.u32 s4, $0x3;
	s5 =	sadd.s32 s5, s11  }
0xf: {  	v0 =	vimm.f32 $1.000000000e+00;
	v1 =	vimm.f32 $0.0e+00;
	s11 =	simm.s32 $0x2800;
	s6 =	smov.u32 @p0 s12;
	s12 =	sor.u32 $0x1C01, s31  }
.LBB2_1:
0x10: {  	[tilespmem:$0x2800] =	vst v0  }
0x11: {  	[tilespmem:$0x2810] =	vst v0  }
0x12: {  	[tilespmem:$0x2820] =	vst v0  }
0x13: {  	[tilespmem:$0x2830] =	vst v0  }
0x14: {  	[tilespmem:$0x2880] =	vst v1  }
0x15: {  	[tilespmem:$0x2890] =	vst v1  }
0x16: {  	[tilespmem:$0x28A0] =	vst v1  }
0x17: {  	[tilespmem:$0x28B0] =	vst v1  }
0x18: {  	[tilespmem:$0x28C0] =	vst v1  }
0x19: {  	[tilespmem:$0x28D0] =	vst v1  }
0x1a: {  	[tilespmem:$0x28E0] =	vst v1  }
0x1b: {  	[tilespmem:$0x28F0] =	vst v1  }
0x1c: {  	[tilespmem:$0x2900] =	vst v1  }
0x1d: {  	[tilespmem:$0x2910] =	vst v1  }
0x1e: {  	[tilespmem:$0x2920] =	vst v1  }
0x1f: {  	[tilespmem:$0x2930] =	vst v1  }
0x20: {  	[tilespmem:$0x2940] =	vst v1  }
0x21: {  	[tilespmem:$0x2950] =	vst v1  }
0x22: {  	[tilespmem:$0x2960] =	vst v1  }
0x23: {  	[tilespmem:$0x2970] =	vst v1  }
0x24: {  	[tilespmem:$0x2980] =	vst v1  }
0x25: {  	[tilespmem:$0x2990] =	vst v1  }
0x26: {  	[tilespmem:$0x29A0] =	vst v1  }
0x27: {  	[tilespmem:$0x29B0] =	vst v1  }
0x28: {  	[tilespmem:$0x29C0] =	vst v1  }
0x29: {  	[tilespmem:$0x29D0] =	vst v1  }
0x2a: {  	[tilespmem:$0x29E0] =	vst v1  }
0x2b: {  	[tilespmem:$0x29F0] =	vst v1  }
0x2c: {  	[tilespmem:$0x2A00] =	vst v1  }
0x2d: {  	[tilespmem:$0x2A10] =	vst v1  }
0x2e: {  	[tilespmem:$0x2A20] =	vst v1  }
0x2f: {  	[tilespmem:$0x2A30] =	vst v1  }
0x30: {  	[tilespmem:$0x2A40] =	vst v1  }
0x31: {  	[tilespmem:$0x2A50] =	vst v1  }
0x32: {  	[tilespmem:$0x2A60] =	vst v1  }
0x33: {  	[tilespmem:$0x2A70] =	vst v1  }
0x34: {  	[tilespmem:$0x2A80] =	vst v1  }
0x35: {  	[tilespmem:$0x2A90] =	vst v1  }
0x36: {  	[tilespmem:$0x2AA0] =	vst v1  }
0x37: {  	[tilespmem:$0x2AB0] =	vst v1  }
0x38: {  	[tilespmem:$0x2AC0] =	vst v1  }
0x39: {  	[tilespmem:$0x2AD0] =	vst v1  }
0x3a: {  	[tilespmem:$0x2AE0] =	vst v1  }
0x3b: {  	[tilespmem:$0x2AF0] =	vst v1  }
0x3c: {  	[spmem:s4] =	stream.linear.scatter [tilespmem:s8], [sflag:$0x1], $0x280, $0x38;
	[tilespmem:$0x2D80] =	vst v63  }
0x3d: {  	_ =	swait.ge [sflag:s9], $0x280  }
0x3e: {  	[sflag:s9] =	ssyncset.done $0x0  }
0x3f: {  	[sflag:s9] =	ssyncadd.s32 $0xFFFFFD80  }
0x40: {  	[tilespmem:s3], [sflag:$0x1] =	stream.linear.gather [hbm4b:s5+s3], $0x2780, $0x38;
	[tilespmem:$0x2D80] =	vst v63  }
0x41: {  	_ =	swait.ge [sflag:s9], $0x2780  }
0x42: {  	[sflag:s9] =	ssyncset.done $0x0  }
0x43: {  	[sflag:s9] =	ssyncadd.s32 $0xFFFFD880  }
0x44: {  	s17 =	simm.s32 $0x0;
	[bflag:$0x0] =	sbarrier.arrive $0xFFFF  }
0x45: {  	[spmem:s2] =	stream.indirect.scatter.add.f32 [tilespmem:s11], [sflag:$0x1], $0x1, s17, s10, $0xb8;
	[tilespmem:$0x2D80] =	vst v63  }
0x46: {  	_ =	swait.ge [sflag:s9], $0x40  }
0x47: {  	s17 =	simm.s32 $0x200;
	[sflag:s9] =	ssyncset.done $0x0  }
.LBB2_2:
0x48: {  	s18 =	sshra.s32 s17, $0x2;
	[sflag:s9] =	ssyncadd.s32 $0xFFFFFFC0;
	p0 =	sne.s32 s17, $0x9C00  }
0x49: {  	[spmem:s2] =	stream.indirect.scatter.add.f32 [tilespmem:s11], [sflag:$0x1], $0x1, s18, s10, $0xb8;
	[tilespmem:$0x2D80] =	vst v63  }
.Ltmp0:
0x4a: {  	_ = 	snop;
	(pc) =	sbr.rel @p0 .LBB2_2-.Ltmp0, $4  }
0x4b: {  	_ = 	snop  }
0x4c: {  	s17 =	sadd.s32 $0x200, s17  }
0x4d: {  	_ =	swait.ge [sflag:s9], $0x40  }
0x4e: {  	[sflag:s9] =	ssyncset.done $0x0  }
0x4f: {  	s16 =	sadd.s32 $0x1, s16  }
0x50: {  	[sflag:s9] =	ssyncadd.s32 $0xFFFFFFC0;
	p0 =	sne.s32 s16, s7  }
.Ltmp1:
0x51: {  	[bflag:$0x0] =	sbarrier.arrive $0xFFFF;
	(pc) =	sbr.rel @p0 .LBB2_1-.Ltmp1, $4  }
0x52: {  	[hbm:s6@s14], [sflag:s12] =	dma.strided [spmem:s13@s15], $0x50, s9, $0x10   }
0x53: {  	_ =	swait.ge [sflag:s9], $0x50  }
0x54: {  	[sflag:s9] =	ssyncset.done $0x0  }
0x55: {  	[sflag:s9] =	ssyncadd.s32 $0xFFFFFFB0  }
0x56: {  	_ =	sfence.sel $0x180000  }
0x57: {  	[bflag:$0x0] =	sbarrier.arrive $0xFFFF  }
0x58: {  	p0 =	sne.s32 s1, $0x0;
	_ =	strace $0x90000047  }
0x59: {  	s0 =	sadd.s32 @!p0 $0x100000, s0;
	[bflag:$0x2] =	sbarrier.arrive $0xFFFF  }
0x5a: {  	[sflag:s0] =	ssyncadd.tile.s32 @!p0 $0x1;
	_ =	shalt  }
.Lfunc_end2:
_tile_overlayer_lowered:
.L_overlay_start_2:
0x5b: {  	(tag) =	ssettag $0x2  }
0x5c: {  	s0 =	rddreg [dreg:$0x0];
	s2 =	stileid.u32  }
0x5d: {  	s1 =	rddreg [dreg:$0x1];
	p0 =	sne.s32 s2, $0x0  }
0x5e: {  	s3 =	rddreg [dreg:$0x2];
	[bflag:$0x3] =	sbarrier.arrive $0xFFFF;
	s2 =	simm.s32 @!p0 $0x1C01  }
0x5f: {  	[timem:s3], [sflag:s2] =	dma.local @!p0 [hbm:s0], s1  }
0x60: {  	s0 =	simm.s32 @!p0 $0x1  }
0x61: {  	_ =	swait.ge @!p0 [sflag:s0], s1  }
0x62: {  	s1 =	ssub.s32 @!p0 $0x0, s1;
	[sflag:s0] =	ssyncset.done @!p0 $0x0  }
0x63: {  	[sflag:s0] =	ssyncadd.s32 @!p0 s1  }
0x64: {  	[bflag:$0x3] =	sbarrier.arrive $0xFFFF  }
0x65: {  	_ =	shalt  }

// kernel: kernel.13.cloned.1.call-start
scs
__scs_entry_jumppad:
0x0: {  	(pc) =	sbr.rel $0x88, $3  }
0x1: {  	(tag) =	ssettag $0x0;
	lr =	simm.s32 $0x1  }
0x2: {  	[smem:$0x3F99] =	sst lr;
	_ =	strace $0xD0000000  }
0x3: {  	_ = 	snop  }
0x4: {  	_ = 	snop  }
0x5: {  	_ = 	snop  }
0x6: {  	_ = 	snop  }
0x7: {  	_ = 	snop  }
__scs_overlays_trampoline_lowered:
0x8: {  	[smem:$0x3FA8] =	sst s0  }
0x9: {  	[smem:$0x3FA9] =	sst s1  }
0xa: {  	[smem:$0x3FAA] =	sst s2  }
0xb: {  	[smem:$0x3FAB] =	sst s3  }
0xc: {  	[smem:$0x3FAC] =	sst s4  }
0xd: {  	[smem:$0x3FAD] =	sst s5  }
0xe: {  	[smem:$0x3FAE] =	sst s6  }
0xf: {  	[smem:$0x3FAF] =	sst s7  }
0x10: {  	[smem:$0x3FB0] =	sst s8  }
0x11: {  	[smem:$0x3FB1] =	sst s9;
	s0 =	simm.s32 @!p0 $0x0  }
0x12: {  	s1 =	sld [smem:$0x3F97];
	s0 =	simm.s32 @p0 $0x1  }
0x13: {  	[smem:$0x3FB2] =	sst s0;
	s0 =	simm.s32 @!p1 $0x0  }
0x14: {  	s2 =	sld [smem:$0x3F96];
	s0 =	simm.s32 @p1 $0x1  }
0x15: {  	[smem:$0x3FB3] =	sst s0;
	s0 =	simm.s32 @!p2 $0x0  }
0x16: {  	s3 =	sld [smem:$0x3FDB];
	s0 =	simm.s32 @p2 $0x1  }
0x17: {  	s4 =	simm.s32 $0x1BF5;
	[smem:$0x3FB5] =	sst s0  }
0x18: {  	s0 =	sld [smem:$0x3F98];
	_ =	swait.ge [sflag:s4], $0x0  }
0x19: {  	s7 =	sld [smem:$0x3F99]  }
0x1a: {  	s8 =	sadd.s32 $0xFFFFE003, lr  }
0x1b: {  	s9 =	sadd.s32 $0xFFFFFEF7, lr;
	s5 =	simm.s32 $0xFFFFFFFF;
	p2 =	slt.u32 s8, $0xFFFFF086  }
0x1c: {  	p1 =	slt.u32 s9, $0xF7A;
	s5 =	simm.s32 @!p2 $0x0  }
0x1d: {  	s5 =	simm.s32 @p1 $0x1;
	p0 =	seq.s32 s7, s2  }
0x1e: {  	s7 =	smul.u32 @!p0 $0xF7A, s2;
	p2 =	seq.s32 @!p0 s5, $0x0  }
0x1f: {  	s9 =	smul.u32 $0xF7A, s1;
	s8 =	simm.s32 @!p0 $0x1BF5;
	p2 =	por !p2, p0  }
0x20: {  	[sflag:s8] =	ssyncset.s32 @!p0 $0xFFFFF086;
	s6 =	sadd.s32 @!p0 s3, s7;
	s7 =	simm.s32 @!p0 $0x108  }
0x21: {  	s3 =	sadd.s32 s3, s9;
	s6 =	sadd.s32 @!p0 $0x88, s6;
	s7 =	simm.s32 @p2 $0x1082  }
0x22: {  	[simem:s7], [sflag:s8] =	dma.local @!p0 [hbm:s6], $0xF7A  }
0x23: {  	s9 =	sor.u32 $0xD0000000, s2;
	s6 =	simm.s32 $0x108;
	_ =	swait.ge @!p0 [sflag:s8], $0x0  }
0x24: {  	s3 =	sadd.s32 $0x88, s3;
	s6 =	simm.s32 @!p1 $0x1082;
	[sflag:s4] =	ssyncset.s32 $0xFFFFF086  }
0x25: {  	[simem:s6], [sflag:s4] =	dma.local [hbm:s3], $0xF7A  }
0x26: {  	[smem:$0x3F99] =	sst s1;
	(tag) =	ssettag s2;
	_ =	strace s9  }
0x27: {  	s1 =	sld [smem:$0x3FA9]  }
0x28: {  	s2 =	sld [smem:$0x3FAA]  }
0x29: {  	s4 =	sld [smem:$0x3FAC]  }
0x2a: {  	p0 =	seq.s32 s5, $0x0;
	s5 =	sld [smem:$0x3FAD]  }
0x2b: {  	s6 =	sld [smem:$0x3FAE]  }
0x2c: {  	s7 =	sld [smem:$0x3FAF]  }
0x2d: {  	s3 =	simm.s32 $0x108;
	s8 =	sld [smem:$0x3FB0]  }
0x2e: {  	s3 =	simm.s32 @!p0 $0x1082;
	s9 =	sld [smem:$0x3FB1]  }
0x2f: {  	lr =	sadd.s32 s0, s3;
	s0 =	sld [smem:$0x3FA8]  }
0x30: {  	s3 =	sld [smem:$0x3FAB]  }
0x31: {  	[smem:$0x3FB4] =	sst s10  }
0x32: {  	s10 =	sld [smem:$0x3FB2];
	_ =	sdelay $0x3  }
0x33: {  	p0 =	seq.s32 s10, $0x1;
	s10 =	sld [smem:$0x3FB4];
	_ =	sdelay $0x3  }
0x34: {  	[smem:$0x3FB4] =	sst s10  }
0x35: {  	s10 =	sld [smem:$0x3FB3];
	_ =	sdelay $0x3  }
0x36: {  	p1 =	seq.s32 s10, $0x1;
	s10 =	sld [smem:$0x3FB4];
	_ =	sdelay $0x3  }
0x37: {  	[smem:$0x3FB4] =	sst s10  }
0x38: {  	s10 =	sld [smem:$0x3FB5]  }
0x39: {  	_ = 	snop;
	(pc) =	sbr.ind lr, $3  }
0x3a: {  	_ = 	snop  }
0x3b: {  	_ = 	snop  }
0x3c: {  	p2 =	seq.s32 s10, $0x1;
	s10 =	sld [smem:$0x3FB4]  }
0x3d: {  	_ =	shalt  }
0x3e: {  	_ =	shalt  }
0x3f: {  	_ =	shalt  }
0x40: {  	_ =	shalt  }
0x41: {  	_ =	shalt  }
0x42: {  	_ =	shalt  }
0x43: {  	_ =	shalt  }
0x44: {  	_ =	shalt  }
0x45: {  	_ =	shalt  }
0x46: {  	_ =	shalt  }
0x47: {  	_ =	shalt  }
0x48: {  	_ =	shalt  }
0x49: {  	_ =	shalt  }
0x4a: {  	_ =	shalt  }
0x4b: {  	_ =	shalt  }
0x4c: {  	_ =	shalt  }
0x4d: {  	_ =	shalt  }
0x4e: {  	_ =	shalt  }
0x4f: {  	_ =	shalt  }
0x50: {  	_ =	shalt  }
0x51: {  	_ =	shalt  }
0x52: {  	_ =	shalt  }
0x53: {  	_ =	shalt  }
0x54: {  	_ =	shalt  }
0x55: {  	_ =	shalt  }
0x56: {  	_ =	shalt  }
0x57: {  	_ =	shalt  }
0x58: {  	_ =	shalt  }
0x59: {  	_ =	shalt  }
0x5a: {  	_ =	shalt  }
0x5b: {  	_ =	shalt  }
0x5c: {  	_ =	shalt  }
0x5d: {  	_ =	shalt  }
0x5e: {  	_ =	shalt  }
0x5f: {  	_ =	shalt  }
0x60: {  	_ =	shalt  }
0x61: {  	_ =	shalt  }
0x62: {  	_ =	shalt  }
0x63: {  	_ =	shalt  }
0x64: {  	_ =	shalt  }
0x65: {  	_ =	shalt  }
0x66: {  	_ =	shalt  }
0x67: {  	_ =	shalt  }
0x68: {  	_ =	shalt  }
0x69: {  	_ =	shalt  }
0x6a: {  	_ =	shalt  }
0x6b: {  	_ =	shalt  }
0x6c: {  	_ =	shalt  }
0x6d: {  	_ =	shalt  }
0x6e: {  	_ =	shalt  }
0x6f: {  	_ =	shalt  }
0x70: {  	_ =	shalt  }
0x71: {  	_ =	shalt  }
0x72: {  	_ =	shalt  }
0x73: {  	_ =	shalt  }
0x74: {  	_ =	shalt  }
0x75: {  	_ =	shalt  }
0x76: {  	_ =	shalt  }
0x77: {  	_ =	shalt  }
0x78: {  	_ =	shalt  }
0x79: {  	_ =	shalt  }
0x7a: {  	_ =	shalt  }
0x7b: {  	_ =	shalt  }
0x7c: {  	_ =	shalt  }
0x7d: {  	_ =	shalt  }
0x7e: {  	_ =	shalt  }
0x7f: {  	_ =	shalt  }
0x80: {  	_ =	shalt  }
0x81: {  	_ =	shalt  }
0x82: {  	_ =	shalt  }
0x83: {  	_ =	shalt  }
0x84: {  	_ =	shalt  }
0x85: {  	_ =	shalt  }
0x86: {  	_ =	shalt  }
0x87: {  	_ =	shalt  }
.Lfunc_end0:
.L_simem_size_0:
called_computation.1_lowered:
.L_overlay_start_0:
0x88: {  	s2 =	sld [smem:$0x3FD9]  }
0x89: {  	s3 =	sld [smem:$0x3FFE];
	_ =	sdelay $0x1  }
0x8a: {  	s1 =	srdreg.scid  }
0x8b: {  	s0 =	sand.u32 $0x1, s1  }
0x8c: {  	s16 =	sshll.u32 s0, $0xA;
	s2 =	sadd.s32 s3, s2  }
0x8d: {  	s2 =	sadd.s32 s2, s16  }
0x8e: {  	[smem:$0x3FC0] =	sst s2  }
0x8f: {  	_ = 	snop  }
0x90: {  	(tm) =	ssettm $0x1  }
0x91: {  	s17 =	sld [smem:$0x3FFB];
	_ =	sdelay $0x3  }
0x92: {  	_ =	strace s17  }
0x93: {  	s2 =	sld [smem:$0x3FFC];
	_ =	sdelay $0x3  }
0x94: {  	_ =	strace s2  }
0x95: {  	s2 =	sld [smem:$0x3FFD];
	_ =	sdelay $0x3  }
0x96: {  	_ =	strace s2  }
0x97: {  	_ =	strace $0x8FFFFFFF  }
0x98: {  	s18 =	sld [smem:$0x3FDB];
	_ =	sdelay $0x1  }
0x99: {  	s19 =	simm.s32 $_scs_section_size  }
0x9a: {  	s4 =	simm.s32 $_size__tile_overlayer_lowered;
	s5 =	simm.s32 $_tile_overlayer_lowered  }
0x9b: {  	s22 =	simm.s32 $0x1BFF;
	s21 =	sshll.u32 s5, $0x1;
	s2 =	sadd.s32 s19, s18  }
0x9c: {  	s6 =	simm.s32 $0x0;
	s20 =	sshll.u32 s4, $0x1;
	s4 =	sadd.s32 s21, s2  }
0x9d: {  	[timem:s6], [sflag:s22] =	dma.local [hbm:s4], s20  }
0x9e: {  	_ =	swait.ge [sflag:s22], s20  }
0x9f: {  	s3 =	ssub.s32 $0x0, s20;
	[sflag:s22] =	ssyncset.done $0x0  }
0xa0: {  	[sflag:s22] =	ssyncadd.s32 s3;
	_ =	sdelay $0x1  }
0xa1: {  	s23 =	simm.s32 $0x1B8B  }
0xa2: {  	_ =	swait.ge [sflag:s23], $0x1  }
0xa3: {  	[sflag:s23] =	ssyncset.done $0x0  }
0xa4: {  	s25 =	simm.s32 $0x1B8E;
	s24 =	sld [smem:$0x3FFE];
	[sflag:s23] =	ssyncadd.s32 $0xFFFFFFFF  }
0xa5: {  	s26 =	simm.s32 $execute0_lowered;
	[smem:$0x3FD2] =	sst s25  }
0xa6: {  	s4 =	sshll.u32 s26, $0x1;
	_ =	strace $0x80000049;
	[dreg:$0x1] =	wrdreg $0xFFFFFFFF  }
0xa7: {  	s28 =	simm.s32 $_size_execute0_lowered;
	s2 =	sadd.s32 s2, s4;
	[dreg:$0x0] =	wrdreg $0x0  }
0xa8: {  	s4 =	sshll.u32 s28, $0x1;
	[dreg:$0x2] =	wrdreg s2  }
0xa9: {  	[dreg:$0x3] =	wrdreg s4  }
0xaa: {  	[dreg:$0x4] =	wrdreg $0xC0  }
0xab: {  	_ =	task [dreg:s6], $0x5FFFF  }
0xac: {  	[dreg:$0x1] =	wrdreg $0xFFFFFFFF  }
0xad: {  	[dreg:$0x0] =	wrdreg $0x60  }
0xae: {  	[dreg:$0x2] =	wrdreg s24  }
0xaf: {  	[dreg:$0x3] =	wrdreg $0x98000  }
0xb0: {  	[dreg:$0x4] =	wrdreg $0x9  }
0xb1: {  	_ =	task.clear_ibuf [dreg:s6], $0x5FFFF;
	_ =	strace $0x90000049  }
0xb2: {  	s29 =	simm.s32 $0x9;
	_ =	strace $0x8000004B  }
0xb3: {  	_ =	swait.ge [sflag:s29], $0x1  }
0xb4: {  	[sflag:s29] =	ssyncadd.s32 $0xFFFFFFFF  }
0xb5: {  	_ =	strace $0x9000004B  }
0xb6: {  	_ =	sfence  }
0xb7: {  	s30 =	sld [smem:$0x0];
	_ =	sdelay $0x2  }
0xb8: {  	s31 =	sshll.u32 s1, $0xD;
	s1 =	sshrl.u32 s1, $0x2  }
0xb9: {  	s3 =	sand.u32 $0x4000, s31;
	s1 =	sadd.s32 s1, s30  }
0xba: {  	s0 =	sor.u32 s3, s0;
	s1 =	sshll.u32 s1, $0x11  }
0xbb: {  	s0 =	sor.u32 s1, s0  }
0xbc: {  	s0 =	sadd.s32 $0x8F2B, s0  }
0xbd: {  	[sflag:s0] =	ssyncadd.remote.s32 $0x1  }
0xbe: {  	_ =	sfence.sel $0xFFFF  }
0xbf: {  	[dreg:$0x0] =	wrdreg $0xFFFFFFFF;
	(pc) =	sbr.abs _section_cstart, $3  }
0xc0: {  	[dreg:$0x1] =	wrdreg $0xFFFFFFFF  }
0xc1: {  	_ =	task.clear_ibuf [dreg:s6], $0x2FFFF;
	_ =	strace $0x9FFFFFFF  }
0xc2: {  	(tm) =	ssettm $0x7FFFFFFF  }
0xc3: {  	_ =	shalt  }
tec
execute0_lowered:
.L_overlay_start_1:
0x0: {  	(tag) =	ssettag $0x1  }
0x1: {  	s0 =	rddreg [dreg:$0x0];
	s7 =	stileid.u32  }
0x2: {  	s1 =	srdreg.scid;
	s4 =	smul.u32 $0x500, s7  }
0x3: {  	s3 =	simm.s32 $0x0;
	s1 =	sand.u32 $0x1, s1;
	s6 =	smul.u32 $0x50000, s7  }
0x4: {  	[smem:$0x7FF] =	sst s3;
	s5 =	smul.u32 $0x28000, s1  }
0x5: {  	s2 =	rddreg [dreg:$0x1];
	_ =	strace $0x8000004A;
	s4 =	sadd.s32 s4, s0  }
0x6: {  	s6 =	sshrl.u32 s6, $0x2;
	s0 =	sadd.s32 s5, s0;
	s31 =	sadd.s32 $0x2800, s4  }
0x7: {  	s5 =	sadd.s32 s6, s2;
	s4 =	sadd.s32 $0x7800, s4;
	[dreg:$0x3] =	wrdreg s31  }
0x8: {  	[dreg:$0x4] =	wrdreg s4;
	s8 =	sadd.s32 $0x800, s5  }
0x9: {  	s9 =	sadd.s32 $0x1000, s5;
	[dreg:$0x5] =	wrdreg s8  }
0xa: {  	s10 =	sadd.s32 $0x1800, s5;
	[dreg:$0x6] =	wrdreg s9  }
0xb: {  	s11 =	sadd.s32 $0x2000, s5;
	[dreg:$0x7] =	wrdreg s10  }
0xc: {  	s12 =	sadd.s32 $0x2800, s5;
	[dreg:$0x8] =	wrdreg s11  }
0xd: {  	s13 =	sadd.s32 $0x3000, s5;
	[dreg:$0x9] =	wrdreg s12  }
0xe: {  	s14 =	sadd.s32 $0x3800, s5;
	[dreg:$0xa] =	wrdreg s13  }
0xf: {  	s15 =	sadd.s32 $0x4000, s5;
	[dreg:$0xb] =	wrdreg s14  }
0x10: {  	s16 =	sadd.s32 $0x4800, s5;
	[dreg:$0xc] =	wrdreg s15  }
0x11: {  	s17 =	sadd.s32 $0x5000, s5;
	[dreg:$0xd] =	wrdreg s16  }
0x12: {  	s18 =	sadd.s32 $0x5800, s5;
	[dreg:$0xe] =	wrdreg s17  }
0x13: {  	s19 =	sadd.s32 $0x6000, s5;
	[dreg:$0xf] =	wrdreg s18  }
0x14: {  	s20 =	sadd.s32 $0x6800, s5;
	[dreg:$0x10] =	wrdreg s19  }
0x15: {  	s1 =	ssub.s32 $0x2, s1;
	s6 =	sadd.s32 $0x7000, s5;
	[dreg:$0x11] =	wrdreg s20  }
0x16: {  	s30 =	sshrl.u32 s1, $0x1;
	s22 =	sadd.s32 $0x7800, s5;
	[dreg:$0x12] =	wrdreg s6  }
0x17: {  	s1 =	ssub.s32 s1, s30;
	s24 =	sadd.s32 $0x8000, s5;
	[dreg:$0x13] =	wrdreg s22  }
0x18: {  	s25 =	smax.u32 s1, $0x1;
	[dreg:$0x15] =	wrdreg s24  }
0x19: {  	s21 =	smul.u32 $0x2800, s7;
	s26 =	sadd.s32 $0x8800, s5;
	[dreg:$0x16] =	wrdreg s25  }
0x1a: {  	s23 =	sadd.s32 $0x5C800, s0;
	s28 =	sadd.s32 $0x9000, s5;
	[dreg:$0x17] =	wrdreg s26  }
0x1b: {  	s29 =	sadd.s32 $0x9800, s5;
	s30 =	sadd.s32 $0xA000, s5;
	[dreg:$0x18] =	wrdreg s28  }
0x1c: {  	s31 =	sadd.s32 $0xA800, s5;
	s1 =	sadd.s32 $0xB000, s5;
	[dreg:$0x19] =	wrdreg s29  }
0x1d: {  	s7 =	sadd.s32 $0xD000, s5;
	s4 =	sadd.s32 s21, s23;
	[dreg:$0x1a] =	wrdreg s30  }
0x1e: {  	s24 =	sadd.s32 $0xC800, s0;
	[dreg:$0x1b] =	wrdreg s31;
	s0 =	sadd.s32 $0xB800, s5  }
0x1f: {  	s6 =	sadd.s32 $0xC800, s5;
	s8 =	sadd.s32 $0xD800, s5;
	s9 =	sadd.s32 $0xE000, s5  }
0x20: {  	s10 =	sadd.s32 $0xE800, s5;
	s11 =	sadd.s32 $0xF000, s5;
	s12 =	sadd.s32 $0xF800, s5  }
0x21: {  	s13 =	sadd.s32 $0x10000, s5;
	s14 =	sadd.s32 $0x10800, s5;
	s15 =	sadd.s32 $0x11000, s5  }
0x22: {  	s16 =	sadd.s32 $0x11800, s5;
	s17 =	sadd.s32 $0x12000, s5;
	s18 =	sadd.s32 $0x12800, s5  }
0x23: {  	s19 =	sadd.s32 $0x13000, s5;
	s20 =	sadd.s32 $0x13800, s5;
	s21 =	simm.s32 $0x1  }
0x24: {  	s22 =	simm.s32 $0x9000;
	s23 =	simm.s32 $0x80;
	s25 =	simm.s32 $0x5000  }
0x25: {  	v0 =	vimm.f32 $0.0e+00;
	s26 =	simm.s32 $0x0;
	[dreg:$0x14] =	wrdreg s4;
	s4 =	sadd.s32 $0xC000, s5  }
.LBB2_1:
0x26: {  	s28 =	rddreg [dreg:$0x3]  }
0x27: {  	[tilespmem:s3], [sflag:$0x1] =	stream.linear.gather [hbm4b:s28+s3], $0x2780, $0x38;
	[tilespmem:$0x1D800] =	vst v63  }
0x28: {  	_ =	swait.ge [sflag:s21], $0x2780  }
0x29: {  	[sflag:s21] =	ssyncset.done $0x0  }
0x2a: {  	s29 =	simm.s32 $0x2800;
	s28 =	rddreg [dreg:$0x4];
	[sflag:s21] =	ssyncadd.s32 $0xFFFFD880  }
0x2b: {  	[tilespmem:s29], [sflag:$0x1] =	stream.linear.gather [hbm4b:s28+s3], $0x2780, $0x38;
	[tilespmem:$0x1D800] =	vst v63  }
0x2c: {  	s28 =	sand.u32 $0x1E00, s3;
	s29 =	sand.u32 $0x70, s3;
	_ =	swait.ge [sflag:s21], $0x2780  }
0x2d: {  	s30 =	sshrl.u32 s28, $0x2;
	s28 =	simm.s32 $0x40;
	[sflag:s21] =	ssyncset.done $0x0  }
0x2e: {  	s30 =	sor.u32 s29, s30;
	s29 =	simm.s32 $0x0;
	[sflag:s21] =	ssyncadd.s32 $0xFFFFD880  }
.LBB2_2:
0x2f: {  	p0 =	sne.s32 s28, $0x1FC0  }
0x30: {  	[tilespmem:s30+$0x9000] =	vst v0;
	s29 =	sadd.s32 $0x10, s29;
	s30 =	smov.u32 s28;
	s28 =	sadd.s32 $0x40, s28  }
.Ltmp0:
0x31: {  	(pc) =	sbr.rel @p0 .LBB2_2-.Ltmp0, $4  }
0x32: {  	_ = 	snop  }
0x33: {  	s30 =	sand.u32 $0x1E00, s30  }
0x34: {  	s31 =	sand.u32 $0x70, s29;
	s30 =	sshrl.u32 s30, $0x2  }
0x35: {  	s30 =	sor.u32 s31, s30  }
0x36: {  	[tilespmem:s30+$0x9000] =	vst v0  }
0x37: {  	[spmem:s5] =	stream.linear.scatter [tilespmem:s22], [sflag:$0x1], $0x800, $0x38;
	[tilespmem:$0x1D800] =	vst v63  }
0x38: {  	_ =	swait.ge [sflag:s21], $0x800  }
0x39: {  	[sflag:s21] =	ssyncset.done $0x0  }
0x3a: {  	s28 =	rddreg [dreg:$0x5];
	[sflag:s21] =	ssyncadd.s32 $0xFFFFF800  }
0x3b: {  	[spmem:s28] =	stream.linear.scatter [tilespmem:s22], [sflag:$0x1], $0x800, $0x38;
	[tilespmem:$0x1D800] =	vst v63  }
0x3c: {  	_ =	swait.ge [sflag:s21], $0x800  }
0x3d: {  	[sflag:s21] =	ssyncset.done $0x0  }
0x3e: {  	s28 =	rddreg [dreg:$0x6];
	[sflag:s21] =	ssyncadd.s32 $0xFFFFF800  }
0x3f: {  	[spmem:s28] =	stream.linear.scatter [tilespmem:s22], [sflag:$0x1], $0x800, $0x38;
	[tilespmem:$0x1D800] =	vst v63  }
0x40: {  	_ =	swait.ge [sflag:s21], $0x800  }
0x41: {  	[sflag:s21] =	ssyncset.done $0x0  }
0x42: {  	s28 =	rddreg [dreg:$0x7];
	[sflag:s21] =	ssyncadd.s32 $0xFFFFF800  }
0x43: {  	[spmem:s28] =	stream.linear.scatter [tilespmem:s22], [sflag:$0x1], $0x800, $0x38;
	[tilespmem:$0x1D800] =	vst v63  }
0x44: {  	_ =	swait.ge [sflag:s21], $0x800  }
0x45: {  	[sflag:s21] =	ssyncset.done $0x0  }
0x46: {  	s28 =	rddreg [dreg:$0x8];
	[sflag:s21] =	ssyncadd.s32 $0xFFFFF800  }
0x47: {  	[spmem:s28] =	stream.linear.scatter [tilespmem:s22], [sflag:$0x1], $0x800, $0x38;
	[tilespmem:$0x1D800] =	vst v63  }
0x48: {  	_ =	swait.ge [sflag:s21], $0x800  }
0x49: {  	[sflag:s21] =	ssyncset.done $0x0  }
0x4a: {  	s28 =	rddreg [dreg:$0x9];
	[sflag:s21] =	ssyncadd.s32 $0xFFFFF800  }
0x4b: {  	[spmem:s28] =	stream.linear.scatter [tilespmem:s22], [sflag:$0x1], $0x800, $0x38;
	[tilespmem:$0x1D800] =	vst v63  }
0x4c: {  	_ =	swait.ge [sflag:s21], $0x800  }
0x4d: {  	[sflag:s21] =	ssyncset.done $0x0  }
0x4e: {  	s28 =	rddreg [dreg:$0xa];
	[sflag:s21] =	ssyncadd.s32 $0xFFFFF800  }
0x4f: {  	[spmem:s28] =	stream.linear.scatter [tilespmem:s22], [sflag:$0x1], $0x800, $0x38;
	[tilespmem:$0x1D800] =	vst v63  }
0x50: {  	_ =	swait.ge [sflag:s21], $0x800  }
0x51: {  	[sflag:s21] =	ssyncset.done $0x0  }
0x52: {  	s28 =	rddreg [dreg:$0xb];
	[sflag:s21] =	ssyncadd.s32 $0xFFFFF800  }
0x53: {  	[spmem:s28] =	stream.linear.scatter [tilespmem:s22], [sflag:$0x1], $0x800, $0x38;
	[tilespmem:$0x1D800] =	vst v63  }
0x54: {  	_ =	swait.ge [sflag:s21], $0x800  }
0x55: {  	[sflag:s21] =	ssyncset.done $0x0  }
0x56: {  	s28 =	rddreg [dreg:$0xc];
	[sflag:s21] =	ssyncadd.s32 $0xFFFFF800  }
0x57: {  	[spmem:s28] =	stream.linear.scatter [tilespmem:s22], [sflag:$0x1], $0x800, $0x38;
	[tilespmem:$0x1D800] =	vst v63  }
0x58: {  	_ =	swait.ge [sflag:s21], $0x800  }
0x59: {  	[sflag:s21] =	ssyncset.done $0x0  }
0x5a: {  	s28 =	rddreg [dreg:$0xd];
	[sflag:s21] =	ssyncadd.s32 $0xFFFFF800  }
0x5b: {  	[spmem:s28] =	stream.linear.scatter [tilespmem:s22], [sflag:$0x1], $0x800, $0x38;
	[tilespmem:$0x1D800] =	vst v63  }
0x5c: {  	_ =	swait.ge [sflag:s21], $0x800  }
0x5d: {  	[sflag:s21] =	ssyncset.done $0x0  }
0x5e: {  	s28 =	rddreg [dreg:$0xe];
	[sflag:s21] =	ssyncadd.s32 $0xFFFFF800  }
0x5f: {  	[spmem:s28] =	stream.linear.scatter [tilespmem:s22], [sflag:$0x1], $0x800, $0x38;
	[tilespmem:$0x1D800] =	vst v63  }
0x60: {  	_ =	swait.ge [sflag:s21], $0x800  }
0x61: {  	[sflag:s21] =	ssyncset.done $0x0  }
0x62: {  	s28 =	rddreg [dreg:$0xf];
	[sflag:s21] =	ssyncadd.s32 $0xFFFFF800  }
0x63: {  	[spmem:s28] =	stream.linear.scatter [tilespmem:s22], [sflag:$0x1], $0x800, $0x38;
	[tilespmem:$0x1D800] =	vst v63  }
0x64: {  	_ =	swait.ge [sflag:s21], $0x800  }
0x65: {  	[sflag:s21] =	ssyncset.done $0x0  }
0x66: {  	s28 =	rddreg [dreg:$0x10];
	[sflag:s21] =	ssyncadd.s32 $0xFFFFF800  }
0x67: {  	[spmem:s28] =	stream.linear.scatter [tilespmem:s22], [sflag:$0x1], $0x800, $0x38;
	[tilespmem:$0x1D800] =	vst v63  }
0x68: {  	_ =	swait.ge [sflag:s21], $0x800  }
0x69: {  	[sflag:s21] =	ssyncset.done $0x0  }
0x6a: {  	s28 =	rddreg [dreg:$0x11];
	[sflag:s21] =	ssyncadd.s32 $0xFFFFF800  }
0x6b: {  	[spmem:s28] =	stream.linear.scatter [tilespmem:s22], [sflag:$0x1], $0x800, $0x38;
	[tilespmem:$0x1D800] =	vst v63  }
0x6c: {  	_ =	swait.ge [sflag:s21], $0x800  }
0x6d: {  	[sflag:s21] =	ssyncset.done $0x0  }
0x6e: {  	s28 =	rddreg [dreg:$0x12];
	[sflag:s21] =	ssyncadd.s32 $0xFFFFF800  }
0x6f: {  	[spmem:s28] =	stream.linear.scatter [tilespmem:s22], [sflag:$0x1], $0x800, $0x38;
	[tilespmem:$0x1D800] =	vst v63  }
0x70: {  	_ =	swait.ge [sflag:s21], $0x800  }
0x71: {  	[sflag:s21] =	ssyncset.done $0x0  }
0x72: {  	s28 =	rddreg [dreg:$0x13];
	[sflag:s21] =	ssyncadd.s32 $0xFFFFF800  }
0x73: {  	[spmem:s28] =	stream.linear.scatter [tilespmem:s22], [sflag:$0x1], $0x800, $0x38;
	[tilespmem:$0x1D800] =	vst v63  }
0x74: {  	_ =	swait.ge [sflag:s21], $0x800  }
0x75: {  	[sflag:s21] =	ssyncset.done $0x0  }
0x76: {  	s28 =	rddreg [dreg:$0x15];
	[sflag:s21] =	ssyncadd.s32 $0xFFFFF800  }
0x77: {  	[spmem:s28] =	stream.linear.scatter [tilespmem:s22], [sflag:$0x1], $0x800, $0x38;
	[tilespmem:$0x1D800] =	vst v63  }
0x78: {  	_ =	swait.ge [sflag:s21], $0x800  }
0x79: {  	[sflag:s21] =	ssyncset.done $0x0  }
0x7a: {  	s28 =	rddreg [dreg:$0x17];
	[sflag:s21] =	ssyncadd.s32 $0xFFFFF800  }
0x7b: {  	[spmem:s28] =	stream.linear.scatter [tilespmem:s22], [sflag:$0x1], $0x800, $0x38;
	[tilespmem:$0x1D800] =	vst v63  }
0x7c: {  	_ =	swait.ge [sflag:s21], $0x800  }
0x7d: {  	[sflag:s21] =	ssyncset.done $0x0  }
0x7e: {  	s28 =	rddreg [dreg:$0x18];
	[sflag:s21] =	ssyncadd.s32 $0xFFFFF800  }
0x7f: {  	[spmem:s28] =	stream.linear.scatter [tilespmem:s22], [sflag:$0x1], $0x800, $0x38;
	[tilespmem:$0x1D800] =	vst v63  }
0x80: {  	_ =	swait.ge [sflag:s21], $0x800  }
0x81: {  	[sflag:s21] =	ssyncset.done $0x0  }
0x82: {  	s28 =	rddreg [dreg:$0x19];
	[sflag:s21] =	ssyncadd.s32 $0xFFFFF800  }
0x83: {  	[spmem:s28] =	stream.linear.scatter [tilespmem:s22], [sflag:$0x1], $0x800, $0x38;
	[tilespmem:$0x1D800] =	vst v63  }
0x84: {  	_ =	swait.ge [sflag:s21], $0x800  }
0x85: {  	[sflag:s21] =	ssyncset.done $0x0  }
0x86: {  	s28 =	rddreg [dreg:$0x1a];
	[sflag:s21] =	ssyncadd.s32 $0xFFFFF800  }
0x87: {  	[spmem:s28] =	stream.linear.scatter [tilespmem:s22], [sflag:$0x1], $0x800, $0x38;
	[tilespmem:$0x1D800] =	vst v63  }
0x88: {  	_ =	swait.ge [sflag:s21], $0x800  }
0x89: {  	[sflag:s21] =	ssyncset.done $0x0  }
0x8a: {  	s28 =	rddreg [dreg:$0x1b];
	[sflag:s21] =	ssyncadd.s32 $0xFFFFF800  }
0x8b: {  	[spmem:s28] =	stream.linear.scatter [tilespmem:s22], [sflag:$0x1], $0x800, $0x38;
	[tilespmem:$0x1D800] =	vst v63  }
0x8c: {  	_ =	swait.ge [sflag:s21], $0x800  }
0x8d: {  	[sflag:s21] =	ssyncset.done $0x0  }
0x8e: {  	[sflag:s21] =	ssyncadd.s32 $0xFFFFF800  }
0x8f: {  	[spmem:s1] =	stream.linear.scatter [tilespmem:s22], [sflag:$0x1], $0x800, $0x38;
	[tilespmem:$0x1D800] =	vst v63  }
0x90: {  	_ =	swait.ge [sflag:s21], $0x800  }
0x91: {  	[sflag:s21] =	ssyncset.done $0x0  }
0x92: {  	[sflag:s21] =	ssyncadd.s32 $0xFFFFF800  }
0x93: {  	[spmem:s0] =	stream.linear.scatter [tilespmem:s22], [sflag:$0x1], $0x800, $0x38;
	[tilespmem:$0x1D800] =	vst v63  }
0x94: {  	_ =	swait.ge [sflag:s21], $0x800  }
0x95: {  	[sflag:s21] =	ssyncset.done $0x0  }
0x96: {  	[sflag:s21] =	ssyncadd.s32 $0xFFFFF800  }
0x97: {  	[spmem:s4] =	stream.linear.scatter [tilespmem:s22], [sflag:$0x1], $0x800, $0x38;
	[tilespmem:$0x1D800] =	vst v63  }
0x98: {  	_ =	swait.ge [sflag:s21], $0x800  }
0x99: {  	[sflag:s21] =	ssyncset.done $0x0  }
0x9a: {  	[sflag:s21] =	ssyncadd.s32 $0xFFFFF800  }
0x9b: {  	[spmem:s6] =	stream.linear.scatter [tilespmem:s22], [sflag:$0x1], $0x800, $0x38;
	[tilespmem:$0x1D800] =	vst v63  }
0x9c: {  	_ =	swait.ge [sflag:s21], $0x800  }
0x9d: {  	[sflag:s21] =	ssyncset.done $0x0  }
0x9e: {  	[sflag:s21] =	ssyncadd.s32 $0xFFFFF800  }
0x9f: {  	[spmem:s7] =	stream.linear.scatter [tilespmem:s22], [sflag:$0x1], $0x800, $0x38;
	[tilespmem:$0x1D800] =	vst v63  }
0xa0: {  	_ =	swait.ge [sflag:s21], $0x800  }
0xa1: {  	[sflag:s21] =	ssyncset.done $0x0  }
0xa2: {  	[sflag:s21] =	ssyncadd.s32 $0xFFFFF800  }
0xa3: {  	[spmem:s8] =	stream.linear.scatter [tilespmem:s22], [sflag:$0x1], $0x800, $0x38;
	[tilespmem:$0x1D800] =	vst v63  }
0xa4: {  	_ =	swait.ge [sflag:s21], $0x800  }
0xa5: {  	[sflag:s21] =	ssyncset.done $0x0  }
0xa6: {  	[sflag:s21] =	ssyncadd.s32 $0xFFFFF800  }
0xa7: {  	[spmem:s9] =	stream.linear.scatter [tilespmem:s22], [sflag:$0x1], $0x800, $0x38;
	[tilespmem:$0x1D800] =	vst v63  }
0xa8: {  	_ =	swait.ge [sflag:s21], $0x800  }
0xa9: {  	[sflag:s21] =	ssyncset.done $0x0  }
0xaa: {  	[sflag:s21] =	ssyncadd.s32 $0xFFFFF800  }
0xab: {  	[spmem:s10] =	stream.linear.scatter [tilespmem:s22], [sflag:$0x1], $0x800, $0x38;
	[tilespmem:$0x1D800] =	vst v63  }
0xac: {  	_ =	swait.ge [sflag:s21], $0x800  }
0xad: {  	[sflag:s21] =	ssyncset.done $0x0  }
0xae: {  	[sflag:s21] =	ssyncadd.s32 $0xFFFFF800  }
0xaf: {  	[spmem:s11] =	stream.linear.scatter [tilespmem:s22], [sflag:$0x1], $0x800, $0x38;
	[tilespmem:$0x1D800] =	vst v63  }
0xb0: {  	_ =	swait.ge [sflag:s21], $0x800  }
0xb1: {  	[sflag:s21] =	ssyncset.done $0x0  }
0xb2: {  	[sflag:s21] =	ssyncadd.s32 $0xFFFFF800  }
0xb3: {  	[spmem:s12] =	stream.linear.scatter [tilespmem:s22], [sflag:$0x1], $0x800, $0x38;
	[tilespmem:$0x1D800] =	vst v63  }
0xb4: {  	_ =	swait.ge [sflag:s21], $0x800  }
0xb5: {  	[sflag:s21] =	ssyncset.done $0x0  }
0xb6: {  	[sflag:s21] =	ssyncadd.s32 $0xFFFFF800  }
0xb7: {  	[spmem:s13] =	stream.linear.scatter [tilespmem:s22], [sflag:$0x1], $0x800, $0x38;
	[tilespmem:$0x1D800] =	vst v63  }
0xb8: {  	_ =	swait.ge [sflag:s21], $0x800  }
0xb9: {  	[sflag:s21] =	ssyncset.done $0x0  }
0xba: {  	[sflag:s21] =	ssyncadd.s32 $0xFFFFF800  }
0xbb: {  	[spmem:s14] =	stream.linear.scatter [tilespmem:s22], [sflag:$0x1], $0x800, $0x38;
	[tilespmem:$0x1D800] =	vst v63  }
0xbc: {  	_ =	swait.ge [sflag:s21], $0x800  }
0xbd: {  	[sflag:s21] =	ssyncset.done $0x0  }
0xbe: {  	[sflag:s21] =	ssyncadd.s32 $0xFFFFF800  }
0xbf: {  	[spmem:s15] =	stream.linear.scatter [tilespmem:s22], [sflag:$0x1], $0x800, $0x38;
	[tilespmem:$0x1D800] =	vst v63  }
0xc0: {  	_ =	swait.ge [sflag:s21], $0x800  }
0xc1: {  	[sflag:s21] =	ssyncset.done $0x0  }
0xc2: {  	[sflag:s21] =	ssyncadd.s32 $0xFFFFF800  }
0xc3: {  	[spmem:s16] =	stream.linear.scatter [tilespmem:s22], [sflag:$0x1], $0x800, $0x38;
	[tilespmem:$0x1D800] =	vst v63  }
0xc4: {  	_ =	swait.ge [sflag:s21], $0x800  }
0xc5: {  	[sflag:s21] =	ssyncset.done $0x0  }
0xc6: {  	[sflag:s21] =	ssyncadd.s32 $0xFFFFF800  }
0xc7: {  	[spmem:s17] =	stream.linear.scatter [tilespmem:s22], [sflag:$0x1], $0x800, $0x38;
	[tilespmem:$0x1D800] =	vst v63  }
0xc8: {  	_ =	swait.ge [sflag:s21], $0x800  }
0xc9: {  	[sflag:s21] =	ssyncset.done $0x0  }
0xca: {  	[sflag:s21] =	ssyncadd.s32 $0xFFFFF800  }
0xcb: {  	[spmem:s18] =	stream.linear.scatter [tilespmem:s22], [sflag:$0x1], $0x800, $0x38;
	[tilespmem:$0x1D800] =	vst v63  }
0xcc: {  	_ =	swait.ge [sflag:s21], $0x800  }
0xcd: {  	[sflag:s21] =	ssyncset.done $0x0  }
0xce: {  	[sflag:s21] =	ssyncadd.s32 $0xFFFFF800  }
0xcf: {  	[spmem:s19] =	stream.linear.scatter [tilespmem:s22], [sflag:$0x1], $0x800, $0x38;
	[tilespmem:$0x1D800] =	vst v63  }
0xd0: {  	_ =	swait.ge [sflag:s21], $0x800  }
0xd1: {  	[sflag:s21] =	ssyncset.done $0x0  }
0xd2: {  	[sflag:s21] =	ssyncadd.s32 $0xFFFFF800  }
0xd3: {  	[spmem:s20] =	stream.linear.scatter [tilespmem:s22], [sflag:$0x1], $0x800, $0x38;
	[tilespmem:$0x1D800] =	vst v63  }
0xd4: {  	_ =	swait.ge [sflag:s21], $0x800  }
0xd5: {  	[sflag:s21] =	ssyncset.done $0x0  }
0xd6: {  	[sflag:s21] =	ssyncadd.s32 $0xFFFFF800  }
0xd7: {  	s28 =	simm.s32 $0x0;
	[bflag:$0x0] =	sbarrier.arrive $0xFFFF  }
0xd8: {  	[tilespmem:s25], [sflag:$0x1] =	stream.indirect.gather [hbm4b:s24+s23], $0x80, s28, s23, $0xb8;
	[tilespmem:$0x1D800] =	vst v63  }
0xd9: {  	_ =	swait.ge [sflag:s21], $0x4000  }
0xda: {  	[sflag:s21] =	ssyncset.done $0x0  }
0xdb: {  	s28 =	simm.s32 $0x2800;
	[sflag:s21] =	ssyncadd.s32 $0xFFFFC000  }
0xdc: {  	[spmem:s2] =	stream.indirect.scatter.add.f32 [tilespmem:s25], [sflag:$0x1], $0x80, s28, s23, $0xb8;
	[tilespmem:$0x1D800] =	vst v63  }
0xdd: {  	_ =	swait.ge [sflag:s21], $0x4000  }
0xde: {  	s29 =	simm.s32 $0x400;
	s28 =	simm.s32 $0x200;
	[sflag:s21] =	ssyncset.done $0x0  }
.LBB2_4:
0xdf: {  	s30 =	sshra.s32 s28, $0x2  }
0xe0: {  	[sflag:s21] =	ssyncadd.s32 $0xFFFFC000;
	s28 =	smov.u32 s29;
	s31 =	sadd.s32 $0x200, s29  }
0xe1: {  	[tilespmem:s25], [sflag:$0x1] =	stream.indirect.gather [hbm4b:s24+s23], $0x80, s30, s23, $0xb8;
	[tilespmem:$0x1D800] =	vst v63  }
0xe2: {  	p0 =	sne.s32 s29, $0x9C00;
	_ =	swait.ge [sflag:s21], $0x4000  }
.Ltmp1:
0xe3: {  	[sflag:s21] =	ssyncset.done $0x0;
	(pc) =	sbr.rel @p0 .LBB2_4-.Ltmp1, $4  }
0xe4: {  	s29 =	sadd.s32 $0x2800, s30;
	[sflag:s21] =	ssyncadd.s32 $0xFFFFC000  }
0xe5: {  	[spmem:s2] =	stream.indirect.scatter.add.f32 [tilespmem:s25], [sflag:$0x1], $0x80, s29, s23, $0xb8;
	[tilespmem:$0x1D800] =	vst v63  }
0xe6: {  	_ =	swait.ge [sflag:s21], $0x4000  }
0xe7: {  	s29 =	smov.u32 s31;
	[sflag:s21] =	ssyncset.done $0x0  }
0xe8: {  	s28 =	sshra.s32 s28, $0x2;
	[sflag:s21] =	ssyncadd.s32 $0xFFFFC000  }
0xe9: {  	[tilespmem:s25], [sflag:$0x1] =	stream.indirect.gather [hbm4b:s24+s23], $0x80, s28, s23, $0xb8;
	[tilespmem:$0x1D800] =	vst v63  }
0xea: {  	_ =	swait.ge [sflag:s21], $0x4000  }
0xeb: {  	[sflag:s21] =	ssyncset.done $0x0  }
0xec: {  	s28 =	sadd.s32 $0x2800, s28;
	[sflag:s21] =	ssyncadd.s32 $0xFFFFC000  }
0xed: {  	[spmem:s2] =	stream.indirect.scatter.add.f32 [tilespmem:s25], [sflag:$0x1], $0x80, s28, s23, $0xb8;
	[tilespmem:$0x1D800] =	vst v63  }
0xee: {  	_ =	swait.ge [sflag:s21], $0x4000  }
0xef: {  	[sflag:s21] =	ssyncset.done $0x0  }
0xf0: {  	s30 =	stileid.u32;
	[sflag:s21] =	ssyncadd.s32 $0xFFFFC000  }
0xf1: {  	s28 =	sshll.u32 s30, $0x6;
	[bflag:$0x0] =	sbarrier.arrive $0xFFFF  }
0xf2: {  	s29 =	sshrl.u32 s5, $0x3;
	s28 =	sor.u32 $0x1C01, s28;
	s30 =	rddreg [dreg:$0x14]  }
0xf3: {  	[hbm:s30], [sflag:s28] =	dma.local [spmem:s29], $0x2800  }
0xf4: {  	_ =	swait.ge [sflag:s21], $0x2800  }
0xf5: {  	s26 =	sadd.s32 $0x1, s26;
	s31 =	rddreg [dreg:$0x16]  }
0xf6: {  	p0 =	sne.s32 s26, s31  }
.Ltmp2:
0xf7: {  	_ = 	snop;
	(pc) =	sbr.rel @p0 .LBB2_1-.Ltmp2, $3  }
0xf8: {  	_ =	sdelay $0x1  }
0xf9: {  	[sflag:s21] =	ssyncset.done $0x0  }
0xfa: {  	[sflag:s21] =	ssyncadd.s32 $0xFFFFD800  }
0xfb: {  	_ =	sfence.sel $0x180000  }
0xfc: {  	[bflag:$0x0] =	sbarrier.arrive $0xFFFF  }
0xfd: {  	_ =	strace $0x9000004A  }
0xfe: {  	s0 =	stileid.u32;
	[bflag:$0x2] =	sbarrier.arrive $0xFFFF  }
0xff: {  	p0 =	sne.s32 s0, $0x0;
	s0 =	rddreg [dreg:$0x2]  }
0x100: {  	s0 =	sadd.s32 @!p0 $0x100000, s0  }
0x101: {  	[sflag:s0] =	ssyncadd.tile.s32 @!p0 $0x1;
	_ =	shalt  }
.Lfunc_end2:
_tile_overlayer_lowered:
.L_overlay_start_2:
0x102: {  	(tag) =	ssettag $0x2  }
0x103: {  	s0 =	rddreg [dreg:$0x0];
	s2 =	stileid.u32  }
0x104: {  	s1 =	rddreg [dreg:$0x1];
	p0 =	sne.s32 s2, $0x0  }
0x105: {  	s3 =	rddreg [dreg:$0x2];
	[bflag:$0x3] =	sbarrier.arrive $0xFFFF;
	s2 =	simm.s32 @!p0 $0x1C01  }
0x106: {  	[timem:s3], [sflag:s2] =	dma.local @!p0 [hbm:s0], s1  }
0x107: {  	s0 =	simm.s32 @!p0 $0x1  }
0x108: {  	_ =	swait.ge @!p0 [sflag:s0], s1  }
0x109: {  	s1 =	ssub.s32 @!p0 $0x0, s1;
	[sflag:s0] =	ssyncset.done @!p0 $0x0  }
0x10a: {  	[sflag:s0] =	ssyncadd.s32 @!p0 s1  }
0x10b: {  	[bflag:$0x3] =	sbarrier.arrive $0xFFFF  }
0x10c: {  	_ =	shalt  }

// kernel: kernel.16.cloned.1.call-start
scs
__scs_entry_jumppad:
0x0: {  	(pc) =	sbr.rel $0x88, $3  }
0x1: {  	(tag) =	ssettag $0x0;
	lr =	simm.s32 $0x1  }
0x2: {  	[smem:$0x3F99] =	sst lr;
	_ =	strace $0xD0000000  }
0x3: {  	_ = 	snop  }
0x4: {  	_ = 	snop  }
0x5: {  	_ = 	snop  }
0x6: {  	_ = 	snop  }
0x7: {  	_ = 	snop  }
__scs_overlays_trampoline_lowered:
0x8: {  	[smem:$0x3FA8] =	sst s0  }
0x9: {  	[smem:$0x3FA9] =	sst s1  }
0xa: {  	[smem:$0x3FAA] =	sst s2  }
0xb: {  	[smem:$0x3FAB] =	sst s3  }
0xc: {  	[smem:$0x3FAC] =	sst s4  }
0xd: {  	[smem:$0x3FAD] =	sst s5  }
0xe: {  	[smem:$0x3FAE] =	sst s6  }
0xf: {  	[smem:$0x3FAF] =	sst s7  }
0x10: {  	[smem:$0x3FB0] =	sst s8  }
0x11: {  	[smem:$0x3FB1] =	sst s9;
	s0 =	simm.s32 @!p0 $0x0  }
0x12: {  	s1 =	sld [smem:$0x3F97];
	s0 =	simm.s32 @p0 $0x1  }
0x13: {  	[smem:$0x3FB2] =	sst s0;
	s0 =	simm.s32 @!p1 $0x0  }
0x14: {  	s2 =	sld [smem:$0x3F96];
	s0 =	simm.s32 @p1 $0x1  }
0x15: {  	[smem:$0x3FB3] =	sst s0;
	s0 =	simm.s32 @!p2 $0x0  }
0x16: {  	s3 =	sld [smem:$0x3FDB];
	s0 =	simm.s32 @p2 $0x1  }
0x17: {  	s4 =	simm.s32 $0x1BF5;
	[smem:$0x3FB5] =	sst s0  }
0x18: {  	s0 =	sld [smem:$0x3F98];
	_ =	swait.ge [sflag:s4], $0x0  }
0x19: {  	s7 =	sld [smem:$0x3F99]  }
0x1a: {  	s8 =	sadd.s32 $0xFFFFE003, lr  }
0x1b: {  	s9 =	sadd.s32 $0xFFFFFEF7, lr;
	s5 =	simm.s32 $0xFFFFFFFF;
	p2 =	slt.u32 s8, $0xFFFFF086  }
0x1c: {  	p1 =	slt.u32 s9, $0xF7A;
	s5 =	simm.s32 @!p2 $0x0  }
0x1d: {  	s5 =	simm.s32 @p1 $0x1;
	p0 =	seq.s32 s7, s2  }
0x1e: {  	s7 =	smul.u32 @!p0 $0xF7A, s2;
	p2 =	seq.s32 @!p0 s5, $0x0  }
0x1f: {  	s9 =	smul.u32 $0xF7A, s1;
	s8 =	simm.s32 @!p0 $0x1BF5;
	p2 =	por !p2, p0  }
0x20: {  	[sflag:s8] =	ssyncset.s32 @!p0 $0xFFFFF086;
	s6 =	sadd.s32 @!p0 s3, s7;
	s7 =	simm.s32 @!p0 $0x108  }
0x21: {  	s3 =	sadd.s32 s3, s9;
	s6 =	sadd.s32 @!p0 $0x88, s6;
	s7 =	simm.s32 @p2 $0x1082  }
0x22: {  	[simem:s7], [sflag:s8] =	dma.local @!p0 [hbm:s6], $0xF7A  }
0x23: {  	s9 =	sor.u32 $0xD0000000, s2;
	s6 =	simm.s32 $0x108;
	_ =	swait.ge @!p0 [sflag:s8], $0x0  }
0x24: {  	s3 =	sadd.s32 $0x88, s3;
	s6 =	simm.s32 @!p1 $0x1082;
	[sflag:s4] =	ssyncset.s32 $0xFFFFF086  }
0x25: {  	[simem:s6], [sflag:s4] =	dma.local [hbm:s3], $0xF7A  }
0x26: {  	[smem:$0x3F99] =	sst s1;
	(tag) =	ssettag s2;
	_ =	strace s9  }
0x27: {  	s1 =	sld [smem:$0x3FA9]  }
0x28: {  	s2 =	sld [smem:$0x3FAA]  }
0x29: {  	s4 =	sld [smem:$0x3FAC]  }
0x2a: {  	p0 =	seq.s32 s5, $0x0;
	s5 =	sld [smem:$0x3FAD]  }
0x2b: {  	s6 =	sld [smem:$0x3FAE]  }
0x2c: {  	s7 =	sld [smem:$0x3FAF]  }
0x2d: {  	s3 =	simm.s32 $0x108;
	s8 =	sld [smem:$0x3FB0]  }
0x2e: {  	s3 =	simm.s32 @!p0 $0x1082;
	s9 =	sld [smem:$0x3FB1]  }
0x2f: {  	lr =	sadd.s32 s0, s3;
	s0 =	sld [smem:$0x3FA8]  }
0x30: {  	s3 =	sld [smem:$0x3FAB]  }
0x31: {  	[smem:$0x3FB4] =	sst s10  }
0x32: {  	s10 =	sld [smem:$0x3FB2];
	_ =	sdelay $0x3  }
0x33: {  	p0 =	seq.s32 s10, $0x1;
	s10 =	sld [smem:$0x3FB4];
	_ =	sdelay $0x3  }
0x34: {  	[smem:$0x3FB4] =	sst s10  }
0x35: {  	s10 =	sld [smem:$0x3FB3];
	_ =	sdelay $0x3  }
0x36: {  	p1 =	seq.s32 s10, $0x1;
	s10 =	sld [smem:$0x3FB4];
	_ =	sdelay $0x3  }
0x37: {  	[smem:$0x3FB4] =	sst s10  }
0x38: {  	s10 =	sld [smem:$0x3FB5]  }
0x39: {  	_ = 	snop;
	(pc) =	sbr.ind lr, $3  }
0x3a: {  	_ = 	snop  }
0x3b: {  	_ = 	snop  }
0x3c: {  	p2 =	seq.s32 s10, $0x1;
	s10 =	sld [smem:$0x3FB4]  }
0x3d: {  	_ =	shalt  }
0x3e: {  	_ =	shalt  }
0x3f: {  	_ =	shalt  }
0x40: {  	_ =	shalt  }
0x41: {  	_ =	shalt  }
0x42: {  	_ =	shalt  }
0x43: {  	_ =	shalt  }
0x44: {  	_ =	shalt  }
0x45: {  	_ =	shalt  }
0x46: {  	_ =	shalt  }
0x47: {  	_ =	shalt  }
0x48: {  	_ =	shalt  }
0x49: {  	_ =	shalt  }
0x4a: {  	_ =	shalt  }
0x4b: {  	_ =	shalt  }
0x4c: {  	_ =	shalt  }
0x4d: {  	_ =	shalt  }
0x4e: {  	_ =	shalt  }
0x4f: {  	_ =	shalt  }
0x50: {  	_ =	shalt  }
0x51: {  	_ =	shalt  }
0x52: {  	_ =	shalt  }
0x53: {  	_ =	shalt  }
0x54: {  	_ =	shalt  }
0x55: {  	_ =	shalt  }
0x56: {  	_ =	shalt  }
0x57: {  	_ =	shalt  }
0x58: {  	_ =	shalt  }
0x59: {  	_ =	shalt  }
0x5a: {  	_ =	shalt  }
0x5b: {  	_ =	shalt  }
0x5c: {  	_ =	shalt  }
0x5d: {  	_ =	shalt  }
0x5e: {  	_ =	shalt  }
0x5f: {  	_ =	shalt  }
0x60: {  	_ =	shalt  }
0x61: {  	_ =	shalt  }
0x62: {  	_ =	shalt  }
0x63: {  	_ =	shalt  }
0x64: {  	_ =	shalt  }
0x65: {  	_ =	shalt  }
0x66: {  	_ =	shalt  }
0x67: {  	_ =	shalt  }
0x68: {  	_ =	shalt  }
0x69: {  	_ =	shalt  }
0x6a: {  	_ =	shalt  }
0x6b: {  	_ =	shalt  }
0x6c: {  	_ =	shalt  }
0x6d: {  	_ =	shalt  }
0x6e: {  	_ =	shalt  }
0x6f: {  	_ =	shalt  }
0x70: {  	_ =	shalt  }
0x71: {  	_ =	shalt  }
0x72: {  	_ =	shalt  }
0x73: {  	_ =	shalt  }
0x74: {  	_ =	shalt  }
0x75: {  	_ =	shalt  }
0x76: {  	_ =	shalt  }
0x77: {  	_ =	shalt  }
0x78: {  	_ =	shalt  }
0x79: {  	_ =	shalt  }
0x7a: {  	_ =	shalt  }
0x7b: {  	_ =	shalt  }
0x7c: {  	_ =	shalt  }
0x7d: {  	_ =	shalt  }
0x7e: {  	_ =	shalt  }
0x7f: {  	_ =	shalt  }
0x80: {  	_ =	shalt  }
0x81: {  	_ =	shalt  }
0x82: {  	_ =	shalt  }
0x83: {  	_ =	shalt  }
0x84: {  	_ =	shalt  }
0x85: {  	_ =	shalt  }
0x86: {  	_ =	shalt  }
0x87: {  	_ =	shalt  }
.Lfunc_end0:
.L_simem_size_0:
called_computation.2_lowered:
.L_overlay_start_0:
0x88: {  	s2 =	sld [smem:$0x3FD9]  }
0x89: {  	s3 =	sld [smem:$0x3FFE];
	_ =	sdelay $0x1  }
0x8a: {  	s1 =	srdreg.scid  }
0x8b: {  	s0 =	sand.u32 $0x1, s1  }
0x8c: {  	s16 =	sshll.u32 s0, $0xA;
	s2 =	sadd.s32 s3, s2  }
0x8d: {  	s2 =	sadd.s32 s2, s16  }
0x8e: {  	[smem:$0x3FC0] =	sst s2  }
0x8f: {  	_ = 	snop  }
0x90: {  	(tm) =	ssettm $0x1  }
0x91: {  	s17 =	sld [smem:$0x3FFB];
	_ =	sdelay $0x3  }
0x92: {  	_ =	strace s17  }
0x93: {  	s2 =	sld [smem:$0x3FFC];
	_ =	sdelay $0x3  }
0x94: {  	_ =	strace s2  }
0x95: {  	s2 =	sld [smem:$0x3FFD];
	_ =	sdelay $0x3  }
0x96: {  	_ =	strace s2  }
0x97: {  	_ =	strace $0x8FFFFFFF  }
0x98: {  	s18 =	sld [smem:$0x3FDB];
	_ =	sdelay $0x1  }
0x99: {  	s19 =	simm.s32 $_scs_section_size  }
0x9a: {  	s4 =	simm.s32 $_size__tile_overlayer_lowered;
	s5 =	simm.s32 $_tile_overlayer_lowered  }
0x9b: {  	s22 =	simm.s32 $0x1BFF;
	s21 =	sshll.u32 s5, $0x1;
	s2 =	sadd.s32 s19, s18  }
0x9c: {  	s6 =	simm.s32 $0x0;
	s20 =	sshll.u32 s4, $0x1;
	s4 =	sadd.s32 s21, s2  }
0x9d: {  	[timem:s6], [sflag:s22] =	dma.local [hbm:s4], s20  }
0x9e: {  	_ =	swait.ge [sflag:s22], s20  }
0x9f: {  	s3 =	ssub.s32 $0x0, s20;
	[sflag:s22] =	ssyncset.done $0x0  }
0xa0: {  	[sflag:s22] =	ssyncadd.s32 s3;
	_ =	sdelay $0x1  }
0xa1: {  	s23 =	simm.s32 $0x1B8B  }
0xa2: {  	_ =	swait.ge [sflag:s23], $0x1  }
0xa3: {  	[sflag:s23] =	ssyncset.done $0x0  }
0xa4: {  	s25 =	simm.s32 $0x1B8E;
	s24 =	sld [smem:$0x3FFE];
	[sflag:s23] =	ssyncadd.s32 $0xFFFFFFFF  }
0xa5: {  	s26 =	simm.s32 $execute0_lowered;
	[smem:$0x3FD2] =	sst s25  }
0xa6: {  	s4 =	sshll.u32 s26, $0x1;
	_ =	strace $0x8000004C;
	[dreg:$0x1] =	wrdreg $0xFFFFFFFF  }
0xa7: {  	s28 =	simm.s32 $_size_execute0_lowered;
	s2 =	sadd.s32 s2, s4;
	[dreg:$0x0] =	wrdreg $0x0  }
0xa8: {  	s4 =	sshll.u32 s28, $0x1;
	[dreg:$0x2] =	wrdreg s2  }
0xa9: {  	[dreg:$0x3] =	wrdreg s4  }
0xaa: {  	[dreg:$0x4] =	wrdreg $0xC0  }
0xab: {  	_ =	task [dreg:s6], $0x5FFFF  }
0xac: {  	[dreg:$0x1] =	wrdreg $0xFFFFFFFF  }
0xad: {  	[dreg:$0x0] =	wrdreg $0x60  }
0xae: {  	[dreg:$0x2] =	wrdreg s24  }
0xaf: {  	[dreg:$0x3] =	wrdreg $0x98000  }
0xb0: {  	[dreg:$0x4] =	wrdreg $0x9  }
0xb1: {  	_ =	task.clear_ibuf [dreg:s6], $0x5FFFF;
	_ =	strace $0x9000004C  }
0xb2: {  	s29 =	simm.s32 $0x9;
	_ =	strace $0x8000004E  }
0xb3: {  	_ =	swait.ge [sflag:s29], $0x1  }
0xb4: {  	[sflag:s29] =	ssyncadd.s32 $0xFFFFFFFF  }
0xb5: {  	_ =	strace $0x9000004E  }
0xb6: {  	_ =	sfence  }
0xb7: {  	s30 =	sld [smem:$0x0];
	_ =	sdelay $0x2  }
0xb8: {  	s31 =	sshll.u32 s1, $0xD;
	s1 =	sshrl.u32 s1, $0x2  }
0xb9: {  	s3 =	sand.u32 $0x4000, s31;
	s1 =	sadd.s32 s1, s30  }
0xba: {  	s0 =	sor.u32 s3, s0;
	s1 =	sshll.u32 s1, $0x11  }
0xbb: {  	s0 =	sor.u32 s1, s0  }
0xbc: {  	s0 =	sadd.s32 $0x8F2B, s0  }
0xbd: {  	[sflag:s0] =	ssyncadd.remote.s32 $0x1  }
0xbe: {  	_ =	sfence.sel $0xFFFF  }
0xbf: {  	[dreg:$0x0] =	wrdreg $0xFFFFFFFF;
	(pc) =	sbr.abs _section_cstart, $3  }
0xc0: {  	[dreg:$0x1] =	wrdreg $0xFFFFFFFF  }
0xc1: {  	_ =	task.clear_ibuf [dreg:s6], $0x2FFFF;
	_ =	strace $0x9FFFFFFF  }
0xc2: {  	(tm) =	ssettm $0x7FFFFFFF  }
0xc3: {  	_ =	shalt  }
tec
execute0_lowered:
.L_overlay_start_1:
0x0: {  	(tag) =	ssettag $0x1  }
0x1: {  	s0 =	rddreg [dreg:$0x0]  }
0x2: {  	s2 =	rddreg [dreg:$0x1];
	s8 =	stileid.u32  }
0x3: {  	s4 =	simm.s32 $0x0;
	s3 =	srdreg.scid;
	s1 =	smul.u32 $0x500, s8  }
0x4: {  	s28 =	simm.s32 $0x5000;
	s29 =	simm.s32 $0x0;
	s19 =	smul.u32 $0x50000, s8  }
0x5: {  	[smem:$0x7FF] =	sst s4;
	s3 =	sand.u32 $0x1, s3;
	s1 =	sadd.s32 s1, s0  }
0x6: {  	_ =	strace $0x8000004D;
	s4 =	sshrl.u32 s19, $0x2;
	s20 =	sadd.s32 $0x2800, s1  }
0x7: {  	s4 =	sadd.s32 s4, s2;
	s1 =	sadd.s32 $0x7800, s1;
	[dreg:$0x3] =	wrdreg s20  }
0x8: {  	s5 =	sadd.s32 $0x5C800, s0;
	[dreg:$0x4] =	wrdreg s1;
	s21 =	sadd.s32 $0x800, s4  }
0x9: {  	s13 =	smul.u32 $0x2800, s8;
	s22 =	sadd.s32 $0x1000, s4;
	[dreg:$0x5] =	wrdreg s21  }
0xa: {  	s6 =	ssub.s32 $0x2, s3;
	s23 =	sadd.s32 $0x1800, s4;
	[dreg:$0x6] =	wrdreg s22  }
0xb: {  	s9 =	smul.u32 $0x28000, s3;
	s24 =	sadd.s32 $0x2000, s4;
	[dreg:$0x7] =	wrdreg s23  }
0xc: {  	s7 =	sshrl.u32 s6, $0x1;
	s25 =	sadd.s32 $0x2800, s4;
	[dreg:$0x8] =	wrdreg s24  }
0xd: {  	s0 =	sadd.s32 $0xFC800, s0;
	s26 =	sadd.s32 $0x3000, s4;
	[dreg:$0x9] =	wrdreg s25  }
0xe: {  	s6 =	ssub.s32 s6, s7;
	s30 =	sadd.s32 $0x3800, s4;
	[dreg:$0xa] =	wrdreg s26  }
0xf: {  	s19 =	sadd.s32 s5, s9;
	s31 =	sadd.s32 $0x4000, s4;
	[dreg:$0xb] =	wrdreg s30  }
0x10: {  	s14 =	sadd.s32 $0x50000, s9;
	s7 =	sadd.s32 $0x4800, s4;
	[dreg:$0xc] =	wrdreg s31  }
0x11: {  	s10 =	sadd.s32 $0x5000, s4;
	s11 =	sadd.s32 $0x5800, s4;
	[dreg:$0xd] =	wrdreg s7  }
0x12: {  	s12 =	sadd.s32 $0x6000, s4;
	s1 =	sadd.s32 s0, s9;
	[dreg:$0xe] =	wrdreg s10  }
0x13: {  	s20 =	sadd.s32 s5, s14;
	s0 =	sadd.s32 s0, s14;
	[dreg:$0xf] =	wrdreg s11  }
0x14: {  	s5 =	sadd.s32 $0x6800, s4;
	s15 =	sadd.s32 $0x7000, s4;
	[dreg:$0x10] =	wrdreg s12  }
0x15: {  	s16 =	smax.u32 s6, $0x1;
	s6 =	sadd.s32 $0x7800, s4;
	[dreg:$0x13] =	wrdreg s15  }
0x16: {  	s17 =	sadd.s32 $0x8000, s4;
	s18 =	sadd.s32 $0x8800, s4;
	[dreg:$0x14] =	wrdreg s16  }
0x17: {  	s3 =	sadd.s32 $0xD800, s4;
	s8 =	sadd.s32 $0xE800, s4;
	[dreg:$0x15] =	wrdreg s17  }
0x18: {  	s9 =	sadd.s32 $0xF000, s4;
	s1 =	sadd.s32 s13, s1;
	[dreg:$0x16] =	wrdreg s18  }
0x19: {  	s14 =	sadd.s32 $0x11800, s4;
	s0 =	sadd.s32 s13, s0;
	[dreg:$0x11] =	wrdreg s1  }
0x1a: {  	s21 =	sadd.s32 $0x9000, s4;
	s22 =	sadd.s32 $0x9800, s4;
	[dreg:$0x12] =	wrdreg s0  }
0x1b: {  	s23 =	sadd.s32 $0xA000, s4;
	s24 =	sadd.s32 $0xA800, s4;
	[dreg:$0x17] =	wrdreg s21  }
0x1c: {  	s25 =	sadd.s32 $0xB000, s4;
	s26 =	sadd.s32 $0xB800, s4;
	[dreg:$0x18] =	wrdreg s22  }
0x1d: {  	s30 =	sadd.s32 $0xC000, s4;
	s31 =	sadd.s32 $0xC800, s4;
	[dreg:$0x19] =	wrdreg s23  }
0x1e: {  	s7 =	sadd.s32 $0xE000, s4;
	s10 =	sadd.s32 $0xF800, s4;
	[dreg:$0x1a] =	wrdreg s24  }
0x1f: {  	s11 =	sadd.s32 $0x10000, s4;
	s12 =	sadd.s32 $0x10800, s4;
	[dreg:$0x1b] =	wrdreg s25  }
0x20: {  	s13 =	sadd.s32 $0x11000, s4;
	s15 =	sadd.s32 $0x12000, s4;
	[dreg:$0x1c] =	wrdreg s26  }
0x21: {  	s16 =	sadd.s32 $0x12800, s4;
	s17 =	sadd.s32 $0x13000, s4;
	[dreg:$0x1d] =	wrdreg s30  }
0x22: {  	s18 =	sadd.s32 $0x13800, s4;
	[dreg:$0x1e] =	wrdreg s31;
	s25 =	sadd.s32 $0xD000, s4  }
0x23: {  	v0 =	vimm.f32 $0.0e+00;
	s21 =	simm.s32 $0x1;
	s24 =	simm.s32 $0x9000;
	s26 =	simm.s32 $0x80  }
.LBB2_1:
0x24: {  	s1 =	simm.s32 $0x0;
	s0 =	rddreg [dreg:$0x3]  }
0x25: {  	[tilespmem:s1], [sflag:$0x1] =	stream.linear.gather [hbm4b:s0+s1], $0x2780, $0x38;
	[tilespmem:$0x1D800] =	vst v63  }
0x26: {  	_ =	swait.ge [sflag:s21], $0x2780  }
0x27: {  	[sflag:s21] =	ssyncset.done $0x0  }
0x28: {  	s22 =	simm.s32 $0x2800;
	s23 =	rddreg [dreg:$0x4];
	[sflag:s21] =	ssyncadd.s32 $0xFFFFD880  }
0x29: {  	[tilespmem:s22], [sflag:$0x1] =	stream.linear.gather [hbm4b:s23+s1], $0x2780, $0x38;
	[tilespmem:$0x1D800] =	vst v63  }
0x2a: {  	s31 =	sand.u32 $0x1E00, s1;
	s0 =	simm.s32 $0x40;
	_ =	swait.ge [sflag:s21], $0x2780  }
0x2b: {  	s30 =	sshrl.u32 s31, $0x2;
	s1 =	sand.u32 $0x70, s1;
	[sflag:s21] =	ssyncset.done $0x0  }
0x2c: {  	s1 =	sor.u32 s1, s30;
	s30 =	simm.s32 $0x0;
	[sflag:s21] =	ssyncadd.s32 $0xFFFFD880  }
.LBB2_2:
0x2d: {  	p0 =	sne.s32 s0, $0x1FC0  }
0x2e: {  	[tilespmem:s1+$0x9000] =	vst v0;
	s30 =	sadd.s32 $0x10, s30;
	s1 =	smov.u32 s0;
	s0 =	sadd.s32 $0x40, s0  }
.Ltmp0:
0x2f: {  	(pc) =	sbr.rel @p0 .LBB2_2-.Ltmp0, $4  }
0x30: {  	_ = 	snop  }
0x31: {  	s1 =	sand.u32 $0x1E00, s1  }
0x32: {  	s31 =	sand.u32 $0x70, s30;
	s1 =	sshrl.u32 s1, $0x2  }
0x33: {  	s1 =	sor.u32 s31, s1  }
0x34: {  	[tilespmem:s1+$0x9000] =	vst v0  }
0x35: {  	[spmem:s4] =	stream.linear.scatter [tilespmem:s24], [sflag:$0x1], $0x800, $0x38;
	[tilespmem:$0x1D800] =	vst v63  }
0x36: {  	_ =	swait.ge [sflag:s21], $0x800  }
0x37: {  	[sflag:s21] =	ssyncset.done $0x0  }
0x38: {  	s0 =	rddreg [dreg:$0x5];
	[sflag:s21] =	ssyncadd.s32 $0xFFFFF800  }
0x39: {  	[spmem:s0] =	stream.linear.scatter [tilespmem:s24], [sflag:$0x1], $0x800, $0x38;
	[tilespmem:$0x1D800] =	vst v63  }
0x3a: {  	_ =	swait.ge [sflag:s21], $0x800  }
0x3b: {  	[sflag:s21] =	ssyncset.done $0x0  }
0x3c: {  	s1 =	rddreg [dreg:$0x6];
	[sflag:s21] =	ssyncadd.s32 $0xFFFFF800  }
0x3d: {  	[spmem:s1] =	stream.linear.scatter [tilespmem:s24], [sflag:$0x1], $0x800, $0x38;
	[tilespmem:$0x1D800] =	vst v63  }
0x3e: {  	_ =	swait.ge [sflag:s21], $0x800  }
0x3f: {  	[sflag:s21] =	ssyncset.done $0x0  }
0x40: {  	s22 =	rddreg [dreg:$0x7];
	[sflag:s21] =	ssyncadd.s32 $0xFFFFF800  }
0x41: {  	[spmem:s22] =	stream.linear.scatter [tilespmem:s24], [sflag:$0x1], $0x800, $0x38;
	[tilespmem:$0x1D800] =	vst v63  }
0x42: {  	_ =	swait.ge [sflag:s21], $0x800  }
0x43: {  	[sflag:s21] =	ssyncset.done $0x0  }
0x44: {  	s23 =	rddreg [dreg:$0x8];
	[sflag:s21] =	ssyncadd.s32 $0xFFFFF800  }
0x45: {  	[spmem:s23] =	stream.linear.scatter [tilespmem:s24], [sflag:$0x1], $0x800, $0x38;
	[tilespmem:$0x1D800] =	vst v63  }
0x46: {  	_ =	swait.ge [sflag:s21], $0x800  }
0x47: {  	[sflag:s21] =	ssyncset.done $0x0  }
0x48: {  	s31 =	rddreg [dreg:$0x9];
	[sflag:s21] =	ssyncadd.s32 $0xFFFFF800  }
0x49: {  	[spmem:s31] =	stream.linear.scatter [tilespmem:s24], [sflag:$0x1], $0x800, $0x38;
	[tilespmem:$0x1D800] =	vst v63  }
0x4a: {  	_ =	swait.ge [sflag:s21], $0x800  }
0x4b: {  	[sflag:s21] =	ssyncset.done $0x0  }
0x4c: {  	s1 =	rddreg [dreg:$0xa];
	[sflag:s21] =	ssyncadd.s32 $0xFFFFF800  }
0x4d: {  	[spmem:s1] =	stream.linear.scatter [tilespmem:s24], [sflag:$0x1], $0x800, $0x38;
	[tilespmem:$0x1D800] =	vst v63  }
0x4e: {  	_ =	swait.ge [sflag:s21], $0x800  }
0x4f: {  	[sflag:s21] =	ssyncset.done $0x0  }
0x50: {  	s22 =	rddreg [dreg:$0xb];
	[sflag:s21] =	ssyncadd.s32 $0xFFFFF800  }
0x51: {  	[spmem:s22] =	stream.linear.scatter [tilespmem:s24], [sflag:$0x1], $0x800, $0x38;
	[tilespmem:$0x1D800] =	vst v63  }
0x52: {  	_ =	swait.ge [sflag:s21], $0x800  }
0x53: {  	[sflag:s21] =	ssyncset.done $0x0  }
0x54: {  	s23 =	rddreg [dreg:$0xc];
	[sflag:s21] =	ssyncadd.s32 $0xFFFFF800  }
0x55: {  	[spmem:s23] =	stream.linear.scatter [tilespmem:s24], [sflag:$0x1], $0x800, $0x38;
	[tilespmem:$0x1D800] =	vst v63  }
0x56: {  	_ =	swait.ge [sflag:s21], $0x800  }
0x57: {  	[sflag:s21] =	ssyncset.done $0x0  }
0x58: {  	s31 =	rddreg [dreg:$0xd];
	[sflag:s21] =	ssyncadd.s32 $0xFFFFF800  }
0x59: {  	[spmem:s31] =	stream.linear.scatter [tilespmem:s24], [sflag:$0x1], $0x800, $0x38;
	[tilespmem:$0x1D800] =	vst v63  }
0x5a: {  	_ =	swait.ge [sflag:s21], $0x800  }
0x5b: {  	[sflag:s21] =	ssyncset.done $0x0  }
0x5c: {  	s1 =	rddreg [dreg:$0xe];
	[sflag:s21] =	ssyncadd.s32 $0xFFFFF800  }
0x5d: {  	[spmem:s1] =	stream.linear.scatter [tilespmem:s24], [sflag:$0x1], $0x800, $0x38;
	[tilespmem:$0x1D800] =	vst v63  }
0x5e: {  	_ =	swait.ge [sflag:s21], $0x800  }
0x5f: {  	[sflag:s21] =	ssyncset.done $0x0  }
0x60: {  	s22 =	rddreg [dreg:$0xf];
	[sflag:s21] =	ssyncadd.s32 $0xFFFFF800  }
0x61: {  	[spmem:s22] =	stream.linear.scatter [tilespmem:s24], [sflag:$0x1], $0x800, $0x38;
	[tilespmem:$0x1D800] =	vst v63  }
0x62: {  	_ =	swait.ge [sflag:s21], $0x800  }
0x63: {  	[sflag:s21] =	ssyncset.done $0x0  }
0x64: {  	s23 =	rddreg [dreg:$0x10];
	[sflag:s21] =	ssyncadd.s32 $0xFFFFF800  }
0x65: {  	[spmem:s23] =	stream.linear.scatter [tilespmem:s24], [sflag:$0x1], $0x800, $0x38;
	[tilespmem:$0x1D800] =	vst v63  }
0x66: {  	_ =	swait.ge [sflag:s21], $0x800  }
0x67: {  	[sflag:s21] =	ssyncset.done $0x0  }
0x68: {  	[sflag:s21] =	ssyncadd.s32 $0xFFFFF800  }
0x69: {  	[spmem:s5] =	stream.linear.scatter [tilespmem:s24], [sflag:$0x1], $0x800, $0x38;
	[tilespmem:$0x1D800] =	vst v63  }
0x6a: {  	_ =	swait.ge [sflag:s21], $0x800  }
0x6b: {  	[sflag:s21] =	ssyncset.done $0x0  }
0x6c: {  	s31 =	rddreg [dreg:$0x13];
	[sflag:s21] =	ssyncadd.s32 $0xFFFFF800  }
0x6d: {  	[spmem:s31] =	stream.linear.scatter [tilespmem:s24], [sflag:$0x1], $0x800, $0x38;
	[tilespmem:$0x1D800] =	vst v63  }
0x6e: {  	_ =	swait.ge [sflag:s21], $0x800  }
0x6f: {  	[sflag:s21] =	ssyncset.done $0x0  }
0x70: {  	[sflag:s21] =	ssyncadd.s32 $0xFFFFF800  }
0x71: {  	[spmem:s6] =	stream.linear.scatter [tilespmem:s24], [sflag:$0x1], $0x800, $0x38;
	[tilespmem:$0x1D800] =	vst v63  }
0x72: {  	_ =	swait.ge [sflag:s21], $0x800  }
0x73: {  	[sflag:s21] =	ssyncset.done $0x0  }
0x74: {  	s1 =	rddreg [dreg:$0x15];
	[sflag:s21] =	ssyncadd.s32 $0xFFFFF800  }
0x75: {  	[spmem:s1] =	stream.linear.scatter [tilespmem:s24], [sflag:$0x1], $0x800, $0x38;
	[tilespmem:$0x1D800] =	vst v63  }
0x76: {  	_ =	swait.ge [sflag:s21], $0x800  }
0x77: {  	[sflag:s21] =	ssyncset.done $0x0  }
0x78: {  	s22 =	rddreg [dreg:$0x16];
	[sflag:s21] =	ssyncadd.s32 $0xFFFFF800  }
0x79: {  	[spmem:s22] =	stream.linear.scatter [tilespmem:s24], [sflag:$0x1], $0x800, $0x38;
	[tilespmem:$0x1D800] =	vst v63  }
0x7a: {  	_ =	swait.ge [sflag:s21], $0x800  }
0x7b: {  	[sflag:s21] =	ssyncset.done $0x0  }
0x7c: {  	s23 =	rddreg [dreg:$0x17];
	[sflag:s21] =	ssyncadd.s32 $0xFFFFF800  }
0x7d: {  	[spmem:s23] =	stream.linear.scatter [tilespmem:s24], [sflag:$0x1], $0x800, $0x38;
	[tilespmem:$0x1D800] =	vst v63  }
0x7e: {  	_ =	swait.ge [sflag:s21], $0x800  }
0x7f: {  	[sflag:s21] =	ssyncset.done $0x0  }
0x80: {  	s31 =	rddreg [dreg:$0x18];
	[sflag:s21] =	ssyncadd.s32 $0xFFFFF800  }
0x81: {  	[spmem:s31] =	stream.linear.scatter [tilespmem:s24], [sflag:$0x1], $0x800, $0x38;
	[tilespmem:$0x1D800] =	vst v63  }
0x82: {  	_ =	swait.ge [sflag:s21], $0x800  }
0x83: {  	[sflag:s21] =	ssyncset.done $0x0  }
0x84: {  	s1 =	rddreg [dreg:$0x19];
	[sflag:s21] =	ssyncadd.s32 $0xFFFFF800  }
0x85: {  	[spmem:s1] =	stream.linear.scatter [tilespmem:s24], [sflag:$0x1], $0x800, $0x38;
	[tilespmem:$0x1D800] =	vst v63  }
0x86: {  	_ =	swait.ge [sflag:s21], $0x800  }
0x87: {  	[sflag:s21] =	ssyncset.done $0x0  }
0x88: {  	s22 =	rddreg [dreg:$0x1a];
	[sflag:s21] =	ssyncadd.s32 $0xFFFFF800  }
0x89: {  	[spmem:s22] =	stream.linear.scatter [tilespmem:s24], [sflag:$0x1], $0x800, $0x38;
	[tilespmem:$0x1D800] =	vst v63  }
0x8a: {  	_ =	swait.ge [sflag:s21], $0x800  }
0x8b: {  	[sflag:s21] =	ssyncset.done $0x0  }
0x8c: {  	s23 =	rddreg [dreg:$0x1b];
	[sflag:s21] =	ssyncadd.s32 $0xFFFFF800  }
0x8d: {  	[spmem:s23] =	stream.linear.scatter [tilespmem:s24], [sflag:$0x1], $0x800, $0x38;
	[tilespmem:$0x1D800] =	vst v63  }
0x8e: {  	_ =	swait.ge [sflag:s21], $0x800  }
0x8f: {  	[sflag:s21] =	ssyncset.done $0x0  }
0x90: {  	s31 =	rddreg [dreg:$0x1c];
	[sflag:s21] =	ssyncadd.s32 $0xFFFFF800  }
0x91: {  	[spmem:s31] =	stream.linear.scatter [tilespmem:s24], [sflag:$0x1], $0x800, $0x38;
	[tilespmem:$0x1D800] =	vst v63  }
0x92: {  	_ =	swait.ge [sflag:s21], $0x800  }
0x93: {  	[sflag:s21] =	ssyncset.done $0x0  }
0x94: {  	s1 =	rddreg [dreg:$0x1d];
	[sflag:s21] =	ssyncadd.s32 $0xFFFFF800  }
0x95: {  	[spmem:s1] =	stream.linear.scatter [tilespmem:s24], [sflag:$0x1], $0x800, $0x38;
	[tilespmem:$0x1D800] =	vst v63  }
0x96: {  	_ =	swait.ge [sflag:s21], $0x800  }
0x97: {  	[sflag:s21] =	ssyncset.done $0x0  }
0x98: {  	s22 =	rddreg [dreg:$0x1e];
	[sflag:s21] =	ssyncadd.s32 $0xFFFFF800  }
0x99: {  	[spmem:s22] =	stream.linear.scatter [tilespmem:s24], [sflag:$0x1], $0x800, $0x38;
	[tilespmem:$0x1D800] =	vst v63  }
0x9a: {  	_ =	swait.ge [sflag:s21], $0x800  }
0x9b: {  	[sflag:s21] =	ssyncset.done $0x0  }
0x9c: {  	[sflag:s21] =	ssyncadd.s32 $0xFFFFF800  }
0x9d: {  	[spmem:s25] =	stream.linear.scatter [tilespmem:s24], [sflag:$0x1], $0x800, $0x38;
	[tilespmem:$0x1D800] =	vst v63  }
0x9e: {  	_ =	swait.ge [sflag:s21], $0x800  }
0x9f: {  	[sflag:s21] =	ssyncset.done $0x0  }
0xa0: {  	[sflag:s21] =	ssyncadd.s32 $0xFFFFF800  }
0xa1: {  	[spmem:s3] =	stream.linear.scatter [tilespmem:s24], [sflag:$0x1], $0x800, $0x38;
	[tilespmem:$0x1D800] =	vst v63  }
0xa2: {  	_ =	swait.ge [sflag:s21], $0x800  }
0xa3: {  	[sflag:s21] =	ssyncset.done $0x0  }
0xa4: {  	[sflag:s21] =	ssyncadd.s32 $0xFFFFF800  }
0xa5: {  	[spmem:s7] =	stream.linear.scatter [tilespmem:s24], [sflag:$0x1], $0x800, $0x38;
	[tilespmem:$0x1D800] =	vst v63  }
0xa6: {  	_ =	swait.ge [sflag:s21], $0x800  }
0xa7: {  	[sflag:s21] =	ssyncset.done $0x0  }
0xa8: {  	[sflag:s21] =	ssyncadd.s32 $0xFFFFF800  }
0xa9: {  	[spmem:s8] =	stream.linear.scatter [tilespmem:s24], [sflag:$0x1], $0x800, $0x38;
	[tilespmem:$0x1D800] =	vst v63  }
0xaa: {  	_ =	swait.ge [sflag:s21], $0x800  }
0xab: {  	[sflag:s21] =	ssyncset.done $0x0  }
0xac: {  	[sflag:s21] =	ssyncadd.s32 $0xFFFFF800  }
0xad: {  	[spmem:s9] =	stream.linear.scatter [tilespmem:s24], [sflag:$0x1], $0x800, $0x38;
	[tilespmem:$0x1D800] =	vst v63  }
0xae: {  	_ =	swait.ge [sflag:s21], $0x800  }
0xaf: {  	[sflag:s21] =	ssyncset.done $0x0  }
0xb0: {  	[sflag:s21] =	ssyncadd.s32 $0xFFFFF800  }
0xb1: {  	[spmem:s10] =	stream.linear.scatter [tilespmem:s24], [sflag:$0x1], $0x800, $0x38;
	[tilespmem:$0x1D800] =	vst v63  }
0xb2: {  	_ =	swait.ge [sflag:s21], $0x800  }
0xb3: {  	[sflag:s21] =	ssyncset.done $0x0  }
0xb4: {  	[sflag:s21] =	ssyncadd.s32 $0xFFFFF800  }
0xb5: {  	[spmem:s11] =	stream.linear.scatter [tilespmem:s24], [sflag:$0x1], $0x800, $0x38;
	[tilespmem:$0x1D800] =	vst v63  }
0xb6: {  	_ =	swait.ge [sflag:s21], $0x800  }
0xb7: {  	[sflag:s21] =	ssyncset.done $0x0  }
0xb8: {  	[sflag:s21] =	ssyncadd.s32 $0xFFFFF800  }
0xb9: {  	[spmem:s12] =	stream.linear.scatter [tilespmem:s24], [sflag:$0x1], $0x800, $0x38;
	[tilespmem:$0x1D800] =	vst v63  }
0xba: {  	_ =	swait.ge [sflag:s21], $0x800  }
0xbb: {  	[sflag:s21] =	ssyncset.done $0x0  }
0xbc: {  	[sflag:s21] =	ssyncadd.s32 $0xFFFFF800  }
0xbd: {  	[spmem:s13] =	stream.linear.scatter [tilespmem:s24], [sflag:$0x1], $0x800, $0x38;
	[tilespmem:$0x1D800] =	vst v63  }
0xbe: {  	_ =	swait.ge [sflag:s21], $0x800  }
0xbf: {  	[sflag:s21] =	ssyncset.done $0x0  }
0xc0: {  	[sflag:s21] =	ssyncadd.s32 $0xFFFFF800  }
0xc1: {  	[spmem:s14] =	stream.linear.scatter [tilespmem:s24], [sflag:$0x1], $0x800, $0x38;
	[tilespmem:$0x1D800] =	vst v63  }
0xc2: {  	_ =	swait.ge [sflag:s21], $0x800  }
0xc3: {  	[sflag:s21] =	ssyncset.done $0x0  }
0xc4: {  	[sflag:s21] =	ssyncadd.s32 $0xFFFFF800  }
0xc5: {  	[spmem:s15] =	stream.linear.scatter [tilespmem:s24], [sflag:$0x1], $0x800, $0x38;
	[tilespmem:$0x1D800] =	vst v63  }
0xc6: {  	_ =	swait.ge [sflag:s21], $0x800  }
0xc7: {  	[sflag:s21] =	ssyncset.done $0x0  }
0xc8: {  	[sflag:s21] =	ssyncadd.s32 $0xFFFFF800  }
0xc9: {  	[spmem:s16] =	stream.linear.scatter [tilespmem:s24], [sflag:$0x1], $0x800, $0x38;
	[tilespmem:$0x1D800] =	vst v63  }
0xca: {  	_ =	swait.ge [sflag:s21], $0x800  }
0xcb: {  	[sflag:s21] =	ssyncset.done $0x0  }
0xcc: {  	[sflag:s21] =	ssyncadd.s32 $0xFFFFF800  }
0xcd: {  	[spmem:s17] =	stream.linear.scatter [tilespmem:s24], [sflag:$0x1], $0x800, $0x38;
	[tilespmem:$0x1D800] =	vst v63  }
0xce: {  	_ =	swait.ge [sflag:s21], $0x800  }
0xcf: {  	[sflag:s21] =	ssyncset.done $0x0  }
0xd0: {  	[sflag:s21] =	ssyncadd.s32 $0xFFFFF800  }
0xd1: {  	[spmem:s18] =	stream.linear.scatter [tilespmem:s24], [sflag:$0x1], $0x800, $0x38;
	[tilespmem:$0x1D800] =	vst v63  }
0xd2: {  	_ =	swait.ge [sflag:s21], $0x800  }
0xd3: {  	[sflag:s21] =	ssyncset.done $0x0  }
0xd4: {  	[sflag:s21] =	ssyncadd.s32 $0xFFFFF800  }
0xd5: {  	s23 =	simm.s32 $0x0;
	[bflag:$0x0] =	sbarrier.arrive $0xFFFF  }
0xd6: {  	[tilespmem:s28], [sflag:$0x1] =	stream.indirect.gather [hbm4b:s19+s26], $0x80, s23, s26, $0xb8;
	[tilespmem:$0x1D800] =	vst v63  }
0xd7: {  	_ =	swait.ge [sflag:s21], $0x4000  }
0xd8: {  	[sflag:s21] =	ssyncset.done $0x0  }
0xd9: {  	s31 =	simm.s32 $0x2800;
	[sflag:s21] =	ssyncadd.s32 $0xFFFFC000  }
0xda: {  	[spmem:s2] =	stream.indirect.scatter.add.f32 [tilespmem:s28], [sflag:$0x1], $0x80, s31, s26, $0xb8;
	[tilespmem:$0x1D800] =	vst v63  }
0xdb: {  	_ =	swait.ge [sflag:s21], $0x4000  }
0xdc: {  	s30 =	simm.s32 $0x200;
	s0 =	simm.s32 $0x400;
	[sflag:s21] =	ssyncset.done $0x0  }
.LBB2_4:
0xdd: {  	s1 =	sshra.s32 s30, $0x2  }
0xde: {  	[sflag:s21] =	ssyncadd.s32 $0xFFFFC000;
	s30 =	smov.u32 s0;
	s31 =	sadd.s32 $0x200, s0  }
0xdf: {  	[tilespmem:s28], [sflag:$0x1] =	stream.indirect.gather [hbm4b:s19+s26], $0x80, s1, s26, $0xb8;
	[tilespmem:$0x1D800] =	vst v63  }
0xe0: {  	p0 =	sne.s32 s0, $0x9C00;
	_ =	swait.ge [sflag:s21], $0x4000  }
.Ltmp1:
0xe1: {  	[sflag:s21] =	ssyncset.done $0x0;
	(pc) =	sbr.rel @p0 .LBB2_4-.Ltmp1, $4  }
0xe2: {  	s0 =	sadd.s32 $0x2800, s1;
	[sflag:s21] =	ssyncadd.s32 $0xFFFFC000  }
0xe3: {  	[spmem:s2] =	stream.indirect.scatter.add.f32 [tilespmem:s28], [sflag:$0x1], $0x80, s0, s26, $0xb8;
	[tilespmem:$0x1D800] =	vst v63  }
0xe4: {  	_ =	swait.ge [sflag:s21], $0x4000  }
0xe5: {  	s0 =	smov.u32 s31;
	[sflag:s21] =	ssyncset.done $0x0  }
0xe6: {  	s0 =	sshra.s32 s30, $0x2;
	[sflag:s21] =	ssyncadd.s32 $0xFFFFC000  }
0xe7: {  	[tilespmem:s28], [sflag:$0x1] =	stream.indirect.gather [hbm4b:s19+s26], $0x80, s0, s26, $0xb8;
	[tilespmem:$0x1D800] =	vst v63  }
0xe8: {  	_ =	swait.ge [sflag:s21], $0x4000  }
0xe9: {  	[sflag:s21] =	ssyncset.done $0x0  }
0xea: {  	s0 =	sadd.s32 $0x2800, s0;
	[sflag:s21] =	ssyncadd.s32 $0xFFFFC000  }
0xeb: {  	[spmem:s2] =	stream.indirect.scatter.add.f32 [tilespmem:s28], [sflag:$0x1], $0x80, s0, s26, $0xb8;
	[tilespmem:$0x1D800] =	vst v63  }
0xec: {  	_ =	swait.ge [sflag:s21], $0x4000  }
0xed: {  	[sflag:s21] =	ssyncset.done $0x0  }
0xee: {  	s1 =	stileid.u32;
	[sflag:s21] =	ssyncadd.s32 $0xFFFFC000  }
0xef: {  	s0 =	sshll.u32 s1, $0x6;
	[bflag:$0x0] =	sbarrier.arrive $0xFFFF  }
0xf0: {  	s31 =	sshrl.u32 s4, $0x3;
	s30 =	sor.u32 $0x1C01, s0;
	s22 =	rddreg [dreg:$0x11]  }
0xf1: {  	[hbm:s22], [sflag:s30] =	dma.local [spmem:s31], $0x2800  }
0xf2: {  	_ =	swait.ge [sflag:s21], $0x2800  }
0xf3: {  	[sflag:s21] =	ssyncset.done $0x0  }
0xf4: {  	[sflag:s21] =	ssyncadd.s32 $0xFFFFD800  }
0xf5: {  	[bflag:$0x0] =	sbarrier.arrive $0xFFFF  }
0xf6: {  	[spmem:s4] =	stream.linear.scatter [tilespmem:s24], [sflag:$0x1], $0x800, $0x38;
	[tilespmem:$0x1D800] =	vst v63  }
0xf7: {  	_ =	swait.ge [sflag:s21], $0x800  }
0xf8: {  	[sflag:s21] =	ssyncset.done $0x0  }
0xf9: {  	s23 =	rddreg [dreg:$0x5];
	[sflag:s21] =	ssyncadd.s32 $0xFFFFF800  }
0xfa: {  	[spmem:s23] =	stream.linear.scatter [tilespmem:s24], [sflag:$0x1], $0x800, $0x38;
	[tilespmem:$0x1D800] =	vst v63  }
0xfb: {  	_ =	swait.ge [sflag:s21], $0x800  }
0xfc: {  	[sflag:s21] =	ssyncset.done $0x0  }
0xfd: {  	s1 =	rddreg [dreg:$0x6];
	[sflag:s21] =	ssyncadd.s32 $0xFFFFF800  }
0xfe: {  	[spmem:s1] =	stream.linear.scatter [tilespmem:s24], [sflag:$0x1], $0x800, $0x38;
	[tilespmem:$0x1D800] =	vst v63  }
0xff: {  	_ =	swait.ge [sflag:s21], $0x800  }
0x100: {  	[sflag:s21] =	ssyncset.done $0x0  }
0x101: {  	s22 =	rddreg [dreg:$0x7];
	[sflag:s21] =	ssyncadd.s32 $0xFFFFF800  }
0x102: {  	[spmem:s22] =	stream.linear.scatter [tilespmem:s24], [sflag:$0x1], $0x800, $0x38;
	[tilespmem:$0x1D800] =	vst v63  }
0x103: {  	_ =	swait.ge [sflag:s21], $0x800  }
0x104: {  	[sflag:s21] =	ssyncset.done $0x0  }
0x105: {  	s23 =	rddreg [dreg:$0x8];
	[sflag:s21] =	ssyncadd.s32 $0xFFFFF800  }
0x106: {  	[spmem:s23] =	stream.linear.scatter [tilespmem:s24], [sflag:$0x1], $0x800, $0x38;
	[tilespmem:$0x1D800] =	vst v63  }
0x107: {  	_ =	swait.ge [sflag:s21], $0x800  }
0x108: {  	[sflag:s21] =	ssyncset.done $0x0  }
0x109: {  	s1 =	rddreg [dreg:$0x9];
	[sflag:s21] =	ssyncadd.s32 $0xFFFFF800  }
0x10a: {  	[spmem:s1] =	stream.linear.scatter [tilespmem:s24], [sflag:$0x1], $0x800, $0x38;
	[tilespmem:$0x1D800] =	vst v63  }
0x10b: {  	_ =	swait.ge [sflag:s21], $0x800  }
0x10c: {  	[sflag:s21] =	ssyncset.done $0x0  }
0x10d: {  	s22 =	rddreg [dreg:$0xa];
	[sflag:s21] =	ssyncadd.s32 $0xFFFFF800  }
0x10e: {  	[spmem:s22] =	stream.linear.scatter [tilespmem:s24], [sflag:$0x1], $0x800, $0x38;
	[tilespmem:$0x1D800] =	vst v63  }
0x10f: {  	_ =	swait.ge [sflag:s21], $0x800  }
0x110: {  	[sflag:s21] =	ssyncset.done $0x0  }
0x111: {  	s23 =	rddreg [dreg:$0xb];
	[sflag:s21] =	ssyncadd.s32 $0xFFFFF800  }
0x112: {  	[spmem:s23] =	stream.linear.scatter [tilespmem:s24], [sflag:$0x1], $0x800, $0x38;
	[tilespmem:$0x1D800] =	vst v63  }
0x113: {  	_ =	swait.ge [sflag:s21], $0x800  }
0x114: {  	[sflag:s21] =	ssyncset.done $0x0  }
0x115: {  	s1 =	rddreg [dreg:$0xc];
	[sflag:s21] =	ssyncadd.s32 $0xFFFFF800  }
0x116: {  	[spmem:s1] =	stream.linear.scatter [tilespmem:s24], [sflag:$0x1], $0x800, $0x38;
	[tilespmem:$0x1D800] =	vst v63  }
0x117: {  	_ =	swait.ge [sflag:s21], $0x800  }
0x118: {  	[sflag:s21] =	ssyncset.done $0x0  }
0x119: {  	s22 =	rddreg [dreg:$0xd];
	[sflag:s21] =	ssyncadd.s32 $0xFFFFF800  }
0x11a: {  	[spmem:s22] =	stream.linear.scatter [tilespmem:s24], [sflag:$0x1], $0x800, $0x38;
	[tilespmem:$0x1D800] =	vst v63  }
0x11b: {  	_ =	swait.ge [sflag:s21], $0x800  }
0x11c: {  	[sflag:s21] =	ssyncset.done $0x0  }
0x11d: {  	s23 =	rddreg [dreg:$0xe];
	[sflag:s21] =	ssyncadd.s32 $0xFFFFF800  }
0x11e: {  	[spmem:s23] =	stream.linear.scatter [tilespmem:s24], [sflag:$0x1], $0x800, $0x38;
	[tilespmem:$0x1D800] =	vst v63  }
0x11f: {  	_ =	swait.ge [sflag:s21], $0x800  }
0x120: {  	[sflag:s21] =	ssyncset.done $0x0  }
0x121: {  	s1 =	rddreg [dreg:$0xf];
	[sflag:s21] =	ssyncadd.s32 $0xFFFFF800  }
0x122: {  	[spmem:s1] =	stream.linear.scatter [tilespmem:s24], [sflag:$0x1], $0x800, $0x38;
	[tilespmem:$0x1D800] =	vst v63  }
0x123: {  	_ =	swait.ge [sflag:s21], $0x800  }
0x124: {  	[sflag:s21] =	ssyncset.done $0x0  }
0x125: {  	s22 =	rddreg [dreg:$0x10];
	[sflag:s21] =	ssyncadd.s32 $0xFFFFF800  }
0x126: {  	[spmem:s22] =	stream.linear.scatter [tilespmem:s24], [sflag:$0x1], $0x800, $0x38;
	[tilespmem:$0x1D800] =	vst v63  }
0x127: {  	_ =	swait.ge [sflag:s21], $0x800  }
0x128: {  	[sflag:s21] =	ssyncset.done $0x0  }
0x129: {  	[sflag:s21] =	ssyncadd.s32 $0xFFFFF800  }
0x12a: {  	[spmem:s5] =	stream.linear.scatter [tilespmem:s24], [sflag:$0x1], $0x800, $0x38;
	[tilespmem:$0x1D800] =	vst v63  }
0x12b: {  	_ =	swait.ge [sflag:s21], $0x800  }
0x12c: {  	[sflag:s21] =	ssyncset.done $0x0  }
0x12d: {  	s23 =	rddreg [dreg:$0x13];
	[sflag:s21] =	ssyncadd.s32 $0xFFFFF800  }
0x12e: {  	[spmem:s23] =	stream.linear.scatter [tilespmem:s24], [sflag:$0x1], $0x800, $0x38;
	[tilespmem:$0x1D800] =	vst v63  }
0x12f: {  	_ =	swait.ge [sflag:s21], $0x800  }
0x130: {  	[sflag:s21] =	ssyncset.done $0x0  }
0x131: {  	[sflag:s21] =	ssyncadd.s32 $0xFFFFF800  }
0x132: {  	[spmem:s6] =	stream.linear.scatter [tilespmem:s24], [sflag:$0x1], $0x800, $0x38;
	[tilespmem:$0x1D800] =	vst v63  }
0x133: {  	_ =	swait.ge [sflag:s21], $0x800  }
0x134: {  	[sflag:s21] =	ssyncset.done $0x0  }
0x135: {  	s1 =	rddreg [dreg:$0x15];
	[sflag:s21] =	ssyncadd.s32 $0xFFFFF800  }
0x136: {  	[spmem:s1] =	stream.linear.scatter [tilespmem:s24], [sflag:$0x1], $0x800, $0x38;
	[tilespmem:$0x1D800] =	vst v63  }
0x137: {  	_ =	swait.ge [sflag:s21], $0x800  }
0x138: {  	[sflag:s21] =	ssyncset.done $0x0  }
0x139: {  	s22 =	smov.u32 s5;
	s5 =	rddreg [dreg:$0x16];
	[sflag:s21] =	ssyncadd.s32 $0xFFFFF800  }
0x13a: {  	[spmem:s5] =	stream.linear.scatter [tilespmem:s24], [sflag:$0x1], $0x800, $0x38;
	[tilespmem:$0x1D800] =	vst v63  }
0x13b: {  	_ =	swait.ge [sflag:s21], $0x800  }
0x13c: {  	[sflag:s21] =	ssyncset.done $0x0  }
0x13d: {  	s23 =	smov.u32 s6;
	s6 =	rddreg [dreg:$0x17];
	[sflag:s21] =	ssyncadd.s32 $0xFFFFF800  }
0x13e: {  	[spmem:s6] =	stream.linear.scatter [tilespmem:s24], [sflag:$0x1], $0x800, $0x38;
	[tilespmem:$0x1D800] =	vst v63  }
0x13f: {  	_ =	swait.ge [sflag:s21], $0x800  }
0x140: {  	[sflag:s21] =	ssyncset.done $0x0  }
0x141: {  	s1 =	rddreg [dreg:$0x18];
	[sflag:s21] =	ssyncadd.s32 $0xFFFFF800  }
0x142: {  	[spmem:s1] =	stream.linear.scatter [tilespmem:s24], [sflag:$0x1], $0x800, $0x38;
	[tilespmem:$0x1D800] =	vst v63  }
0x143: {  	_ =	swait.ge [sflag:s21], $0x800  }
0x144: {  	[sflag:s21] =	ssyncset.done $0x0  }
0x145: {  	s5 =	rddreg [dreg:$0x19];
	[sflag:s21] =	ssyncadd.s32 $0xFFFFF800  }
0x146: {  	[spmem:s5] =	stream.linear.scatter [tilespmem:s24], [sflag:$0x1], $0x800, $0x38;
	[tilespmem:$0x1D800] =	vst v63  }
0x147: {  	_ =	swait.ge [sflag:s21], $0x800  }
0x148: {  	[sflag:s21] =	ssyncset.done $0x0  }
0x149: {  	s6 =	rddreg [dreg:$0x1a];
	[sflag:s21] =	ssyncadd.s32 $0xFFFFF800  }
0x14a: {  	[spmem:s6] =	stream.linear.scatter [tilespmem:s24], [sflag:$0x1], $0x800, $0x38;
	[tilespmem:$0x1D800] =	vst v63  }
0x14b: {  	_ =	swait.ge [sflag:s21], $0x800  }
0x14c: {  	[sflag:s21] =	ssyncset.done $0x0  }
0x14d: {  	s1 =	rddreg [dreg:$0x1b];
	[sflag:s21] =	ssyncadd.s32 $0xFFFFF800  }
0x14e: {  	[spmem:s1] =	stream.linear.scatter [tilespmem:s24], [sflag:$0x1], $0x800, $0x38;
	[tilespmem:$0x1D800] =	vst v63  }
0x14f: {  	_ =	swait.ge [sflag:s21], $0x800  }
0x150: {  	[sflag:s21] =	ssyncset.done $0x0  }
0x151: {  	s5 =	rddreg [dreg:$0x1c];
	[sflag:s21] =	ssyncadd.s32 $0xFFFFF800  }
0x152: {  	[spmem:s5] =	stream.linear.scatter [tilespmem:s24], [sflag:$0x1], $0x800, $0x38;
	[tilespmem:$0x1D800] =	vst v63  }
0x153: {  	_ =	swait.ge [sflag:s21], $0x800  }
0x154: {  	[sflag:s21] =	ssyncset.done $0x0  }
0x155: {  	s6 =	rddreg [dreg:$0x1d];
	[sflag:s21] =	ssyncadd.s32 $0xFFFFF800  }
0x156: {  	[spmem:s6] =	stream.linear.scatter [tilespmem:s24], [sflag:$0x1], $0x800, $0x38;
	[tilespmem:$0x1D800] =	vst v63  }
0x157: {  	_ =	swait.ge [sflag:s21], $0x800  }
0x158: {  	[sflag:s21] =	ssyncset.done $0x0  }
0x159: {  	s1 =	rddreg [dreg:$0x1e];
	[sflag:s21] =	ssyncadd.s32 $0xFFFFF800  }
0x15a: {  	[spmem:s1] =	stream.linear.scatter [tilespmem:s24], [sflag:$0x1], $0x800, $0x38;
	[tilespmem:$0x1D800] =	vst v63  }
0x15b: {  	_ =	swait.ge [sflag:s21], $0x800  }
0x15c: {  	[sflag:s21] =	ssyncset.done $0x0  }
0x15d: {  	[sflag:s21] =	ssyncadd.s32 $0xFFFFF800  }
0x15e: {  	[spmem:s25] =	stream.linear.scatter [tilespmem:s24], [sflag:$0x1], $0x800, $0x38;
	[tilespmem:$0x1D800] =	vst v63  }
0x15f: {  	_ =	swait.ge [sflag:s21], $0x800  }
0x160: {  	[sflag:s21] =	ssyncset.done $0x0  }
0x161: {  	[sflag:s21] =	ssyncadd.s32 $0xFFFFF800  }
0x162: {  	[spmem:s3] =	stream.linear.scatter [tilespmem:s24], [sflag:$0x1], $0x800, $0x38;
	[tilespmem:$0x1D800] =	vst v63  }
0x163: {  	_ =	swait.ge [sflag:s21], $0x800  }
0x164: {  	[sflag:s21] =	ssyncset.done $0x0  }
0x165: {  	[sflag:s21] =	ssyncadd.s32 $0xFFFFF800  }
0x166: {  	[spmem:s7] =	stream.linear.scatter [tilespmem:s24], [sflag:$0x1], $0x800, $0x38;
	[tilespmem:$0x1D800] =	vst v63  }
0x167: {  	_ =	swait.ge [sflag:s21], $0x800  }
0x168: {  	[sflag:s21] =	ssyncset.done $0x0  }
0x169: {  	[sflag:s21] =	ssyncadd.s32 $0xFFFFF800  }
0x16a: {  	[spmem:s8] =	stream.linear.scatter [tilespmem:s24], [sflag:$0x1], $0x800, $0x38;
	[tilespmem:$0x1D800] =	vst v63  }
0x16b: {  	_ =	swait.ge [sflag:s21], $0x800  }
0x16c: {  	[sflag:s21] =	ssyncset.done $0x0  }
0x16d: {  	[sflag:s21] =	ssyncadd.s32 $0xFFFFF800  }
0x16e: {  	[spmem:s9] =	stream.linear.scatter [tilespmem:s24], [sflag:$0x1], $0x800, $0x38;
	[tilespmem:$0x1D800] =	vst v63  }
0x16f: {  	_ =	swait.ge [sflag:s21], $0x800  }
0x170: {  	[sflag:s21] =	ssyncset.done $0x0  }
0x171: {  	[sflag:s21] =	ssyncadd.s32 $0xFFFFF800  }
0x172: {  	[spmem:s10] =	stream.linear.scatter [tilespmem:s24], [sflag:$0x1], $0x800, $0x38;
	[tilespmem:$0x1D800] =	vst v63  }
0x173: {  	_ =	swait.ge [sflag:s21], $0x800  }
0x174: {  	[sflag:s21] =	ssyncset.done $0x0  }
0x175: {  	[sflag:s21] =	ssyncadd.s32 $0xFFFFF800  }
0x176: {  	[spmem:s11] =	stream.linear.scatter [tilespmem:s24], [sflag:$0x1], $0x800, $0x38;
	[tilespmem:$0x1D800] =	vst v63  }
0x177: {  	_ =	swait.ge [sflag:s21], $0x800  }
0x178: {  	[sflag:s21] =	ssyncset.done $0x0  }
0x179: {  	[sflag:s21] =	ssyncadd.s32 $0xFFFFF800  }
0x17a: {  	[spmem:s12] =	stream.linear.scatter [tilespmem:s24], [sflag:$0x1], $0x800, $0x38;
	[tilespmem:$0x1D800] =	vst v63  }
0x17b: {  	_ =	swait.ge [sflag:s21], $0x800  }
0x17c: {  	[sflag:s21] =	ssyncset.done $0x0  }
0x17d: {  	[sflag:s21] =	ssyncadd.s32 $0xFFFFF800  }
0x17e: {  	[spmem:s13] =	stream.linear.scatter [tilespmem:s24], [sflag:$0x1], $0x800, $0x38;
	[tilespmem:$0x1D800] =	vst v63  }
0x17f: {  	_ =	swait.ge [sflag:s21], $0x800  }
0x180: {  	[sflag:s21] =	ssyncset.done $0x0  }
0x181: {  	[sflag:s21] =	ssyncadd.s32 $0xFFFFF800  }
0x182: {  	[spmem:s14] =	stream.linear.scatter [tilespmem:s24], [sflag:$0x1], $0x800, $0x38;
	[tilespmem:$0x1D800] =	vst v63  }
0x183: {  	_ =	swait.ge [sflag:s21], $0x800  }
0x184: {  	[sflag:s21] =	ssyncset.done $0x0  }
0x185: {  	[sflag:s21] =	ssyncadd.s32 $0xFFFFF800  }
0x186: {  	[spmem:s15] =	stream.linear.scatter [tilespmem:s24], [sflag:$0x1], $0x800, $0x38;
	[tilespmem:$0x1D800] =	vst v63  }
0x187: {  	_ =	swait.ge [sflag:s21], $0x800  }
0x188: {  	[sflag:s21] =	ssyncset.done $0x0  }
0x189: {  	[sflag:s21] =	ssyncadd.s32 $0xFFFFF800  }
0x18a: {  	[spmem:s16] =	stream.linear.scatter [tilespmem:s24], [sflag:$0x1], $0x800, $0x38;
	[tilespmem:$0x1D800] =	vst v63  }
0x18b: {  	_ =	swait.ge [sflag:s21], $0x800  }
0x18c: {  	[sflag:s21] =	ssyncset.done $0x0  }
0x18d: {  	[sflag:s21] =	ssyncadd.s32 $0xFFFFF800  }
0x18e: {  	[spmem:s17] =	stream.linear.scatter [tilespmem:s24], [sflag:$0x1], $0x800, $0x38;
	[tilespmem:$0x1D800] =	vst v63  }
0x18f: {  	_ =	swait.ge [sflag:s21], $0x800  }
0x190: {  	[sflag:s21] =	ssyncset.done $0x0  }
0x191: {  	[sflag:s21] =	ssyncadd.s32 $0xFFFFF800  }
0x192: {  	[spmem:s18] =	stream.linear.scatter [tilespmem:s24], [sflag:$0x1], $0x800, $0x38;
	[tilespmem:$0x1D800] =	vst v63  }
0x193: {  	_ =	swait.ge [sflag:s21], $0x800  }
0x194: {  	[sflag:s21] =	ssyncset.done $0x0  }
0x195: {  	[sflag:s21] =	ssyncadd.s32 $0xFFFFF800  }
0x196: {  	s5 =	simm.s32 $0x0;
	[bflag:$0x0] =	sbarrier.arrive $0xFFFF  }
0x197: {  	[tilespmem:s28], [sflag:$0x1] =	stream.indirect.gather [hbm4b:s20+s26], $0x80, s5, s26, $0xb8;
	[tilespmem:$0x1D800] =	vst v63  }
0x198: {  	_ =	swait.ge [sflag:s21], $0x4000  }
0x199: {  	[sflag:s21] =	ssyncset.done $0x0  }
0x19a: {  	s6 =	simm.s32 $0x2800;
	[sflag:s21] =	ssyncadd.s32 $0xFFFFC000  }
0x19b: {  	[spmem:s2] =	stream.indirect.scatter.add.f32 [tilespmem:s28], [sflag:$0x1], $0x80, s6, s26, $0xb8;
	[tilespmem:$0x1D800] =	vst v63  }
0x19c: {  	_ =	swait.ge [sflag:s21], $0x4000  }
0x19d: {  	s0 =	simm.s32 $0x200;
	s1 =	simm.s32 $0x400;
	[sflag:s21] =	ssyncset.done $0x0  }
.LBB2_6:
0x19e: {  	s5 =	sshra.s32 s0, $0x2  }
0x19f: {  	[sflag:s21] =	ssyncadd.s32 $0xFFFFC000;
	s0 =	smov.u32 s1;
	s6 =	sadd.s32 $0x200, s1  }
0x1a0: {  	[tilespmem:s28], [sflag:$0x1] =	stream.indirect.gather [hbm4b:s20+s26], $0x80, s5, s26, $0xb8;
	[tilespmem:$0x1D800] =	vst v63  }
0x1a1: {  	p0 =	sne.s32 s1, $0x9C00;
	_ =	swait.ge [sflag:s21], $0x4000  }
.Ltmp2:
0x1a2: {  	[sflag:s21] =	ssyncset.done $0x0;
	(pc) =	sbr.rel @p0 .LBB2_6-.Ltmp2, $4  }
0x1a3: {  	s1 =	sadd.s32 $0x2800, s5;
	[sflag:s21] =	ssyncadd.s32 $0xFFFFC000  }
0x1a4: {  	[spmem:s2] =	stream.indirect.scatter.add.f32 [tilespmem:s28], [sflag:$0x1], $0x80, s1, s26, $0xb8;
	[tilespmem:$0x1D800] =	vst v63  }
0x1a5: {  	_ =	swait.ge [sflag:s21], $0x4000  }
0x1a6: {  	s1 =	smov.u32 s6;
	[sflag:s21] =	ssyncset.done $0x0  }
0x1a7: {  	s0 =	sshra.s32 s0, $0x2;
	[sflag:s21] =	ssyncadd.s32 $0xFFFFC000  }
0x1a8: {  	[tilespmem:s28], [sflag:$0x1] =	stream.indirect.gather [hbm4b:s20+s26], $0x80, s0, s26, $0xb8;
	[tilespmem:$0x1D800] =	vst v63  }
0x1a9: {  	_ =	swait.ge [sflag:s21], $0x4000  }
0x1aa: {  	[sflag:s21] =	ssyncset.done $0x0  }
0x1ab: {  	s0 =	sadd.s32 $0x2800, s0;
	[sflag:s21] =	ssyncadd.s32 $0xFFFFC000  }
0x1ac: {  	[spmem:s2] =	stream.indirect.scatter.add.f32 [tilespmem:s28], [sflag:$0x1], $0x80, s0, s26, $0xb8;
	[tilespmem:$0x1D800] =	vst v63  }
0x1ad: {  	_ =	swait.ge [sflag:s21], $0x4000  }
0x1ae: {  	[sflag:s21] =	ssyncset.done $0x0  }
0x1af: {  	[sflag:s21] =	ssyncadd.s32 $0xFFFFC000  }
0x1b0: {  	[bflag:$0x0] =	sbarrier.arrive $0xFFFF  }
0x1b1: {  	s6 =	rddreg [dreg:$0x12]  }
0x1b2: {  	[hbm:s6], [sflag:s30] =	dma.local [spmem:s31], $0x2800  }
0x1b3: {  	_ =	swait.ge [sflag:s21], $0x2800  }
0x1b4: {  	s29 =	sadd.s32 $0x1, s29;
	s31 =	rddreg [dreg:$0x14]  }
0x1b5: {  	p0 =	sne.s32 s29, s31  }
.Ltmp3:
0x1b6: {  	_ = 	snop;
	(pc) =	sbr.rel @p0 .LBB2_1-.Ltmp3, $3  }
0x1b7: {  	_ =	sdelay $0x1  }
0x1b8: {  	[sflag:s21] =	ssyncset.done $0x0  }
0x1b9: {  	s5 =	smov.u32 s22;
	s6 =	smov.u32 s23;
	[sflag:s21] =	ssyncadd.s32 $0xFFFFD800  }
0x1ba: {  	_ =	sfence.sel $0x180000  }
0x1bb: {  	[bflag:$0x0] =	sbarrier.arrive $0xFFFF  }
0x1bc: {  	_ =	strace $0x9000004D  }
0x1bd: {  	s0 =	stileid.u32;
	[bflag:$0x2] =	sbarrier.arrive $0xFFFF  }
0x1be: {  	p0 =	sne.s32 s0, $0x0;
	s0 =	rddreg [dreg:$0x2]  }
0x1bf: {  	s0 =	sadd.s32 @!p0 $0x100000, s0  }
0x1c0: {  	[sflag:s0] =	ssyncadd.tile.s32 @!p0 $0x1;
	_ =	shalt  }
.Lfunc_end2:
_tile_overlayer_lowered:
.L_overlay_start_2:
0x1c1: {  	(tag) =	ssettag $0x2  }
0x1c2: {  	s0 =	rddreg [dreg:$0x0];
	s2 =	stileid.u32  }
0x1c3: {  	s1 =	rddreg [dreg:$0x1];
	p0 =	sne.s32 s2, $0x0  }
0x1c4: {  	s3 =	rddreg [dreg:$0x2];
	[bflag:$0x3] =	sbarrier.arrive $0xFFFF;
	s2 =	simm.s32 @!p0 $0x1C01  }
0x1c5: {  	[timem:s3], [sflag:s2] =	dma.local @!p0 [hbm:s0], s1  }
0x1c6: {  	s0 =	simm.s32 @!p0 $0x1  }
0x1c7: {  	_ =	swait.ge @!p0 [sflag:s0], s1  }
0x1c8: {  	s1 =	ssub.s32 @!p0 $0x0, s1;
	[sflag:s0] =	ssyncset.done @!p0 $0x0  }
0x1c9: {  	[sflag:s0] =	ssyncadd.s32 @!p0 s1  }
0x1ca: {  	[bflag:$0x3] =	sbarrier.arrive $0xFFFF  }
0x1cb: {  	_ =	shalt  }

// kernel: kernel.19.cloned.1.call-start
scs
__scs_entry_jumppad:
0x0: {  	(pc) =	sbr.rel $0x88, $3  }
0x1: {  	(tag) =	ssettag $0x0;
	lr =	simm.s32 $0x1  }
0x2: {  	[smem:$0x3F99] =	sst lr;
	_ =	strace $0xD0000000  }
0x3: {  	_ = 	snop  }
0x4: {  	_ = 	snop  }
0x5: {  	_ = 	snop  }
0x6: {  	_ = 	snop  }
0x7: {  	_ = 	snop  }
__scs_overlays_trampoline_lowered:
0x8: {  	[smem:$0x3FA8] =	sst s0  }
0x9: {  	[smem:$0x3FA9] =	sst s1  }
0xa: {  	[smem:$0x3FAA] =	sst s2  }
0xb: {  	[smem:$0x3FAB] =	sst s3  }
0xc: {  	[smem:$0x3FAC] =	sst s4  }
0xd: {  	[smem:$0x3FAD] =	sst s5  }
0xe: {  	[smem:$0x3FAE] =	sst s6  }
0xf: {  	[smem:$0x3FAF] =	sst s7  }
0x10: {  	[smem:$0x3FB0] =	sst s8  }
0x11: {  	[smem:$0x3FB1] =	sst s9;
	s0 =	simm.s32 @!p0 $0x0  }
0x12: {  	s1 =	sld [smem:$0x3F97];
	s0 =	simm.s32 @p0 $0x1  }
0x13: {  	[smem:$0x3FB2] =	sst s0;
	s0 =	simm.s32 @!p1 $0x0  }
0x14: {  	s2 =	sld [smem:$0x3F96];
	s0 =	simm.s32 @p1 $0x1  }
0x15: {  	[smem:$0x3FB3] =	sst s0;
	s0 =	simm.s32 @!p2 $0x0  }
0x16: {  	s3 =	sld [smem:$0x3FDB];
	s0 =	simm.s32 @p2 $0x1  }
0x17: {  	s4 =	simm.s32 $0x1BF5;
	[smem:$0x3FB5] =	sst s0  }
0x18: {  	s0 =	sld [smem:$0x3F98];
	_ =	swait.ge [sflag:s4], $0x0  }
0x19: {  	s7 =	sld [smem:$0x3F99]  }
0x1a: {  	s8 =	sadd.s32 $0xFFFFE003, lr  }
0x1b: {  	s9 =	sadd.s32 $0xFFFFFEF7, lr;
	s5 =	simm.s32 $0xFFFFFFFF;
	p2 =	slt.u32 s8, $0xFFFFF086  }
0x1c: {  	p1 =	slt.u32 s9, $0xF7A;
	s5 =	simm.s32 @!p2 $0x0  }
0x1d: {  	s5 =	simm.s32 @p1 $0x1;
	p0 =	seq.s32 s7, s2  }
0x1e: {  	s7 =	smul.u32 @!p0 $0xF7A, s2;
	p2 =	seq.s32 @!p0 s5, $0x0  }
0x1f: {  	s9 =	smul.u32 $0xF7A, s1;
	s8 =	simm.s32 @!p0 $0x1BF5;
	p2 =	por !p2, p0  }
0x20: {  	[sflag:s8] =	ssyncset.s32 @!p0 $0xFFFFF086;
	s6 =	sadd.s32 @!p0 s3, s7;
	s7 =	simm.s32 @!p0 $0x108  }
0x21: {  	s3 =	sadd.s32 s3, s9;
	s6 =	sadd.s32 @!p0 $0x88, s6;
	s7 =	simm.s32 @p2 $0x1082  }
0x22: {  	[simem:s7], [sflag:s8] =	dma.local @!p0 [hbm:s6], $0xF7A  }
0x23: {  	s9 =	sor.u32 $0xD0000000, s2;
	s6 =	simm.s32 $0x108;
	_ =	swait.ge @!p0 [sflag:s8], $0x0  }
0x24: {  	s3 =	sadd.s32 $0x88, s3;
	s6 =	simm.s32 @!p1 $0x1082;
	[sflag:s4] =	ssyncset.s32 $0xFFFFF086  }
0x25: {  	[simem:s6], [sflag:s4] =	dma.local [hbm:s3], $0xF7A  }
0x26: {  	[smem:$0x3F99] =	sst s1;
	(tag) =	ssettag s2;
	_ =	strace s9  }
0x27: {  	s1 =	sld [smem:$0x3FA9]  }
0x28: {  	s2 =	sld [smem:$0x3FAA]  }
0x29: {  	s4 =	sld [smem:$0x3FAC]  }
0x2a: {  	p0 =	seq.s32 s5, $0x0;
	s5 =	sld [smem:$0x3FAD]  }
0x2b: {  	s6 =	sld [smem:$0x3FAE]  }
0x2c: {  	s7 =	sld [smem:$0x3FAF]  }
0x2d: {  	s3 =	simm.s32 $0x108;
	s8 =	sld [smem:$0x3FB0]  }
0x2e: {  	s3 =	simm.s32 @!p0 $0x1082;
	s9 =	sld [smem:$0x3FB1]  }
0x2f: {  	lr =	sadd.s32 s0, s3;
	s0 =	sld [smem:$0x3FA8]  }
0x30: {  	s3 =	sld [smem:$0x3FAB]  }
0x31: {  	[smem:$0x3FB4] =	sst s10  }
0x32: {  	s10 =	sld [smem:$0x3FB2];
	_ =	sdelay $0x3  }
0x33: {  	p0 =	seq.s32 s10, $0x1;
	s10 =	sld [smem:$0x3FB4];
	_ =	sdelay $0x3  }
0x34: {  	[smem:$0x3FB4] =	sst s10  }
0x35: {  	s10 =	sld [smem:$0x3FB3];
	_ =	sdelay $0x3  }
0x36: {  	p1 =	seq.s32 s10, $0x1;
	s10 =	sld [smem:$0x3FB4];
	_ =	sdelay $0x3  }
0x37: {  	[smem:$0x3FB4] =	sst s10  }
0x38: {  	s10 =	sld [smem:$0x3FB5]  }
0x39: {  	_ = 	snop;
	(pc) =	sbr.ind lr, $3  }
0x3a: {  	_ = 	snop  }
0x3b: {  	_ = 	snop  }
0x3c: {  	p2 =	seq.s32 s10, $0x1;
	s10 =	sld [smem:$0x3FB4]  }
0x3d: {  	_ =	shalt  }
0x3e: {  	_ =	shalt  }
0x3f: {  	_ =	shalt  }
0x40: {  	_ =	shalt  }
0x41: {  	_ =	shalt  }
0x42: {  	_ =	shalt  }
0x43: {  	_ =	shalt  }
0x44: {  	_ =	shalt  }
0x45: {  	_ =	shalt  }
0x46: {  	_ =	shalt  }
0x47: {  	_ =	shalt  }
0x48: {  	_ =	shalt  }
0x49: {  	_ =	shalt  }
0x4a: {  	_ =	shalt  }
0x4b: {  	_ =	shalt  }
0x4c: {  	_ =	shalt  }
0x4d: {  	_ =	shalt  }
0x4e: {  	_ =	shalt  }
0x4f: {  	_ =	shalt  }
0x50: {  	_ =	shalt  }
0x51: {  	_ =	shalt  }
0x52: {  	_ =	shalt  }
0x53: {  	_ =	shalt  }
0x54: {  	_ =	shalt  }
0x55: {  	_ =	shalt  }
0x56: {  	_ =	shalt  }
0x57: {  	_ =	shalt  }
0x58: {  	_ =	shalt  }
0x59: {  	_ =	shalt  }
0x5a: {  	_ =	shalt  }
0x5b: {  	_ =	shalt  }
0x5c: {  	_ =	shalt  }
0x5d: {  	_ =	shalt  }
0x5e: {  	_ =	shalt  }
0x5f: {  	_ =	shalt  }
0x60: {  	_ =	shalt  }
0x61: {  	_ =	shalt  }
0x62: {  	_ =	shalt  }
0x63: {  	_ =	shalt  }
0x64: {  	_ =	shalt  }
0x65: {  	_ =	shalt  }
0x66: {  	_ =	shalt  }
0x67: {  	_ =	shalt  }
0x68: {  	_ =	shalt  }
0x69: {  	_ =	shalt  }
0x6a: {  	_ =	shalt  }
0x6b: {  	_ =	shalt  }
0x6c: {  	_ =	shalt  }
0x6d: {  	_ =	shalt  }
0x6e: {  	_ =	shalt  }
0x6f: {  	_ =	shalt  }
0x70: {  	_ =	shalt  }
0x71: {  	_ =	shalt  }
0x72: {  	_ =	shalt  }
0x73: {  	_ =	shalt  }
0x74: {  	_ =	shalt  }
0x75: {  	_ =	shalt  }
0x76: {  	_ =	shalt  }
0x77: {  	_ =	shalt  }
0x78: {  	_ =	shalt  }
0x79: {  	_ =	shalt  }
0x7a: {  	_ =	shalt  }
0x7b: {  	_ =	shalt  }
0x7c: {  	_ =	shalt  }
0x7d: {  	_ =	shalt  }
0x7e: {  	_ =	shalt  }
0x7f: {  	_ =	shalt  }
0x80: {  	_ =	shalt  }
0x81: {  	_ =	shalt  }
0x82: {  	_ =	shalt  }
0x83: {  	_ =	shalt  }
0x84: {  	_ =	shalt  }
0x85: {  	_ =	shalt  }
0x86: {  	_ =	shalt  }
0x87: {  	_ =	shalt  }
.Lfunc_end0:
.L_simem_size_0:
called_computation.3_lowered:
.L_overlay_start_0:
0x88: {  	s2 =	sld [smem:$0x3FD9]  }
0x89: {  	s3 =	sld [smem:$0x3FFE];
	_ =	sdelay $0x1  }
0x8a: {  	s1 =	srdreg.scid  }
0x8b: {  	s0 =	sand.u32 $0x1, s1  }
0x8c: {  	s16 =	sshll.u32 s0, $0xA;
	s2 =	sadd.s32 s3, s2  }
0x8d: {  	s2 =	sadd.s32 s2, s16  }
0x8e: {  	[smem:$0x3FC0] =	sst s2  }
0x8f: {  	_ = 	snop  }
0x90: {  	(tm) =	ssettm $0x1  }
0x91: {  	s17 =	sld [smem:$0x3FFB];
	_ =	sdelay $0x3  }
0x92: {  	_ =	strace s17  }
0x93: {  	s2 =	sld [smem:$0x3FFC];
	_ =	sdelay $0x3  }
0x94: {  	_ =	strace s2  }
0x95: {  	s2 =	sld [smem:$0x3FFD];
	_ =	sdelay $0x3  }
0x96: {  	_ =	strace s2  }
0x97: {  	_ =	strace $0x8FFFFFFF  }
0x98: {  	s18 =	sld [smem:$0x3FDB];
	_ =	sdelay $0x1  }
0x99: {  	s19 =	simm.s32 $_scs_section_size  }
0x9a: {  	s4 =	simm.s32 $_size__tile_overlayer_lowered;
	s5 =	simm.s32 $_tile_overlayer_lowered  }
0x9b: {  	s22 =	simm.s32 $0x1BFF;
	s21 =	sshll.u32 s5, $0x1;
	s2 =	sadd.s32 s19, s18  }
0x9c: {  	s6 =	simm.s32 $0x0;
	s20 =	sshll.u32 s4, $0x1;
	s4 =	sadd.s32 s21, s2  }
0x9d: {  	[timem:s6], [sflag:s22] =	dma.local [hbm:s4], s20  }
0x9e: {  	_ =	swait.ge [sflag:s22], s20  }
0x9f: {  	s3 =	ssub.s32 $0x0, s20;
	[sflag:s22] =	ssyncset.done $0x0  }
0xa0: {  	[sflag:s22] =	ssyncadd.s32 s3;
	_ =	sdelay $0x1  }
0xa1: {  	s23 =	simm.s32 $0x1B8B  }
0xa2: {  	_ =	swait.ge [sflag:s23], $0x1  }
0xa3: {  	[sflag:s23] =	ssyncset.done $0x0  }
0xa4: {  	s25 =	simm.s32 $0x1B8E;
	s24 =	sld [smem:$0x3FFE];
	[sflag:s23] =	ssyncadd.s32 $0xFFFFFFFF  }
0xa5: {  	s26 =	simm.s32 $execute0_lowered;
	[smem:$0x3FD2] =	sst s25  }
0xa6: {  	s4 =	sshll.u32 s26, $0x1;
	_ =	strace $0x8000004F;
	[dreg:$0x1] =	wrdreg $0xFFFFFFFF  }
0xa7: {  	s28 =	simm.s32 $_size_execute0_lowered;
	s2 =	sadd.s32 s2, s4;
	[dreg:$0x0] =	wrdreg $0x0  }
0xa8: {  	s4 =	sshll.u32 s28, $0x1;
	[dreg:$0x2] =	wrdreg s2  }
0xa9: {  	[dreg:$0x3] =	wrdreg s4  }
0xaa: {  	[dreg:$0x4] =	wrdreg $0xC0  }
0xab: {  	_ =	task [dreg:s6], $0x5FFFF  }
0xac: {  	[dreg:$0x1] =	wrdreg $0xFFFFFFFF  }
0xad: {  	[dreg:$0x0] =	wrdreg $0x60  }
0xae: {  	[dreg:$0x2] =	wrdreg s24  }
0xaf: {  	[dreg:$0x3] =	wrdreg $0x98000  }
0xb0: {  	[dreg:$0x4] =	wrdreg $0x9  }
0xb1: {  	_ =	task.clear_ibuf [dreg:s6], $0x5FFFF;
	_ =	strace $0x9000004F  }
0xb2: {  	s29 =	simm.s32 $0x9;
	_ =	strace $0x80000051  }
0xb3: {  	_ =	swait.ge [sflag:s29], $0x1  }
0xb4: {  	[sflag:s29] =	ssyncadd.s32 $0xFFFFFFFF  }
0xb5: {  	_ =	strace $0x90000051  }
0xb6: {  	_ =	sfence  }
0xb7: {  	s30 =	sld [smem:$0x0];
	_ =	sdelay $0x2  }
0xb8: {  	s31 =	sshll.u32 s1, $0xD;
	s1 =	sshrl.u32 s1, $0x2  }
0xb9: {  	s3 =	sand.u32 $0x4000, s31;
	s1 =	sadd.s32 s1, s30  }
0xba: {  	s0 =	sor.u32 s3, s0;
	s1 =	sshll.u32 s1, $0x11  }
0xbb: {  	s0 =	sor.u32 s1, s0  }
0xbc: {  	s0 =	sadd.s32 $0x8F2B, s0  }
0xbd: {  	[sflag:s0] =	ssyncadd.remote.s32 $0x1  }
0xbe: {  	_ =	sfence.sel $0xFFFF  }
0xbf: {  	[dreg:$0x0] =	wrdreg $0xFFFFFFFF;
	(pc) =	sbr.abs _section_cstart, $3  }
0xc0: {  	[dreg:$0x1] =	wrdreg $0xFFFFFFFF  }
0xc1: {  	_ =	task.clear_ibuf [dreg:s6], $0x2FFFF;
	_ =	strace $0x9FFFFFFF  }
0xc2: {  	(tm) =	ssettm $0x7FFFFFFF  }
0xc3: {  	_ =	shalt  }
tec
execute0_lowered:
.L_overlay_start_1:
0x0: {  	(tag) =	ssettag $0x1  }
0x1: {  	s0 =	rddreg [dreg:$0x0];
	s7 =	stileid.u32  }
0x2: {  	s1 =	srdreg.scid;
	s4 =	smul.u32 $0x500, s7  }
0x3: {  	s3 =	simm.s32 $0x0;
	s1 =	sand.u32 $0x1, s1;
	s6 =	smul.u32 $0x50000, s7  }
0x4: {  	[smem:$0x7FF] =	sst s3;
	s5 =	smul.u32 $0x28000, s1  }
0x5: {  	s2 =	rddreg [dreg:$0x1];
	_ =	strace $0x80000050;
	s4 =	sadd.s32 s4, s0  }
0x6: {  	s6 =	sshrl.u32 s6, $0x2;
	s0 =	sadd.s32 s5, s0;
	s31 =	sadd.s32 $0x2800, s4  }
0x7: {  	s5 =	sadd.s32 s6, s2;
	s4 =	sadd.s32 $0x7800, s4;
	[dreg:$0x3] =	wrdreg s31  }
0x8: {  	[dreg:$0x4] =	wrdreg s4;
	s8 =	sadd.s32 $0x800, s5  }
0x9: {  	s9 =	sadd.s32 $0x1000, s5;
	[dreg:$0x5] =	wrdreg s8  }
0xa: {  	s10 =	sadd.s32 $0x1800, s5;
	[dreg:$0x6] =	wrdreg s9  }
0xb: {  	s11 =	sadd.s32 $0x2000, s5;
	[dreg:$0x7] =	wrdreg s10  }
0xc: {  	s12 =	sadd.s32 $0x2800, s5;
	[dreg:$0x8] =	wrdreg s11  }
0xd: {  	s13 =	sadd.s32 $0x3000, s5;
	[dreg:$0x9] =	wrdreg s12  }
0xe: {  	s14 =	sadd.s32 $0x3800, s5;
	[dreg:$0xa] =	wrdreg s13  }
0xf: {  	s15 =	sadd.s32 $0x4000, s5;
	[dreg:$0xb] =	wrdreg s14  }
0x10: {  	s16 =	sadd.s32 $0x4800, s5;
	[dreg:$0xc] =	wrdreg s15  }
0x11: {  	s17 =	sadd.s32 $0x5000, s5;
	[dreg:$0xd] =	wrdreg s16  }
0x12: {  	s18 =	sadd.s32 $0x5800, s5;
	[dreg:$0xe] =	wrdreg s17  }
0x13: {  	s19 =	sadd.s32 $0x6000, s5;
	[dreg:$0xf] =	wrdreg s18  }
0x14: {  	s20 =	sadd.s32 $0x6800, s5;
	[dreg:$0x10] =	wrdreg s19  }
0x15: {  	s1 =	ssub.s32 $0x2, s1;
	s6 =	sadd.s32 $0x7000, s5;
	[dreg:$0x11] =	wrdreg s20  }
0x16: {  	s30 =	sshrl.u32 s1, $0x1;
	s22 =	sadd.s32 $0x7800, s5;
	[dreg:$0x12] =	wrdreg s6  }
0x17: {  	s1 =	ssub.s32 s1, s30;
	s24 =	sadd.s32 $0x8000, s5;
	[dreg:$0x13] =	wrdreg s22  }
0x18: {  	s25 =	smax.u32 s1, $0x1;
	[dreg:$0x15] =	wrdreg s24  }
0x19: {  	s21 =	smul.u32 $0x2800, s7;
	s26 =	sadd.s32 $0x8800, s5;
	[dreg:$0x16] =	wrdreg s25  }
0x1a: {  	s23 =	sadd.s32 $0x5C800, s0;
	s28 =	sadd.s32 $0x9000, s5;
	[dreg:$0x17] =	wrdreg s26  }
0x1b: {  	s29 =	sadd.s32 $0x9800, s5;
	s30 =	sadd.s32 $0xA000, s5;
	[dreg:$0x18] =	wrdreg s28  }
0x1c: {  	s31 =	sadd.s32 $0xA800, s5;
	s1 =	sadd.s32 $0xB000, s5;
	[dreg:$0x19] =	wrdreg s29  }
0x1d: {  	s7 =	sadd.s32 $0xD000, s5;
	s4 =	sadd.s32 s21, s23;
	[dreg:$0x1a] =	wrdreg s30  }
0x1e: {  	s24 =	sadd.s32 $0xC800, s0;
	[dreg:$0x1b] =	wrdreg s31;
	s0 =	sadd.s32 $0xB800, s5  }
0x1f: {  	s6 =	sadd.s32 $0xC800, s5;
	s8 =	sadd.s32 $0xD800, s5;
	s9 =	sadd.s32 $0xE000, s5  }
0x20: {  	s10 =	sadd.s32 $0xE800, s5;
	s11 =	sadd.s32 $0xF000, s5;
	s12 =	sadd.s32 $0xF800, s5  }
0x21: {  	s13 =	sadd.s32 $0x10000, s5;
	s14 =	sadd.s32 $0x10800, s5;
	s15 =	sadd.s32 $0x11000, s5  }
0x22: {  	s16 =	sadd.s32 $0x11800, s5;
	s17 =	sadd.s32 $0x12000, s5;
	s18 =	sadd.s32 $0x12800, s5  }
0x23: {  	s19 =	sadd.s32 $0x13000, s5;
	s20 =	sadd.s32 $0x13800, s5;
	s21 =	simm.s32 $0x1  }
0x24: {  	s22 =	simm.s32 $0x9000;
	s23 =	simm.s32 $0x80;
	s25 =	simm.s32 $0x5000  }
0x25: {  	v0 =	vimm.f32 $0.0e+00;
	s26 =	simm.s32 $0x0;
	[dreg:$0x14] =	wrdreg s4;
	s4 =	sadd.s32 $0xC000, s5  }
.LBB2_1:
0x26: {  	s28 =	rddreg [dreg:$0x3]  }
0x27: {  	[tilespmem:s3], [sflag:$0x1] =	stream.linear.gather [hbm4b:s28+s3], $0x2780, $0x38;
	[tilespmem:$0x1D800] =	vst v63  }
0x28: {  	_ =	swait.ge [sflag:s21], $0x2780  }
0x29: {  	[sflag:s21] =	ssyncset.done $0x0  }
0x2a: {  	s29 =	simm.s32 $0x2800;
	s28 =	rddreg [dreg:$0x4];
	[sflag:s21] =	ssyncadd.s32 $0xFFFFD880  }
0x2b: {  	[tilespmem:s29], [sflag:$0x1] =	stream.linear.gather [hbm4b:s28+s3], $0x2780, $0x38;
	[tilespmem:$0x1D800] =	vst v63  }
0x2c: {  	s28 =	sand.u32 $0x1E00, s3;
	s29 =	sand.u32 $0x70, s3;
	_ =	swait.ge [sflag:s21], $0x2780  }
0x2d: {  	s30 =	sshrl.u32 s28, $0x2;
	s28 =	simm.s32 $0x40;
	[sflag:s21] =	ssyncset.done $0x0  }
0x2e: {  	s30 =	sor.u32 s29, s30;
	s29 =	simm.s32 $0x0;
	[sflag:s21] =	ssyncadd.s32 $0xFFFFD880  }
.LBB2_2:
0x2f: {  	p0 =	sne.s32 s28, $0x1FC0  }
0x30: {  	[tilespmem:s30+$0x9000] =	vst v0;
	s29 =	sadd.s32 $0x10, s29;
	s30 =	smov.u32 s28;
	s28 =	sadd.s32 $0x40, s28  }
.Ltmp0:
0x31: {  	(pc) =	sbr.rel @p0 .LBB2_2-.Ltmp0, $4  }
0x32: {  	_ = 	snop  }
0x33: {  	s30 =	sand.u32 $0x1E00, s30  }
0x34: {  	s31 =	sand.u32 $0x70, s29;
	s30 =	sshrl.u32 s30, $0x2  }
0x35: {  	s30 =	sor.u32 s31, s30  }
0x36: {  	[tilespmem:s30+$0x9000] =	vst v0  }
0x37: {  	[spmem:s5] =	stream.linear.scatter [tilespmem:s22], [sflag:$0x1], $0x800, $0x38;
	[tilespmem:$0x1D800] =	vst v63  }
0x38: {  	_ =	swait.ge [sflag:s21], $0x800  }
0x39: {  	[sflag:s21] =	ssyncset.done $0x0  }
0x3a: {  	s28 =	rddreg [dreg:$0x5];
	[sflag:s21] =	ssyncadd.s32 $0xFFFFF800  }
0x3b: {  	[spmem:s28] =	stream.linear.scatter [tilespmem:s22], [sflag:$0x1], $0x800, $0x38;
	[tilespmem:$0x1D800] =	vst v63  }
0x3c: {  	_ =	swait.ge [sflag:s21], $0x800  }
0x3d: {  	[sflag:s21] =	ssyncset.done $0x0  }
0x3e: {  	s28 =	rddreg [dreg:$0x6];
	[sflag:s21] =	ssyncadd.s32 $0xFFFFF800  }
0x3f: {  	[spmem:s28] =	stream.linear.scatter [tilespmem:s22], [sflag:$0x1], $0x800, $0x38;
	[tilespmem:$0x1D800] =	vst v63  }
0x40: {  	_ =	swait.ge [sflag:s21], $0x800  }
0x41: {  	[sflag:s21] =	ssyncset.done $0x0  }
0x42: {  	s28 =	rddreg [dreg:$0x7];
	[sflag:s21] =	ssyncadd.s32 $0xFFFFF800  }
0x43: {  	[spmem:s28] =	stream.linear.scatter [tilespmem:s22], [sflag:$0x1], $0x800, $0x38;
	[tilespmem:$0x1D800] =	vst v63  }
0x44: {  	_ =	swait.ge [sflag:s21], $0x800  }
0x45: {  	[sflag:s21] =	ssyncset.done $0x0  }
0x46: {  	s28 =	rddreg [dreg:$0x8];
	[sflag:s21] =	ssyncadd.s32 $0xFFFFF800  }
0x47: {  	[spmem:s28] =	stream.linear.scatter [tilespmem:s22], [sflag:$0x1], $0x800, $0x38;
	[tilespmem:$0x1D800] =	vst v63  }
0x48: {  	_ =	swait.ge [sflag:s21], $0x800  }
0x49: {  	[sflag:s21] =	ssyncset.done $0x0  }
0x4a: {  	s28 =	rddreg [dreg:$0x9];
	[sflag:s21] =	ssyncadd.s32 $0xFFFFF800  }
0x4b: {  	[spmem:s28] =	stream.linear.scatter [tilespmem:s22], [sflag:$0x1], $0x800, $0x38;
	[tilespmem:$0x1D800] =	vst v63  }
0x4c: {  	_ =	swait.ge [sflag:s21], $0x800  }
0x4d: {  	[sflag:s21] =	ssyncset.done $0x0  }
0x4e: {  	s28 =	rddreg [dreg:$0xa];
	[sflag:s21] =	ssyncadd.s32 $0xFFFFF800  }
0x4f: {  	[spmem:s28] =	stream.linear.scatter [tilespmem:s22], [sflag:$0x1], $0x800, $0x38;
	[tilespmem:$0x1D800] =	vst v63  }
0x50: {  	_ =	swait.ge [sflag:s21], $0x800  }
0x51: {  	[sflag:s21] =	ssyncset.done $0x0  }
0x52: {  	s28 =	rddreg [dreg:$0xb];
	[sflag:s21] =	ssyncadd.s32 $0xFFFFF800  }
0x53: {  	[spmem:s28] =	stream.linear.scatter [tilespmem:s22], [sflag:$0x1], $0x800, $0x38;
	[tilespmem:$0x1D800] =	vst v63  }
0x54: {  	_ =	swait.ge [sflag:s21], $0x800  }
0x55: {  	[sflag:s21] =	ssyncset.done $0x0  }
0x56: {  	s28 =	rddreg [dreg:$0xc];
	[sflag:s21] =	ssyncadd.s32 $0xFFFFF800  }
0x57: {  	[spmem:s28] =	stream.linear.scatter [tilespmem:s22], [sflag:$0x1], $0x800, $0x38;
	[tilespmem:$0x1D800] =	vst v63  }
0x58: {  	_ =	swait.ge [sflag:s21], $0x800  }
0x59: {  	[sflag:s21] =	ssyncset.done $0x0  }
0x5a: {  	s28 =	rddreg [dreg:$0xd];
	[sflag:s21] =	ssyncadd.s32 $0xFFFFF800  }
0x5b: {  	[spmem:s28] =	stream.linear.scatter [tilespmem:s22], [sflag:$0x1], $0x800, $0x38;
	[tilespmem:$0x1D800] =	vst v63  }
0x5c: {  	_ =	swait.ge [sflag:s21], $0x800  }
0x5d: {  	[sflag:s21] =	ssyncset.done $0x0  }
0x5e: {  	s28 =	rddreg [dreg:$0xe];
	[sflag:s21] =	ssyncadd.s32 $0xFFFFF800  }
0x5f: {  	[spmem:s28] =	stream.linear.scatter [tilespmem:s22], [sflag:$0x1], $0x800, $0x38;
	[tilespmem:$0x1D800] =	vst v63  }
0x60: {  	_ =	swait.ge [sflag:s21], $0x800  }
0x61: {  	[sflag:s21] =	ssyncset.done $0x0  }
0x62: {  	s28 =	rddreg [dreg:$0xf];
	[sflag:s21] =	ssyncadd.s32 $0xFFFFF800  }
0x63: {  	[spmem:s28] =	stream.linear.scatter [tilespmem:s22], [sflag:$0x1], $0x800, $0x38;
	[tilespmem:$0x1D800] =	vst v63  }
0x64: {  	_ =	swait.ge [sflag:s21], $0x800  }
0x65: {  	[sflag:s21] =	ssyncset.done $0x0  }
0x66: {  	s28 =	rddreg [dreg:$0x10];
	[sflag:s21] =	ssyncadd.s32 $0xFFFFF800  }
0x67: {  	[spmem:s28] =	stream.linear.scatter [tilespmem:s22], [sflag:$0x1], $0x800, $0x38;
	[tilespmem:$0x1D800] =	vst v63  }
0x68: {  	_ =	swait.ge [sflag:s21], $0x800  }
0x69: {  	[sflag:s21] =	ssyncset.done $0x0  }
0x6a: {  	s28 =	rddreg [dreg:$0x11];
	[sflag:s21] =	ssyncadd.s32 $0xFFFFF800  }
0x6b: {  	[spmem:s28] =	stream.linear.scatter [tilespmem:s22], [sflag:$0x1], $0x800, $0x38;
	[tilespmem:$0x1D800] =	vst v63  }
0x6c: {  	_ =	swait.ge [sflag:s21], $0x800  }
0x6d: {  	[sflag:s21] =	ssyncset.done $0x0  }
0x6e: {  	s28 =	rddreg [dreg:$0x12];
	[sflag:s21] =	ssyncadd.s32 $0xFFFFF800  }
0x6f: {  	[spmem:s28] =	stream.linear.scatter [tilespmem:s22], [sflag:$0x1], $0x800, $0x38;
	[tilespmem:$0x1D800] =	vst v63  }
0x70: {  	_ =	swait.ge [sflag:s21], $0x800  }
0x71: {  	[sflag:s21] =	ssyncset.done $0x0  }
0x72: {  	s28 =	rddreg [dreg:$0x13];
	[sflag:s21] =	ssyncadd.s32 $0xFFFFF800  }
0x73: {  	[spmem:s28] =	stream.linear.scatter [tilespmem:s22], [sflag:$0x1], $0x800, $0x38;
	[tilespmem:$0x1D800] =	vst v63  }
0x74: {  	_ =	swait.ge [sflag:s21], $0x800  }
0x75: {  	[sflag:s21] =	ssyncset.done $0x0  }
0x76: {  	s28 =	rddreg [dreg:$0x15];
	[sflag:s21] =	ssyncadd.s32 $0xFFFFF800  }
0x77: {  	[spmem:s28] =	stream.linear.scatter [tilespmem:s22], [sflag:$0x1], $0x800, $0x38;
	[tilespmem:$0x1D800] =	vst v63  }
0x78: {  	_ =	swait.ge [sflag:s21], $0x800  }
0x79: {  	[sflag:s21] =	ssyncset.done $0x0  }
0x7a: {  	s28 =	rddreg [dreg:$0x17];
	[sflag:s21] =	ssyncadd.s32 $0xFFFFF800  }
0x7b: {  	[spmem:s28] =	stream.linear.scatter [tilespmem:s22], [sflag:$0x1], $0x800, $0x38;
	[tilespmem:$0x1D800] =	vst v63  }
0x7c: {  	_ =	swait.ge [sflag:s21], $0x800  }
0x7d: {  	[sflag:s21] =	ssyncset.done $0x0  }
0x7e: {  	s28 =	rddreg [dreg:$0x18];
	[sflag:s21] =	ssyncadd.s32 $0xFFFFF800  }
0x7f: {  	[spmem:s28] =	stream.linear.scatter [tilespmem:s22], [sflag:$0x1], $0x800, $0x38;
	[tilespmem:$0x1D800] =	vst v63  }
0x80: {  	_ =	swait.ge [sflag:s21], $0x800  }
0x81: {  	[sflag:s21] =	ssyncset.done $0x0  }
0x82: {  	s28 =	rddreg [dreg:$0x19];
	[sflag:s21] =	ssyncadd.s32 $0xFFFFF800  }
0x83: {  	[spmem:s28] =	stream.linear.scatter [tilespmem:s22], [sflag:$0x1], $0x800, $0x38;
	[tilespmem:$0x1D800] =	vst v63  }
0x84: {  	_ =	swait.ge [sflag:s21], $0x800  }
0x85: {  	[sflag:s21] =	ssyncset.done $0x0  }
0x86: {  	s28 =	rddreg [dreg:$0x1a];
	[sflag:s21] =	ssyncadd.s32 $0xFFFFF800  }
0x87: {  	[spmem:s28] =	stream.linear.scatter [tilespmem:s22], [sflag:$0x1], $0x800, $0x38;
	[tilespmem:$0x1D800] =	vst v63  }
0x88: {  	_ =	swait.ge [sflag:s21], $0x800  }
0x89: {  	[sflag:s21] =	ssyncset.done $0x0  }
0x8a: {  	s28 =	rddreg [dreg:$0x1b];
	[sflag:s21] =	ssyncadd.s32 $0xFFFFF800  }
0x8b: {  	[spmem:s28] =	stream.linear.scatter [tilespmem:s22], [sflag:$0x1], $0x800, $0x38;
	[tilespmem:$0x1D800] =	vst v63  }
0x8c: {  	_ =	swait.ge [sflag:s21], $0x800  }
0x8d: {  	[sflag:s21] =	ssyncset.done $0x0  }
0x8e: {  	[sflag:s21] =	ssyncadd.s32 $0xFFFFF800  }
0x8f: {  	[spmem:s1] =	stream.linear.scatter [tilespmem:s22], [sflag:$0x1], $0x800, $0x38;
	[tilespmem:$0x1D800] =	vst v63  }
0x90: {  	_ =	swait.ge [sflag:s21], $0x800  }
0x91: {  	[sflag:s21] =	ssyncset.done $0x0  }
0x92: {  	[sflag:s21] =	ssyncadd.s32 $0xFFFFF800  }
0x93: {  	[spmem:s0] =	stream.linear.scatter [tilespmem:s22], [sflag:$0x1], $0x800, $0x38;
	[tilespmem:$0x1D800] =	vst v63  }
0x94: {  	_ =	swait.ge [sflag:s21], $0x800  }
0x95: {  	[sflag:s21] =	ssyncset.done $0x0  }
0x96: {  	[sflag:s21] =	ssyncadd.s32 $0xFFFFF800  }
0x97: {  	[spmem:s4] =	stream.linear.scatter [tilespmem:s22], [sflag:$0x1], $0x800, $0x38;
	[tilespmem:$0x1D800] =	vst v63  }
0x98: {  	_ =	swait.ge [sflag:s21], $0x800  }
0x99: {  	[sflag:s21] =	ssyncset.done $0x0  }
0x9a: {  	[sflag:s21] =	ssyncadd.s32 $0xFFFFF800  }
0x9b: {  	[spmem:s6] =	stream.linear.scatter [tilespmem:s22], [sflag:$0x1], $0x800, $0x38;
	[tilespmem:$0x1D800] =	vst v63  }
0x9c: {  	_ =	swait.ge [sflag:s21], $0x800  }
0x9d: {  	[sflag:s21] =	ssyncset.done $0x0  }
0x9e: {  	[sflag:s21] =	ssyncadd.s32 $0xFFFFF800  }
0x9f: {  	[spmem:s7] =	stream.linear.scatter [tilespmem:s22], [sflag:$0x1], $0x800, $0x38;
	[tilespmem:$0x1D800] =	vst v63  }
0xa0: {  	_ =	swait.ge [sflag:s21], $0x800  }
0xa1: {  	[sflag:s21] =	ssyncset.done $0x0  }
0xa2: {  	[sflag:s21] =	ssyncadd.s32 $0xFFFFF800  }
0xa3: {  	[spmem:s8] =	stream.linear.scatter [tilespmem:s22], [sflag:$0x1], $0x800, $0x38;
	[tilespmem:$0x1D800] =	vst v63  }
0xa4: {  	_ =	swait.ge [sflag:s21], $0x800  }
0xa5: {  	[sflag:s21] =	ssyncset.done $0x0  }
0xa6: {  	[sflag:s21] =	ssyncadd.s32 $0xFFFFF800  }
0xa7: {  	[spmem:s9] =	stream.linear.scatter [tilespmem:s22], [sflag:$0x1], $0x800, $0x38;
	[tilespmem:$0x1D800] =	vst v63  }
0xa8: {  	_ =	swait.ge [sflag:s21], $0x800  }
0xa9: {  	[sflag:s21] =	ssyncset.done $0x0  }
0xaa: {  	[sflag:s21] =	ssyncadd.s32 $0xFFFFF800  }
0xab: {  	[spmem:s10] =	stream.linear.scatter [tilespmem:s22], [sflag:$0x1], $0x800, $0x38;
	[tilespmem:$0x1D800] =	vst v63  }
0xac: {  	_ =	swait.ge [sflag:s21], $0x800  }
0xad: {  	[sflag:s21] =	ssyncset.done $0x0  }
0xae: {  	[sflag:s21] =	ssyncadd.s32 $0xFFFFF800  }
0xaf: {  	[spmem:s11] =	stream.linear.scatter [tilespmem:s22], [sflag:$0x1], $0x800, $0x38;
	[tilespmem:$0x1D800] =	vst v63  }
0xb0: {  	_ =	swait.ge [sflag:s21], $0x800  }
0xb1: {  	[sflag:s21] =	ssyncset.done $0x0  }
0xb2: {  	[sflag:s21] =	ssyncadd.s32 $0xFFFFF800  }
0xb3: {  	[spmem:s12] =	stream.linear.scatter [tilespmem:s22], [sflag:$0x1], $0x800, $0x38;
	[tilespmem:$0x1D800] =	vst v63  }
0xb4: {  	_ =	swait.ge [sflag:s21], $0x800  }
0xb5: {  	[sflag:s21] =	ssyncset.done $0x0  }
0xb6: {  	[sflag:s21] =	ssyncadd.s32 $0xFFFFF800  }
0xb7: {  	[spmem:s13] =	stream.linear.scatter [tilespmem:s22], [sflag:$0x1], $0x800, $0x38;
	[tilespmem:$0x1D800] =	vst v63  }
0xb8: {  	_ =	swait.ge [sflag:s21], $0x800  }
0xb9: {  	[sflag:s21] =	ssyncset.done $0x0  }
0xba: {  	[sflag:s21] =	ssyncadd.s32 $0xFFFFF800  }
0xbb: {  	[spmem:s14] =	stream.linear.scatter [tilespmem:s22], [sflag:$0x1], $0x800, $0x38;
	[tilespmem:$0x1D800] =	vst v63  }
0xbc: {  	_ =	swait.ge [sflag:s21], $0x800  }
0xbd: {  	[sflag:s21] =	ssyncset.done $0x0  }
0xbe: {  	[sflag:s21] =	ssyncadd.s32 $0xFFFFF800  }
0xbf: {  	[spmem:s15] =	stream.linear.scatter [tilespmem:s22], [sflag:$0x1], $0x800, $0x38;
	[tilespmem:$0x1D800] =	vst v63  }
0xc0: {  	_ =	swait.ge [sflag:s21], $0x800  }
0xc1: {  	[sflag:s21] =	ssyncset.done $0x0  }
0xc2: {  	[sflag:s21] =	ssyncadd.s32 $0xFFFFF800  }
0xc3: {  	[spmem:s16] =	stream.linear.scatter [tilespmem:s22], [sflag:$0x1], $0x800, $0x38;
	[tilespmem:$0x1D800] =	vst v63  }
0xc4: {  	_ =	swait.ge [sflag:s21], $0x800  }
0xc5: {  	[sflag:s21] =	ssyncset.done $0x0  }
0xc6: {  	[sflag:s21] =	ssyncadd.s32 $0xFFFFF800  }
0xc7: {  	[spmem:s17] =	stream.linear.scatter [tilespmem:s22], [sflag:$0x1], $0x800, $0x38;
	[tilespmem:$0x1D800] =	vst v63  }
0xc8: {  	_ =	swait.ge [sflag:s21], $0x800  }
0xc9: {  	[sflag:s21] =	ssyncset.done $0x0  }
0xca: {  	[sflag:s21] =	ssyncadd.s32 $0xFFFFF800  }
0xcb: {  	[spmem:s18] =	stream.linear.scatter [tilespmem:s22], [sflag:$0x1], $0x800, $0x38;
	[tilespmem:$0x1D800] =	vst v63  }
0xcc: {  	_ =	swait.ge [sflag:s21], $0x800  }
0xcd: {  	[sflag:s21] =	ssyncset.done $0x0  }
0xce: {  	[sflag:s21] =	ssyncadd.s32 $0xFFFFF800  }
0xcf: {  	[spmem:s19] =	stream.linear.scatter [tilespmem:s22], [sflag:$0x1], $0x800, $0x38;
	[tilespmem:$0x1D800] =	vst v63  }
0xd0: {  	_ =	swait.ge [sflag:s21], $0x800  }
0xd1: {  	[sflag:s21] =	ssyncset.done $0x0  }
0xd2: {  	[sflag:s21] =	ssyncadd.s32 $0xFFFFF800  }
0xd3: {  	[spmem:s20] =	stream.linear.scatter [tilespmem:s22], [sflag:$0x1], $0x800, $0x38;
	[tilespmem:$0x1D800] =	vst v63  }
0xd4: {  	_ =	swait.ge [sflag:s21], $0x800  }
0xd5: {  	[sflag:s21] =	ssyncset.done $0x0  }
0xd6: {  	[sflag:s21] =	ssyncadd.s32 $0xFFFFF800  }
0xd7: {  	s28 =	simm.s32 $0x0;
	[bflag:$0x0] =	sbarrier.arrive $0xFFFF  }
0xd8: {  	[tilespmem:s25], [sflag:$0x1] =	stream.indirect.gather [hbm4b:s24+s23], $0x80, s28, s23, $0xb8;
	[tilespmem:$0x1D800] =	vst v63  }
0xd9: {  	_ =	swait.ge [sflag:s21], $0x4000  }
0xda: {  	[sflag:s21] =	ssyncset.done $0x0  }
0xdb: {  	s28 =	simm.s32 $0x2800;
	[sflag:s21] =	ssyncadd.s32 $0xFFFFC000  }
0xdc: {  	[spmem:s2] =	stream.indirect.scatter.add.f32 [tilespmem:s25], [sflag:$0x1], $0x80, s28, s23, $0xb8;
	[tilespmem:$0x1D800] =	vst v63  }
0xdd: {  	_ =	swait.ge [sflag:s21], $0x4000  }
0xde: {  	s29 =	simm.s32 $0x400;
	s28 =	simm.s32 $0x200;
	[sflag:s21] =	ssyncset.done $0x0  }
.LBB2_4:
0xdf: {  	s30 =	sshra.s32 s28, $0x2  }
0xe0: {  	[sflag:s21] =	ssyncadd.s32 $0xFFFFC000;
	s28 =	smov.u32 s29;
	s31 =	sadd.s32 $0x200, s29  }
0xe1: {  	[tilespmem:s25], [sflag:$0x1] =	stream.indirect.gather [hbm4b:s24+s23], $0x80, s30, s23, $0xb8;
	[tilespmem:$0x1D800] =	vst v63  }
0xe2: {  	p0 =	sne.s32 s29, $0x9C00;
	_ =	swait.ge [sflag:s21], $0x4000  }
.Ltmp1:
0xe3: {  	[sflag:s21] =	ssyncset.done $0x0;
	(pc) =	sbr.rel @p0 .LBB2_4-.Ltmp1, $4  }
0xe4: {  	s29 =	sadd.s32 $0x2800, s30;
	[sflag:s21] =	ssyncadd.s32 $0xFFFFC000  }
0xe5: {  	[spmem:s2] =	stream.indirect.scatter.add.f32 [tilespmem:s25], [sflag:$0x1], $0x80, s29, s23, $0xb8;
	[tilespmem:$0x1D800] =	vst v63  }
0xe6: {  	_ =	swait.ge [sflag:s21], $0x4000  }
0xe7: {  	s29 =	smov.u32 s31;
	[sflag:s21] =	ssyncset.done $0x0  }
0xe8: {  	s28 =	sshra.s32 s28, $0x2;
	[sflag:s21] =	ssyncadd.s32 $0xFFFFC000  }
0xe9: {  	[tilespmem:s25], [sflag:$0x1] =	stream.indirect.gather [hbm4b:s24+s23], $0x80, s28, s23, $0xb8;
	[tilespmem:$0x1D800] =	vst v63  }
0xea: {  	_ =	swait.ge [sflag:s21], $0x4000  }
0xeb: {  	[sflag:s21] =	ssyncset.done $0x0  }
0xec: {  	s28 =	sadd.s32 $0x2800, s28;
	[sflag:s21] =	ssyncadd.s32 $0xFFFFC000  }
0xed: {  	[spmem:s2] =	stream.indirect.scatter.add.f32 [tilespmem:s25], [sflag:$0x1], $0x80, s28, s23, $0xb8;
	[tilespmem:$0x1D800] =	vst v63  }
0xee: {  	_ =	swait.ge [sflag:s21], $0x4000  }
0xef: {  	[sflag:s21] =	ssyncset.done $0x0  }
0xf0: {  	s30 =	stileid.u32;
	[sflag:s21] =	ssyncadd.s32 $0xFFFFC000  }
0xf1: {  	s28 =	sshll.u32 s30, $0x6;
	[bflag:$0x0] =	sbarrier.arrive $0xFFFF  }
0xf2: {  	s29 =	sshrl.u32 s5, $0x3;
	s28 =	sor.u32 $0x1C01, s28;
	s30 =	rddreg [dreg:$0x14]  }
0xf3: {  	[hbm:s30], [sflag:s28] =	dma.local [spmem:s29], $0x2800  }
0xf4: {  	_ =	swait.ge [sflag:s21], $0x2800  }
0xf5: {  	s26 =	sadd.s32 $0x1, s26;
	s31 =	rddreg [dreg:$0x16]  }
0xf6: {  	p0 =	sne.s32 s26, s31  }
.Ltmp2:
0xf7: {  	_ = 	snop;
	(pc) =	sbr.rel @p0 .LBB2_1-.Ltmp2, $3  }
0xf8: {  	_ =	sdelay $0x1  }
0xf9: {  	[sflag:s21] =	ssyncset.done $0x0  }
0xfa: {  	[sflag:s21] =	ssyncadd.s32 $0xFFFFD800  }
0xfb: {  	_ =	sfence.sel $0x180000  }
0xfc: {  	[bflag:$0x0] =	sbarrier.arrive $0xFFFF  }
0xfd: {  	_ =	strace $0x90000050  }
0xfe: {  	s0 =	stileid.u32;
	[bflag:$0x2] =	sbarrier.arrive $0xFFFF  }
0xff: {  	p0 =	sne.s32 s0, $0x0;
	s0 =	rddreg [dreg:$0x2]  }
0x100: {  	s0 =	sadd.s32 @!p0 $0x100000, s0  }
0x101: {  	[sflag:s0] =	ssyncadd.tile.s32 @!p0 $0x1;
	_ =	shalt  }
.Lfunc_end2:
_tile_overlayer_lowered:
.L_overlay_start_2:
0x102: {  	(tag) =	ssettag $0x2  }
0x103: {  	s0 =	rddreg [dreg:$0x0];
	s2 =	stileid.u32  }
0x104: {  	s1 =	rddreg [dreg:$0x1];
	p0 =	sne.s32 s2, $0x0  }
0x105: {  	s3 =	rddreg [dreg:$0x2];
	[bflag:$0x3] =	sbarrier.arrive $0xFFFF;
	s2 =	simm.s32 @!p0 $0x1C01  }
0x106: {  	[timem:s3], [sflag:s2] =	dma.local @!p0 [hbm:s0], s1  }
0x107: {  	s0 =	simm.s32 @!p0 $0x1  }
0x108: {  	_ =	swait.ge @!p0 [sflag:s0], s1  }
0x109: {  	s1 =	ssub.s32 @!p0 $0x0, s1;
	[sflag:s0] =	ssyncset.done @!p0 $0x0  }
0x10a: {  	[sflag:s0] =	ssyncadd.s32 @!p0 s1  }
0x10b: {  	[bflag:$0x3] =	sbarrier.arrive $0xFFFF  }
0x10c: {  	_ =	shalt  }

</sc_bundles>
